<compile_context>
chip_gen: v7x
topology: tpu7x:2x2x1
jax: 0.10.2.dev20260603
libtpu: 0.0.44.dev20260713+nightly
codegen_flags: <defaults>
</compile_context>

<pallas_src>
import functools

import jax
import jax.numpy as jnp
from jax import lax
from jax.experimental import pallas as pl
from jax.experimental.pallas import tpu as pltpu
from jax.experimental.pallas import tpu_sc as plsc

THR = 4000.0
NIMG, H, W = 4, 512, 512
BS = 32
G = 16
L = 16

_LVL_ROW = {3: 0, 2: 8, 1: 12, 0: 14}
_NELEM = {4: 1024.0, 3: 4096.0, 2: 16384.0, 1: 65536.0, 0: 262144.0}
_T2 = {l: THR * THR * (_NELEM[l] - 1.0) for l in (0, 1, 2, 3)}

_GDN = lax.GatherDimensionNumbers(
    offset_dims=(), collapsed_slice_dims=(0,), start_index_map=(0,))


def _shuf(v, idx):
    return lax.gather(v, idx.reshape(L, 1), _GDN, (1,),
                      mode=lax.GatherScatterMode.PROMISE_IN_BOUNDS)


def _splat(v, i):
    return _shuf(v, jnp.full((L,), i, jnp.int32))


def _lanesum(v, jj):
    for sh in (8, 4, 2, 1):
        v = v + _shuf(v, jj ^ sh)
    return v


_mesh = plsc.VectorSubcoreMesh(core_axis_name="c", subcore_axis_name="s")


@functools.partial(
    pl.kernel,
    out_type=jax.ShapeDtypeStruct((NIMG, 1, H, W), jnp.float32),
    mesh=_mesh,
    scratch_types=[
        pltpu.VMEM((BS, W), jnp.float32),
        pltpu.VMEM((BS, W), jnp.float32),
        pltpu.VMEM((4, 128), jnp.float32),
        pltpu.VMEM_SHARED((NIMG, 2, G, 128), jnp.float32),
        pltpu.VMEM((G, 128), jnp.float32),
        pltpu.VMEM((G, 128), jnp.float32),
        pltpu.VMEM((16, 128), jnp.float32),
        pltpu.VMEM((16, 128), jnp.float32),
        pltpu.VMEM((8, 128), jnp.float32),
        pltpu.SemaphoreType.DMA,
        pltpu.SemaphoreType.DMA,
    ],
    compiler_params=pltpu.CompilerParams(
        use_tc_tiling_on_sc=True, needs_layout_passes=False),
)
def _qt_sc(x_hbm, out_hbm, buf0, buf1, statrow, shared, stats_s, stats_q,
           up_s, up_q, basetile, sem0, sem1):
    c = lax.axis_index("c")
    s = lax.axis_index("s")
    img = 2 * c + s // 8
    p = s % 8
    bufs = (buf0, buf1)
    sems = (sem0, sem1)

    jj = lax.broadcasted_iota(jnp.int32, (L,), 0)
    inv1024 = 1.0 / 1024.0

    copies = []
    for k in range(2):
        rb = 2 * p + k
        copies.append(pltpu.async_copy(
            x_hbm.at[img, 0, pl.ds(rb * BS, BS)], bufs[k], sems[k]))

    pltpu.sync_copy(x_hbm.at[img, 0, pl.ds(0, 8), pl.ds(0, 128)], basetile)
    base = _splat(basetile[0, pl.ds(0, L)], 0)

    for k in range(2):
        copies[k].wait()
        buf = bufs[k]

        def blk(j, carry, buf=buf):
            srow, ssrow = carry
            col = j * BS
            pv = _splat(buf[0, pl.ds(col, L)], 0)
            accs = jnp.zeros((L,), jnp.float32)
            accq = jnp.zeros((L,), jnp.float32)
            for rr in range(BS):
                for u in range(2):
                    v = buf[rr, pl.ds(col + u * L, L)]
                    d = v - pv
                    accs = accs + d
                    accq = accq + d * d
            st = _lanesum(accs, jj)
            qt = _lanesum(accq, jj)
            sv = st + 1024.0 * (pv - base)
            ssv = qt - st * st * inv1024
            lane = jj == j
            srow = jnp.where(lane, sv, srow)
            ssrow = jnp.where(lane, ssv, ssrow)
            return srow, ssrow

        srow, ssrow = lax.fori_loop(
            0, G, blk,
            (jnp.zeros((L,), jnp.float32), jnp.zeros((L,), jnp.float32)))
        statrow[2 * k, pl.ds(0, L)] = srow
        statrow[2 * k + 1, pl.ds(0, L)] = ssrow
        rb = 2 * p + k
        pltpu.sync_copy(statrow.at[2 * k], shared.at[img, 0, rb])
        pltpu.sync_copy(statrow.at[2 * k + 1], shared.at[img, 1, rb])

    plsc.subcore_barrier()

    pltpu.sync_copy(shared.at[img, 0], stats_s)
    pltpu.sync_copy(shared.at[img, 1], stats_q)

    c0 = jnp.minimum(jj * 2, L - 1)
    c1 = jnp.minimum(jj * 2 + 1, L - 1)

    def combine(sa, sb, qa, qb, nc):
        inv_nc = 1.0 / nc
        inv_np = 1.0 / (4.0 * nc)
        s00 = _shuf(sa, c0)
        s01 = _shuf(sa, c1)
        s10 = _shuf(sb, c0)
        s11 = _shuf(sb, c1)
        q00 = _shuf(qa, c0)
        q01 = _shuf(qa, c1)
        q10 = _shuf(qb, c0)
        q11 = _shuf(qb, c1)
        sp = s00 + s01 + s10 + s11
        mp = sp * inv_np
        d00 = s00 * inv_nc - mp
        d01 = s01 * inv_nc - mp
        d10 = s10 * inv_nc - mp
        d11 = s11 * inv_nc - mp
        qp = (q00 + q01 + q10 + q11) + nc * (
            d00 * d00 + d01 * d01 + d10 * d10 + d11 * d11)
        return sp, qp

    def lvl3_row(i, carry):
        sp, qp = combine(stats_s[2 * i, pl.ds(0, L)],
                         stats_s[2 * i + 1, pl.ds(0, L)],
                         stats_q[2 * i, pl.ds(0, L)],
                         stats_q[2 * i + 1, pl.ds(0, L)],
                         _NELEM[4])
        up_s[_LVL_ROW[3] + i, pl.ds(0, L)] = sp
        up_q[_LVL_ROW[3] + i, pl.ds(0, L)] = qp
        return carry

    lax.fori_loop(0, 8, lvl3_row, 0)

    for l in (2, 1, 0):
        rbase = _LVL_ROW[l + 1]
        for i in range(1 << l):
            sp, qp = combine(up_s[rbase + 2 * i, pl.ds(0, L)],
                             up_s[rbase + 2 * i + 1, pl.ds(0, L)],
                             up_q[rbase + 2 * i, pl.ds(0, L)],
                             up_q[rbase + 2 * i + 1, pl.ds(0, L)],
                             _NELEM[l + 1])
            up_s[_LVL_ROW[l] + i, pl.ds(0, L)] = sp
            up_q[_LVL_ROW[l] + i, pl.ds(0, L)] = qp

    s_root = up_s[_LVL_ROW[0], pl.ds(0, L)]
    q_root = up_q[_LVL_ROW[0], pl.ds(0, L)]
    m0 = _splat(s_root, 0) * (1.0 / _NELEM[0])
    split0 = _splat(q_root, 0) >= _T2[0]

    c3 = jj >> 1
    c2 = jj >> 2
    c1v = jj >> 3

    out_copies = []
    for k in range(2):
        rb = 2 * p + k
        buf = bufs[k]
        s3 = _shuf(up_s[_LVL_ROW[3] + rb // 2, pl.ds(0, L)], c3)
        q3 = _shuf(up_q[_LVL_ROW[3] + rb // 2, pl.ds(0, L)], c3)
        s2 = _shuf(up_s[_LVL_ROW[2] + rb // 4, pl.ds(0, L)], c2)
        q2 = _shuf(up_q[_LVL_ROW[2] + rb // 4, pl.ds(0, L)], c2)
        s1 = _shuf(up_s[_LVL_ROW[1] + rb // 8, pl.ds(0, L)], c1v)
        q1 = _shuf(up_q[_LVL_ROW[1] + rb // 8, pl.ds(0, L)], c1v)
        m4 = statrow[2 * k, pl.ds(0, L)] * inv1024
        deep = jnp.where(q3 >= _T2[3], m4, s3 * (1.0 / _NELEM[3]))
        deep = jnp.where(q2 >= _T2[2], deep, s2 * (1.0 / _NELEM[2]))
        deep = jnp.where(q1 >= _T2[1], deep, s1 * (1.0 / _NELEM[1]))
        chosen = jnp.where(split0, deep, m0) + base

        sps = [_splat(chosen, j) for j in range(G)]

        def fill(rr, carry, buf=buf, sps=sps):
            for j in range(G):
                buf[rr, pl.ds(j * BS, L)] = sps[j]
                buf[rr, pl.ds(j * BS + L, L)] = sps[j]
            return carry

        lax.fori_loop(0, BS, fill, 0)
        out_copies.append(pltpu.async_copy(
            buf, out_hbm.at[img, 0, pl.ds(rb * BS, BS)], sems[k]))
    for cp in out_copies:
        cp.wait()


def kernel(x):
    return _qt_sc(x)

# --- scband reference (transcript-rebuilt; emitter-appended) ---
"""Pipeline reference for scband-qt-62130996904274 (READ-ONLY COPY).

The authoritative reference and input builder live on the scoring server;
editing this copy changes nothing except your own understanding.
"""

import jax, jax.numpy as jnp
import numpy as np

THRESH = 4000.0
DEFAULT_LEVEL = 4

def setup_inputs():
    x = jnp.arange(4 * 1 * 512 * 512, dtype=jnp.float32).reshape(4, 1, 512, 512)
    return {"x": x}

def _first_chunk(n):
    # torch.tensor_split(t, 2, dim) semantics: first chunk gets the extra element
    return n - n // 2

def _render_static(img, level, thresh, target):
    # Statically unrolled equivalent of QuadTree.insert (split_mode='std') pruned
    # at `target`, composed with get_image(level=target, map_type='mean').
    # Structure (recursion depth, quadrant shapes) is fully determined by the
    # static shape and `target`; only the split decision is data-dependent and
    # is resolved with jnp.where so outputs match the pruned recursion exactly.
    h, w = img.shape
    m = jnp.mean(img)
    fill = jnp.tile(m, (1, 1, h, w))
    if level >= target or (h <= 1 and w <= 1):
        return fill
    err = jnp.std(img, ddof=1)  # torch .std() is unbiased (ddof=1)
    h1 = _first_chunk(h)
    w1 = _first_chunk(w)
    nw = _render_static(img[:h1, :w1], level + 1, thresh, target)  # NW
    ne = _render_static(img[:h1, w1:], level + 1, thresh, target)  # NE
    sw = _render_static(img[h1:, :w1], level + 1, thresh, target)  # SW
    se = _render_static(img[h1:, w1:], level + 1, thresh, target)  # SE
    top = jnp.concatenate([nw, ne], axis=3)
    bottom = jnp.concatenate([sw, se], axis=3)
    children = jnp.concatenate([top, bottom], axis=2)
    return jnp.where(err >= thresh, children, fill)

def reference(x):
    outs = []
    for i in range(x.shape[0]):
        outs.append(_render_static(x[i, 0], 0, THRESH, DEFAULT_LEVEL))
    return jnp.concatenate(outs, axis=0)

if __name__ == "__main__":
    import jax
    _d = setup_inputs()
    print(jax.jit(kernel)(*tuple(_d.values())))

</pallas_src>

<mosaic_0001>
#map = affine_map<(d0, d1) -> (0, 0, 0, 0)>
module attributes {stable_mosaic.version = 14 : i64} {
  func.func @_qt_sc(%arg0: i32, %arg1: i32, %arg2: memref<4x1x512x512xf32, #tpu.memory_space<hbm>>, %arg3: memref<4x1x512x512xf32, #tpu.memory_space<hbm>>, %arg4: memref<32x512xf32, #tpu.memory_space<vmem>>, %arg5: memref<32x512xf32, #tpu.memory_space<vmem>>, %arg6: memref<4x128xf32, #tpu.memory_space<vmem>>, %arg7: memref<4x2x16x128xf32, #tpu.memory_space<vmem_shared>>, %arg8: memref<16x128xf32, #tpu.memory_space<vmem>>, %arg9: memref<16x128xf32, #tpu.memory_space<vmem>>, %arg10: memref<16x128xf32, #tpu.memory_space<vmem>>, %arg11: memref<16x128xf32, #tpu.memory_space<vmem>>, %arg12: memref<8x128xf32, #tpu.memory_space<vmem>>, %arg13: memref<!tpu.dma_semaphore, #tpu.memory_space<semaphore_mem>>, %arg14: memref<!tpu.dma_semaphore, #tpu.memory_space<semaphore_mem>>) attributes {dimension_semantics = [#tpu.dimension_semantics<core_parallel>, #tpu.dimension_semantics<subcore_parallel>], iteration_bounds = array<i64: 2, 16>, scalar_prefetch = 0 : i64, scratch_operands = 11 : i64, tpu.core_type = #tpu.core_type<sc_vector_subcore>, window_params = [{transform_indices = #map}, {transform_indices = #map}]} {
    %mul3A = arith.constant 2 : i32
    %mul3A_0 = arith.muli %mul3A, %arg0 : i32
    %jit3A = arith.constant 8 : i32
    %div3A = arith.divsi %arg1, %jit3A : i32
    %sign3A = arith.constant 0 : i32
    %sign3A_1 = arith.cmpi sgt, %arg1, %sign3A : i32
    %sign3A_2 = arith.extui %sign3A_1 : i1 to i32
    %sign3A_3 = arith.constant 0 : i32
    %sign3A_4 = arith.cmpi slt, %arg1, %sign3A_3 : i32
    %sign3A_5 = arith.extui %sign3A_4 : i1 to i32
    %sign3A_6 = arith.subi %sign3A_2, %sign3A_5 : i32
    %sign3A_7 = arith.constant 0 : i32
    %sign3A_8 = arith.cmpi sgt, %jit3A, %sign3A_7 : i32
    %sign3A_9 = arith.extui %sign3A_8 : i1 to i32
    %sign3A_10 = arith.constant 0 : i32
    %sign3A_11 = arith.cmpi slt, %jit3A, %sign3A_10 : i32
    %sign3A_12 = arith.extui %sign3A_11 : i1 to i32
    %sign3A_13 = arith.subi %sign3A_9, %sign3A_12 : i32
    %ne3A = arith.cmpi ne, %sign3A_6, %sign3A_13 : i32
    %rem3A = arith.remsi %arg1, %jit3A : i32
    %ne3A_14 = arith.constant 0 : i32
    %ne3A_15 = arith.cmpi ne, %rem3A, %ne3A_14 : i32
    %and3A = arith.andi %ne3A, %ne3A_15 : i1
    %sub3A = arith.constant 1 : i32
    %sub3A_16 = arith.subi %div3A, %sub3A : i32
    %select_n3A = arith.select %and3A, %sub3A_16, %div3A : i32
    %add3A = arith.addi %mul3A_0, %select_n3A : i32
    %jit3A_17 = arith.constant 8 : i32
    %eq3A = arith.constant 0 : i32
    %eq3A_18 = arith.cmpi eq, %jit3A_17, %eq3A : i32
    %jit3A_19 = arith.constant 1 : i32
    %select_n3A_20 = arith.select %eq3A_18, %jit3A_19, %jit3A_17 : i32
    %rem3A_21 = arith.remsi %arg1, %select_n3A_20 : i32
    %ne3A_22 = arith.constant 0 : i32
    %ne3A_23 = arith.cmpi ne, %rem3A_21, %ne3A_22 : i32
    %lt3A = arith.constant 0 : i32
    %lt3A_24 = arith.cmpi slt, %rem3A_21, %lt3A : i32
    %lt3A_25 = arith.constant 0 : i32
    %lt3A_26 = arith.cmpi slt, %select_n3A_20, %lt3A_25 : i32
    %ne3A_27 = arith.xori %lt3A_24, %lt3A_26 : i1
    %and3A_28 = arith.andi %ne3A_27, %ne3A_23 : i1
    %add3A_29 = arith.addi %rem3A_21, %select_n3A_20 : i32
    %select_n3A_30 = arith.select %and3A_28, %add3A_29, %rem3A_21 : i32
    %iota3A = tpu.iota {dimensions = array<i32: 0>} : vector<16xi32>
    %mul3A_31 = arith.constant 2 : i32
    %mul3A_32 = arith.muli %mul3A_31, %select_n3A_30 : i32
    %add3A_33 = arith.constant 0 : i32
    %add3A_34 = arith.addi %mul3A_32, %add3A_33 : i32
    %mul3A_35 = arith.constant 32 : i32
    %mul3A_36 = arith.muli %add3A_34, %mul3A_35 : i32
    %dma_start3A = arith.constant 0 : i32
    %dma_start3A_37 = arith.constant 0 : i32
    %dma_start3A_38 = tpu.memref_slice %arg2[%add3A, %dma_start3A, %mul3A_36, %dma_start3A_37] : memref<4x1x512x512xf32, #tpu.memory_space<hbm>> -> memref<1x1x32x512xf32, #tpu.memory_space<hbm>>
    %dma_start3A_39 = tpu.memref_squeeze %dma_start3A_38 : memref<1x1x32x512xf32, #tpu.memory_space<hbm>> -> memref<32x512xf32, #tpu.memory_space<hbm>>
    %dma_start3A_40 = arith.constant 0 : i32
    %dma_start3A_41 = tpu.memref_slice %arg2[%add3A, %dma_start3A, %mul3A_36, %dma_start3A_40] : memref<4x1x512x512xf32, #tpu.memory_space<hbm>> -> memref<1x1x32x512xf32, #tpu.memory_space<hbm>>
    %dma_start3A_42 = tpu.memref_squeeze %dma_start3A_41 : memref<1x1x32x512xf32, #tpu.memory_space<hbm>> -> memref<32x512xf32, #tpu.memory_space<hbm>>
    tpu.enqueue_dma source(%dma_start3A_42 : memref<32x512xf32, #tpu.memory_space<hbm>>) target(%arg4 : memref<32x512xf32, #tpu.memory_space<vmem>>) target_semaphore(%arg13 : memref<!tpu.dma_semaphore, #tpu.memory_space<semaphore_mem>>)
    %mul3A_43 = arith.constant 2 : i32
    %mul3A_44 = arith.muli %mul3A_43, %select_n3A_30 : i32
    %add3A_45 = arith.constant 1 : i32
    %add3A_46 = arith.addi %mul3A_44, %add3A_45 : i32
    %mul3A_47 = arith.constant 32 : i32
    %mul3A_48 = arith.muli %add3A_46, %mul3A_47 : i32
    %dma_start3A_49 = arith.constant 0 : i32
    %dma_start3A_50 = arith.constant 0 : i32
    %dma_start3A_51 = tpu.memref_slice %arg2[%add3A, %dma_start3A_49, %mul3A_48, %dma_start3A_50] : memref<4x1x512x512xf32, #tpu.memory_space<hbm>> -> memref<1x1x32x512xf32, #tpu.memory_space<hbm>>
    %dma_start3A_52 = tpu.memref_squeeze %dma_start3A_51 : memref<1x1x32x512xf32, #tpu.memory_space<hbm>> -> memref<32x512xf32, #tpu.memory_space<hbm>>
    %dma_start3A_53 = arith.constant 0 : i32
    %dma_start3A_54 = tpu.memref_slice %arg2[%add3A, %dma_start3A_49, %mul3A_48, %dma_start3A_53] : memref<4x1x512x512xf32, #tpu.memory_space<hbm>> -> memref<1x1x32x512xf32, #tpu.memory_space<hbm>>
    %dma_start3A_55 = tpu.memref_squeeze %dma_start3A_54 : memref<1x1x32x512xf32, #tpu.memory_space<hbm>> -> memref<32x512xf32, #tpu.memory_space<hbm>>
    tpu.enqueue_dma source(%dma_start3A_55 : memref<32x512xf32, #tpu.memory_space<hbm>>) target(%arg5 : memref<32x512xf32, #tpu.memory_space<vmem>>) target_semaphore(%arg14 : memref<!tpu.dma_semaphore, #tpu.memory_space<semaphore_mem>>)
    %run_scoped3A = arith.constant 0 : i32
    "tpu.region"() ({
      %run_scoped3A_1421 = tpu.sem_alloc : memref<!tpu.dma_semaphore, #tpu.memory_space<semaphore_mem>>
      %dma_start3A_1422 = arith.constant 0 : i32
      %dma_start3A_1423 = arith.constant 0 : i32
      %dma_start3A_1424 = tpu.memref_slice %arg2[%add3A, %run_scoped3A, %dma_start3A_1422, %dma_start3A_1423] : memref<4x1x512x512xf32, #tpu.memory_space<hbm>> -> memref<1x1x8x128xf32, #tpu.memory_space<hbm>>
      %dma_start3A_1425 = tpu.memref_squeeze %dma_start3A_1424 : memref<1x1x8x128xf32, #tpu.memory_space<hbm>> -> memref<8x128xf32, #tpu.memory_space<hbm>>
      %dma_start3A_1426 = arith.constant 0 : i32
      %dma_start3A_1427 = arith.constant 0 : i32
      %dma_start3A_1428 = tpu.memref_slice %arg2[%add3A, %run_scoped3A, %dma_start3A_1426, %dma_start3A_1427] : memref<4x1x512x512xf32, #tpu.memory_space<hbm>> -> memref<1x1x8x128xf32, #tpu.memory_space<hbm>>
      %dma_start3A_1429 = tpu.memref_squeeze %dma_start3A_1428 : memref<1x1x8x128xf32, #tpu.memory_space<hbm>> -> memref<8x128xf32, #tpu.memory_space<hbm>>
      tpu.enqueue_dma source(%dma_start3A_1429 : memref<8x128xf32, #tpu.memory_space<hbm>>) target(%arg12 : memref<8x128xf32, #tpu.memory_space<vmem>>) target_semaphore(%run_scoped3A_1421 : memref<!tpu.dma_semaphore, #tpu.memory_space<semaphore_mem>>)
      %dma_wait3A_1430 = arith.constant 0 : i32
      %dma_wait3A_1431 = arith.constant 0 : i32
      %dma_wait3A_1432 = tpu.memref_slice %arg2[%add3A, %run_scoped3A, %dma_wait3A_1430, %dma_wait3A_1431] : memref<4x1x512x512xf32, #tpu.memory_space<hbm>> -> memref<1x1x8x128xf32, #tpu.memory_space<hbm>>
      %dma_wait3A_1433 = tpu.memref_squeeze %dma_wait3A_1432 : memref<1x1x8x128xf32, #tpu.memory_space<hbm>> -> memref<8x128xf32, #tpu.memory_space<hbm>>
      %dma_wait3A_1434 = arith.constant 0 : i32
      %dma_wait3A_1435 = arith.constant 0 : i32
      %dma_wait3A_1436 = tpu.memref_slice %arg2[%add3A, %run_scoped3A, %dma_wait3A_1434, %dma_wait3A_1435] : memref<4x1x512x512xf32, #tpu.memory_space<hbm>> -> memref<1x1x8x128xf32, #tpu.memory_space<hbm>>
      %dma_wait3A_1437 = tpu.memref_squeeze %dma_wait3A_1436 : memref<1x1x8x128xf32, #tpu.memory_space<hbm>> -> memref<8x128xf32, #tpu.memory_space<hbm>>
      tpu.wait_dma2 semaphore(%run_scoped3A_1421 : memref<!tpu.dma_semaphore, #tpu.memory_space<semaphore_mem>>) src(%dma_wait3A_1437 : memref<8x128xf32, #tpu.memory_space<hbm>>) dst(%arg12 : memref<8x128xf32, #tpu.memory_space<vmem>>)
      tpu.yield
    }) : () -> ()
    %get3A = arith.constant 0 : i32
    %get3A_56 = arith.index_cast %get3A : i32 to index
    %get3A_57 = arith.constant 0 : index
    %get3A_58 = tpu.vector_load %arg12[%get3A_56, %get3A_57] {strides = array<i32>} : memref<8x128xf32, #tpu.memory_space<vmem>>, vector<16xf32>,
    %broadcast_in_dim3A = arith.constant 0 : i32
    %broadcast_in_dim3A_59 = vector.broadcast %broadcast_in_dim3A : i32 to vector<16xi32>
    %reshape3A = vector.shape_cast %broadcast_in_dim3A_59 : vector<16xi32> to vector<16x1xi32>
    %gather3A = vector.shape_cast %reshape3A : vector<16x1xi32> to vector<16xi32>
    %gather3A_60 = tpu.dynamic_gather %get3A_58[%gather3A] in [0] : vector<16xf32>, vector<16xi32> -> vector<16xf32>
    %dma_wait3A = arith.constant 0 : i32
    %dma_wait3A_61 = arith.constant 0 : i32
    %dma_wait3A_62 = tpu.memref_slice %arg2[%add3A, %dma_wait3A, %mul3A_36, %dma_wait3A_61] : memref<4x1x512x512xf32, #tpu.memory_space<hbm>> -> memref<1x1x32x512xf32, #tpu.memory_space<hbm>>
    %dma_wait3A_63 = tpu.memref_squeeze %dma_wait3A_62 : memref<1x1x32x512xf32, #tpu.memory_space<hbm>> -> memref<32x512xf32, #tpu.memory_space<hbm>>
    %dma_wait3A_64 = arith.constant 0 : i32
    %dma_wait3A_65 = tpu.memref_slice %arg2[%add3A, %dma_wait3A, %mul3A_36, %dma_wait3A_64] : memref<4x1x512x512xf32, #tpu.memory_space<hbm>> -> memref<1x1x32x512xf32, #tpu.memory_space<hbm>>
    %dma_wait3A_66 = tpu.memref_squeeze %dma_wait3A_65 : memref<1x1x32x512xf32, #tpu.memory_space<hbm>> -> memref<32x512xf32, #tpu.memory_space<hbm>>
    tpu.wait_dma2 semaphore(%arg13 : memref<!tpu.dma_semaphore, #tpu.memory_space<semaphore_mem>>) src(%dma_wait3A_66 : memref<32x512xf32, #tpu.memory_space<hbm>>) dst(%arg4 : memref<32x512xf32, #tpu.memory_space<vmem>>)
    %broadcast_in_dim3A_67 = arith.constant 0.000000e+00 : f32
    %broadcast_in_dim3A_68 = vector.broadcast %broadcast_in_dim3A_67 : f32 to vector<16xf32>
    %broadcast_in_dim3A_69 = arith.constant 0.000000e+00 : f32
    %broadcast_in_dim3A_70 = vector.broadcast %broadcast_in_dim3A_69 : f32 to vector<16xf32>
    %scan3A = arith.constant 0 : i32
    %scan3A_71 = arith.constant 16 : i32
    %scan3A_72 = arith.addi %scan3A, %scan3A_71 : i32
    %scan3A_73 = arith.constant 1 : i32
    %scan3A_74:2 = scf.for %scan3A_1421 = %scan3A to %scan3A_72 step %scan3A_73 iter_args(%scan3A_1422 = %broadcast_in_dim3A_68, %scan3A_1423 = %broadcast_in_dim3A_70) -> (vector<16xf32>, vector<16xf32>)  : i32 {
      %mul3A_1424 = arith.constant 32 : i32
      %mul3A_1425 = arith.muli %scan3A_1421, %mul3A_1424 : i32
      %get3A_1426 = arith.constant 0 : i32
      %get3A_1427 = arith.index_cast %get3A_1426 : i32 to index
      %get3A_1428 = arith.index_cast %mul3A_1425 : i32 to index
      %get3A_1429 = tpu.vector_load %arg4[%get3A_1427, %get3A_1428] {strides = array<i32>} : memref<32x512xf32, #tpu.memory_space<vmem>>, vector<16xf32>,
      %broadcast_in_dim3A_1430 = arith.constant 0 : i32
      %broadcast_in_dim3A_1431 = vector.broadcast %broadcast_in_dim3A_1430 : i32 to vector<16xi32>
      %reshape3A_1432 = vector.shape_cast %broadcast_in_dim3A_1431 : vector<16xi32> to vector<16x1xi32>
      %gather3A_1433 = vector.shape_cast %reshape3A_1432 : vector<16x1xi32> to vector<16xi32>
      %gather3A_1434 = tpu.dynamic_gather %get3A_1429[%gather3A_1433] in [0] : vector<16xf32>, vector<16xi32> -> vector<16xf32>
      %broadcast_in_dim3A_1435 = arith.constant 0.000000e+00 : f32
      %broadcast_in_dim3A_1436 = vector.broadcast %broadcast_in_dim3A_1435 : f32 to vector<16xf32>
      %broadcast_in_dim3A_1437 = arith.constant 0.000000e+00 : f32
      %broadcast_in_dim3A_1438 = vector.broadcast %broadcast_in_dim3A_1437 : f32 to vector<16xf32>
      %add3A_1439 = arith.constant 0 : i32
      %add3A_1440 = arith.addi %mul3A_1425, %add3A_1439 : i32
      %get3A_1441 = arith.constant 0 : i32
      %get3A_1442 = arith.index_cast %get3A_1441 : i32 to index
      %get3A_1443 = arith.index_cast %add3A_1440 : i32 to index
      %get3A_1444 = tpu.vector_load %arg4[%get3A_1442, %get3A_1443] {strides = array<i32>} : memref<32x512xf32, #tpu.memory_space<vmem>>, vector<16xf32>,
      %sub3A_1445 = arith.subf %get3A_1444, %gather3A_1434 : vector<16xf32>
      %add3A_1446 = arith.addf %broadcast_in_dim3A_1436, %sub3A_1445 : vector<16xf32>
      %mul3A_1447 = arith.mulf %sub3A_1445, %sub3A_1445 : vector<16xf32>
      %add3A_1448 = arith.addf %broadcast_in_dim3A_1438, %mul3A_1447 : vector<16xf32>
      %add3A_1449 = arith.constant 16 : i32
      %add3A_1450 = arith.addi %mul3A_1425, %add3A_1449 : i32
      %get3A_1451 = arith.constant 0 : i32
      %get3A_1452 = arith.index_cast %get3A_1451 : i32 to index
      %get3A_1453 = arith.index_cast %add3A_1450 : i32 to index
      %get3A_1454 = tpu.vector_load %arg4[%get3A_1452, %get3A_1453] {strides = array<i32>} : memref<32x512xf32, #tpu.memory_space<vmem>>, vector<16xf32>,
      %sub3A_1455 = arith.subf %get3A_1454, %gather3A_1434 : vector<16xf32>
      %add3A_1456 = arith.addf %add3A_1446, %sub3A_1455 : vector<16xf32>
      %mul3A_1457 = arith.mulf %sub3A_1455, %sub3A_1455 : vector<16xf32>
      %add3A_1458 = arith.addf %add3A_1448, %mul3A_1457 : vector<16xf32>
      %add3A_1459 = arith.constant 0 : i32
      %add3A_1460 = arith.addi %mul3A_1425, %add3A_1459 : i32
      %get3A_1461 = arith.constant 1 : i32
      %get3A_1462 = arith.index_cast %get3A_1461 : i32 to index
      %get3A_1463 = arith.index_cast %add3A_1460 : i32 to index
      %get3A_1464 = tpu.vector_load %arg4[%get3A_1462, %get3A_1463] {strides = array<i32>} : memref<32x512xf32, #tpu.memory_space<vmem>>, vector<16xf32>,
      %sub3A_1465 = arith.subf %get3A_1464, %gather3A_1434 : vector<16xf32>
      %add3A_1466 = arith.addf %add3A_1456, %sub3A_1465 : vector<16xf32>
      %mul3A_1467 = arith.mulf %sub3A_1465, %sub3A_1465 : vector<16xf32>
      %add3A_1468 = arith.addf %add3A_1458, %mul3A_1467 : vector<16xf32>
      %add3A_1469 = arith.constant 16 : i32
      %add3A_1470 = arith.addi %mul3A_1425, %add3A_1469 : i32
      %get3A_1471 = arith.constant 1 : i32
      %get3A_1472 = arith.index_cast %get3A_1471 : i32 to index
      %get3A_1473 = arith.index_cast %add3A_1470 : i32 to index
      %get3A_1474 = tpu.vector_load %arg4[%get3A_1472, %get3A_1473] {strides = array<i32>} : memref<32x512xf32, #tpu.memory_space<vmem>>, vector<16xf32>,
      %sub3A_1475 = arith.subf %get3A_1474, %gather3A_1434 : vector<16xf32>
      %add3A_1476 = arith.addf %add3A_1466, %sub3A_1475 : vector<16xf32>
      %mul3A_1477 = arith.mulf %sub3A_1475, %sub3A_1475 : vector<16xf32>
      %add3A_1478 = arith.addf %add3A_1468, %mul3A_1477 : vector<16xf32>
      %add3A_1479 = arith.constant 0 : i32
      %add3A_1480 = arith.addi %mul3A_1425, %add3A_1479 : i32
      %get3A_1481 = arith.constant 2 : i32
      %get3A_1482 = arith.index_cast %get3A_1481 : i32 to index
      %get3A_1483 = arith.index_cast %add3A_1480 : i32 to index
      %get3A_1484 = tpu.vector_load %arg4[%get3A_1482, %get3A_1483] {strides = array<i32>} : memref<32x512xf32, #tpu.memory_space<vmem>>, vector<16xf32>,
      %sub3A_1485 = arith.subf %get3A_1484, %gather3A_1434 : vector<16xf32>
      %add3A_1486 = arith.addf %add3A_1476, %sub3A_1485 : vector<16xf32>
      %mul3A_1487 = arith.mulf %sub3A_1485, %sub3A_1485 : vector<16xf32>
      %add3A_1488 = arith.addf %add3A_1478, %mul3A_1487 : vector<16xf32>
      %add3A_1489 = arith.constant 16 : i32
      %add3A_1490 = arith.addi %mul3A_1425, %add3A_1489 : i32
      %get3A_1491 = arith.constant 2 : i32
      %get3A_1492 = arith.index_cast %get3A_1491 : i32 to index
      %get3A_1493 = arith.index_cast %add3A_1490 : i32 to index
      %get3A_1494 = tpu.vector_load %arg4[%get3A_1492, %get3A_1493] {strides = array<i32>} : memref<32x512xf32, #tpu.memory_space<vmem>>, vector<16xf32>,
      %sub3A_1495 = arith.subf %get3A_1494, %gather3A_1434 : vector<16xf32>
      %add3A_1496 = arith.addf %add3A_1486, %sub3A_1495 : vector<16xf32>
      %mul3A_1497 = arith.mulf %sub3A_1495, %sub3A_1495 : vector<16xf32>
      %add3A_1498 = arith.addf %add3A_1488, %mul3A_1497 : vector<16xf32>
      %add3A_1499 = arith.constant 0 : i32
      %add3A_1500 = arith.addi %mul3A_1425, %add3A_1499 : i32
      %get3A_1501 = arith.constant 3 : i32
      %get3A_1502 = arith.index_cast %get3A_1501 : i32 to index
      %get3A_1503 = arith.index_cast %add3A_1500 : i32 to index
      %get3A_1504 = tpu.vector_load %arg4[%get3A_1502, %get3A_1503] {strides = array<i32>} : memref<32x512xf32, #tpu.memory_space<vmem>>, vector<16xf32>,
      %sub3A_1505 = arith.subf %get3A_1504, %gather3A_1434 : vector<16xf32>
      %add3A_1506 = arith.addf %add3A_1496, %sub3A_1505 : vector<16xf32>
      %mul3A_1507 = arith.mulf %sub3A_1505, %sub3A_1505 : vector<16xf32>
      %add3A_1508 = arith.addf %add3A_1498, %mul3A_1507 : vector<16xf32>
      %add3A_1509 = arith.constant 16 : i32
      %add3A_1510 = arith.addi %mul3A_1425, %add3A_1509 : i32
      %get3A_1511 = arith.constant 3 : i32
      %get3A_1512 = arith.index_cast %get3A_1511 : i32 to index
      %get3A_1513 = arith.index_cast %add3A_1510 : i32 to index
      %get3A_1514 = tpu.vector_load %arg4[%get3A_1512, %get3A_1513] {strides = array<i32>} : memref<32x512xf32, #tpu.memory_space<vmem>>, vector<16xf32>,
      %sub3A_1515 = arith.subf %get3A_1514, %gather3A_1434 : vector<16xf32>
      %add3A_1516 = arith.addf %add3A_1506, %sub3A_1515 : vector<16xf32>
      %mul3A_1517 = arith.mulf %sub3A_1515, %sub3A_1515 : vector<16xf32>
      %add3A_1518 = arith.addf %add3A_1508, %mul3A_1517 : vector<16xf32>
      %add3A_1519 = arith.constant 0 : i32
      %add3A_1520 = arith.addi %mul3A_1425, %add3A_1519 : i32
      %get3A_1521 = arith.constant 4 : i32
      %get3A_1522 = arith.index_cast %get3A_1521 : i32 to index
      %get3A_1523 = arith.index_cast %add3A_1520 : i32 to index
      %get3A_1524 = tpu.vector_load %arg4[%get3A_1522, %get3A_1523] {strides = array<i32>} : memref<32x512xf32, #tpu.memory_space<vmem>>, vector<16xf32>,
      %sub3A_1525 = arith.subf %get3A_1524, %gather3A_1434 : vector<16xf32>
      %add3A_1526 = arith.addf %add3A_1516, %sub3A_1525 : vector<16xf32>
      %mul3A_1527 = arith.mulf %sub3A_1525, %sub3A_1525 : vector<16xf32>
      %add3A_1528 = arith.addf %add3A_1518, %mul3A_1527 : vector<16xf32>
      %add3A_1529 = arith.constant 16 : i32
      %add3A_1530 = arith.addi %mul3A_1425, %add3A_1529 : i32
      %get3A_1531 = arith.constant 4 : i32
      %get3A_1532 = arith.index_cast %get3A_1531 : i32 to index
      %get3A_1533 = arith.index_cast %add3A_1530 : i32 to index
      %get3A_1534 = tpu.vector_load %arg4[%get3A_1532, %get3A_1533] {strides = array<i32>} : memref<32x512xf32, #tpu.memory_space<vmem>>, vector<16xf32>,
      %sub3A_1535 = arith.subf %get3A_1534, %gather3A_1434 : vector<16xf32>
      %add3A_1536 = arith.addf %add3A_1526, %sub3A_1535 : vector<16xf32>
      %mul3A_1537 = arith.mulf %sub3A_1535, %sub3A_1535 : vector<16xf32>
      %add3A_1538 = arith.addf %add3A_1528, %mul3A_1537 : vector<16xf32>
      %add3A_1539 = arith.constant 0 : i32
      %add3A_1540 = arith.addi %mul3A_1425, %add3A_1539 : i32
      %get3A_1541 = arith.constant 5 : i32
      %get3A_1542 = arith.index_cast %get3A_1541 : i32 to index
      %get3A_1543 = arith.index_cast %add3A_1540 : i32 to index
      %get3A_1544 = tpu.vector_load %arg4[%get3A_1542, %get3A_1543] {strides = array<i32>} : memref<32x512xf32, #tpu.memory_space<vmem>>, vector<16xf32>,
      %sub3A_1545 = arith.subf %get3A_1544, %gather3A_1434 : vector<16xf32>
      %add3A_1546 = arith.addf %add3A_1536, %sub3A_1545 : vector<16xf32>
      %mul3A_1547 = arith.mulf %sub3A_1545, %sub3A_1545 : vector<16xf32>
      %add3A_1548 = arith.addf %add3A_1538, %mul3A_1547 : vector<16xf32>
      %add3A_1549 = arith.constant 16 : i32
      %add3A_1550 = arith.addi %mul3A_1425, %add3A_1549 : i32
      %get3A_1551 = arith.constant 5 : i32
      %get3A_1552 = arith.index_cast %get3A_1551 : i32 to index
      %get3A_1553 = arith.index_cast %add3A_1550 : i32 to index
      %get3A_1554 = tpu.vector_load %arg4[%get3A_1552, %get3A_1553] {strides = array<i32>} : memref<32x512xf32, #tpu.memory_space<vmem>>, vector<16xf32>,
      %sub3A_1555 = arith.subf %get3A_1554, %gather3A_1434 : vector<16xf32>
      %add3A_1556 = arith.addf %add3A_1546, %sub3A_1555 : vector<16xf32>
      %mul3A_1557 = arith.mulf %sub3A_1555, %sub3A_1555 : vector<16xf32>
      %add3A_1558 = arith.addf %add3A_1548, %mul3A_1557 : vector<16xf32>
      %add3A_1559 = arith.constant 0 : i32
      %add3A_1560 = arith.addi %mul3A_1425, %add3A_1559 : i32
      %get3A_1561 = arith.constant 6 : i32
      %get3A_1562 = arith.index_cast %get3A_1561 : i32 to index
      %get3A_1563 = arith.index_cast %add3A_1560 : i32 to index
      %get3A_1564 = tpu.vector_load %arg4[%get3A_1562, %get3A_1563] {strides = array<i32>} : memref<32x512xf32, #tpu.memory_space<vmem>>, vector<16xf32>,
      %sub3A_1565 = arith.subf %get3A_1564, %gather3A_1434 : vector<16xf32>
      %add3A_1566 = arith.addf %add3A_1556, %sub3A_1565 : vector<16xf32>
      %mul3A_1567 = arith.mulf %sub3A_1565, %sub3A_1565 : vector<16xf32>
      %add3A_1568 = arith.addf %add3A_1558, %mul3A_1567 : vector<16xf32>
      %add3A_1569 = arith.constant 16 : i32
      %add3A_1570 = arith.addi %mul3A_1425, %add3A_1569 : i32
      %get3A_1571 = arith.constant 6 : i32
      %get3A_1572 = arith.index_cast %get3A_1571 : i32 to index
      %get3A_1573 = arith.index_cast %add3A_1570 : i32 to index
      %get3A_1574 = tpu.vector_load %arg4[%get3A_1572, %get3A_1573] {strides = array<i32>} : memref<32x512xf32, #tpu.memory_space<vmem>>, vector<16xf32>,
      %sub3A_1575 = arith.subf %get3A_1574, %gather3A_1434 : vector<16xf32>
      %add3A_1576 = arith.addf %add3A_1566, %sub3A_1575 : vector<16xf32>
      %mul3A_1577 = arith.mulf %sub3A_1575, %sub3A_1575 : vector<16xf32>
      %add3A_1578 = arith.addf %add3A_1568, %mul3A_1577 : vector<16xf32>
      %add3A_1579 = arith.constant 0 : i32
      %add3A_1580 = arith.addi %mul3A_1425, %add3A_1579 : i32
      %get3A_1581 = arith.constant 7 : i32
      %get3A_1582 = arith.index_cast %get3A_1581 : i32 to index
      %get3A_1583 = arith.index_cast %add3A_1580 : i32 to index
      %get3A_1584 = tpu.vector_load %arg4[%get3A_1582, %get3A_1583] {strides = array<i32>} : memref<32x512xf32, #tpu.memory_space<vmem>>, vector<16xf32>,
      %sub3A_1585 = arith.subf %get3A_1584, %gather3A_1434 : vector<16xf32>
      %add3A_1586 = arith.addf %add3A_1576, %sub3A_1585 : vector<16xf32>
      %mul3A_1587 = arith.mulf %sub3A_1585, %sub3A_1585 : vector<16xf32>
      %add3A_1588 = arith.addf %add3A_1578, %mul3A_1587 : vector<16xf32>
      %add3A_1589 = arith.constant 16 : i32
      %add3A_1590 = arith.addi %mul3A_1425, %add3A_1589 : i32
      %get3A_1591 = arith.constant 7 : i32
      %get3A_1592 = arith.index_cast %get3A_1591 : i32 to index
      %get3A_1593 = arith.index_cast %add3A_1590 : i32 to index
      %get3A_1594 = tpu.vector_load %arg4[%get3A_1592, %get3A_1593] {strides = array<i32>} : memref<32x512xf32, #tpu.memory_space<vmem>>, vector<16xf32>,
      %sub3A_1595 = arith.subf %get3A_1594, %gather3A_1434 : vector<16xf32>
      %add3A_1596 = arith.addf %add3A_1586, %sub3A_1595 : vector<16xf32>
      %mul3A_1597 = arith.mulf %sub3A_1595, %sub3A_1595 : vector<16xf32>
      %add3A_1598 = arith.addf %add3A_1588, %mul3A_1597 : vector<16xf32>
      %add3A_1599 = arith.constant 0 : i32
      %add3A_1600 = arith.addi %mul3A_1425, %add3A_1599 : i32
      %get3A_1601 = arith.constant 8 : i32
      %get3A_1602 = arith.index_cast %get3A_1601 : i32 to index
      %get3A_1603 = arith.index_cast %add3A_1600 : i32 to index
      %get3A_1604 = tpu.vector_load %arg4[%get3A_1602, %get3A_1603] {strides = array<i32>} : memref<32x512xf32, #tpu.memory_space<vmem>>, vector<16xf32>,
      %sub3A_1605 = arith.subf %get3A_1604, %gather3A_1434 : vector<16xf32>
      %add3A_1606 = arith.addf %add3A_1596, %sub3A_1605 : vector<16xf32>
      %mul3A_1607 = arith.mulf %sub3A_1605, %sub3A_1605 : vector<16xf32>
      %add3A_1608 = arith.addf %add3A_1598, %mul3A_1607 : vector<16xf32>
      %add3A_1609 = arith.constant 16 : i32
      %add3A_1610 = arith.addi %mul3A_1425, %add3A_1609 : i32
      %get3A_1611 = arith.constant 8 : i32
      %get3A_1612 = arith.index_cast %get3A_1611 : i32 to index
      %get3A_1613 = arith.index_cast %add3A_1610 : i32 to index
      %get3A_1614 = tpu.vector_load %arg4[%get3A_1612, %get3A_1613] {strides = array<i32>} : memref<32x512xf32, #tpu.memory_space<vmem>>, vector<16xf32>,
      %sub3A_1615 = arith.subf %get3A_1614, %gather3A_1434 : vector<16xf32>
      %add3A_1616 = arith.addf %add3A_1606, %sub3A_1615 : vector<16xf32>
      %mul3A_1617 = arith.mulf %sub3A_1615, %sub3A_1615 : vector<16xf32>
      %add3A_1618 = arith.addf %add3A_1608, %mul3A_1617 : vector<16xf32>
      %add3A_1619 = arith.constant 0 : i32
      %add3A_1620 = arith.addi %mul3A_1425, %add3A_1619 : i32
      %get3A_1621 = arith.constant 9 : i32
      %get3A_1622 = arith.index_cast %get3A_1621 : i32 to index
      %get3A_1623 = arith.index_cast %add3A_1620 : i32 to index
      %get3A_1624 = tpu.vector_load %arg4[%get3A_1622, %get3A_1623] {strides = array<i32>} : memref<32x512xf32, #tpu.memory_space<vmem>>, vector<16xf32>,
      %sub3A_1625 = arith.subf %get3A_1624, %gather3A_1434 : vector<16xf32>
      %add3A_1626 = arith.addf %add3A_1616, %sub3A_1625 : vector<16xf32>
      %mul3A_1627 = arith.mulf %sub3A_1625, %sub3A_1625 : vector<16xf32>
      %add3A_1628 = arith.addf %add3A_1618, %mul3A_1627 : vector<16xf32>
      %add3A_1629 = arith.constant 16 : i32
      %add3A_1630 = arith.addi %mul3A_1425, %add3A_1629 : i32
      %get3A_1631 = arith.constant 9 : i32
      %get3A_1632 = arith.index_cast %get3A_1631 : i32 to index
      %get3A_1633 = arith.index_cast %add3A_1630 : i32 to index
      %get3A_1634 = tpu.vector_load %arg4[%get3A_1632, %get3A_1633] {strides = array<i32>} : memref<32x512xf32, #tpu.memory_space<vmem>>, vector<16xf32>,
      %sub3A_1635 = arith.subf %get3A_1634, %gather3A_1434 : vector<16xf32>
      %add3A_1636 = arith.addf %add3A_1626, %sub3A_1635 : vector<16xf32>
      %mul3A_1637 = arith.mulf %sub3A_1635, %sub3A_1635 : vector<16xf32>
      %add3A_1638 = arith.addf %add3A_1628, %mul3A_1637 : vector<16xf32>
      %add3A_1639 = arith.constant 0 : i32
      %add3A_1640 = arith.addi %mul3A_1425, %add3A_1639 : i32
      %get3A_1641 = arith.constant 10 : i32
      %get3A_1642 = arith.index_cast %get3A_1641 : i32 to index
      %get3A_1643 = arith.index_cast %add3A_1640 : i32 to index
      %get3A_1644 = tpu.vector_load %arg4[%get3A_1642, %get3A_1643] {strides = array<i32>} : memref<32x512xf32, #tpu.memory_space<vmem>>, vector<16xf32>,
      %sub3A_1645 = arith.subf %get3A_1644, %gather3A_1434 : vector<16xf32>
      %add3A_1646 = arith.addf %add3A_1636, %sub3A_1645 : vector<16xf32>
      %mul3A_1647 = arith.mulf %sub3A_1645, %sub3A_1645 : vector<16xf32>
      %add3A_1648 = arith.addf %add3A_1638, %mul3A_1647 : vector<16xf32>
      %add3A_1649 = arith.constant 16 : i32
      %add3A_1650 = arith.addi %mul3A_1425, %add3A_1649 : i32
      %get3A_1651 = arith.constant 10 : i32
      %get3A_1652 = arith.index_cast %get3A_1651 : i32 to index
      %get3A_1653 = arith.index_cast %add3A_1650 : i32 to index
      %get3A_1654 = tpu.vector_load %arg4[%get3A_1652, %get3A_1653] {strides = array<i32>} : memref<32x512xf32, #tpu.memory_space<vmem>>, vector<16xf32>,
      %sub3A_1655 = arith.subf %get3A_1654, %gather3A_1434 : vector<16xf32>
      %add3A_1656 = arith.addf %add3A_1646, %sub3A_1655 : vector<16xf32>
      %mul3A_1657 = arith.mulf %sub3A_1655, %sub3A_1655 : vector<16xf32>
      %add3A_1658 = arith.addf %add3A_1648, %mul3A_1657 : vector<16xf32>
      %add3A_1659 = arith.constant 0 : i32
      %add3A_1660 = arith.addi %mul3A_1425, %add3A_1659 : i32
      %get3A_1661 = arith.constant 11 : i32
      %get3A_1662 = arith.index_cast %get3A_1661 : i32 to index
      %get3A_1663 = arith.index_cast %add3A_1660 : i32 to index
      %get3A_1664 = tpu.vector_load %arg4[%get3A_1662, %get3A_1663] {strides = array<i32>} : memref<32x512xf32, #tpu.memory_space<vmem>>, vector<16xf32>,
      %sub3A_1665 = arith.subf %get3A_1664, %gather3A_1434 : vector<16xf32>
      %add3A_1666 = arith.addf %add3A_1656, %sub3A_1665 : vector<16xf32>
      %mul3A_1667 = arith.mulf %sub3A_1665, %sub3A_1665 : vector<16xf32>
      %add3A_1668 = arith.addf %add3A_1658, %mul3A_1667 : vector<16xf32>
      %add3A_1669 = arith.constant 16 : i32
      %add3A_1670 = arith.addi %mul3A_1425, %add3A_1669 : i32
      %get3A_1671 = arith.constant 11 : i32
      %get3A_1672 = arith.index_cast %get3A_1671 : i32 to index
      %get3A_1673 = arith.index_cast %add3A_1670 : i32 to index
      %get3A_1674 = tpu.vector_load %arg4[%get3A_1672, %get3A_1673] {strides = array<i32>} : memref<32x512xf32, #tpu.memory_space<vmem>>, vector<16xf32>,
      %sub3A_1675 = arith.subf %get3A_1674, %gather3A_1434 : vector<16xf32>
      %add3A_1676 = arith.addf %add3A_1666, %sub3A_1675 : vector<16xf32>
      %mul3A_1677 = arith.mulf %sub3A_1675, %sub3A_1675 : vector<16xf32>
      %add3A_1678 = arith.addf %add3A_1668, %mul3A_1677 : vector<16xf32>
      %add3A_1679 = arith.constant 0 : i32
      %add3A_1680 = arith.addi %mul3A_1425, %add3A_1679 : i32
      %get3A_1681 = arith.constant 12 : i32
      %get3A_1682 = arith.index_cast %get3A_1681 : i32 to index
      %get3A_1683 = arith.index_cast %add3A_1680 : i32 to index
      %get3A_1684 = tpu.vector_load %arg4[%get3A_1682, %get3A_1683] {strides = array<i32>} : memref<32x512xf32, #tpu.memory_space<vmem>>, vector<16xf32>,
      %sub3A_1685 = arith.subf %get3A_1684, %gather3A_1434 : vector<16xf32>
      %add3A_1686 = arith.addf %add3A_1676, %sub3A_1685 : vector<16xf32>
      %mul3A_1687 = arith.mulf %sub3A_1685, %sub3A_1685 : vector<16xf32>
      %add3A_1688 = arith.addf %add3A_1678, %mul3A_1687 : vector<16xf32>
      %add3A_1689 = arith.constant 16 : i32
      %add3A_1690 = arith.addi %mul3A_1425, %add3A_1689 : i32
      %get3A_1691 = arith.constant 12 : i32
      %get3A_1692 = arith.index_cast %get3A_1691 : i32 to index
      %get3A_1693 = arith.index_cast %add3A_1690 : i32 to index
      %get3A_1694 = tpu.vector_load %arg4[%get3A_1692, %get3A_1693] {strides = array<i32>} : memref<32x512xf32, #tpu.memory_space<vmem>>, vector<16xf32>,
      %sub3A_1695 = arith.subf %get3A_1694, %gather3A_1434 : vector<16xf32>
      %add3A_1696 = arith.addf %add3A_1686, %sub3A_1695 : vector<16xf32>
      %mul3A_1697 = arith.mulf %sub3A_1695, %sub3A_1695 : vector<16xf32>
      %add3A_1698 = arith.addf %add3A_1688, %mul3A_1697 : vector<16xf32>
      %add3A_1699 = arith.constant 0 : i32
      %add3A_1700 = arith.addi %mul3A_1425, %add3A_1699 : i32
      %get3A_1701 = arith.constant 13 : i32
      %get3A_1702 = arith.index_cast %get3A_1701 : i32 to index
      %get3A_1703 = arith.index_cast %add3A_1700 : i32 to index
      %get3A_1704 = tpu.vector_load %arg4[%get3A_1702, %get3A_1703] {strides = array<i32>} : memref<32x512xf32, #tpu.memory_space<vmem>>, vector<16xf32>,
      %sub3A_1705 = arith.subf %get3A_1704, %gather3A_1434 : vector<16xf32>
      %add3A_1706 = arith.addf %add3A_1696, %sub3A_1705 : vector<16xf32>
      %mul3A_1707 = arith.mulf %sub3A_1705, %sub3A_1705 : vector<16xf32>
      %add3A_1708 = arith.addf %add3A_1698, %mul3A_1707 : vector<16xf32>
      %add3A_1709 = arith.constant 16 : i32
      %add3A_1710 = arith.addi %mul3A_1425, %add3A_1709 : i32
      %get3A_1711 = arith.constant 13 : i32
      %get3A_1712 = arith.index_cast %get3A_1711 : i32 to index
      %get3A_1713 = arith.index_cast %add3A_1710 : i32 to index
      %get3A_1714 = tpu.vector_load %arg4[%get3A_1712, %get3A_1713] {strides = array<i32>} : memref<32x512xf32, #tpu.memory_space<vmem>>, vector<16xf32>,
      %sub3A_1715 = arith.subf %get3A_1714, %gather3A_1434 : vector<16xf32>
      %add3A_1716 = arith.addf %add3A_1706, %sub3A_1715 : vector<16xf32>
      %mul3A_1717 = arith.mulf %sub3A_1715, %sub3A_1715 : vector<16xf32>
      %add3A_1718 = arith.addf %add3A_1708, %mul3A_1717 : vector<16xf32>
      %add3A_1719 = arith.constant 0 : i32
      %add3A_1720 = arith.addi %mul3A_1425, %add3A_1719 : i32
      %get3A_1721 = arith.constant 14 : i32
      %get3A_1722 = arith.index_cast %get3A_1721 : i32 to index
      %get3A_1723 = arith.index_cast %add3A_1720 : i32 to index
      %get3A_1724 = tpu.vector_load %arg4[%get3A_1722, %get3A_1723] {strides = array<i32>} : memref<32x512xf32, #tpu.memory_space<vmem>>, vector<16xf32>,
      %sub3A_1725 = arith.subf %get3A_1724, %gather3A_1434 : vector<16xf32>
      %add3A_1726 = arith.addf %add3A_1716, %sub3A_1725 : vector<16xf32>
      %mul3A_1727 = arith.mulf %sub3A_1725, %sub3A_1725 : vector<16xf32>
      %add3A_1728 = arith.addf %add3A_1718, %mul3A_1727 : vector<16xf32>
      %add3A_1729 = arith.constant 16 : i32
      %add3A_1730 = arith.addi %mul3A_1425, %add3A_1729 : i32
      %get3A_1731 = arith.constant 14 : i32
      %get3A_1732 = arith.index_cast %get3A_1731 : i32 to index
      %get3A_1733 = arith.index_cast %add3A_1730 : i32 to index
      %get3A_1734 = tpu.vector_load %arg4[%get3A_1732, %get3A_1733] {strides = array<i32>} : memref<32x512xf32, #tpu.memory_space<vmem>>, vector<16xf32>,
      %sub3A_1735 = arith.subf %get3A_1734, %gather3A_1434 : vector<16xf32>
      %add3A_1736 = arith.addf %add3A_1726, %sub3A_1735 : vector<16xf32>
      %mul3A_1737 = arith.mulf %sub3A_1735, %sub3A_1735 : vector<16xf32>
      %add3A_1738 = arith.addf %add3A_1728, %mul3A_1737 : vector<16xf32>
      %add3A_1739 = arith.constant 0 : i32
      %add3A_1740 = arith.addi %mul3A_1425, %add3A_1739 : i32
      %get3A_1741 = arith.constant 15 : i32
      %get3A_1742 = arith.index_cast %get3A_1741 : i32 to index
      %get3A_1743 = arith.index_cast %add3A_1740 : i32 to index
      %get3A_1744 = tpu.vector_load %arg4[%get3A_1742, %get3A_1743] {strides = array<i32>} : memref<32x512xf32, #tpu.memory_space<vmem>>, vector<16xf32>,
      %sub3A_1745 = arith.subf %get3A_1744, %gather3A_1434 : vector<16xf32>
      %add3A_1746 = arith.addf %add3A_1736, %sub3A_1745 : vector<16xf32>
      %mul3A_1747 = arith.mulf %sub3A_1745, %sub3A_1745 : vector<16xf32>
      %add3A_1748 = arith.addf %add3A_1738, %mul3A_1747 : vector<16xf32>
      %add3A_1749 = arith.constant 16 : i32
      %add3A_1750 = arith.addi %mul3A_1425, %add3A_1749 : i32
      %get3A_1751 = arith.constant 15 : i32
      %get3A_1752 = arith.index_cast %get3A_1751 : i32 to index
      %get3A_1753 = arith.index_cast %add3A_1750 : i32 to index
      %get3A_1754 = tpu.vector_load %arg4[%get3A_1752, %get3A_1753] {strides = array<i32>} : memref<32x512xf32, #tpu.memory_space<vmem>>, vector<16xf32>,
      %sub3A_1755 = arith.subf %get3A_1754, %gather3A_1434 : vector<16xf32>
      %add3A_1756 = arith.addf %add3A_1746, %sub3A_1755 : vector<16xf32>
      %mul3A_1757 = arith.mulf %sub3A_1755, %sub3A_1755 : vector<16xf32>
      %add3A_1758 = arith.addf %add3A_1748, %mul3A_1757 : vector<16xf32>
      %add3A_1759 = arith.constant 0 : i32
      %add3A_1760 = arith.addi %mul3A_1425, %add3A_1759 : i32
      %get3A_1761 = arith.constant 16 : i32
      %get3A_1762 = arith.index_cast %get3A_1761 : i32 to index
      %get3A_1763 = arith.index_cast %add3A_1760 : i32 to index
      %get3A_1764 = tpu.vector_load %arg4[%get3A_1762, %get3A_1763] {strides = array<i32>} : memref<32x512xf32, #tpu.memory_space<vmem>>, vector<16xf32>,
      %sub3A_1765 = arith.subf %get3A_1764, %gather3A_1434 : vector<16xf32>
      %add3A_1766 = arith.addf %add3A_1756, %sub3A_1765 : vector<16xf32>
      %mul3A_1767 = arith.mulf %sub3A_1765, %sub3A_1765 : vector<16xf32>
      %add3A_1768 = arith.addf %add3A_1758, %mul3A_1767 : vector<16xf32>
      %add3A_1769 = arith.constant 16 : i32
      %add3A_1770 = arith.addi %mul3A_1425, %add3A_1769 : i32
      %get3A_1771 = arith.constant 16 : i32
      %get3A_1772 = arith.index_cast %get3A_1771 : i32 to index
      %get3A_1773 = arith.index_cast %add3A_1770 : i32 to index
      %get3A_1774 = tpu.vector_load %arg4[%get3A_1772, %get3A_1773] {strides = array<i32>} : memref<32x512xf32, #tpu.memory_space<vmem>>, vector<16xf32>,
      %sub3A_1775 = arith.subf %get3A_1774, %gather3A_1434 : vector<16xf32>
      %add3A_1776 = arith.addf %add3A_1766, %sub3A_1775 : vector<16xf32>
      %mul3A_1777 = arith.mulf %sub3A_1775, %sub3A_1775 : vector<16xf32>
      %add3A_1778 = arith.addf %add3A_1768, %mul3A_1777 : vector<16xf32>
      %add3A_1779 = arith.constant 0 : i32
      %add3A_1780 = arith.addi %mul3A_1425, %add3A_1779 : i32
      %get3A_1781 = arith.constant 17 : i32
      %get3A_1782 = arith.index_cast %get3A_1781 : i32 to index
      %get3A_1783 = arith.index_cast %add3A_1780 : i32 to index
      %get3A_1784 = tpu.vector_load %arg4[%get3A_1782, %get3A_1783] {strides = array<i32>} : memref<32x512xf32, #tpu.memory_space<vmem>>, vector<16xf32>,
      %sub3A_1785 = arith.subf %get3A_1784, %gather3A_1434 : vector<16xf32>
      %add3A_1786 = arith.addf %add3A_1776, %sub3A_1785 : vector<16xf32>
      %mul3A_1787 = arith.mulf %sub3A_1785, %sub3A_1785 : vector<16xf32>
      %add3A_1788 = arith.addf %add3A_1778, %mul3A_1787 : vector<16xf32>
      %add3A_1789 = arith.constant 16 : i32
      %add3A_1790 = arith.addi %mul3A_1425, %add3A_1789 : i32
      %get3A_1791 = arith.constant 17 : i32
      %get3A_1792 = arith.index_cast %get3A_1791 : i32 to index
      %get3A_1793 = arith.index_cast %add3A_1790 : i32 to index
      %get3A_1794 = tpu.vector_load %arg4[%get3A_1792, %get3A_1793] {strides = array<i32>} : memref<32x512xf32, #tpu.memory_space<vmem>>, vector<16xf32>,
      %sub3A_1795 = arith.subf %get3A_1794, %gather3A_1434 : vector<16xf32>
      %add3A_1796 = arith.addf %add3A_1786, %sub3A_1795 : vector<16xf32>
      %mul3A_1797 = arith.mulf %sub3A_1795, %sub3A_1795 : vector<16xf32>
      %add3A_1798 = arith.addf %add3A_1788, %mul3A_1797 : vector<16xf32>
      %add3A_1799 = arith.constant 0 : i32
      %add3A_1800 = arith.addi %mul3A_1425, %add3A_1799 : i32
      %get3A_1801 = arith.constant 18 : i32
      %get3A_1802 = arith.index_cast %get3A_1801 : i32 to index
      %get3A_1803 = arith.index_cast %add3A_1800 : i32 to index
      %get3A_1804 = tpu.vector_load %arg4[%get3A_1802, %get3A_1803] {strides = array<i32>} : memref<32x512xf32, #tpu.memory_space<vmem>>, vector<16xf32>,
      %sub3A_1805 = arith.subf %get3A_1804, %gather3A_1434 : vector<16xf32>
      %add3A_1806 = arith.addf %add3A_1796, %sub3A_1805 : vector<16xf32>
      %mul3A_1807 = arith.mulf %sub3A_1805, %sub3A_1805 : vector<16xf32>
      %add3A_1808 = arith.addf %add3A_1798, %mul3A_1807 : vector<16xf32>
      %add3A_1809 = arith.constant 16 : i32
      %add3A_1810 = arith.addi %mul3A_1425, %add3A_1809 : i32
      %get3A_1811 = arith.constant 18 : i32
      %get3A_1812 = arith.index_cast %get3A_1811 : i32 to index
      %get3A_1813 = arith.index_cast %add3A_1810 : i32 to index
      %get3A_1814 = tpu.vector_load %arg4[%get3A_1812, %get3A_1813] {strides = array<i32>} : memref<32x512xf32, #tpu.memory_space<vmem>>, vector<16xf32>,
      %sub3A_1815 = arith.subf %get3A_1814, %gather3A_1434 : vector<16xf32>
      %add3A_1816 = arith.addf %add3A_1806, %sub3A_1815 : vector<16xf32>
      %mul3A_1817 = arith.mulf %sub3A_1815, %sub3A_1815 : vector<16xf32>
      %add3A_1818 = arith.addf %add3A_1808, %mul3A_1817 : vector<16xf32>
      %add3A_1819 = arith.constant 0 : i32
      %add3A_1820 = arith.addi %mul3A_1425, %add3A_1819 : i32
      %get3A_1821 = arith.constant 19 : i32
      %get3A_1822 = arith.index_cast %get3A_1821 : i32 to index
      %get3A_1823 = arith.index_cast %add3A_1820 : i32 to index
      %get3A_1824 = tpu.vector_load %arg4[%get3A_1822, %get3A_1823] {strides = array<i32>} : memref<32x512xf32, #tpu.memory_space<vmem>>, vector<16xf32>,
      %sub3A_1825 = arith.subf %get3A_1824, %gather3A_1434 : vector<16xf32>
      %add3A_1826 = arith.addf %add3A_1816, %sub3A_1825 : vector<16xf32>
      %mul3A_1827 = arith.mulf %sub3A_1825, %sub3A_1825 : vector<16xf32>
      %add3A_1828 = arith.addf %add3A_1818, %mul3A_1827 : vector<16xf32>
      %add3A_1829 = arith.constant 16 : i32
      %add3A_1830 = arith.addi %mul3A_1425, %add3A_1829 : i32
      %get3A_1831 = arith.constant 19 : i32
      %get3A_1832 = arith.index_cast %get3A_1831 : i32 to index
      %get3A_1833 = arith.index_cast %add3A_1830 : i32 to index
      %get3A_1834 = tpu.vector_load %arg4[%get3A_1832, %get3A_1833] {strides = array<i32>} : memref<32x512xf32, #tpu.memory_space<vmem>>, vector<16xf32>,
      %sub3A_1835 = arith.subf %get3A_1834, %gather3A_1434 : vector<16xf32>
      %add3A_1836 = arith.addf %add3A_1826, %sub3A_1835 : vector<16xf32>
      %mul3A_1837 = arith.mulf %sub3A_1835, %sub3A_1835 : vector<16xf32>
      %add3A_1838 = arith.addf %add3A_1828, %mul3A_1837 : vector<16xf32>
      %add3A_1839 = arith.constant 0 : i32
      %add3A_1840 = arith.addi %mul3A_1425, %add3A_1839 : i32
      %get3A_1841 = arith.constant 20 : i32
      %get3A_1842 = arith.index_cast %get3A_1841 : i32 to index
      %get3A_1843 = arith.index_cast %add3A_1840 : i32 to index
      %get3A_1844 = tpu.vector_load %arg4[%get3A_1842, %get3A_1843] {strides = array<i32>} : memref<32x512xf32, #tpu.memory_space<vmem>>, vector<16xf32>,
      %sub3A_1845 = arith.subf %get3A_1844, %gather3A_1434 : vector<16xf32>
      %add3A_1846 = arith.addf %add3A_1836, %sub3A_1845 : vector<16xf32>
      %mul3A_1847 = arith.mulf %sub3A_1845, %sub3A_1845 : vector<16xf32>
      %add3A_1848 = arith.addf %add3A_1838, %mul3A_1847 : vector<16xf32>
      %add3A_1849 = arith.constant 16 : i32
      %add3A_1850 = arith.addi %mul3A_1425, %add3A_1849 : i32
      %get3A_1851 = arith.constant 20 : i32
      %get3A_1852 = arith.index_cast %get3A_1851 : i32 to index
      %get3A_1853 = arith.index_cast %add3A_1850 : i32 to index
      %get3A_1854 = tpu.vector_load %arg4[%get3A_1852, %get3A_1853] {strides = array<i32>} : memref<32x512xf32, #tpu.memory_space<vmem>>, vector<16xf32>,
      %sub3A_1855 = arith.subf %get3A_1854, %gather3A_1434 : vector<16xf32>
      %add3A_1856 = arith.addf %add3A_1846, %sub3A_1855 : vector<16xf32>
      %mul3A_1857 = arith.mulf %sub3A_1855, %sub3A_1855 : vector<16xf32>
      %add3A_1858 = arith.addf %add3A_1848, %mul3A_1857 : vector<16xf32>
      %add3A_1859 = arith.constant 0 : i32
      %add3A_1860 = arith.addi %mul3A_1425, %add3A_1859 : i32
      %get3A_1861 = arith.constant 21 : i32
      %get3A_1862 = arith.index_cast %get3A_1861 : i32 to index
      %get3A_1863 = arith.index_cast %add3A_1860 : i32 to index
      %get3A_1864 = tpu.vector_load %arg4[%get3A_1862, %get3A_1863] {strides = array<i32>} : memref<32x512xf32, #tpu.memory_space<vmem>>, vector<16xf32>,
      %sub3A_1865 = arith.subf %get3A_1864, %gather3A_1434 : vector<16xf32>
      %add3A_1866 = arith.addf %add3A_1856, %sub3A_1865 : vector<16xf32>
      %mul3A_1867 = arith.mulf %sub3A_1865, %sub3A_1865 : vector<16xf32>
      %add3A_1868 = arith.addf %add3A_1858, %mul3A_1867 : vector<16xf32>
      %add3A_1869 = arith.constant 16 : i32
      %add3A_1870 = arith.addi %mul3A_1425, %add3A_1869 : i32
      %get3A_1871 = arith.constant 21 : i32
      %get3A_1872 = arith.index_cast %get3A_1871 : i32 to index
      %get3A_1873 = arith.index_cast %add3A_1870 : i32 to index
      %get3A_1874 = tpu.vector_load %arg4[%get3A_1872, %get3A_1873] {strides = array<i32>} : memref<32x512xf32, #tpu.memory_space<vmem>>, vector<16xf32>,
      %sub3A_1875 = arith.subf %get3A_1874, %gather3A_1434 : vector<16xf32>
      %add3A_1876 = arith.addf %add3A_1866, %sub3A_1875 : vector<16xf32>
      %mul3A_1877 = arith.mulf %sub3A_1875, %sub3A_1875 : vector<16xf32>
      %add3A_1878 = arith.addf %add3A_1868, %mul3A_1877 : vector<16xf32>
      %add3A_1879 = arith.constant 0 : i32
      %add3A_1880 = arith.addi %mul3A_1425, %add3A_1879 : i32
      %get3A_1881 = arith.constant 22 : i32
      %get3A_1882 = arith.index_cast %get3A_1881 : i32 to index
      %get3A_1883 = arith.index_cast %add3A_1880 : i32 to index
      %get3A_1884 = tpu.vector_load %arg4[%get3A_1882, %get3A_1883] {strides = array<i32>} : memref<32x512xf32, #tpu.memory_space<vmem>>, vector<16xf32>,
      %sub3A_1885 = arith.subf %get3A_1884, %gather3A_1434 : vector<16xf32>
      %add3A_1886 = arith.addf %add3A_1876, %sub3A_1885 : vector<16xf32>
      %mul3A_1887 = arith.mulf %sub3A_1885, %sub3A_1885 : vector<16xf32>
      %add3A_1888 = arith.addf %add3A_1878, %mul3A_1887 : vector<16xf32>
      %add3A_1889 = arith.constant 16 : i32
      %add3A_1890 = arith.addi %mul3A_1425, %add3A_1889 : i32
      %get3A_1891 = arith.constant 22 : i32
      %get3A_1892 = arith.index_cast %get3A_1891 : i32 to index
      %get3A_1893 = arith.index_cast %add3A_1890 : i32 to index
      %get3A_1894 = tpu.vector_load %arg4[%get3A_1892, %get3A_1893] {strides = array<i32>} : memref<32x512xf32, #tpu.memory_space<vmem>>, vector<16xf32>,
      %sub3A_1895 = arith.subf %get3A_1894, %gather3A_1434 : vector<16xf32>
      %add3A_1896 = arith.addf %add3A_1886, %sub3A_1895 : vector<16xf32>
      %mul3A_1897 = arith.mulf %sub3A_1895, %sub3A_1895 : vector<16xf32>
      %add3A_1898 = arith.addf %add3A_1888, %mul3A_1897 : vector<16xf32>
      %add3A_1899 = arith.constant 0 : i32
      %add3A_1900 = arith.addi %mul3A_1425, %add3A_1899 : i32
      %get3A_1901 = arith.constant 23 : i32
      %get3A_1902 = arith.index_cast %get3A_1901 : i32 to index
      %get3A_1903 = arith.index_cast %add3A_1900 : i32 to index
      %get3A_1904 = tpu.vector_load %arg4[%get3A_1902, %get3A_1903] {strides = array<i32>} : memref<32x512xf32, #tpu.memory_space<vmem>>, vector<16xf32>,
      %sub3A_1905 = arith.subf %get3A_1904, %gather3A_1434 : vector<16xf32>
      %add3A_1906 = arith.addf %add3A_1896, %sub3A_1905 : vector<16xf32>
      %mul3A_1907 = arith.mulf %sub3A_1905, %sub3A_1905 : vector<16xf32>
      %add3A_1908 = arith.addf %add3A_1898, %mul3A_1907 : vector<16xf32>
      %add3A_1909 = arith.constant 16 : i32
      %add3A_1910 = arith.addi %mul3A_1425, %add3A_1909 : i32
      %get3A_1911 = arith.constant 23 : i32
      %get3A_1912 = arith.index_cast %get3A_1911 : i32 to index
      %get3A_1913 = arith.index_cast %add3A_1910 : i32 to index
      %get3A_1914 = tpu.vector_load %arg4[%get3A_1912, %get3A_1913] {strides = array<i32>} : memref<32x512xf32, #tpu.memory_space<vmem>>, vector<16xf32>,
      %sub3A_1915 = arith.subf %get3A_1914, %gather3A_1434 : vector<16xf32>
      %add3A_1916 = arith.addf %add3A_1906, %sub3A_1915 : vector<16xf32>
      %mul3A_1917 = arith.mulf %sub3A_1915, %sub3A_1915 : vector<16xf32>
      %add3A_1918 = arith.addf %add3A_1908, %mul3A_1917 : vector<16xf32>
      %add3A_1919 = arith.constant 0 : i32
      %add3A_1920 = arith.addi %mul3A_1425, %add3A_1919 : i32
      %get3A_1921 = arith.constant 24 : i32
      %get3A_1922 = arith.index_cast %get3A_1921 : i32 to index
      %get3A_1923 = arith.index_cast %add3A_1920 : i32 to index
      %get3A_1924 = tpu.vector_load %arg4[%get3A_1922, %get3A_1923] {strides = array<i32>} : memref<32x512xf32, #tpu.memory_space<vmem>>, vector<16xf32>,
      %sub3A_1925 = arith.subf %get3A_1924, %gather3A_1434 : vector<16xf32>
      %add3A_1926 = arith.addf %add3A_1916, %sub3A_1925 : vector<16xf32>
      %mul3A_1927 = arith.mulf %sub3A_1925, %sub3A_1925 : vector<16xf32>
      %add3A_1928 = arith.addf %add3A_1918, %mul3A_1927 : vector<16xf32>
      %add3A_1929 = arith.constant 16 : i32
      %add3A_1930 = arith.addi %mul3A_1425, %add3A_1929 : i32
      %get3A_1931 = arith.constant 24 : i32
      %get3A_1932 = arith.index_cast %get3A_1931 : i32 to index
      %get3A_1933 = arith.index_cast %add3A_1930 : i32 to index
      %get3A_1934 = tpu.vector_load %arg4[%get3A_1932, %get3A_1933] {strides = array<i32>} : memref<32x512xf32, #tpu.memory_space<vmem>>, vector<16xf32>,
      %sub3A_1935 = arith.subf %get3A_1934, %gather3A_1434 : vector<16xf32>
      %add3A_1936 = arith.addf %add3A_1926, %sub3A_1935 : vector<16xf32>
      %mul3A_1937 = arith.mulf %sub3A_1935, %sub3A_1935 : vector<16xf32>
      %add3A_1938 = arith.addf %add3A_1928, %mul3A_1937 : vector<16xf32>
      %add3A_1939 = arith.constant 0 : i32
      %add3A_1940 = arith.addi %mul3A_1425, %add3A_1939 : i32
      %get3A_1941 = arith.constant 25 : i32
      %get3A_1942 = arith.index_cast %get3A_1941 : i32 to index
      %get3A_1943 = arith.index_cast %add3A_1940 : i32 to index
      %get3A_1944 = tpu.vector_load %arg4[%get3A_1942, %get3A_1943] {strides = array<i32>} : memref<32x512xf32, #tpu.memory_space<vmem>>, vector<16xf32>,
      %sub3A_1945 = arith.subf %get3A_1944, %gather3A_1434 : vector<16xf32>
      %add3A_1946 = arith.addf %add3A_1936, %sub3A_1945 : vector<16xf32>
      %mul3A_1947 = arith.mulf %sub3A_1945, %sub3A_1945 : vector<16xf32>
      %add3A_1948 = arith.addf %add3A_1938, %mul3A_1947 : vector<16xf32>
      %add3A_1949 = arith.constant 16 : i32
      %add3A_1950 = arith.addi %mul3A_1425, %add3A_1949 : i32
      %get3A_1951 = arith.constant 25 : i32
      %get3A_1952 = arith.index_cast %get3A_1951 : i32 to index
      %get3A_1953 = arith.index_cast %add3A_1950 : i32 to index
      %get3A_1954 = tpu.vector_load %arg4[%get3A_1952, %get3A_1953] {strides = array<i32>} : memref<32x512xf32, #tpu.memory_space<vmem>>, vector<16xf32>,
      %sub3A_1955 = arith.subf %get3A_1954, %gather3A_1434 : vector<16xf32>
      %add3A_1956 = arith.addf %add3A_1946, %sub3A_1955 : vector<16xf32>
      %mul3A_1957 = arith.mulf %sub3A_1955, %sub3A_1955 : vector<16xf32>
      %add3A_1958 = arith.addf %add3A_1948, %mul3A_1957 : vector<16xf32>
      %add3A_1959 = arith.constant 0 : i32
      %add3A_1960 = arith.addi %mul3A_1425, %add3A_1959 : i32
      %get3A_1961 = arith.constant 26 : i32
      %get3A_1962 = arith.index_cast %get3A_1961 : i32 to index
      %get3A_1963 = arith.index_cast %add3A_1960 : i32 to index
      %get3A_1964 = tpu.vector_load %arg4[%get3A_1962, %get3A_1963] {strides = array<i32>} : memref<32x512xf32, #tpu.memory_space<vmem>>, vector<16xf32>,
      %sub3A_1965 = arith.subf %get3A_1964, %gather3A_1434 : vector<16xf32>
      %add3A_1966 = arith.addf %add3A_1956, %sub3A_1965 : vector<16xf32>
      %mul3A_1967 = arith.mulf %sub3A_1965, %sub3A_1965 : vector<16xf32>
      %add3A_1968 = arith.addf %add3A_1958, %mul3A_1967 : vector<16xf32>
      %add3A_1969 = arith.constant 16 : i32
      %add3A_1970 = arith.addi %mul3A_1425, %add3A_1969 : i32
      %get3A_1971 = arith.constant 26 : i32
      %get3A_1972 = arith.index_cast %get3A_1971 : i32 to index
      %get3A_1973 = arith.index_cast %add3A_1970 : i32 to index
      %get3A_1974 = tpu.vector_load %arg4[%get3A_1972, %get3A_1973] {strides = array<i32>} : memref<32x512xf32, #tpu.memory_space<vmem>>, vector<16xf32>,
      %sub3A_1975 = arith.subf %get3A_1974, %gather3A_1434 : vector<16xf32>
      %add3A_1976 = arith.addf %add3A_1966, %sub3A_1975 : vector<16xf32>
      %mul3A_1977 = arith.mulf %sub3A_1975, %sub3A_1975 : vector<16xf32>
      %add3A_1978 = arith.addf %add3A_1968, %mul3A_1977 : vector<16xf32>
      %add3A_1979 = arith.constant 0 : i32
      %add3A_1980 = arith.addi %mul3A_1425, %add3A_1979 : i32
      %get3A_1981 = arith.constant 27 : i32
      %get3A_1982 = arith.index_cast %get3A_1981 : i32 to index
      %get3A_1983 = arith.index_cast %add3A_1980 : i32 to index
      %get3A_1984 = tpu.vector_load %arg4[%get3A_1982, %get3A_1983] {strides = array<i32>} : memref<32x512xf32, #tpu.memory_space<vmem>>, vector<16xf32>,
      %sub3A_1985 = arith.subf %get3A_1984, %gather3A_1434 : vector<16xf32>
      %add3A_1986 = arith.addf %add3A_1976, %sub3A_1985 : vector<16xf32>
      %mul3A_1987 = arith.mulf %sub3A_1985, %sub3A_1985 : vector<16xf32>
      %add3A_1988 = arith.addf %add3A_1978, %mul3A_1987 : vector<16xf32>
      %add3A_1989 = arith.constant 16 : i32
      %add3A_1990 = arith.addi %mul3A_1425, %add3A_1989 : i32
      %get3A_1991 = arith.constant 27 : i32
      %get3A_1992 = arith.index_cast %get3A_1991 : i32 to index
      %get3A_1993 = arith.index_cast %add3A_1990 : i32 to index
      %get3A_1994 = tpu.vector_load %arg4[%get3A_1992, %get3A_1993] {strides = array<i32>} : memref<32x512xf32, #tpu.memory_space<vmem>>, vector<16xf32>,
      %sub3A_1995 = arith.subf %get3A_1994, %gather3A_1434 : vector<16xf32>
      %add3A_1996 = arith.addf %add3A_1986, %sub3A_1995 : vector<16xf32>
      %mul3A_1997 = arith.mulf %sub3A_1995, %sub3A_1995 : vector<16xf32>
      %add3A_1998 = arith.addf %add3A_1988, %mul3A_1997 : vector<16xf32>
      %add3A_1999 = arith.constant 0 : i32
      %add3A_2000 = arith.addi %mul3A_1425, %add3A_1999 : i32
      %get3A_2001 = arith.constant 28 : i32
      %get3A_2002 = arith.index_cast %get3A_2001 : i32 to index
      %get3A_2003 = arith.index_cast %add3A_2000 : i32 to index
      %get3A_2004 = tpu.vector_load %arg4[%get3A_2002, %get3A_2003] {strides = array<i32>} : memref<32x512xf32, #tpu.memory_space<vmem>>, vector<16xf32>,
      %sub3A_2005 = arith.subf %get3A_2004, %gather3A_1434 : vector<16xf32>
      %add3A_2006 = arith.addf %add3A_1996, %sub3A_2005 : vector<16xf32>
      %mul3A_2007 = arith.mulf %sub3A_2005, %sub3A_2005 : vector<16xf32>
      %add3A_2008 = arith.addf %add3A_1998, %mul3A_2007 : vector<16xf32>
      %add3A_2009 = arith.constant 16 : i32
      %add3A_2010 = arith.addi %mul3A_1425, %add3A_2009 : i32
      %get3A_2011 = arith.constant 28 : i32
      %get3A_2012 = arith.index_cast %get3A_2011 : i32 to index
      %get3A_2013 = arith.index_cast %add3A_2010 : i32 to index
      %get3A_2014 = tpu.vector_load %arg4[%get3A_2012, %get3A_2013] {strides = array<i32>} : memref<32x512xf32, #tpu.memory_space<vmem>>, vector<16xf32>,
      %sub3A_2015 = arith.subf %get3A_2014, %gather3A_1434 : vector<16xf32>
      %add3A_2016 = arith.addf %add3A_2006, %sub3A_2015 : vector<16xf32>
      %mul3A_2017 = arith.mulf %sub3A_2015, %sub3A_2015 : vector<16xf32>
      %add3A_2018 = arith.addf %add3A_2008, %mul3A_2017 : vector<16xf32>
      %add3A_2019 = arith.constant 0 : i32
      %add3A_2020 = arith.addi %mul3A_1425, %add3A_2019 : i32
      %get3A_2021 = arith.constant 29 : i32
      %get3A_2022 = arith.index_cast %get3A_2021 : i32 to index
      %get3A_2023 = arith.index_cast %add3A_2020 : i32 to index
      %get3A_2024 = tpu.vector_load %arg4[%get3A_2022, %get3A_2023] {strides = array<i32>} : memref<32x512xf32, #tpu.memory_space<vmem>>, vector<16xf32>,
      %sub3A_2025 = arith.subf %get3A_2024, %gather3A_1434 : vector<16xf32>
      %add3A_2026 = arith.addf %add3A_2016, %sub3A_2025 : vector<16xf32>
      %mul3A_2027 = arith.mulf %sub3A_2025, %sub3A_2025 : vector<16xf32>
      %add3A_2028 = arith.addf %add3A_2018, %mul3A_2027 : vector<16xf32>
      %add3A_2029 = arith.constant 16 : i32
      %add3A_2030 = arith.addi %mul3A_1425, %add3A_2029 : i32
      %get3A_2031 = arith.constant 29 : i32
      %get3A_2032 = arith.index_cast %get3A_2031 : i32 to index
      %get3A_2033 = arith.index_cast %add3A_2030 : i32 to index
      %get3A_2034 = tpu.vector_load %arg4[%get3A_2032, %get3A_2033] {strides = array<i32>} : memref<32x512xf32, #tpu.memory_space<vmem>>, vector<16xf32>,
      %sub3A_2035 = arith.subf %get3A_2034, %gather3A_1434 : vector<16xf32>
      %add3A_2036 = arith.addf %add3A_2026, %sub3A_2035 : vector<16xf32>
      %mul3A_2037 = arith.mulf %sub3A_2035, %sub3A_2035 : vector<16xf32>
      %add3A_2038 = arith.addf %add3A_2028, %mul3A_2037 : vector<16xf32>
      %add3A_2039 = arith.constant 0 : i32
      %add3A_2040 = arith.addi %mul3A_1425, %add3A_2039 : i32
      %get3A_2041 = arith.constant 30 : i32
      %get3A_2042 = arith.index_cast %get3A_2041 : i32 to index
      %get3A_2043 = arith.index_cast %add3A_2040 : i32 to index
      %get3A_2044 = tpu.vector_load %arg4[%get3A_2042, %get3A_2043] {strides = array<i32>} : memref<32x512xf32, #tpu.memory_space<vmem>>, vector<16xf32>,
      %sub3A_2045 = arith.subf %get3A_2044, %gather3A_1434 : vector<16xf32>
      %add3A_2046 = arith.addf %add3A_2036, %sub3A_2045 : vector<16xf32>
      %mul3A_2047 = arith.mulf %sub3A_2045, %sub3A_2045 : vector<16xf32>
      %add3A_2048 = arith.addf %add3A_2038, %mul3A_2047 : vector<16xf32>
      %add3A_2049 = arith.constant 16 : i32
      %add3A_2050 = arith.addi %mul3A_1425, %add3A_2049 : i32
      %get3A_2051 = arith.constant 30 : i32
      %get3A_2052 = arith.index_cast %get3A_2051 : i32 to index
      %get3A_2053 = arith.index_cast %add3A_2050 : i32 to index
      %get3A_2054 = tpu.vector_load %arg4[%get3A_2052, %get3A_2053] {strides = array<i32>} : memref<32x512xf32, #tpu.memory_space<vmem>>, vector<16xf32>,
      %sub3A_2055 = arith.subf %get3A_2054, %gather3A_1434 : vector<16xf32>
      %add3A_2056 = arith.addf %add3A_2046, %sub3A_2055 : vector<16xf32>
      %mul3A_2057 = arith.mulf %sub3A_2055, %sub3A_2055 : vector<16xf32>
      %add3A_2058 = arith.addf %add3A_2048, %mul3A_2057 : vector<16xf32>
      %add3A_2059 = arith.constant 0 : i32
      %add3A_2060 = arith.addi %mul3A_1425, %add3A_2059 : i32
      %get3A_2061 = arith.constant 31 : i32
      %get3A_2062 = arith.index_cast %get3A_2061 : i32 to index
      %get3A_2063 = arith.index_cast %add3A_2060 : i32 to index
      %get3A_2064 = tpu.vector_load %arg4[%get3A_2062, %get3A_2063] {strides = array<i32>} : memref<32x512xf32, #tpu.memory_space<vmem>>, vector<16xf32>,
      %sub3A_2065 = arith.subf %get3A_2064, %gather3A_1434 : vector<16xf32>
      %add3A_2066 = arith.addf %add3A_2056, %sub3A_2065 : vector<16xf32>
      %mul3A_2067 = arith.mulf %sub3A_2065, %sub3A_2065 : vector<16xf32>
      %add3A_2068 = arith.addf %add3A_2058, %mul3A_2067 : vector<16xf32>
      %add3A_2069 = arith.constant 16 : i32
      %add3A_2070 = arith.addi %mul3A_1425, %add3A_2069 : i32
      %get3A_2071 = arith.constant 31 : i32
      %get3A_2072 = arith.index_cast %get3A_2071 : i32 to index
      %get3A_2073 = arith.index_cast %add3A_2070 : i32 to index
      %get3A_2074 = tpu.vector_load %arg4[%get3A_2072, %get3A_2073] {strides = array<i32>} : memref<32x512xf32, #tpu.memory_space<vmem>>, vector<16xf32>,
      %sub3A_2075 = arith.subf %get3A_2074, %gather3A_1434 : vector<16xf32>
      %add3A_2076 = arith.addf %add3A_2066, %sub3A_2075 : vector<16xf32>
      %mul3A_2077 = arith.mulf %sub3A_2075, %sub3A_2075 : vector<16xf32>
      %add3A_2078 = arith.addf %add3A_2068, %mul3A_2077 : vector<16xf32>
      %xor3A = arith.constant 8 : i32
      %xor3A_2079 = vector.broadcast %xor3A : i32 to vector<16xi32>
      %xor3A_2080 = arith.xori %iota3A, %xor3A_2079 : vector<16xi32>
      %reshape3A_2081 = vector.shape_cast %xor3A_2080 : vector<16xi32> to vector<16x1xi32>
      %gather3A_2082 = vector.shape_cast %reshape3A_2081 : vector<16x1xi32> to vector<16xi32>
      %gather3A_2083 = tpu.dynamic_gather %add3A_2076[%gather3A_2082] in [0] : vector<16xf32>, vector<16xi32> -> vector<16xf32>
      %add3A_2084 = arith.addf %add3A_2076, %gather3A_2083 : vector<16xf32>
      %xor3A_2085 = arith.constant 4 : i32
      %xor3A_2086 = vector.broadcast %xor3A_2085 : i32 to vector<16xi32>
      %xor3A_2087 = arith.xori %iota3A, %xor3A_2086 : vector<16xi32>
      %reshape3A_2088 = vector.shape_cast %xor3A_2087 : vector<16xi32> to vector<16x1xi32>
      %gather3A_2089 = vector.shape_cast %reshape3A_2088 : vector<16x1xi32> to vector<16xi32>
      %gather3A_2090 = tpu.dynamic_gather %add3A_2084[%gather3A_2089] in [0] : vector<16xf32>, vector<16xi32> -> vector<16xf32>
      %add3A_2091 = arith.addf %add3A_2084, %gather3A_2090 : vector<16xf32>
      %xor3A_2092 = arith.constant 2 : i32
      %xor3A_2093 = vector.broadcast %xor3A_2092 : i32 to vector<16xi32>
      %xor3A_2094 = arith.xori %iota3A, %xor3A_2093 : vector<16xi32>
      %reshape3A_2095 = vector.shape_cast %xor3A_2094 : vector<16xi32> to vector<16x1xi32>
      %gather3A_2096 = vector.shape_cast %reshape3A_2095 : vector<16x1xi32> to vector<16xi32>
      %gather3A_2097 = tpu.dynamic_gather %add3A_2091[%gather3A_2096] in [0] : vector<16xf32>, vector<16xi32> -> vector<16xf32>
      %add3A_2098 = arith.addf %add3A_2091, %gather3A_2097 : vector<16xf32>
      %xor3A_2099 = arith.constant 1 : i32
      %xor3A_2100 = vector.broadcast %xor3A_2099 : i32 to vector<16xi32>
      %xor3A_2101 = arith.xori %iota3A, %xor3A_2100 : vector<16xi32>
      %reshape3A_2102 = vector.shape_cast %xor3A_2101 : vector<16xi32> to vector<16x1xi32>
      %gather3A_2103 = vector.shape_cast %reshape3A_2102 : vector<16x1xi32> to vector<16xi32>
      %gather3A_2104 = tpu.dynamic_gather %add3A_2098[%gather3A_2103] in [0] : vector<16xf32>, vector<16xi32> -> vector<16xf32>
      %add3A_2105 = arith.addf %add3A_2098, %gather3A_2104 : vector<16xf32>
      %xor3A_2106 = arith.constant 8 : i32
      %xor3A_2107 = vector.broadcast %xor3A_2106 : i32 to vector<16xi32>
      %xor3A_2108 = arith.xori %iota3A, %xor3A_2107 : vector<16xi32>
      %reshape3A_2109 = vector.shape_cast %xor3A_2108 : vector<16xi32> to vector<16x1xi32>
      %gather3A_2110 = vector.shape_cast %reshape3A_2109 : vector<16x1xi32> to vector<16xi32>
      %gather3A_2111 = tpu.dynamic_gather %add3A_2078[%gather3A_2110] in [0] : vector<16xf32>, vector<16xi32> -> vector<16xf32>
      %add3A_2112 = arith.addf %add3A_2078, %gather3A_2111 : vector<16xf32>
      %xor3A_2113 = arith.constant 4 : i32
      %xor3A_2114 = vector.broadcast %xor3A_2113 : i32 to vector<16xi32>
      %xor3A_2115 = arith.xori %iota3A, %xor3A_2114 : vector<16xi32>
      %reshape3A_2116 = vector.shape_cast %xor3A_2115 : vector<16xi32> to vector<16x1xi32>
      %gather3A_2117 = vector.shape_cast %reshape3A_2116 : vector<16x1xi32> to vector<16xi32>
      %gather3A_2118 = tpu.dynamic_gather %add3A_2112[%gather3A_2117] in [0] : vector<16xf32>, vector<16xi32> -> vector<16xf32>
      %add3A_2119 = arith.addf %add3A_2112, %gather3A_2118 : vector<16xf32>
      %xor3A_2120 = arith.constant 2 : i32
      %xor3A_2121 = vector.broadcast %xor3A_2120 : i32 to vector<16xi32>
      %xor3A_2122 = arith.xori %iota3A, %xor3A_2121 : vector<16xi32>
      %reshape3A_2123 = vector.shape_cast %xor3A_2122 : vector<16xi32> to vector<16x1xi32>
      %gather3A_2124 = vector.shape_cast %reshape3A_2123 : vector<16x1xi32> to vector<16xi32>
      %gather3A_2125 = tpu.dynamic_gather %add3A_2119[%gather3A_2124] in [0] : vector<16xf32>, vector<16xi32> -> vector<16xf32>
      %add3A_2126 = arith.addf %add3A_2119, %gather3A_2125 : vector<16xf32>
      %xor3A_2127 = arith.constant 1 : i32
      %xor3A_2128 = vector.broadcast %xor3A_2127 : i32 to vector<16xi32>
      %xor3A_2129 = arith.xori %iota3A, %xor3A_2128 : vector<16xi32>
      %reshape3A_2130 = vector.shape_cast %xor3A_2129 : vector<16xi32> to vector<16x1xi32>
      %gather3A_2131 = vector.shape_cast %reshape3A_2130 : vector<16x1xi32> to vector<16xi32>
      %gather3A_2132 = tpu.dynamic_gather %add3A_2126[%gather3A_2131] in [0] : vector<16xf32>, vector<16xi32> -> vector<16xf32>
      %add3A_2133 = arith.addf %add3A_2126, %gather3A_2132 : vector<16xf32>
      %sub3A_2134 = arith.subf %gather3A_1434, %gather3A_60 : vector<16xf32>
      %mul3A_2135 = arith.constant 1.024000e+03 : f32
      %mul3A_2136 = vector.broadcast %mul3A_2135 : f32 to vector<16xf32>
      %mul3A_2137 = arith.mulf %mul3A_2136, %sub3A_2134 : vector<16xf32>
      %add3A_2138 = arith.addf %add3A_2105, %mul3A_2137 : vector<16xf32>
      %mul3A_2139 = arith.mulf %add3A_2105, %add3A_2105 : vector<16xf32>
      %mul3A_2140 = arith.constant 9.765625E-4 : f32
      %mul3A_2141 = vector.broadcast %mul3A_2140 : f32 to vector<16xf32>
      %mul3A_2142 = arith.mulf %mul3A_2139, %mul3A_2141 : vector<16xf32>
      %sub3A_2143 = arith.subf %add3A_2133, %mul3A_2142 : vector<16xf32>
      %eq3A_2144 = vector.broadcast %scan3A_1421 : i32 to vector<16xi32>
      %eq3A_2145 = arith.cmpi eq, %iota3A, %eq3A_2144 : vector<16xi32>
      %select_n3A_2146 = arith.select %eq3A_2145, %add3A_2138, %scan3A_1422 : vector<16xi1>, vector<16xf32>
      %select_n3A_2147 = arith.select %eq3A_2145, %sub3A_2143, %scan3A_1423 : vector<16xi1>, vector<16xf32>
      scf.yield %select_n3A_2146, %select_n3A_2147 : vector<16xf32>, vector<16xf32>
    }
    %scan3A_75 = arith.constant 16 : i32
    %swap3A = arith.constant 0 : i32
    %swap3A_76 = arith.index_cast %swap3A : i32 to index
    %swap3A_77 = arith.constant 0 : index
    %swap3A_78 = tpu.vector_load %arg6[%swap3A_76, %swap3A_77] {strides = array<i32>} : memref<4x128xf32, #tpu.memory_space<vmem>>, vector<16xf32>,
    tpu.vector_store %arg6[%swap3A_76, %swap3A_77], %scan3A_74#0 {strides = array<i32>} : memref<4x128xf32, #tpu.memory_space<vmem>>, vector<16xf32>,
    %swap3A_79 = arith.constant 1 : i32
    %swap3A_80 = arith.index_cast %swap3A_79 : i32 to index
    %swap3A_81 = arith.constant 0 : index
    %swap3A_82 = tpu.vector_load %arg6[%swap3A_80, %swap3A_81] {strides = array<i32>} : memref<4x128xf32, #tpu.memory_space<vmem>>, vector<16xf32>,
    tpu.vector_store %arg6[%swap3A_80, %swap3A_81], %scan3A_74#1 {strides = array<i32>} : memref<4x128xf32, #tpu.memory_space<vmem>>, vector<16xf32>,
    %mul3A_83 = arith.constant 2 : i32
    %mul3A_84 = arith.muli %mul3A_83, %select_n3A_30 : i32
    %add3A_85 = arith.constant 0 : i32
    %add3A_86 = arith.addi %mul3A_84, %add3A_85 : i32
    %run_scoped3A_87 = arith.constant 0 : i32
    %run_scoped3A_88 = arith.constant 0 : i32
    "tpu.region"() ({
      %run_scoped3A_1421 = tpu.sem_alloc : memref<!tpu.dma_semaphore, #tpu.memory_space<semaphore_mem>>
      %dma_start3A_1422 = arith.constant 0 : i32
      %dma_start3A_1423 = tpu.memref_slice %arg6[%run_scoped3A_87, %dma_start3A_1422] : memref<4x128xf32, #tpu.memory_space<vmem>> -> memref<1x128xf32, #tpu.memory_space<vmem>>
      %dma_start3A_1424 = tpu.memref_squeeze %dma_start3A_1423 : memref<1x128xf32, #tpu.memory_space<vmem>> -> memref<128xf32, #tpu.memory_space<vmem>>
      %dma_start3A_1425 = arith.constant 0 : i32
      %dma_start3A_1426 = tpu.memref_slice %arg7[%add3A, %run_scoped3A_88, %add3A_86, %dma_start3A_1425] : memref<4x2x16x128xf32, #tpu.memory_space<vmem_shared>> -> memref<1x1x1x128xf32, #tpu.memory_space<vmem_shared>>
      %dma_start3A_1427 = tpu.memref_squeeze %dma_start3A_1426 : memref<1x1x1x128xf32, #tpu.memory_space<vmem_shared>> -> memref<128xf32, #tpu.memory_space<vmem_shared>>
      %dma_start3A_1428 = arith.constant 0 : i32
      %dma_start3A_1429 = tpu.memref_slice %arg7[%add3A, %run_scoped3A_88, %add3A_86, %dma_start3A_1428] : memref<4x2x16x128xf32, #tpu.memory_space<vmem_shared>> -> memref<1x1x1x128xf32, #tpu.memory_space<vmem_shared>>
      %dma_start3A_1430 = tpu.memref_squeeze %dma_start3A_1429 : memref<1x1x1x128xf32, #tpu.memory_space<vmem_shared>> -> memref<128xf32, #tpu.memory_space<vmem_shared>>
      %dma_start3A_1431 = arith.constant 0 : i32
      %dma_start3A_1432 = tpu.memref_slice %arg6[%run_scoped3A_87, %dma_start3A_1431] : memref<4x128xf32, #tpu.memory_space<vmem>> -> memref<1x128xf32, #tpu.memory_space<vmem>>
      %dma_start3A_1433 = tpu.memref_squeeze %dma_start3A_1432 : memref<1x128xf32, #tpu.memory_space<vmem>> -> memref<128xf32, #tpu.memory_space<vmem>>
      tpu.enqueue_dma source(%dma_start3A_1433 : memref<128xf32, #tpu.memory_space<vmem>>) target(%dma_start3A_1430 : memref<128xf32, #tpu.memory_space<vmem_shared>>) target_semaphore(%run_scoped3A_1421 : memref<!tpu.dma_semaphore, #tpu.memory_space<semaphore_mem>>)
      %dma_wait3A_1434 = arith.constant 0 : i32
      %dma_wait3A_1435 = tpu.memref_slice %arg6[%run_scoped3A_87, %dma_wait3A_1434] : memref<4x128xf32, #tpu.memory_space<vmem>> -> memref<1x128xf32, #tpu.memory_space<vmem>>
      %dma_wait3A_1436 = tpu.memref_squeeze %dma_wait3A_1435 : memref<1x128xf32, #tpu.memory_space<vmem>> -> memref<128xf32, #tpu.memory_space<vmem>>
      %dma_wait3A_1437 = arith.constant 0 : i32
      %dma_wait3A_1438 = tpu.memref_slice %arg7[%add3A, %run_scoped3A_88, %add3A_86, %dma_wait3A_1437] : memref<4x2x16x128xf32, #tpu.memory_space<vmem_shared>> -> memref<1x1x1x128xf32, #tpu.memory_space<vmem_shared>>
      %dma_wait3A_1439 = tpu.memref_squeeze %dma_wait3A_1438 : memref<1x1x1x128xf32, #tpu.memory_space<vmem_shared>> -> memref<128xf32, #tpu.memory_space<vmem_shared>>
      %dma_wait3A_1440 = arith.constant 0 : i32
      %dma_wait3A_1441 = tpu.memref_slice %arg7[%add3A, %run_scoped3A_88, %add3A_86, %dma_wait3A_1440] : memref<4x2x16x128xf32, #tpu.memory_space<vmem_shared>> -> memref<1x1x1x128xf32, #tpu.memory_space<vmem_shared>>
      %dma_wait3A_1442 = tpu.memref_squeeze %dma_wait3A_1441 : memref<1x1x1x128xf32, #tpu.memory_space<vmem_shared>> -> memref<128xf32, #tpu.memory_space<vmem_shared>>
      %dma_wait3A_1443 = arith.constant 0 : i32
      %dma_wait3A_1444 = tpu.memref_slice %arg6[%run_scoped3A_87, %dma_wait3A_1443] : memref<4x128xf32, #tpu.memory_space<vmem>> -> memref<1x128xf32, #tpu.memory_space<vmem>>
      %dma_wait3A_1445 = tpu.memref_squeeze %dma_wait3A_1444 : memref<1x128xf32, #tpu.memory_space<vmem>> -> memref<128xf32, #tpu.memory_space<vmem>>
      tpu.wait_dma2 semaphore(%run_scoped3A_1421 : memref<!tpu.dma_semaphore, #tpu.memory_space<semaphore_mem>>) src(%dma_wait3A_1445 : memref<128xf32, #tpu.memory_space<vmem>>) dst(%dma_wait3A_1442 : memref<128xf32, #tpu.memory_space<vmem_shared>>)
      tpu.yield
    }) : () -> ()
    %run_scoped3A_89 = arith.constant 1 : i32
    %run_scoped3A_90 = arith.constant 1 : i32
    "tpu.region"() ({
      %run_scoped3A_1421 = tpu.sem_alloc : memref<!tpu.dma_semaphore, #tpu.memory_space<semaphore_mem>>
      %dma_start3A_1422 = arith.constant 0 : i32
      %dma_start3A_1423 = tpu.memref_slice %arg6[%run_scoped3A_89, %dma_start3A_1422] : memref<4x128xf32, #tpu.memory_space<vmem>> -> memref<1x128xf32, #tpu.memory_space<vmem>>
      %dma_start3A_1424 = tpu.memref_squeeze %dma_start3A_1423 : memref<1x128xf32, #tpu.memory_space<vmem>> -> memref<128xf32, #tpu.memory_space<vmem>>
      %dma_start3A_1425 = arith.constant 0 : i32
      %dma_start3A_1426 = tpu.memref_slice %arg7[%add3A, %run_scoped3A_90, %add3A_86, %dma_start3A_1425] : memref<4x2x16x128xf32, #tpu.memory_space<vmem_shared>> -> memref<1x1x1x128xf32, #tpu.memory_space<vmem_shared>>
      %dma_start3A_1427 = tpu.memref_squeeze %dma_start3A_1426 : memref<1x1x1x128xf32, #tpu.memory_space<vmem_shared>> -> memref<128xf32, #tpu.memory_space<vmem_shared>>
      %dma_start3A_1428 = arith.constant 0 : i32
      %dma_start3A_1429 = tpu.memref_slice %arg7[%add3A, %run_scoped3A_90, %add3A_86, %dma_start3A_1428] : memref<4x2x16x128xf32, #tpu.memory_space<vmem_shared>> -> memref<1x1x1x128xf32, #tpu.memory_space<vmem_shared>>
      %dma_start3A_1430 = tpu.memref_squeeze %dma_start3A_1429 : memref<1x1x1x128xf32, #tpu.memory_space<vmem_shared>> -> memref<128xf32, #tpu.memory_space<vmem_shared>>
      %dma_start3A_1431 = arith.constant 0 : i32
      %dma_start3A_1432 = tpu.memref_slice %arg6[%run_scoped3A_89, %dma_start3A_1431] : memref<4x128xf32, #tpu.memory_space<vmem>> -> memref<1x128xf32, #tpu.memory_space<vmem>>
      %dma_start3A_1433 = tpu.memref_squeeze %dma_start3A_1432 : memref<1x128xf32, #tpu.memory_space<vmem>> -> memref<128xf32, #tpu.memory_space<vmem>>
      tpu.enqueue_dma source(%dma_start3A_1433 : memref<128xf32, #tpu.memory_space<vmem>>) target(%dma_start3A_1430 : memref<128xf32, #tpu.memory_space<vmem_shared>>) target_semaphore(%run_scoped3A_1421 : memref<!tpu.dma_semaphore, #tpu.memory_space<semaphore_mem>>)
      %dma_wait3A_1434 = arith.constant 0 : i32
      %dma_wait3A_1435 = tpu.memref_slice %arg6[%run_scoped3A_89, %dma_wait3A_1434] : memref<4x128xf32, #tpu.memory_space<vmem>> -> memref<1x128xf32, #tpu.memory_space<vmem>>
      %dma_wait3A_1436 = tpu.memref_squeeze %dma_wait3A_1435 : memref<1x128xf32, #tpu.memory_space<vmem>> -> memref<128xf32, #tpu.memory_space<vmem>>
      %dma_wait3A_1437 = arith.constant 0 : i32
      %dma_wait3A_1438 = tpu.memref_slice %arg7[%add3A, %run_scoped3A_90, %add3A_86, %dma_wait3A_1437] : memref<4x2x16x128xf32, #tpu.memory_space<vmem_shared>> -> memref<1x1x1x128xf32, #tpu.memory_space<vmem_shared>>
      %dma_wait3A_1439 = tpu.memref_squeeze %dma_wait3A_1438 : memref<1x1x1x128xf32, #tpu.memory_space<vmem_shared>> -> memref<128xf32, #tpu.memory_space<vmem_shared>>
      %dma_wait3A_1440 = arith.constant 0 : i32
      %dma_wait3A_1441 = tpu.memref_slice %arg7[%add3A, %run_scoped3A_90, %add3A_86, %dma_wait3A_1440] : memref<4x2x16x128xf32, #tpu.memory_space<vmem_shared>> -> memref<1x1x1x128xf32, #tpu.memory_space<vmem_shared>>
      %dma_wait3A_1442 = tpu.memref_squeeze %dma_wait3A_1441 : memref<1x1x1x128xf32, #tpu.memory_space<vmem_shared>> -> memref<128xf32, #tpu.memory_space<vmem_shared>>
      %dma_wait3A_1443 = arith.constant 0 : i32
      %dma_wait3A_1444 = tpu.memref_slice %arg6[%run_scoped3A_89, %dma_wait3A_1443] : memref<4x128xf32, #tpu.memory_space<vmem>> -> memref<1x128xf32, #tpu.memory_space<vmem>>
      %dma_wait3A_1445 = tpu.memref_squeeze %dma_wait3A_1444 : memref<1x128xf32, #tpu.memory_space<vmem>> -> memref<128xf32, #tpu.memory_space<vmem>>
      tpu.wait_dma2 semaphore(%run_scoped3A_1421 : memref<!tpu.dma_semaphore, #tpu.memory_space<semaphore_mem>>) src(%dma_wait3A_1445 : memref<128xf32, #tpu.memory_space<vmem>>) dst(%dma_wait3A_1442 : memref<128xf32, #tpu.memory_space<vmem_shared>>)
      tpu.yield
    }) : () -> ()
    %dma_wait3A_91 = arith.constant 0 : i32
    %dma_wait3A_92 = arith.constant 0 : i32
    %dma_wait3A_93 = tpu.memref_slice %arg2[%add3A, %dma_wait3A_91, %mul3A_48, %dma_wait3A_92] : memref<4x1x512x512xf32, #tpu.memory_space<hbm>> -> memref<1x1x32x512xf32, #tpu.memory_space<hbm>>
    %dma_wait3A_94 = tpu.memref_squeeze %dma_wait3A_93 : memref<1x1x32x512xf32, #tpu.memory_space<hbm>> -> memref<32x512xf32, #tpu.memory_space<hbm>>
    %dma_wait3A_95 = arith.constant 0 : i32
    %dma_wait3A_96 = tpu.memref_slice %arg2[%add3A, %dma_wait3A_91, %mul3A_48, %dma_wait3A_95] : memref<4x1x512x512xf32, #tpu.memory_space<hbm>> -> memref<1x1x32x512xf32, #tpu.memory_space<hbm>>
    %dma_wait3A_97 = tpu.memref_squeeze %dma_wait3A_96 : memref<1x1x32x512xf32, #tpu.memory_space<hbm>> -> memref<32x512xf32, #tpu.memory_space<hbm>>
    tpu.wait_dma2 semaphore(%arg14 : memref<!tpu.dma_semaphore, #tpu.memory_space<semaphore_mem>>) src(%dma_wait3A_97 : memref<32x512xf32, #tpu.memory_space<hbm>>) dst(%arg5 : memref<32x512xf32, #tpu.memory_space<vmem>>)
    %broadcast_in_dim3A_98 = arith.constant 0.000000e+00 : f32
    %broadcast_in_dim3A_99 = vector.broadcast %broadcast_in_dim3A_98 : f32 to vector<16xf32>
    %broadcast_in_dim3A_100 = arith.constant 0.000000e+00 : f32
    %broadcast_in_dim3A_101 = vector.broadcast %broadcast_in_dim3A_100 : f32 to vector<16xf32>
    %scan3A_102 = arith.constant 0 : i32
    %scan3A_103 = arith.constant 16 : i32
    %scan3A_104 = arith.addi %scan3A_102, %scan3A_103 : i32
    %scan3A_105 = arith.constant 1 : i32
    %scan3A_106:2 = scf.for %scan3A_1421 = %scan3A_102 to %scan3A_104 step %scan3A_105 iter_args(%scan3A_1422 = %broadcast_in_dim3A_99, %scan3A_1423 = %broadcast_in_dim3A_101) -> (vector<16xf32>, vector<16xf32>)  : i32 {
      %mul3A_1424 = arith.constant 32 : i32
      %mul3A_1425 = arith.muli %scan3A_1421, %mul3A_1424 : i32
      %get3A_1426 = arith.constant 0 : i32
      %get3A_1427 = arith.index_cast %get3A_1426 : i32 to index
      %get3A_1428 = arith.index_cast %mul3A_1425 : i32 to index
      %get3A_1429 = tpu.vector_load %arg5[%get3A_1427, %get3A_1428] {strides = array<i32>} : memref<32x512xf32, #tpu.memory_space<vmem>>, vector<16xf32>,
      %broadcast_in_dim3A_1430 = arith.constant 0 : i32
      %broadcast_in_dim3A_1431 = vector.broadcast %broadcast_in_dim3A_1430 : i32 to vector<16xi32>
      %reshape3A_1432 = vector.shape_cast %broadcast_in_dim3A_1431 : vector<16xi32> to vector<16x1xi32>
      %gather3A_1433 = vector.shape_cast %reshape3A_1432 : vector<16x1xi32> to vector<16xi32>
      %gather3A_1434 = tpu.dynamic_gather %get3A_1429[%gather3A_1433] in [0] : vector<16xf32>, vector<16xi32> -> vector<16xf32>
      %broadcast_in_dim3A_1435 = arith.constant 0.000000e+00 : f32
      %broadcast_in_dim3A_1436 = vector.broadcast %broadcast_in_dim3A_1435 : f32 to vector<16xf32>
      %broadcast_in_dim3A_1437 = arith.constant 0.000000e+00 : f32
      %broadcast_in_dim3A_1438 = vector.broadcast %broadcast_in_dim3A_1437 : f32 to vector<16xf32>
      %add3A_1439 = arith.constant 0 : i32
      %add3A_1440 = arith.addi %mul3A_1425, %add3A_1439 : i32
      %get3A_1441 = arith.constant 0 : i32
      %get3A_1442 = arith.index_cast %get3A_1441 : i32 to index
      %get3A_1443 = arith.index_cast %add3A_1440 : i32 to index
      %get3A_1444 = tpu.vector_load %arg5[%get3A_1442, %get3A_1443] {strides = array<i32>} : memref<32x512xf32, #tpu.memory_space<vmem>>, vector<16xf32>,
      %sub3A_1445 = arith.subf %get3A_1444, %gather3A_1434 : vector<16xf32>
      %add3A_1446 = arith.addf %broadcast_in_dim3A_1436, %sub3A_1445 : vector<16xf32>
      %mul3A_1447 = arith.mulf %sub3A_1445, %sub3A_1445 : vector<16xf32>
      %add3A_1448 = arith.addf %broadcast_in_dim3A_1438, %mul3A_1447 : vector<16xf32>
      %add3A_1449 = arith.constant 16 : i32
      %add3A_1450 = arith.addi %mul3A_1425, %add3A_1449 : i32
      %get3A_1451 = arith.constant 0 : i32
      %get3A_1452 = arith.index_cast %get3A_1451 : i32 to index
      %get3A_1453 = arith.index_cast %add3A_1450 : i32 to index
      %get3A_1454 = tpu.vector_load %arg5[%get3A_1452, %get3A_1453] {strides = array<i32>} : memref<32x512xf32, #tpu.memory_space<vmem>>, vector<16xf32>,
      %sub3A_1455 = arith.subf %get3A_1454, %gather3A_1434 : vector<16xf32>
      %add3A_1456 = arith.addf %add3A_1446, %sub3A_1455 : vector<16xf32>
      %mul3A_1457 = arith.mulf %sub3A_1455, %sub3A_1455 : vector<16xf32>
      %add3A_1458 = arith.addf %add3A_1448, %mul3A_1457 : vector<16xf32>
      %add3A_1459 = arith.constant 0 : i32
      %add3A_1460 = arith.addi %mul3A_1425, %add3A_1459 : i32
      %get3A_1461 = arith.constant 1 : i32
      %get3A_1462 = arith.index_cast %get3A_1461 : i32 to index
      %get3A_1463 = arith.index_cast %add3A_1460 : i32 to index
      %get3A_1464 = tpu.vector_load %arg5[%get3A_1462, %get3A_1463] {strides = array<i32>} : memref<32x512xf32, #tpu.memory_space<vmem>>, vector<16xf32>,
      %sub3A_1465 = arith.subf %get3A_1464, %gather3A_1434 : vector<16xf32>
      %add3A_1466 = arith.addf %add3A_1456, %sub3A_1465 : vector<16xf32>
      %mul3A_1467 = arith.mulf %sub3A_1465, %sub3A_1465 : vector<16xf32>
      %add3A_1468 = arith.addf %add3A_1458, %mul3A_1467 : vector<16xf32>
      %add3A_1469 = arith.constant 16 : i32
      %add3A_1470 = arith.addi %mul3A_1425, %add3A_1469 : i32
      %get3A_1471 = arith.constant 1 : i32
      %get3A_1472 = arith.index_cast %get3A_1471 : i32 to index
      %get3A_1473 = arith.index_cast %add3A_1470 : i32 to index
      %get3A_1474 = tpu.vector_load %arg5[%get3A_1472, %get3A_1473] {strides = array<i32>} : memref<32x512xf32, #tpu.memory_space<vmem>>, vector<16xf32>,
      %sub3A_1475 = arith.subf %get3A_1474, %gather3A_1434 : vector<16xf32>
      %add3A_1476 = arith.addf %add3A_1466, %sub3A_1475 : vector<16xf32>
      %mul3A_1477 = arith.mulf %sub3A_1475, %sub3A_1475 : vector<16xf32>
      %add3A_1478 = arith.addf %add3A_1468, %mul3A_1477 : vector<16xf32>
      %add3A_1479 = arith.constant 0 : i32
      %add3A_1480 = arith.addi %mul3A_1425, %add3A_1479 : i32
      %get3A_1481 = arith.constant 2 : i32
      %get3A_1482 = arith.index_cast %get3A_1481 : i32 to index
      %get3A_1483 = arith.index_cast %add3A_1480 : i32 to index
      %get3A_1484 = tpu.vector_load %arg5[%get3A_1482, %get3A_1483] {strides = array<i32>} : memref<32x512xf32, #tpu.memory_space<vmem>>, vector<16xf32>,
      %sub3A_1485 = arith.subf %get3A_1484, %gather3A_1434 : vector<16xf32>
      %add3A_1486 = arith.addf %add3A_1476, %sub3A_1485 : vector<16xf32>
      %mul3A_1487 = arith.mulf %sub3A_1485, %sub3A_1485 : vector<16xf32>
      %add3A_1488 = arith.addf %add3A_1478, %mul3A_1487 : vector<16xf32>
      %add3A_1489 = arith.constant 16 : i32
      %add3A_1490 = arith.addi %mul3A_1425, %add3A_1489 : i32
      %get3A_1491 = arith.constant 2 : i32
      %get3A_1492 = arith.index_cast %get3A_1491 : i32 to index
      %get3A_1493 = arith.index_cast %add3A_1490 : i32 to index
      %get3A_1494 = tpu.vector_load %arg5[%get3A_1492, %get3A_1493] {strides = array<i32>} : memref<32x512xf32, #tpu.memory_space<vmem>>, vector<16xf32>,
      %sub3A_1495 = arith.subf %get3A_1494, %gather3A_1434 : vector<16xf32>
      %add3A_1496 = arith.addf %add3A_1486, %sub3A_1495 : vector<16xf32>
      %mul3A_1497 = arith.mulf %sub3A_1495, %sub3A_1495 : vector<16xf32>
      %add3A_1498 = arith.addf %add3A_1488, %mul3A_1497 : vector<16xf32>
      %add3A_1499 = arith.constant 0 : i32
      %add3A_1500 = arith.addi %mul3A_1425, %add3A_1499 : i32
      %get3A_1501 = arith.constant 3 : i32
      %get3A_1502 = arith.index_cast %get3A_1501 : i32 to index
      %get3A_1503 = arith.index_cast %add3A_1500 : i32 to index
      %get3A_1504 = tpu.vector_load %arg5[%get3A_1502, %get3A_1503] {strides = array<i32>} : memref<32x512xf32, #tpu.memory_space<vmem>>, vector<16xf32>,
      %sub3A_1505 = arith.subf %get3A_1504, %gather3A_1434 : vector<16xf32>
      %add3A_1506 = arith.addf %add3A_1496, %sub3A_1505 : vector<16xf32>
      %mul3A_1507 = arith.mulf %sub3A_1505, %sub3A_1505 : vector<16xf32>
      %add3A_1508 = arith.addf %add3A_1498, %mul3A_1507 : vector<16xf32>
      %add3A_1509 = arith.constant 16 : i32
      %add3A_1510 = arith.addi %mul3A_1425, %add3A_1509 : i32
      %get3A_1511 = arith.constant 3 : i32
      %get3A_1512 = arith.index_cast %get3A_1511 : i32 to index
      %get3A_1513 = arith.index_cast %add3A_1510 : i32 to index
      %get3A_1514 = tpu.vector_load %arg5[%get3A_1512, %get3A_1513] {strides = array<i32>} : memref<32x512xf32, #tpu.memory_space<vmem>>, vector<16xf32>,
      %sub3A_1515 = arith.subf %get3A_1514, %gather3A_1434 : vector<16xf32>
      %add3A_1516 = arith.addf %add3A_1506, %sub3A_1515 : vector<16xf32>
      %mul3A_1517 = arith.mulf %sub3A_1515, %sub3A_1515 : vector<16xf32>
      %add3A_1518 = arith.addf %add3A_1508, %mul3A_1517 : vector<16xf32>
      %add3A_1519 = arith.constant 0 : i32
      %add3A_1520 = arith.addi %mul3A_1425, %add3A_1519 : i32
      %get3A_1521 = arith.constant 4 : i32
      %get3A_1522 = arith.index_cast %get3A_1521 : i32 to index
      %get3A_1523 = arith.index_cast %add3A_1520 : i32 to index
      %get3A_1524 = tpu.vector_load %arg5[%get3A_1522, %get3A_1523] {strides = array<i32>} : memref<32x512xf32, #tpu.memory_space<vmem>>, vector<16xf32>,
      %sub3A_1525 = arith.subf %get3A_1524, %gather3A_1434 : vector<16xf32>
      %add3A_1526 = arith.addf %add3A_1516, %sub3A_1525 : vector<16xf32>
      %mul3A_1527 = arith.mulf %sub3A_1525, %sub3A_1525 : vector<16xf32>
      %add3A_1528 = arith.addf %add3A_1518, %mul3A_1527 : vector<16xf32>
      %add3A_1529 = arith.constant 16 : i32
      %add3A_1530 = arith.addi %mul3A_1425, %add3A_1529 : i32
      %get3A_1531 = arith.constant 4 : i32
      %get3A_1532 = arith.index_cast %get3A_1531 : i32 to index
      %get3A_1533 = arith.index_cast %add3A_1530 : i32 to index
      %get3A_1534 = tpu.vector_load %arg5[%get3A_1532, %get3A_1533] {strides = array<i32>} : memref<32x512xf32, #tpu.memory_space<vmem>>, vector<16xf32>,
      %sub3A_1535 = arith.subf %get3A_1534, %gather3A_1434 : vector<16xf32>
      %add3A_1536 = arith.addf %add3A_1526, %sub3A_1535 : vector<16xf32>
      %mul3A_1537 = arith.mulf %sub3A_1535, %sub3A_1535 : vector<16xf32>
      %add3A_1538 = arith.addf %add3A_1528, %mul3A_1537 : vector<16xf32>
      %add3A_1539 = arith.constant 0 : i32
      %add3A_1540 = arith.addi %mul3A_1425, %add3A_1539 : i32
      %get3A_1541 = arith.constant 5 : i32
      %get3A_1542 = arith.index_cast %get3A_1541 : i32 to index
      %get3A_1543 = arith.index_cast %add3A_1540 : i32 to index
      %get3A_1544 = tpu.vector_load %arg5[%get3A_1542, %get3A_1543] {strides = array<i32>} : memref<32x512xf32, #tpu.memory_space<vmem>>, vector<16xf32>,
      %sub3A_1545 = arith.subf %get3A_1544, %gather3A_1434 : vector<16xf32>
      %add3A_1546 = arith.addf %add3A_1536, %sub3A_1545 : vector<16xf32>
      %mul3A_1547 = arith.mulf %sub3A_1545, %sub3A_1545 : vector<16xf32>
      %add3A_1548 = arith.addf %add3A_1538, %mul3A_1547 : vector<16xf32>
      %add3A_1549 = arith.constant 16 : i32
      %add3A_1550 = arith.addi %mul3A_1425, %add3A_1549 : i32
      %get3A_1551 = arith.constant 5 : i32
      %get3A_1552 = arith.index_cast %get3A_1551 : i32 to index
      %get3A_1553 = arith.index_cast %add3A_1550 : i32 to index
      %get3A_1554 = tpu.vector_load %arg5[%get3A_1552, %get3A_1553] {strides = array<i32>} : memref<32x512xf32, #tpu.memory_space<vmem>>, vector<16xf32>,
      %sub3A_1555 = arith.subf %get3A_1554, %gather3A_1434 : vector<16xf32>
      %add3A_1556 = arith.addf %add3A_1546, %sub3A_1555 : vector<16xf32>
      %mul3A_1557 = arith.mulf %sub3A_1555, %sub3A_1555 : vector<16xf32>
      %add3A_1558 = arith.addf %add3A_1548, %mul3A_1557 : vector<16xf32>
      %add3A_1559 = arith.constant 0 : i32
      %add3A_1560 = arith.addi %mul3A_1425, %add3A_1559 : i32
      %get3A_1561 = arith.constant 6 : i32
      %get3A_1562 = arith.index_cast %get3A_1561 : i32 to index
      %get3A_1563 = arith.index_cast %add3A_1560 : i32 to index
      %get3A_1564 = tpu.vector_load %arg5[%get3A_1562, %get3A_1563] {strides = array<i32>} : memref<32x512xf32, #tpu.memory_space<vmem>>, vector<16xf32>,
      %sub3A_1565 = arith.subf %get3A_1564, %gather3A_1434 : vector<16xf32>
      %add3A_1566 = arith.addf %add3A_1556, %sub3A_1565 : vector<16xf32>
      %mul3A_1567 = arith.mulf %sub3A_1565, %sub3A_1565 : vector<16xf32>
      %add3A_1568 = arith.addf %add3A_1558, %mul3A_1567 : vector<16xf32>
      %add3A_1569 = arith.constant 16 : i32
      %add3A_1570 = arith.addi %mul3A_1425, %add3A_1569 : i32
      %get3A_1571 = arith.constant 6 : i32
      %get3A_1572 = arith.index_cast %get3A_1571 : i32 to index
      %get3A_1573 = arith.index_cast %add3A_1570 : i32 to index
      %get3A_1574 = tpu.vector_load %arg5[%get3A_1572, %get3A_1573] {strides = array<i32>} : memref<32x512xf32, #tpu.memory_space<vmem>>, vector<16xf32>,
      %sub3A_1575 = arith.subf %get3A_1574, %gather3A_1434 : vector<16xf32>
      %add3A_1576 = arith.addf %add3A_1566, %sub3A_1575 : vector<16xf32>
      %mul3A_1577 = arith.mulf %sub3A_1575, %sub3A_1575 : vector<16xf32>
      %add3A_1578 = arith.addf %add3A_1568, %mul3A_1577 : vector<16xf32>
      %add3A_1579 = arith.constant 0 : i32
      %add3A_1580 = arith.addi %mul3A_1425, %add3A_1579 : i32
      %get3A_1581 = arith.constant 7 : i32
      %get3A_1582 = arith.index_cast %get3A_1581 : i32 to index
      %get3A_1583 = arith.index_cast %add3A_1580 : i32 to index
      %get3A_1584 = tpu.vector_load %arg5[%get3A_1582, %get3A_1583] {strides = array<i32>} : memref<32x512xf32, #tpu.memory_space<vmem>>, vector<16xf32>,
      %sub3A_1585 = arith.subf %get3A_1584, %gather3A_1434 : vector<16xf32>
      %add3A_1586 = arith.addf %add3A_1576, %sub3A_1585 : vector<16xf32>
      %mul3A_1587 = arith.mulf %sub3A_1585, %sub3A_1585 : vector<16xf32>
      %add3A_1588 = arith.addf %add3A_1578, %mul3A_1587 : vector<16xf32>
      %add3A_1589 = arith.constant 16 : i32
      %add3A_1590 = arith.addi %mul3A_1425, %add3A_1589 : i32
      %get3A_1591 = arith.constant 7 : i32
      %get3A_1592 = arith.index_cast %get3A_1591 : i32 to index
      %get3A_1593 = arith.index_cast %add3A_1590 : i32 to index
      %get3A_1594 = tpu.vector_load %arg5[%get3A_1592, %get3A_1593] {strides = array<i32>} : memref<32x512xf32, #tpu.memory_space<vmem>>, vector<16xf32>,
      %sub3A_1595 = arith.subf %get3A_1594, %gather3A_1434 : vector<16xf32>
      %add3A_1596 = arith.addf %add3A_1586, %sub3A_1595 : vector<16xf32>
      %mul3A_1597 = arith.mulf %sub3A_1595, %sub3A_1595 : vector<16xf32>
      %add3A_1598 = arith.addf %add3A_1588, %mul3A_1597 : vector<16xf32>
      %add3A_1599 = arith.constant 0 : i32
      %add3A_1600 = arith.addi %mul3A_1425, %add3A_1599 : i32
      %get3A_1601 = arith.constant 8 : i32
      %get3A_1602 = arith.index_cast %get3A_1601 : i32 to index
      %get3A_1603 = arith.index_cast %add3A_1600 : i32 to index
      %get3A_1604 = tpu.vector_load %arg5[%get3A_1602, %get3A_1603] {strides = array<i32>} : memref<32x512xf32, #tpu.memory_space<vmem>>, vector<16xf32>,
      %sub3A_1605 = arith.subf %get3A_1604, %gather3A_1434 : vector<16xf32>
      %add3A_1606 = arith.addf %add3A_1596, %sub3A_1605 : vector<16xf32>
      %mul3A_1607 = arith.mulf %sub3A_1605, %sub3A_1605 : vector<16xf32>
      %add3A_1608 = arith.addf %add3A_1598, %mul3A_1607 : vector<16xf32>
      %add3A_1609 = arith.constant 16 : i32
      %add3A_1610 = arith.addi %mul3A_1425, %add3A_1609 : i32
      %get3A_1611 = arith.constant 8 : i32
      %get3A_1612 = arith.index_cast %get3A_1611 : i32 to index
      %get3A_1613 = arith.index_cast %add3A_1610 : i32 to index
      %get3A_1614 = tpu.vector_load %arg5[%get3A_1612, %get3A_1613] {strides = array<i32>} : memref<32x512xf32, #tpu.memory_space<vmem>>, vector<16xf32>,
      %sub3A_1615 = arith.subf %get3A_1614, %gather3A_1434 : vector<16xf32>
      %add3A_1616 = arith.addf %add3A_1606, %sub3A_1615 : vector<16xf32>
      %mul3A_1617 = arith.mulf %sub3A_1615, %sub3A_1615 : vector<16xf32>
      %add3A_1618 = arith.addf %add3A_1608, %mul3A_1617 : vector<16xf32>
      %add3A_1619 = arith.constant 0 : i32
      %add3A_1620 = arith.addi %mul3A_1425, %add3A_1619 : i32
      %get3A_1621 = arith.constant 9 : i32
      %get3A_1622 = arith.index_cast %get3A_1621 : i32 to index
      %get3A_1623 = arith.index_cast %add3A_1620 : i32 to index
      %get3A_1624 = tpu.vector_load %arg5[%get3A_1622, %get3A_1623] {strides = array<i32>} : memref<32x512xf32, #tpu.memory_space<vmem>>, vector<16xf32>,
      %sub3A_1625 = arith.subf %get3A_1624, %gather3A_1434 : vector<16xf32>
      %add3A_1626 = arith.addf %add3A_1616, %sub3A_1625 : vector<16xf32>
      %mul3A_1627 = arith.mulf %sub3A_1625, %sub3A_1625 : vector<16xf32>
      %add3A_1628 = arith.addf %add3A_1618, %mul3A_1627 : vector<16xf32>
      %add3A_1629 = arith.constant 16 : i32
      %add3A_1630 = arith.addi %mul3A_1425, %add3A_1629 : i32
      %get3A_1631 = arith.constant 9 : i32
      %get3A_1632 = arith.index_cast %get3A_1631 : i32 to index
      %get3A_1633 = arith.index_cast %add3A_1630 : i32 to index
      %get3A_1634 = tpu.vector_load %arg5[%get3A_1632, %get3A_1633] {strides = array<i32>} : memref<32x512xf32, #tpu.memory_space<vmem>>, vector<16xf32>,
      %sub3A_1635 = arith.subf %get3A_1634, %gather3A_1434 : vector<16xf32>
      %add3A_1636 = arith.addf %add3A_1626, %sub3A_1635 : vector<16xf32>
      %mul3A_1637 = arith.mulf %sub3A_1635, %sub3A_1635 : vector<16xf32>
      %add3A_1638 = arith.addf %add3A_1628, %mul3A_1637 : vector<16xf32>
      %add3A_1639 = arith.constant 0 : i32
      %add3A_1640 = arith.addi %mul3A_1425, %add3A_1639 : i32
      %get3A_1641 = arith.constant 10 : i32
      %get3A_1642 = arith.index_cast %get3A_1641 : i32 to index
      %get3A_1643 = arith.index_cast %add3A_1640 : i32 to index
      %get3A_1644 = tpu.vector_load %arg5[%get3A_1642, %get3A_1643] {strides = array<i32>} : memref<32x512xf32, #tpu.memory_space<vmem>>, vector<16xf32>,
      %sub3A_1645 = arith.subf %get3A_1644, %gather3A_1434 : vector<16xf32>
      %add3A_1646 = arith.addf %add3A_1636, %sub3A_1645 : vector<16xf32>
      %mul3A_1647 = arith.mulf %sub3A_1645, %sub3A_1645 : vector<16xf32>
      %add3A_1648 = arith.addf %add3A_1638, %mul3A_1647 : vector<16xf32>
      %add3A_1649 = arith.constant 16 : i32
      %add3A_1650 = arith.addi %mul3A_1425, %add3A_1649 : i32
      %get3A_1651 = arith.constant 10 : i32
      %get3A_1652 = arith.index_cast %get3A_1651 : i32 to index
      %get3A_1653 = arith.index_cast %add3A_1650 : i32 to index
      %get3A_1654 = tpu.vector_load %arg5[%get3A_1652, %get3A_1653] {strides = array<i32>} : memref<32x512xf32, #tpu.memory_space<vmem>>, vector<16xf32>,
      %sub3A_1655 = arith.subf %get3A_1654, %gather3A_1434 : vector<16xf32>
      %add3A_1656 = arith.addf %add3A_1646, %sub3A_1655 : vector<16xf32>
      %mul3A_1657 = arith.mulf %sub3A_1655, %sub3A_1655 : vector<16xf32>
      %add3A_1658 = arith.addf %add3A_1648, %mul3A_1657 : vector<16xf32>
      %add3A_1659 = arith.constant 0 : i32
      %add3A_1660 = arith.addi %mul3A_1425, %add3A_1659 : i32
      %get3A_1661 = arith.constant 11 : i32
      %get3A_1662 = arith.index_cast %get3A_1661 : i32 to index
      %get3A_1663 = arith.index_cast %add3A_1660 : i32 to index
      %get3A_1664 = tpu.vector_load %arg5[%get3A_1662, %get3A_1663] {strides = array<i32>} : memref<32x512xf32, #tpu.memory_space<vmem>>, vector<16xf32>,
      %sub3A_1665 = arith.subf %get3A_1664, %gather3A_1434 : vector<16xf32>
      %add3A_1666 = arith.addf %add3A_1656, %sub3A_1665 : vector<16xf32>
      %mul3A_1667 = arith.mulf %sub3A_1665, %sub3A_1665 : vector<16xf32>
      %add3A_1668 = arith.addf %add3A_1658, %mul3A_1667 : vector<16xf32>
      %add3A_1669 = arith.constant 16 : i32
      %add3A_1670 = arith.addi %mul3A_1425, %add3A_1669 : i32
      %get3A_1671 = arith.constant 11 : i32
      %get3A_1672 = arith.index_cast %get3A_1671 : i32 to index
      %get3A_1673 = arith.index_cast %add3A_1670 : i32 to index
      %get3A_1674 = tpu.vector_load %arg5[%get3A_1672, %get3A_1673] {strides = array<i32>} : memref<32x512xf32, #tpu.memory_space<vmem>>, vector<16xf32>,
      %sub3A_1675 = arith.subf %get3A_1674, %gather3A_1434 : vector<16xf32>
      %add3A_1676 = arith.addf %add3A_1666, %sub3A_1675 : vector<16xf32>
      %mul3A_1677 = arith.mulf %sub3A_1675, %sub3A_1675 : vector<16xf32>
      %add3A_1678 = arith.addf %add3A_1668, %mul3A_1677 : vector<16xf32>
      %add3A_1679 = arith.constant 0 : i32
      %add3A_1680 = arith.addi %mul3A_1425, %add3A_1679 : i32
      %get3A_1681 = arith.constant 12 : i32
      %get3A_1682 = arith.index_cast %get3A_1681 : i32 to index
      %get3A_1683 = arith.index_cast %add3A_1680 : i32 to index
      %get3A_1684 = tpu.vector_load %arg5[%get3A_1682, %get3A_1683] {strides = array<i32>} : memref<32x512xf32, #tpu.memory_space<vmem>>, vector<16xf32>,
      %sub3A_1685 = arith.subf %get3A_1684, %gather3A_1434 : vector<16xf32>
      %add3A_1686 = arith.addf %add3A_1676, %sub3A_1685 : vector<16xf32>
      %mul3A_1687 = arith.mulf %sub3A_1685, %sub3A_1685 : vector<16xf32>
      %add3A_1688 = arith.addf %add3A_1678, %mul3A_1687 : vector<16xf32>
      %add3A_1689 = arith.constant 16 : i32
      %add3A_1690 = arith.addi %mul3A_1425, %add3A_1689 : i32
      %get3A_1691 = arith.constant 12 : i32
      %get3A_1692 = arith.index_cast %get3A_1691 : i32 to index
      %get3A_1693 = arith.index_cast %add3A_1690 : i32 to index
      %get3A_1694 = tpu.vector_load %arg5[%get3A_1692, %get3A_1693] {strides = array<i32>} : memref<32x512xf32, #tpu.memory_space<vmem>>, vector<16xf32>,
      %sub3A_1695 = arith.subf %get3A_1694, %gather3A_1434 : vector<16xf32>
      %add3A_1696 = arith.addf %add3A_1686, %sub3A_1695 : vector<16xf32>
      %mul3A_1697 = arith.mulf %sub3A_1695, %sub3A_1695 : vector<16xf32>
      %add3A_1698 = arith.addf %add3A_1688, %mul3A_1697 : vector<16xf32>
      %add3A_1699 = arith.constant 0 : i32
      %add3A_1700 = arith.addi %mul3A_1425, %add3A_1699 : i32
      %get3A_1701 = arith.constant 13 : i32
      %get3A_1702 = arith.index_cast %get3A_1701 : i32 to index
      %get3A_1703 = arith.index_cast %add3A_1700 : i32 to index
      %get3A_1704 = tpu.vector_load %arg5[%get3A_1702, %get3A_1703] {strides = array<i32>} : memref<32x512xf32, #tpu.memory_space<vmem>>, vector<16xf32>,
      %sub3A_1705 = arith.subf %get3A_1704, %gather3A_1434 : vector<16xf32>
      %add3A_1706 = arith.addf %add3A_1696, %sub3A_1705 : vector<16xf32>
      %mul3A_1707 = arith.mulf %sub3A_1705, %sub3A_1705 : vector<16xf32>
      %add3A_1708 = arith.addf %add3A_1698, %mul3A_1707 : vector<16xf32>
      %add3A_1709 = arith.constant 16 : i32
      %add3A_1710 = arith.addi %mul3A_1425, %add3A_1709 : i32
      %get3A_1711 = arith.constant 13 : i32
      %get3A_1712 = arith.index_cast %get3A_1711 : i32 to index
      %get3A_1713 = arith.index_cast %add3A_1710 : i32 to index
      %get3A_1714 = tpu.vector_load %arg5[%get3A_1712, %get3A_1713] {strides = array<i32>} : memref<32x512xf32, #tpu.memory_space<vmem>>, vector<16xf32>,
      %sub3A_1715 = arith.subf %get3A_1714, %gather3A_1434 : vector<16xf32>
      %add3A_1716 = arith.addf %add3A_1706, %sub3A_1715 : vector<16xf32>
      %mul3A_1717 = arith.mulf %sub3A_1715, %sub3A_1715 : vector<16xf32>
      %add3A_1718 = arith.addf %add3A_1708, %mul3A_1717 : vector<16xf32>
      %add3A_1719 = arith.constant 0 : i32
      %add3A_1720 = arith.addi %mul3A_1425, %add3A_1719 : i32
      %get3A_1721 = arith.constant 14 : i32
      %get3A_1722 = arith.index_cast %get3A_1721 : i32 to index
      %get3A_1723 = arith.index_cast %add3A_1720 : i32 to index
      %get3A_1724 = tpu.vector_load %arg5[%get3A_1722, %get3A_1723] {strides = array<i32>} : memref<32x512xf32, #tpu.memory_space<vmem>>, vector<16xf32>,
      %sub3A_1725 = arith.subf %get3A_1724, %gather3A_1434 : vector<16xf32>
      %add3A_1726 = arith.addf %add3A_1716, %sub3A_1725 : vector<16xf32>
      %mul3A_1727 = arith.mulf %sub3A_1725, %sub3A_1725 : vector<16xf32>
      %add3A_1728 = arith.addf %add3A_1718, %mul3A_1727 : vector<16xf32>
      %add3A_1729 = arith.constant 16 : i32
      %add3A_1730 = arith.addi %mul3A_1425, %add3A_1729 : i32
      %get3A_1731 = arith.constant 14 : i32
      %get3A_1732 = arith.index_cast %get3A_1731 : i32 to index
      %get3A_1733 = arith.index_cast %add3A_1730 : i32 to index
      %get3A_1734 = tpu.vector_load %arg5[%get3A_1732, %get3A_1733] {strides = array<i32>} : memref<32x512xf32, #tpu.memory_space<vmem>>, vector<16xf32>,
      %sub3A_1735 = arith.subf %get3A_1734, %gather3A_1434 : vector<16xf32>
      %add3A_1736 = arith.addf %add3A_1726, %sub3A_1735 : vector<16xf32>
      %mul3A_1737 = arith.mulf %sub3A_1735, %sub3A_1735 : vector<16xf32>
      %add3A_1738 = arith.addf %add3A_1728, %mul3A_1737 : vector<16xf32>
      %add3A_1739 = arith.constant 0 : i32
      %add3A_1740 = arith.addi %mul3A_1425, %add3A_1739 : i32
      %get3A_1741 = arith.constant 15 : i32
      %get3A_1742 = arith.index_cast %get3A_1741 : i32 to index
      %get3A_1743 = arith.index_cast %add3A_1740 : i32 to index
      %get3A_1744 = tpu.vector_load %arg5[%get3A_1742, %get3A_1743] {strides = array<i32>} : memref<32x512xf32, #tpu.memory_space<vmem>>, vector<16xf32>,
      %sub3A_1745 = arith.subf %get3A_1744, %gather3A_1434 : vector<16xf32>
      %add3A_1746 = arith.addf %add3A_1736, %sub3A_1745 : vector<16xf32>
      %mul3A_1747 = arith.mulf %sub3A_1745, %sub3A_1745 : vector<16xf32>
      %add3A_1748 = arith.addf %add3A_1738, %mul3A_1747 : vector<16xf32>
      %add3A_1749 = arith.constant 16 : i32
      %add3A_1750 = arith.addi %mul3A_1425, %add3A_1749 : i32
      %get3A_1751 = arith.constant 15 : i32
      %get3A_1752 = arith.index_cast %get3A_1751 : i32 to index
      %get3A_1753 = arith.index_cast %add3A_1750 : i32 to index
      %get3A_1754 = tpu.vector_load %arg5[%get3A_1752, %get3A_1753] {strides = array<i32>} : memref<32x512xf32, #tpu.memory_space<vmem>>, vector<16xf32>,
      %sub3A_1755 = arith.subf %get3A_1754, %gather3A_1434 : vector<16xf32>
      %add3A_1756 = arith.addf %add3A_1746, %sub3A_1755 : vector<16xf32>
      %mul3A_1757 = arith.mulf %sub3A_1755, %sub3A_1755 : vector<16xf32>
      %add3A_1758 = arith.addf %add3A_1748, %mul3A_1757 : vector<16xf32>
      %add3A_1759 = arith.constant 0 : i32
      %add3A_1760 = arith.addi %mul3A_1425, %add3A_1759 : i32
      %get3A_1761 = arith.constant 16 : i32
      %get3A_1762 = arith.index_cast %get3A_1761 : i32 to index
      %get3A_1763 = arith.index_cast %add3A_1760 : i32 to index
      %get3A_1764 = tpu.vector_load %arg5[%get3A_1762, %get3A_1763] {strides = array<i32>} : memref<32x512xf32, #tpu.memory_space<vmem>>, vector<16xf32>,
      %sub3A_1765 = arith.subf %get3A_1764, %gather3A_1434 : vector<16xf32>
      %add3A_1766 = arith.addf %add3A_1756, %sub3A_1765 : vector<16xf32>
      %mul3A_1767 = arith.mulf %sub3A_1765, %sub3A_1765 : vector<16xf32>
      %add3A_1768 = arith.addf %add3A_1758, %mul3A_1767 : vector<16xf32>
      %add3A_1769 = arith.constant 16 : i32
      %add3A_1770 = arith.addi %mul3A_1425, %add3A_1769 : i32
      %get3A_1771 = arith.constant 16 : i32
      %get3A_1772 = arith.index_cast %get3A_1771 : i32 to index
      %get3A_1773 = arith.index_cast %add3A_1770 : i32 to index
      %get3A_1774 = tpu.vector_load %arg5[%get3A_1772, %get3A_1773] {strides = array<i32>} : memref<32x512xf32, #tpu.memory_space<vmem>>, vector<16xf32>,
      %sub3A_1775 = arith.subf %get3A_1774, %gather3A_1434 : vector<16xf32>
      %add3A_1776 = arith.addf %add3A_1766, %sub3A_1775 : vector<16xf32>
      %mul3A_1777 = arith.mulf %sub3A_1775, %sub3A_1775 : vector<16xf32>
      %add3A_1778 = arith.addf %add3A_1768, %mul3A_1777 : vector<16xf32>
      %add3A_1779 = arith.constant 0 : i32
      %add3A_1780 = arith.addi %mul3A_1425, %add3A_1779 : i32
      %get3A_1781 = arith.constant 17 : i32
      %get3A_1782 = arith.index_cast %get3A_1781 : i32 to index
      %get3A_1783 = arith.index_cast %add3A_1780 : i32 to index
      %get3A_1784 = tpu.vector_load %arg5[%get3A_1782, %get3A_1783] {strides = array<i32>} : memref<32x512xf32, #tpu.memory_space<vmem>>, vector<16xf32>,
      %sub3A_1785 = arith.subf %get3A_1784, %gather3A_1434 : vector<16xf32>
      %add3A_1786 = arith.addf %add3A_1776, %sub3A_1785 : vector<16xf32>
      %mul3A_1787 = arith.mulf %sub3A_1785, %sub3A_1785 : vector<16xf32>
      %add3A_1788 = arith.addf %add3A_1778, %mul3A_1787 : vector<16xf32>
      %add3A_1789 = arith.constant 16 : i32
      %add3A_1790 = arith.addi %mul3A_1425, %add3A_1789 : i32
      %get3A_1791 = arith.constant 17 : i32
      %get3A_1792 = arith.index_cast %get3A_1791 : i32 to index
      %get3A_1793 = arith.index_cast %add3A_1790 : i32 to index
      %get3A_1794 = tpu.vector_load %arg5[%get3A_1792, %get3A_1793] {strides = array<i32>} : memref<32x512xf32, #tpu.memory_space<vmem>>, vector<16xf32>,
      %sub3A_1795 = arith.subf %get3A_1794, %gather3A_1434 : vector<16xf32>
      %add3A_1796 = arith.addf %add3A_1786, %sub3A_1795 : vector<16xf32>
      %mul3A_1797 = arith.mulf %sub3A_1795, %sub3A_1795 : vector<16xf32>
      %add3A_1798 = arith.addf %add3A_1788, %mul3A_1797 : vector<16xf32>
      %add3A_1799 = arith.constant 0 : i32
      %add3A_1800 = arith.addi %mul3A_1425, %add3A_1799 : i32
      %get3A_1801 = arith.constant 18 : i32
      %get3A_1802 = arith.index_cast %get3A_1801 : i32 to index
      %get3A_1803 = arith.index_cast %add3A_1800 : i32 to index
      %get3A_1804 = tpu.vector_load %arg5[%get3A_1802, %get3A_1803] {strides = array<i32>} : memref<32x512xf32, #tpu.memory_space<vmem>>, vector<16xf32>,
      %sub3A_1805 = arith.subf %get3A_1804, %gather3A_1434 : vector<16xf32>
      %add3A_1806 = arith.addf %add3A_1796, %sub3A_1805 : vector<16xf32>
      %mul3A_1807 = arith.mulf %sub3A_1805, %sub3A_1805 : vector<16xf32>
      %add3A_1808 = arith.addf %add3A_1798, %mul3A_1807 : vector<16xf32>
      %add3A_1809 = arith.constant 16 : i32
      %add3A_1810 = arith.addi %mul3A_1425, %add3A_1809 : i32
      %get3A_1811 = arith.constant 18 : i32
      %get3A_1812 = arith.index_cast %get3A_1811 : i32 to index
      %get3A_1813 = arith.index_cast %add3A_1810 : i32 to index
      %get3A_1814 = tpu.vector_load %arg5[%get3A_1812, %get3A_1813] {strides = array<i32>} : memref<32x512xf32, #tpu.memory_space<vmem>>, vector<16xf32>,
      %sub3A_1815 = arith.subf %get3A_1814, %gather3A_1434 : vector<16xf32>
      %add3A_1816 = arith.addf %add3A_1806, %sub3A_1815 : vector<16xf32>
      %mul3A_1817 = arith.mulf %sub3A_1815, %sub3A_1815 : vector<16xf32>
      %add3A_1818 = arith.addf %add3A_1808, %mul3A_1817 : vector<16xf32>
      %add3A_1819 = arith.constant 0 : i32
      %add3A_1820 = arith.addi %mul3A_1425, %add3A_1819 : i32
      %get3A_1821 = arith.constant 19 : i32
      %get3A_1822 = arith.index_cast %get3A_1821 : i32 to index
      %get3A_1823 = arith.index_cast %add3A_1820 : i32 to index
      %get3A_1824 = tpu.vector_load %arg5[%get3A_1822, %get3A_1823] {strides = array<i32>} : memref<32x512xf32, #tpu.memory_space<vmem>>, vector<16xf32>,
      %sub3A_1825 = arith.subf %get3A_1824, %gather3A_1434 : vector<16xf32>
      %add3A_1826 = arith.addf %add3A_1816, %sub3A_1825 : vector<16xf32>
      %mul3A_1827 = arith.mulf %sub3A_1825, %sub3A_1825 : vector<16xf32>
      %add3A_1828 = arith.addf %add3A_1818, %mul3A_1827 : vector<16xf32>
      %add3A_1829 = arith.constant 16 : i32
      %add3A_1830 = arith.addi %mul3A_1425, %add3A_1829 : i32
      %get3A_1831 = arith.constant 19 : i32
      %get3A_1832 = arith.index_cast %get3A_1831 : i32 to index
      %get3A_1833 = arith.index_cast %add3A_1830 : i32 to index
      %get3A_1834 = tpu.vector_load %arg5[%get3A_1832, %get3A_1833] {strides = array<i32>} : memref<32x512xf32, #tpu.memory_space<vmem>>, vector<16xf32>,
      %sub3A_1835 = arith.subf %get3A_1834, %gather3A_1434 : vector<16xf32>
      %add3A_1836 = arith.addf %add3A_1826, %sub3A_1835 : vector<16xf32>
      %mul3A_1837 = arith.mulf %sub3A_1835, %sub3A_1835 : vector<16xf32>
      %add3A_1838 = arith.addf %add3A_1828, %mul3A_1837 : vector<16xf32>
      %add3A_1839 = arith.constant 0 : i32
      %add3A_1840 = arith.addi %mul3A_1425, %add3A_1839 : i32
      %get3A_1841 = arith.constant 20 : i32
      %get3A_1842 = arith.index_cast %get3A_1841 : i32 to index
      %get3A_1843 = arith.index_cast %add3A_1840 : i32 to index
      %get3A_1844 = tpu.vector_load %arg5[%get3A_1842, %get3A_1843] {strides = array<i32>} : memref<32x512xf32, #tpu.memory_space<vmem>>, vector<16xf32>,
      %sub3A_1845 = arith.subf %get3A_1844, %gather3A_1434 : vector<16xf32>
      %add3A_1846 = arith.addf %add3A_1836, %sub3A_1845 : vector<16xf32>
      %mul3A_1847 = arith.mulf %sub3A_1845, %sub3A_1845 : vector<16xf32>
      %add3A_1848 = arith.addf %add3A_1838, %mul3A_1847 : vector<16xf32>
      %add3A_1849 = arith.constant 16 : i32
      %add3A_1850 = arith.addi %mul3A_1425, %add3A_1849 : i32
      %get3A_1851 = arith.constant 20 : i32
      %get3A_1852 = arith.index_cast %get3A_1851 : i32 to index
      %get3A_1853 = arith.index_cast %add3A_1850 : i32 to index
      %get3A_1854 = tpu.vector_load %arg5[%get3A_1852, %get3A_1853] {strides = array<i32>} : memref<32x512xf32, #tpu.memory_space<vmem>>, vector<16xf32>,
      %sub3A_1855 = arith.subf %get3A_1854, %gather3A_1434 : vector<16xf32>
      %add3A_1856 = arith.addf %add3A_1846, %sub3A_1855 : vector<16xf32>
      %mul3A_1857 = arith.mulf %sub3A_1855, %sub3A_1855 : vector<16xf32>
      %add3A_1858 = arith.addf %add3A_1848, %mul3A_1857 : vector<16xf32>
      %add3A_1859 = arith.constant 0 : i32
      %add3A_1860 = arith.addi %mul3A_1425, %add3A_1859 : i32
      %get3A_1861 = arith.constant 21 : i32
      %get3A_1862 = arith.index_cast %get3A_1861 : i32 to index
      %get3A_1863 = arith.index_cast %add3A_1860 : i32 to index
      %get3A_1864 = tpu.vector_load %arg5[%get3A_1862, %get3A_1863] {strides = array<i32>} : memref<32x512xf32, #tpu.memory_space<vmem>>, vector<16xf32>,
      %sub3A_1865 = arith.subf %get3A_1864, %gather3A_1434 : vector<16xf32>
      %add3A_1866 = arith.addf %add3A_1856, %sub3A_1865 : vector<16xf32>
      %mul3A_1867 = arith.mulf %sub3A_1865, %sub3A_1865 : vector<16xf32>
      %add3A_1868 = arith.addf %add3A_1858, %mul3A_1867 : vector<16xf32>
      %add3A_1869 = arith.constant 16 : i32
      %add3A_1870 = arith.addi %mul3A_1425, %add3A_1869 : i32
      %get3A_1871 = arith.constant 21 : i32
      %get3A_1872 = arith.index_cast %get3A_1871 : i32 to index
      %get3A_1873 = arith.index_cast %add3A_1870 : i32 to index
      %get3A_1874 = tpu.vector_load %arg5[%get3A_1872, %get3A_1873] {strides = array<i32>} : memref<32x512xf32, #tpu.memory_space<vmem>>, vector<16xf32>,
      %sub3A_1875 = arith.subf %get3A_1874, %gather3A_1434 : vector<16xf32>
      %add3A_1876 = arith.addf %add3A_1866, %sub3A_1875 : vector<16xf32>
      %mul3A_1877 = arith.mulf %sub3A_1875, %sub3A_1875 : vector<16xf32>
      %add3A_1878 = arith.addf %add3A_1868, %mul3A_1877 : vector<16xf32>
      %add3A_1879 = arith.constant 0 : i32
      %add3A_1880 = arith.addi %mul3A_1425, %add3A_1879 : i32
      %get3A_1881 = arith.constant 22 : i32
      %get3A_1882 = arith.index_cast %get3A_1881 : i32 to index
      %get3A_1883 = arith.index_cast %add3A_1880 : i32 to index
      %get3A_1884 = tpu.vector_load %arg5[%get3A_1882, %get3A_1883] {strides = array<i32>} : memref<32x512xf32, #tpu.memory_space<vmem>>, vector<16xf32>,
      %sub3A_1885 = arith.subf %get3A_1884, %gather3A_1434 : vector<16xf32>
      %add3A_1886 = arith.addf %add3A_1876, %sub3A_1885 : vector<16xf32>
      %mul3A_1887 = arith.mulf %sub3A_1885, %sub3A_1885 : vector<16xf32>
      %add3A_1888 = arith.addf %add3A_1878, %mul3A_1887 : vector<16xf32>
      %add3A_1889 = arith.constant 16 : i32
      %add3A_1890 = arith.addi %mul3A_1425, %add3A_1889 : i32
      %get3A_1891 = arith.constant 22 : i32
      %get3A_1892 = arith.index_cast %get3A_1891 : i32 to index
      %get3A_1893 = arith.index_cast %add3A_1890 : i32 to index
      %get3A_1894 = tpu.vector_load %arg5[%get3A_1892, %get3A_1893] {strides = array<i32>} : memref<32x512xf32, #tpu.memory_space<vmem>>, vector<16xf32>,
      %sub3A_1895 = arith.subf %get3A_1894, %gather3A_1434 : vector<16xf32>
      %add3A_1896 = arith.addf %add3A_1886, %sub3A_1895 : vector<16xf32>
      %mul3A_1897 = arith.mulf %sub3A_1895, %sub3A_1895 : vector<16xf32>
      %add3A_1898 = arith.addf %add3A_1888, %mul3A_1897 : vector<16xf32>
      %add3A_1899 = arith.constant 0 : i32
      %add3A_1900 = arith.addi %mul3A_1425, %add3A_1899 : i32
      %get3A_1901 = arith.constant 23 : i32
      %get3A_1902 = arith.index_cast %get3A_1901 : i32 to index
      %get3A_1903 = arith.index_cast %add3A_1900 : i32 to index
      %get3A_1904 = tpu.vector_load %arg5[%get3A_1902, %get3A_1903] {strides = array<i32>} : memref<32x512xf32, #tpu.memory_space<vmem>>, vector<16xf32>,
      %sub3A_1905 = arith.subf %get3A_1904, %gather3A_1434 : vector<16xf32>
      %add3A_1906 = arith.addf %add3A_1896, %sub3A_1905 : vector<16xf32>
      %mul3A_1907 = arith.mulf %sub3A_1905, %sub3A_1905 : vector<16xf32>
      %add3A_1908 = arith.addf %add3A_1898, %mul3A_1907 : vector<16xf32>
      %add3A_1909 = arith.constant 16 : i32
      %add3A_1910 = arith.addi %mul3A_1425, %add3A_1909 : i32
      %get3A_1911 = arith.constant 23 : i32
      %get3A_1912 = arith.index_cast %get3A_1911 : i32 to index
      %get3A_1913 = arith.index_cast %add3A_1910 : i32 to index
      %get3A_1914 = tpu.vector_load %arg5[%get3A_1912, %get3A_1913] {strides = array<i32>} : memref<32x512xf32, #tpu.memory_space<vmem>>, vector<16xf32>,
      %sub3A_1915 = arith.subf %get3A_1914, %gather3A_1434 : vector<16xf32>
      %add3A_1916 = arith.addf %add3A_1906, %sub3A_1915 : vector<16xf32>
      %mul3A_1917 = arith.mulf %sub3A_1915, %sub3A_1915 : vector<16xf32>
      %add3A_1918 = arith.addf %add3A_1908, %mul3A_1917 : vector<16xf32>
      %add3A_1919 = arith.constant 0 : i32
      %add3A_1920 = arith.addi %mul3A_1425, %add3A_1919 : i32
      %get3A_1921 = arith.constant 24 : i32
      %get3A_1922 = arith.index_cast %get3A_1921 : i32 to index
      %get3A_1923 = arith.index_cast %add3A_1920 : i32 to index
      %get3A_1924 = tpu.vector_load %arg5[%get3A_1922, %get3A_1923] {strides = array<i32>} : memref<32x512xf32, #tpu.memory_space<vmem>>, vector<16xf32>,
      %sub3A_1925 = arith.subf %get3A_1924, %gather3A_1434 : vector<16xf32>
      %add3A_1926 = arith.addf %add3A_1916, %sub3A_1925 : vector<16xf32>
      %mul3A_1927 = arith.mulf %sub3A_1925, %sub3A_1925 : vector<16xf32>
      %add3A_1928 = arith.addf %add3A_1918, %mul3A_1927 : vector<16xf32>
      %add3A_1929 = arith.constant 16 : i32
      %add3A_1930 = arith.addi %mul3A_1425, %add3A_1929 : i32
      %get3A_1931 = arith.constant 24 : i32
      %get3A_1932 = arith.index_cast %get3A_1931 : i32 to index
      %get3A_1933 = arith.index_cast %add3A_1930 : i32 to index
      %get3A_1934 = tpu.vector_load %arg5[%get3A_1932, %get3A_1933] {strides = array<i32>} : memref<32x512xf32, #tpu.memory_space<vmem>>, vector<16xf32>,
      %sub3A_1935 = arith.subf %get3A_1934, %gather3A_1434 : vector<16xf32>
      %add3A_1936 = arith.addf %add3A_1926, %sub3A_1935 : vector<16xf32>
      %mul3A_1937 = arith.mulf %sub3A_1935, %sub3A_1935 : vector<16xf32>
      %add3A_1938 = arith.addf %add3A_1928, %mul3A_1937 : vector<16xf32>
      %add3A_1939 = arith.constant 0 : i32
      %add3A_1940 = arith.addi %mul3A_1425, %add3A_1939 : i32
      %get3A_1941 = arith.constant 25 : i32
      %get3A_1942 = arith.index_cast %get3A_1941 : i32 to index
      %get3A_1943 = arith.index_cast %add3A_1940 : i32 to index
      %get3A_1944 = tpu.vector_load %arg5[%get3A_1942, %get3A_1943] {strides = array<i32>} : memref<32x512xf32, #tpu.memory_space<vmem>>, vector<16xf32>,
      %sub3A_1945 = arith.subf %get3A_1944, %gather3A_1434 : vector<16xf32>
      %add3A_1946 = arith.addf %add3A_1936, %sub3A_1945 : vector<16xf32>
      %mul3A_1947 = arith.mulf %sub3A_1945, %sub3A_1945 : vector<16xf32>
      %add3A_1948 = arith.addf %add3A_1938, %mul3A_1947 : vector<16xf32>
      %add3A_1949 = arith.constant 16 : i32
      %add3A_1950 = arith.addi %mul3A_1425, %add3A_1949 : i32
      %get3A_1951 = arith.constant 25 : i32
      %get3A_1952 = arith.index_cast %get3A_1951 : i32 to index
      %get3A_1953 = arith.index_cast %add3A_1950 : i32 to index
      %get3A_1954 = tpu.vector_load %arg5[%get3A_1952, %get3A_1953] {strides = array<i32>} : memref<32x512xf32, #tpu.memory_space<vmem>>, vector<16xf32>,
      %sub3A_1955 = arith.subf %get3A_1954, %gather3A_1434 : vector<16xf32>
      %add3A_1956 = arith.addf %add3A_1946, %sub3A_1955 : vector<16xf32>
      %mul3A_1957 = arith.mulf %sub3A_1955, %sub3A_1955 : vector<16xf32>
      %add3A_1958 = arith.addf %add3A_1948, %mul3A_1957 : vector<16xf32>
      %add3A_1959 = arith.constant 0 : i32
      %add3A_1960 = arith.addi %mul3A_1425, %add3A_1959 : i32
      %get3A_1961 = arith.constant 26 : i32
      %get3A_1962 = arith.index_cast %get3A_1961 : i32 to index
      %get3A_1963 = arith.index_cast %add3A_1960 : i32 to index
      %get3A_1964 = tpu.vector_load %arg5[%get3A_1962, %get3A_1963] {strides = array<i32>} : memref<32x512xf32, #tpu.memory_space<vmem>>, vector<16xf32>,
      %sub3A_1965 = arith.subf %get3A_1964, %gather3A_1434 : vector<16xf32>
      %add3A_1966 = arith.addf %add3A_1956, %sub3A_1965 : vector<16xf32>
      %mul3A_1967 = arith.mulf %sub3A_1965, %sub3A_1965 : vector<16xf32>
      %add3A_1968 = arith.addf %add3A_1958, %mul3A_1967 : vector<16xf32>
      %add3A_1969 = arith.constant 16 : i32
      %add3A_1970 = arith.addi %mul3A_1425, %add3A_1969 : i32
      %get3A_1971 = arith.constant 26 : i32
      %get3A_1972 = arith.index_cast %get3A_1971 : i32 to index
      %get3A_1973 = arith.index_cast %add3A_1970 : i32 to index
      %get3A_1974 = tpu.vector_load %arg5[%get3A_1972, %get3A_1973] {strides = array<i32>} : memref<32x512xf32, #tpu.memory_space<vmem>>, vector<16xf32>,
      %sub3A_1975 = arith.subf %get3A_1974, %gather3A_1434 : vector<16xf32>
      %add3A_1976 = arith.addf %add3A_1966, %sub3A_1975 : vector<16xf32>
      %mul3A_1977 = arith.mulf %sub3A_1975, %sub3A_1975 : vector<16xf32>
      %add3A_1978 = arith.addf %add3A_1968, %mul3A_1977 : vector<16xf32>
      %add3A_1979 = arith.constant 0 : i32
      %add3A_1980 = arith.addi %mul3A_1425, %add3A_1979 : i32
      %get3A_1981 = arith.constant 27 : i32
      %get3A_1982 = arith.index_cast %get3A_1981 : i32 to index
      %get3A_1983 = arith.index_cast %add3A_1980 : i32 to index
      %get3A_1984 = tpu.vector_load %arg5[%get3A_1982, %get3A_1983] {strides = array<i32>} : memref<32x512xf32, #tpu.memory_space<vmem>>, vector<16xf32>,
      %sub3A_1985 = arith.subf %get3A_1984, %gather3A_1434 : vector<16xf32>
      %add3A_1986 = arith.addf %add3A_1976, %sub3A_1985 : vector<16xf32>
      %mul3A_1987 = arith.mulf %sub3A_1985, %sub3A_1985 : vector<16xf32>
      %add3A_1988 = arith.addf %add3A_1978, %mul3A_1987 : vector<16xf32>
      %add3A_1989 = arith.constant 16 : i32
      %add3A_1990 = arith.addi %mul3A_1425, %add3A_1989 : i32
      %get3A_1991 = arith.constant 27 : i32
      %get3A_1992 = arith.index_cast %get3A_1991 : i32 to index
      %get3A_1993 = arith.index_cast %add3A_1990 : i32 to index
      %get3A_1994 = tpu.vector_load %arg5[%get3A_1992, %get3A_1993] {strides = array<i32>} : memref<32x512xf32, #tpu.memory_space<vmem>>, vector<16xf32>,
      %sub3A_1995 = arith.subf %get3A_1994, %gather3A_1434 : vector<16xf32>
      %add3A_1996 = arith.addf %add3A_1986, %sub3A_1995 : vector<16xf32>
      %mul3A_1997 = arith.mulf %sub3A_1995, %sub3A_1995 : vector<16xf32>
      %add3A_1998 = arith.addf %add3A_1988, %mul3A_1997 : vector<16xf32>
      %add3A_1999 = arith.constant 0 : i32
      %add3A_2000 = arith.addi %mul3A_1425, %add3A_1999 : i32
      %get3A_2001 = arith.constant 28 : i32
      %get3A_2002 = arith.index_cast %get3A_2001 : i32 to index
      %get3A_2003 = arith.index_cast %add3A_2000 : i32 to index
      %get3A_2004 = tpu.vector_load %arg5[%get3A_2002, %get3A_2003] {strides = array<i32>} : memref<32x512xf32, #tpu.memory_space<vmem>>, vector<16xf32>,
      %sub3A_2005 = arith.subf %get3A_2004, %gather3A_1434 : vector<16xf32>
      %add3A_2006 = arith.addf %add3A_1996, %sub3A_2005 : vector<16xf32>
      %mul3A_2007 = arith.mulf %sub3A_2005, %sub3A_2005 : vector<16xf32>
      %add3A_2008 = arith.addf %add3A_1998, %mul3A_2007 : vector<16xf32>
      %add3A_2009 = arith.constant 16 : i32
      %add3A_2010 = arith.addi %mul3A_1425, %add3A_2009 : i32
      %get3A_2011 = arith.constant 28 : i32
      %get3A_2012 = arith.index_cast %get3A_2011 : i32 to index
      %get3A_2013 = arith.index_cast %add3A_2010 : i32 to index
      %get3A_2014 = tpu.vector_load %arg5[%get3A_2012, %get3A_2013] {strides = array<i32>} : memref<32x512xf32, #tpu.memory_space<vmem>>, vector<16xf32>,
      %sub3A_2015 = arith.subf %get3A_2014, %gather3A_1434 : vector<16xf32>
      %add3A_2016 = arith.addf %add3A_2006, %sub3A_2015 : vector<16xf32>
      %mul3A_2017 = arith.mulf %sub3A_2015, %sub3A_2015 : vector<16xf32>
      %add3A_2018 = arith.addf %add3A_2008, %mul3A_2017 : vector<16xf32>
      %add3A_2019 = arith.constant 0 : i32
      %add3A_2020 = arith.addi %mul3A_1425, %add3A_2019 : i32
      %get3A_2021 = arith.constant 29 : i32
      %get3A_2022 = arith.index_cast %get3A_2021 : i32 to index
      %get3A_2023 = arith.index_cast %add3A_2020 : i32 to index
      %get3A_2024 = tpu.vector_load %arg5[%get3A_2022, %get3A_2023] {strides = array<i32>} : memref<32x512xf32, #tpu.memory_space<vmem>>, vector<16xf32>,
      %sub3A_2025 = arith.subf %get3A_2024, %gather3A_1434 : vector<16xf32>
      %add3A_2026 = arith.addf %add3A_2016, %sub3A_2025 : vector<16xf32>
      %mul3A_2027 = arith.mulf %sub3A_2025, %sub3A_2025 : vector<16xf32>
      %add3A_2028 = arith.addf %add3A_2018, %mul3A_2027 : vector<16xf32>
      %add3A_2029 = arith.constant 16 : i32
      %add3A_2030 = arith.addi %mul3A_1425, %add3A_2029 : i32
      %get3A_2031 = arith.constant 29 : i32
      %get3A_2032 = arith.index_cast %get3A_2031 : i32 to index
      %get3A_2033 = arith.index_cast %add3A_2030 : i32 to index
      %get3A_2034 = tpu.vector_load %arg5[%get3A_2032, %get3A_2033] {strides = array<i32>} : memref<32x512xf32, #tpu.memory_space<vmem>>, vector<16xf32>,
      %sub3A_2035 = arith.subf %get3A_2034, %gather3A_1434 : vector<16xf32>
      %add3A_2036 = arith.addf %add3A_2026, %sub3A_2035 : vector<16xf32>
      %mul3A_2037 = arith.mulf %sub3A_2035, %sub3A_2035 : vector<16xf32>
      %add3A_2038 = arith.addf %add3A_2028, %mul3A_2037 : vector<16xf32>
      %add3A_2039 = arith.constant 0 : i32
      %add3A_2040 = arith.addi %mul3A_1425, %add3A_2039 : i32
      %get3A_2041 = arith.constant 30 : i32
      %get3A_2042 = arith.index_cast %get3A_2041 : i32 to index
      %get3A_2043 = arith.index_cast %add3A_2040 : i32 to index
      %get3A_2044 = tpu.vector_load %arg5[%get3A_2042, %get3A_2043] {strides = array<i32>} : memref<32x512xf32, #tpu.memory_space<vmem>>, vector<16xf32>,
      %sub3A_2045 = arith.subf %get3A_2044, %gather3A_1434 : vector<16xf32>
      %add3A_2046 = arith.addf %add3A_2036, %sub3A_2045 : vector<16xf32>
      %mul3A_2047 = arith.mulf %sub3A_2045, %sub3A_2045 : vector<16xf32>
      %add3A_2048 = arith.addf %add3A_2038, %mul3A_2047 : vector<16xf32>
      %add3A_2049 = arith.constant 16 : i32
      %add3A_2050 = arith.addi %mul3A_1425, %add3A_2049 : i32
      %get3A_2051 = arith.constant 30 : i32
      %get3A_2052 = arith.index_cast %get3A_2051 : i32 to index
      %get3A_2053 = arith.index_cast %add3A_2050 : i32 to index
      %get3A_2054 = tpu.vector_load %arg5[%get3A_2052, %get3A_2053] {strides = array<i32>} : memref<32x512xf32, #tpu.memory_space<vmem>>, vector<16xf32>,
      %sub3A_2055 = arith.subf %get3A_2054, %gather3A_1434 : vector<16xf32>
      %add3A_2056 = arith.addf %add3A_2046, %sub3A_2055 : vector<16xf32>
      %mul3A_2057 = arith.mulf %sub3A_2055, %sub3A_2055 : vector<16xf32>
      %add3A_2058 = arith.addf %add3A_2048, %mul3A_2057 : vector<16xf32>
      %add3A_2059 = arith.constant 0 : i32
      %add3A_2060 = arith.addi %mul3A_1425, %add3A_2059 : i32
      %get3A_2061 = arith.constant 31 : i32
      %get3A_2062 = arith.index_cast %get3A_2061 : i32 to index
      %get3A_2063 = arith.index_cast %add3A_2060 : i32 to index
      %get3A_2064 = tpu.vector_load %arg5[%get3A_2062, %get3A_2063] {strides = array<i32>} : memref<32x512xf32, #tpu.memory_space<vmem>>, vector<16xf32>,
      %sub3A_2065 = arith.subf %get3A_2064, %gather3A_1434 : vector<16xf32>
      %add3A_2066 = arith.addf %add3A_2056, %sub3A_2065 : vector<16xf32>
      %mul3A_2067 = arith.mulf %sub3A_2065, %sub3A_2065 : vector<16xf32>
      %add3A_2068 = arith.addf %add3A_2058, %mul3A_2067 : vector<16xf32>
      %add3A_2069 = arith.constant 16 : i32
      %add3A_2070 = arith.addi %mul3A_1425, %add3A_2069 : i32
      %get3A_2071 = arith.constant 31 : i32
      %get3A_2072 = arith.index_cast %get3A_2071 : i32 to index
      %get3A_2073 = arith.index_cast %add3A_2070 : i32 to index
      %get3A_2074 = tpu.vector_load %arg5[%get3A_2072, %get3A_2073] {strides = array<i32>} : memref<32x512xf32, #tpu.memory_space<vmem>>, vector<16xf32>,
      %sub3A_2075 = arith.subf %get3A_2074, %gather3A_1434 : vector<16xf32>
      %add3A_2076 = arith.addf %add3A_2066, %sub3A_2075 : vector<16xf32>
      %mul3A_2077 = arith.mulf %sub3A_2075, %sub3A_2075 : vector<16xf32>
      %add3A_2078 = arith.addf %add3A_2068, %mul3A_2077 : vector<16xf32>
      %xor3A = arith.constant 8 : i32
      %xor3A_2079 = vector.broadcast %xor3A : i32 to vector<16xi32>
      %xor3A_2080 = arith.xori %iota3A, %xor3A_2079 : vector<16xi32>
      %reshape3A_2081 = vector.shape_cast %xor3A_2080 : vector<16xi32> to vector<16x1xi32>
      %gather3A_2082 = vector.shape_cast %reshape3A_2081 : vector<16x1xi32> to vector<16xi32>
      %gather3A_2083 = tpu.dynamic_gather %add3A_2076[%gather3A_2082] in [0] : vector<16xf32>, vector<16xi32> -> vector<16xf32>
      %add3A_2084 = arith.addf %add3A_2076, %gather3A_2083 : vector<16xf32>
      %xor3A_2085 = arith.constant 4 : i32
      %xor3A_2086 = vector.broadcast %xor3A_2085 : i32 to vector<16xi32>
      %xor3A_2087 = arith.xori %iota3A, %xor3A_2086 : vector<16xi32>
      %reshape3A_2088 = vector.shape_cast %xor3A_2087 : vector<16xi32> to vector<16x1xi32>
      %gather3A_2089 = vector.shape_cast %reshape3A_2088 : vector<16x1xi32> to vector<16xi32>
      %gather3A_2090 = tpu.dynamic_gather %add3A_2084[%gather3A_2089] in [0] : vector<16xf32>, vector<16xi32> -> vector<16xf32>
      %add3A_2091 = arith.addf %add3A_2084, %gather3A_2090 : vector<16xf32>
      %xor3A_2092 = arith.constant 2 : i32
      %xor3A_2093 = vector.broadcast %xor3A_2092 : i32 to vector<16xi32>
      %xor3A_2094 = arith.xori %iota3A, %xor3A_2093 : vector<16xi32>
      %reshape3A_2095 = vector.shape_cast %xor3A_2094 : vector<16xi32> to vector<16x1xi32>
      %gather3A_2096 = vector.shape_cast %reshape3A_2095 : vector<16x1xi32> to vector<16xi32>
      %gather3A_2097 = tpu.dynamic_gather %add3A_2091[%gather3A_2096] in [0] : vector<16xf32>, vector<16xi32> -> vector<16xf32>
      %add3A_2098 = arith.addf %add3A_2091, %gather3A_2097 : vector<16xf32>
      %xor3A_2099 = arith.constant 1 : i32
      %xor3A_2100 = vector.broadcast %xor3A_2099 : i32 to vector<16xi32>
      %xor3A_2101 = arith.xori %iota3A, %xor3A_2100 : vector<16xi32>
      %reshape3A_2102 = vector.shape_cast %xor3A_2101 : vector<16xi32> to vector<16x1xi32>
      %gather3A_2103 = vector.shape_cast %reshape3A_2102 : vector<16x1xi32> to vector<16xi32>
      %gather3A_2104 = tpu.dynamic_gather %add3A_2098[%gather3A_2103] in [0] : vector<16xf32>, vector<16xi32> -> vector<16xf32>
      %add3A_2105 = arith.addf %add3A_2098, %gather3A_2104 : vector<16xf32>
      %xor3A_2106 = arith.constant 8 : i32
      %xor3A_2107 = vector.broadcast %xor3A_2106 : i32 to vector<16xi32>
      %xor3A_2108 = arith.xori %iota3A, %xor3A_2107 : vector<16xi32>
      %reshape3A_2109 = vector.shape_cast %xor3A_2108 : vector<16xi32> to vector<16x1xi32>
      %gather3A_2110 = vector.shape_cast %reshape3A_2109 : vector<16x1xi32> to vector<16xi32>
      %gather3A_2111 = tpu.dynamic_gather %add3A_2078[%gather3A_2110] in [0] : vector<16xf32>, vector<16xi32> -> vector<16xf32>
      %add3A_2112 = arith.addf %add3A_2078, %gather3A_2111 : vector<16xf32>
      %xor3A_2113 = arith.constant 4 : i32
      %xor3A_2114 = vector.broadcast %xor3A_2113 : i32 to vector<16xi32>
      %xor3A_2115 = arith.xori %iota3A, %xor3A_2114 : vector<16xi32>
      %reshape3A_2116 = vector.shape_cast %xor3A_2115 : vector<16xi32> to vector<16x1xi32>
      %gather3A_2117 = vector.shape_cast %reshape3A_2116 : vector<16x1xi32> to vector<16xi32>
      %gather3A_2118 = tpu.dynamic_gather %add3A_2112[%gather3A_2117] in [0] : vector<16xf32>, vector<16xi32> -> vector<16xf32>
      %add3A_2119 = arith.addf %add3A_2112, %gather3A_2118 : vector<16xf32>
      %xor3A_2120 = arith.constant 2 : i32
      %xor3A_2121 = vector.broadcast %xor3A_2120 : i32 to vector<16xi32>
      %xor3A_2122 = arith.xori %iota3A, %xor3A_2121 : vector<16xi32>
      %reshape3A_2123 = vector.shape_cast %xor3A_2122 : vector<16xi32> to vector<16x1xi32>
      %gather3A_2124 = vector.shape_cast %reshape3A_2123 : vector<16x1xi32> to vector<16xi32>
      %gather3A_2125 = tpu.dynamic_gather %add3A_2119[%gather3A_2124] in [0] : vector<16xf32>, vector<16xi32> -> vector<16xf32>
      %add3A_2126 = arith.addf %add3A_2119, %gather3A_2125 : vector<16xf32>
      %xor3A_2127 = arith.constant 1 : i32
      %xor3A_2128 = vector.broadcast %xor3A_2127 : i32 to vector<16xi32>
      %xor3A_2129 = arith.xori %iota3A, %xor3A_2128 : vector<16xi32>
      %reshape3A_2130 = vector.shape_cast %xor3A_2129 : vector<16xi32> to vector<16x1xi32>
      %gather3A_2131 = vector.shape_cast %reshape3A_2130 : vector<16x1xi32> to vector<16xi32>
      %gather3A_2132 = tpu.dynamic_gather %add3A_2126[%gather3A_2131] in [0] : vector<16xf32>, vector<16xi32> -> vector<16xf32>
      %add3A_2133 = arith.addf %add3A_2126, %gather3A_2132 : vector<16xf32>
      %sub3A_2134 = arith.subf %gather3A_1434, %gather3A_60 : vector<16xf32>
      %mul3A_2135 = arith.constant 1.024000e+03 : f32
      %mul3A_2136 = vector.broadcast %mul3A_2135 : f32 to vector<16xf32>
      %mul3A_2137 = arith.mulf %mul3A_2136, %sub3A_2134 : vector<16xf32>
      %add3A_2138 = arith.addf %add3A_2105, %mul3A_2137 : vector<16xf32>
      %mul3A_2139 = arith.mulf %add3A_2105, %add3A_2105 : vector<16xf32>
      %mul3A_2140 = arith.constant 9.765625E-4 : f32
      %mul3A_2141 = vector.broadcast %mul3A_2140 : f32 to vector<16xf32>
      %mul3A_2142 = arith.mulf %mul3A_2139, %mul3A_2141 : vector<16xf32>
      %sub3A_2143 = arith.subf %add3A_2133, %mul3A_2142 : vector<16xf32>
      %eq3A_2144 = vector.broadcast %scan3A_1421 : i32 to vector<16xi32>
      %eq3A_2145 = arith.cmpi eq, %iota3A, %eq3A_2144 : vector<16xi32>
      %select_n3A_2146 = arith.select %eq3A_2145, %add3A_2138, %scan3A_1422 : vector<16xi1>, vector<16xf32>
      %select_n3A_2147 = arith.select %eq3A_2145, %sub3A_2143, %scan3A_1423 : vector<16xi1>, vector<16xf32>
      scf.yield %select_n3A_2146, %select_n3A_2147 : vector<16xf32>, vector<16xf32>
    }
    %scan3A_107 = arith.constant 16 : i32
    %swap3A_108 = arith.constant 2 : i32
    %swap3A_109 = arith.index_cast %swap3A_108 : i32 to index
    %swap3A_110 = arith.constant 0 : index
    %swap3A_111 = tpu.vector_load %arg6[%swap3A_109, %swap3A_110] {strides = array<i32>} : memref<4x128xf32, #tpu.memory_space<vmem>>, vector<16xf32>,
    tpu.vector_store %arg6[%swap3A_109, %swap3A_110], %scan3A_106#0 {strides = array<i32>} : memref<4x128xf32, #tpu.memory_space<vmem>>, vector<16xf32>,
    %swap3A_112 = arith.constant 3 : i32
    %swap3A_113 = arith.index_cast %swap3A_112 : i32 to index
    %swap3A_114 = arith.constant 0 : index
    %swap3A_115 = tpu.vector_load %arg6[%swap3A_113, %swap3A_114] {strides = array<i32>} : memref<4x128xf32, #tpu.memory_space<vmem>>, vector<16xf32>,
    tpu.vector_store %arg6[%swap3A_113, %swap3A_114], %scan3A_106#1 {strides = array<i32>} : memref<4x128xf32, #tpu.memory_space<vmem>>, vector<16xf32>,
    %mul3A_116 = arith.constant 2 : i32
    %mul3A_117 = arith.muli %mul3A_116, %select_n3A_30 : i32
    %add3A_118 = arith.constant 1 : i32
    %add3A_119 = arith.addi %mul3A_117, %add3A_118 : i32
    %run_scoped3A_120 = arith.constant 2 : i32
    %run_scoped3A_121 = arith.constant 0 : i32
    "tpu.region"() ({
      %run_scoped3A_1421 = tpu.sem_alloc : memref<!tpu.dma_semaphore, #tpu.memory_space<semaphore_mem>>
      %dma_start3A_1422 = arith.constant 0 : i32
      %dma_start3A_1423 = tpu.memref_slice %arg6[%run_scoped3A_120, %dma_start3A_1422] : memref<4x128xf32, #tpu.memory_space<vmem>> -> memref<1x128xf32, #tpu.memory_space<vmem>>
      %dma_start3A_1424 = tpu.memref_squeeze %dma_start3A_1423 : memref<1x128xf32, #tpu.memory_space<vmem>> -> memref<128xf32, #tpu.memory_space<vmem>>
      %dma_start3A_1425 = arith.constant 0 : i32
      %dma_start3A_1426 = tpu.memref_slice %arg7[%add3A, %run_scoped3A_121, %add3A_119, %dma_start3A_1425] : memref<4x2x16x128xf32, #tpu.memory_space<vmem_shared>> -> memref<1x1x1x128xf32, #tpu.memory_space<vmem_shared>>
      %dma_start3A_1427 = tpu.memref_squeeze %dma_start3A_1426 : memref<1x1x1x128xf32, #tpu.memory_space<vmem_shared>> -> memref<128xf32, #tpu.memory_space<vmem_shared>>
      %dma_start3A_1428 = arith.constant 0 : i32
      %dma_start3A_1429 = tpu.memref_slice %arg7[%add3A, %run_scoped3A_121, %add3A_119, %dma_start3A_1428] : memref<4x2x16x128xf32, #tpu.memory_space<vmem_shared>> -> memref<1x1x1x128xf32, #tpu.memory_space<vmem_shared>>
      %dma_start3A_1430 = tpu.memref_squeeze %dma_start3A_1429 : memref<1x1x1x128xf32, #tpu.memory_space<vmem_shared>> -> memref<128xf32, #tpu.memory_space<vmem_shared>>
      %dma_start3A_1431 = arith.constant 0 : i32
      %dma_start3A_1432 = tpu.memref_slice %arg6[%run_scoped3A_120, %dma_start3A_1431] : memref<4x128xf32, #tpu.memory_space<vmem>> -> memref<1x128xf32, #tpu.memory_space<vmem>>
      %dma_start3A_1433 = tpu.memref_squeeze %dma_start3A_1432 : memref<1x128xf32, #tpu.memory_space<vmem>> -> memref<128xf32, #tpu.memory_space<vmem>>
      tpu.enqueue_dma source(%dma_start3A_1433 : memref<128xf32, #tpu.memory_space<vmem>>) target(%dma_start3A_1430 : memref<128xf32, #tpu.memory_space<vmem_shared>>) target_semaphore(%run_scoped3A_1421 : memref<!tpu.dma_semaphore, #tpu.memory_space<semaphore_mem>>)
      %dma_wait3A_1434 = arith.constant 0 : i32
      %dma_wait3A_1435 = tpu.memref_slice %arg6[%run_scoped3A_120, %dma_wait3A_1434] : memref<4x128xf32, #tpu.memory_space<vmem>> -> memref<1x128xf32, #tpu.memory_space<vmem>>
      %dma_wait3A_1436 = tpu.memref_squeeze %dma_wait3A_1435 : memref<1x128xf32, #tpu.memory_space<vmem>> -> memref<128xf32, #tpu.memory_space<vmem>>
      %dma_wait3A_1437 = arith.constant 0 : i32
      %dma_wait3A_1438 = tpu.memref_slice %arg7[%add3A, %run_scoped3A_121, %add3A_119, %dma_wait3A_1437] : memref<4x2x16x128xf32, #tpu.memory_space<vmem_shared>> -> memref<1x1x1x128xf32, #tpu.memory_space<vmem_shared>>
      %dma_wait3A_1439 = tpu.memref_squeeze %dma_wait3A_1438 : memref<1x1x1x128xf32, #tpu.memory_space<vmem_shared>> -> memref<128xf32, #tpu.memory_space<vmem_shared>>
      %dma_wait3A_1440 = arith.constant 0 : i32
      %dma_wait3A_1441 = tpu.memref_slice %arg7[%add3A, %run_scoped3A_121, %add3A_119, %dma_wait3A_1440] : memref<4x2x16x128xf32, #tpu.memory_space<vmem_shared>> -> memref<1x1x1x128xf32, #tpu.memory_space<vmem_shared>>
      %dma_wait3A_1442 = tpu.memref_squeeze %dma_wait3A_1441 : memref<1x1x1x128xf32, #tpu.memory_space<vmem_shared>> -> memref<128xf32, #tpu.memory_space<vmem_shared>>
      %dma_wait3A_1443 = arith.constant 0 : i32
      %dma_wait3A_1444 = tpu.memref_slice %arg6[%run_scoped3A_120, %dma_wait3A_1443] : memref<4x128xf32, #tpu.memory_space<vmem>> -> memref<1x128xf32, #tpu.memory_space<vmem>>
      %dma_wait3A_1445 = tpu.memref_squeeze %dma_wait3A_1444 : memref<1x128xf32, #tpu.memory_space<vmem>> -> memref<128xf32, #tpu.memory_space<vmem>>
      tpu.wait_dma2 semaphore(%run_scoped3A_1421 : memref<!tpu.dma_semaphore, #tpu.memory_space<semaphore_mem>>) src(%dma_wait3A_1445 : memref<128xf32, #tpu.memory_space<vmem>>) dst(%dma_wait3A_1442 : memref<128xf32, #tpu.memory_space<vmem_shared>>)
      tpu.yield
    }) : () -> ()
    %run_scoped3A_122 = arith.constant 3 : i32
    %run_scoped3A_123 = arith.constant 1 : i32
    "tpu.region"() ({
      %run_scoped3A_1421 = tpu.sem_alloc : memref<!tpu.dma_semaphore, #tpu.memory_space<semaphore_mem>>
      %dma_start3A_1422 = arith.constant 0 : i32
      %dma_start3A_1423 = tpu.memref_slice %arg6[%run_scoped3A_122, %dma_start3A_1422] : memref<4x128xf32, #tpu.memory_space<vmem>> -> memref<1x128xf32, #tpu.memory_space<vmem>>
      %dma_start3A_1424 = tpu.memref_squeeze %dma_start3A_1423 : memref<1x128xf32, #tpu.memory_space<vmem>> -> memref<128xf32, #tpu.memory_space<vmem>>
      %dma_start3A_1425 = arith.constant 0 : i32
      %dma_start3A_1426 = tpu.memref_slice %arg7[%add3A, %run_scoped3A_123, %add3A_119, %dma_start3A_1425] : memref<4x2x16x128xf32, #tpu.memory_space<vmem_shared>> -> memref<1x1x1x128xf32, #tpu.memory_space<vmem_shared>>
      %dma_start3A_1427 = tpu.memref_squeeze %dma_start3A_1426 : memref<1x1x1x128xf32, #tpu.memory_space<vmem_shared>> -> memref<128xf32, #tpu.memory_space<vmem_shared>>
      %dma_start3A_1428 = arith.constant 0 : i32
      %dma_start3A_1429 = tpu.memref_slice %arg7[%add3A, %run_scoped3A_123, %add3A_119, %dma_start3A_1428] : memref<4x2x16x128xf32, #tpu.memory_space<vmem_shared>> -> memref<1x1x1x128xf32, #tpu.memory_space<vmem_shared>>
      %dma_start3A_1430 = tpu.memref_squeeze %dma_start3A_1429 : memref<1x1x1x128xf32, #tpu.memory_space<vmem_shared>> -> memref<128xf32, #tpu.memory_space<vmem_shared>>
      %dma_start3A_1431 = arith.constant 0 : i32
      %dma_start3A_1432 = tpu.memref_slice %arg6[%run_scoped3A_122, %dma_start3A_1431] : memref<4x128xf32, #tpu.memory_space<vmem>> -> memref<1x128xf32, #tpu.memory_space<vmem>>
      %dma_start3A_1433 = tpu.memref_squeeze %dma_start3A_1432 : memref<1x128xf32, #tpu.memory_space<vmem>> -> memref<128xf32, #tpu.memory_space<vmem>>
      tpu.enqueue_dma source(%dma_start3A_1433 : memref<128xf32, #tpu.memory_space<vmem>>) target(%dma_start3A_1430 : memref<128xf32, #tpu.memory_space<vmem_shared>>) target_semaphore(%run_scoped3A_1421 : memref<!tpu.dma_semaphore, #tpu.memory_space<semaphore_mem>>)
      %dma_wait3A_1434 = arith.constant 0 : i32
      %dma_wait3A_1435 = tpu.memref_slice %arg6[%run_scoped3A_122, %dma_wait3A_1434] : memref<4x128xf32, #tpu.memory_space<vmem>> -> memref<1x128xf32, #tpu.memory_space<vmem>>
      %dma_wait3A_1436 = tpu.memref_squeeze %dma_wait3A_1435 : memref<1x128xf32, #tpu.memory_space<vmem>> -> memref<128xf32, #tpu.memory_space<vmem>>
      %dma_wait3A_1437 = arith.constant 0 : i32
      %dma_wait3A_1438 = tpu.memref_slice %arg7[%add3A, %run_scoped3A_123, %add3A_119, %dma_wait3A_1437] : memref<4x2x16x128xf32, #tpu.memory_space<vmem_shared>> -> memref<1x1x1x128xf32, #tpu.memory_space<vmem_shared>>
      %dma_wait3A_1439 = tpu.memref_squeeze %dma_wait3A_1438 : memref<1x1x1x128xf32, #tpu.memory_space<vmem_shared>> -> memref<128xf32, #tpu.memory_space<vmem_shared>>
      %dma_wait3A_1440 = arith.constant 0 : i32
      %dma_wait3A_1441 = tpu.memref_slice %arg7[%add3A, %run_scoped3A_123, %add3A_119, %dma_wait3A_1440] : memref<4x2x16x128xf32, #tpu.memory_space<vmem_shared>> -> memref<1x1x1x128xf32, #tpu.memory_space<vmem_shared>>
      %dma_wait3A_1442 = tpu.memref_squeeze %dma_wait3A_1441 : memref<1x1x1x128xf32, #tpu.memory_space<vmem_shared>> -> memref<128xf32, #tpu.memory_space<vmem_shared>>
      %dma_wait3A_1443 = arith.constant 0 : i32
      %dma_wait3A_1444 = tpu.memref_slice %arg6[%run_scoped3A_122, %dma_wait3A_1443] : memref<4x128xf32, #tpu.memory_space<vmem>> -> memref<1x128xf32, #tpu.memory_space<vmem>>
      %dma_wait3A_1445 = tpu.memref_squeeze %dma_wait3A_1444 : memref<1x128xf32, #tpu.memory_space<vmem>> -> memref<128xf32, #tpu.memory_space<vmem>>
      tpu.wait_dma2 semaphore(%run_scoped3A_1421 : memref<!tpu.dma_semaphore, #tpu.memory_space<semaphore_mem>>) src(%dma_wait3A_1445 : memref<128xf32, #tpu.memory_space<vmem>>) dst(%dma_wait3A_1442 : memref<128xf32, #tpu.memory_space<vmem_shared>>)
      tpu.yield
    }) : () -> ()
    %barrier3A = arith.constant 0 : index
    tpu.barrier barrier_id(%barrier3A)
    %run_scoped3A_124 = arith.constant 0 : i32
    "tpu.region"() ({
      %run_scoped3A_1421 = tpu.sem_alloc : memref<!tpu.dma_semaphore, #tpu.memory_space<semaphore_mem>>
      %dma_start3A_1422 = arith.constant 0 : i32
      %dma_start3A_1423 = arith.constant 0 : i32
      %dma_start3A_1424 = tpu.memref_slice %arg7[%add3A, %run_scoped3A_124, %dma_start3A_1422, %dma_start3A_1423] : memref<4x2x16x128xf32, #tpu.memory_space<vmem_shared>> -> memref<1x1x16x128xf32, #tpu.memory_space<vmem_shared>>
      %dma_start3A_1425 = tpu.memref_squeeze %dma_start3A_1424 : memref<1x1x16x128xf32, #tpu.memory_space<vmem_shared>> -> memref<16x128xf32, #tpu.memory_space<vmem_shared>>
      %dma_start3A_1426 = arith.constant 0 : i32
      %dma_start3A_1427 = arith.constant 0 : i32
      %dma_start3A_1428 = tpu.memref_slice %arg7[%add3A, %run_scoped3A_124, %dma_start3A_1426, %dma_start3A_1427] : memref<4x2x16x128xf32, #tpu.memory_space<vmem_shared>> -> memref<1x1x16x128xf32, #tpu.memory_space<vmem_shared>>
      %dma_start3A_1429 = tpu.memref_squeeze %dma_start3A_1428 : memref<1x1x16x128xf32, #tpu.memory_space<vmem_shared>> -> memref<16x128xf32, #tpu.memory_space<vmem_shared>>
      tpu.enqueue_dma source(%dma_start3A_1429 : memref<16x128xf32, #tpu.memory_space<vmem_shared>>) target(%arg8 : memref<16x128xf32, #tpu.memory_space<vmem>>) target_semaphore(%run_scoped3A_1421 : memref<!tpu.dma_semaphore, #tpu.memory_space<semaphore_mem>>)
      %dma_wait3A_1430 = arith.constant 0 : i32
      %dma_wait3A_1431 = arith.constant 0 : i32
      %dma_wait3A_1432 = tpu.memref_slice %arg7[%add3A, %run_scoped3A_124, %dma_wait3A_1430, %dma_wait3A_1431] : memref<4x2x16x128xf32, #tpu.memory_space<vmem_shared>> -> memref<1x1x16x128xf32, #tpu.memory_space<vmem_shared>>
      %dma_wait3A_1433 = tpu.memref_squeeze %dma_wait3A_1432 : memref<1x1x16x128xf32, #tpu.memory_space<vmem_shared>> -> memref<16x128xf32, #tpu.memory_space<vmem_shared>>
      %dma_wait3A_1434 = arith.constant 0 : i32
      %dma_wait3A_1435 = arith.constant 0 : i32
      %dma_wait3A_1436 = tpu.memref_slice %arg7[%add3A, %run_scoped3A_124, %dma_wait3A_1434, %dma_wait3A_1435] : memref<4x2x16x128xf32, #tpu.memory_space<vmem_shared>> -> memref<1x1x16x128xf32, #tpu.memory_space<vmem_shared>>
      %dma_wait3A_1437 = tpu.memref_squeeze %dma_wait3A_1436 : memref<1x1x16x128xf32, #tpu.memory_space<vmem_shared>> -> memref<16x128xf32, #tpu.memory_space<vmem_shared>>
      tpu.wait_dma2 semaphore(%run_scoped3A_1421 : memref<!tpu.dma_semaphore, #tpu.memory_space<semaphore_mem>>) src(%dma_wait3A_1437 : memref<16x128xf32, #tpu.memory_space<vmem_shared>>) dst(%arg8 : memref<16x128xf32, #tpu.memory_space<vmem>>)
      tpu.yield
    }) : () -> ()
    %run_scoped3A_125 = arith.constant 1 : i32
    "tpu.region"() ({
      %run_scoped3A_1421 = tpu.sem_alloc : memref<!tpu.dma_semaphore, #tpu.memory_space<semaphore_mem>>
      %dma_start3A_1422 = arith.constant 0 : i32
      %dma_start3A_1423 = arith.constant 0 : i32
      %dma_start3A_1424 = tpu.memref_slice %arg7[%add3A, %run_scoped3A_125, %dma_start3A_1422, %dma_start3A_1423] : memref<4x2x16x128xf32, #tpu.memory_space<vmem_shared>> -> memref<1x1x16x128xf32, #tpu.memory_space<vmem_shared>>
      %dma_start3A_1425 = tpu.memref_squeeze %dma_start3A_1424 : memref<1x1x16x128xf32, #tpu.memory_space<vmem_shared>> -> memref<16x128xf32, #tpu.memory_space<vmem_shared>>
      %dma_start3A_1426 = arith.constant 0 : i32
      %dma_start3A_1427 = arith.constant 0 : i32
      %dma_start3A_1428 = tpu.memref_slice %arg7[%add3A, %run_scoped3A_125, %dma_start3A_1426, %dma_start3A_1427] : memref<4x2x16x128xf32, #tpu.memory_space<vmem_shared>> -> memref<1x1x16x128xf32, #tpu.memory_space<vmem_shared>>
      %dma_start3A_1429 = tpu.memref_squeeze %dma_start3A_1428 : memref<1x1x16x128xf32, #tpu.memory_space<vmem_shared>> -> memref<16x128xf32, #tpu.memory_space<vmem_shared>>
      tpu.enqueue_dma source(%dma_start3A_1429 : memref<16x128xf32, #tpu.memory_space<vmem_shared>>) target(%arg9 : memref<16x128xf32, #tpu.memory_space<vmem>>) target_semaphore(%run_scoped3A_1421 : memref<!tpu.dma_semaphore, #tpu.memory_space<semaphore_mem>>)
      %dma_wait3A_1430 = arith.constant 0 : i32
      %dma_wait3A_1431 = arith.constant 0 : i32
      %dma_wait3A_1432 = tpu.memref_slice %arg7[%add3A, %run_scoped3A_125, %dma_wait3A_1430, %dma_wait3A_1431] : memref<4x2x16x128xf32, #tpu.memory_space<vmem_shared>> -> memref<1x1x16x128xf32, #tpu.memory_space<vmem_shared>>
      %dma_wait3A_1433 = tpu.memref_squeeze %dma_wait3A_1432 : memref<1x1x16x128xf32, #tpu.memory_space<vmem_shared>> -> memref<16x128xf32, #tpu.memory_space<vmem_shared>>
      %dma_wait3A_1434 = arith.constant 0 : i32
      %dma_wait3A_1435 = arith.constant 0 : i32
      %dma_wait3A_1436 = tpu.memref_slice %arg7[%add3A, %run_scoped3A_125, %dma_wait3A_1434, %dma_wait3A_1435] : memref<4x2x16x128xf32, #tpu.memory_space<vmem_shared>> -> memref<1x1x16x128xf32, #tpu.memory_space<vmem_shared>>
      %dma_wait3A_1437 = tpu.memref_squeeze %dma_wait3A_1436 : memref<1x1x16x128xf32, #tpu.memory_space<vmem_shared>> -> memref<16x128xf32, #tpu.memory_space<vmem_shared>>
      tpu.wait_dma2 semaphore(%run_scoped3A_1421 : memref<!tpu.dma_semaphore, #tpu.memory_space<semaphore_mem>>) src(%dma_wait3A_1437 : memref<16x128xf32, #tpu.memory_space<vmem_shared>>) dst(%arg9 : memref<16x128xf32, #tpu.memory_space<vmem>>)
      tpu.yield
    }) : () -> ()
    %mul3A_126 = arith.constant 2 : i32
    %mul3A_127 = vector.broadcast %mul3A_126 : i32 to vector<16xi32>
    %mul3A_128 = arith.muli %iota3A, %mul3A_127 : vector<16xi32>
    %min3A = arith.constant 15 : i32
    %min3A_129 = vector.broadcast %min3A : i32 to vector<16xi32>
    %min3A_130 = arith.minsi %mul3A_128, %min3A_129 : vector<16xi32>
    %mul3A_131 = arith.constant 2 : i32
    %mul3A_132 = vector.broadcast %mul3A_131 : i32 to vector<16xi32>
    %mul3A_133 = arith.muli %iota3A, %mul3A_132 : vector<16xi32>
    %add3A_134 = arith.constant 1 : i32
    %add3A_135 = vector.broadcast %add3A_134 : i32 to vector<16xi32>
    %add3A_136 = arith.addi %mul3A_133, %add3A_135 : vector<16xi32>
    %min3A_137 = arith.constant 15 : i32
    %min3A_138 = vector.broadcast %min3A_137 : i32 to vector<16xi32>
    %min3A_139 = arith.minsi %add3A_136, %min3A_138 : vector<16xi32>
    %scan3A_140 = arith.constant 0 : i32
    %scan3A_141 = arith.constant 0 : i32
    %scan3A_142 = arith.constant 8 : i32
    %scan3A_143 = arith.addi %scan3A_141, %scan3A_142 : i32
    %scan3A_144 = arith.constant 1 : i32
    scf.for %scan3A_1421 = %scan3A_141 to %scan3A_143 step %scan3A_144  : i32 {
      %mul3A_1422 = arith.constant 2 : i32
      %mul3A_1423 = arith.muli %mul3A_1422, %scan3A_1421 : i32
      %get3A_1424 = arith.index_cast %mul3A_1423 : i32 to index
      %get3A_1425 = arith.constant 0 : index
      %get3A_1426 = tpu.vector_load %arg8[%get3A_1424, %get3A_1425] {strides = array<i32>} : memref<16x128xf32, #tpu.memory_space<vmem>>, vector<16xf32>,
      %mul3A_1427 = arith.constant 2 : i32
      %mul3A_1428 = arith.muli %mul3A_1427, %scan3A_1421 : i32
      %add3A_1429 = arith.constant 1 : i32
      %add3A_1430 = arith.addi %mul3A_1428, %add3A_1429 : i32
      %get3A_1431 = arith.index_cast %add3A_1430 : i32 to index
      %get3A_1432 = arith.constant 0 : index
      %get3A_1433 = tpu.vector_load %arg8[%get3A_1431, %get3A_1432] {strides = array<i32>} : memref<16x128xf32, #tpu.memory_space<vmem>>, vector<16xf32>,
      %mul3A_1434 = arith.constant 2 : i32
      %mul3A_1435 = arith.muli %mul3A_1434, %scan3A_1421 : i32
      %get3A_1436 = arith.index_cast %mul3A_1435 : i32 to index
      %get3A_1437 = arith.constant 0 : index
      %get3A_1438 = tpu.vector_load %arg9[%get3A_1436, %get3A_1437] {strides = array<i32>} : memref<16x128xf32, #tpu.memory_space<vmem>>, vector<16xf32>,
      %mul3A_1439 = arith.constant 2 : i32
      %mul3A_1440 = arith.muli %mul3A_1439, %scan3A_1421 : i32
      %add3A_1441 = arith.constant 1 : i32
      %add3A_1442 = arith.addi %mul3A_1440, %add3A_1441 : i32
      %get3A_1443 = arith.index_cast %add3A_1442 : i32 to index
      %get3A_1444 = arith.constant 0 : index
      %get3A_1445 = tpu.vector_load %arg9[%get3A_1443, %get3A_1444] {strides = array<i32>} : memref<16x128xf32, #tpu.memory_space<vmem>>, vector<16xf32>,
      %reshape3A_1446 = vector.shape_cast %min3A_130 : vector<16xi32> to vector<16x1xi32>
      %gather3A_1447 = vector.shape_cast %reshape3A_1446 : vector<16x1xi32> to vector<16xi32>
      %gather3A_1448 = tpu.dynamic_gather %get3A_1426[%gather3A_1447] in [0] : vector<16xf32>, vector<16xi32> -> vector<16xf32>
      %reshape3A_1449 = vector.shape_cast %min3A_139 : vector<16xi32> to vector<16x1xi32>
      %gather3A_1450 = vector.shape_cast %reshape3A_1449 : vector<16x1xi32> to vector<16xi32>
      %gather3A_1451 = tpu.dynamic_gather %get3A_1426[%gather3A_1450] in [0] : vector<16xf32>, vector<16xi32> -> vector<16xf32>
      %reshape3A_1452 = vector.shape_cast %min3A_130 : vector<16xi32> to vector<16x1xi32>
      %gather3A_1453 = vector.shape_cast %reshape3A_1452 : vector<16x1xi32> to vector<16xi32>
      %gather3A_1454 = tpu.dynamic_gather %get3A_1433[%gather3A_1453] in [0] : vector<16xf32>, vector<16xi32> -> vector<16xf32>
      %reshape3A_1455 = vector.shape_cast %min3A_139 : vector<16xi32> to vector<16x1xi32>
      %gather3A_1456 = vector.shape_cast %reshape3A_1455 : vector<16x1xi32> to vector<16xi32>
      %gather3A_1457 = tpu.dynamic_gather %get3A_1433[%gather3A_1456] in [0] : vector<16xf32>, vector<16xi32> -> vector<16xf32>
      %reshape3A_1458 = vector.shape_cast %min3A_130 : vector<16xi32> to vector<16x1xi32>
      %gather3A_1459 = vector.shape_cast %reshape3A_1458 : vector<16x1xi32> to vector<16xi32>
      %gather3A_1460 = tpu.dynamic_gather %get3A_1438[%gather3A_1459] in [0] : vector<16xf32>, vector<16xi32> -> vector<16xf32>
      %reshape3A_1461 = vector.shape_cast %min3A_139 : vector<16xi32> to vector<16x1xi32>
      %gather3A_1462 = vector.shape_cast %reshape3A_1461 : vector<16x1xi32> to vector<16xi32>
      %gather3A_1463 = tpu.dynamic_gather %get3A_1438[%gather3A_1462] in [0] : vector<16xf32>, vector<16xi32> -> vector<16xf32>
      %reshape3A_1464 = vector.shape_cast %min3A_130 : vector<16xi32> to vector<16x1xi32>
      %gather3A_1465 = vector.shape_cast %reshape3A_1464 : vector<16x1xi32> to vector<16xi32>
      %gather3A_1466 = tpu.dynamic_gather %get3A_1445[%gather3A_1465] in [0] : vector<16xf32>, vector<16xi32> -> vector<16xf32>
      %reshape3A_1467 = vector.shape_cast %min3A_139 : vector<16xi32> to vector<16x1xi32>
      %gather3A_1468 = vector.shape_cast %reshape3A_1467 : vector<16x1xi32> to vector<16xi32>
      %gather3A_1469 = tpu.dynamic_gather %get3A_1445[%gather3A_1468] in [0] : vector<16xf32>, vector<16xi32> -> vector<16xf32>
      %add3A_1470 = arith.addf %gather3A_1448, %gather3A_1451 : vector<16xf32>
      %add3A_1471 = arith.addf %add3A_1470, %gather3A_1454 : vector<16xf32>
      %add3A_1472 = arith.addf %add3A_1471, %gather3A_1457 : vector<16xf32>
      %mul3A_1473 = arith.constant 2.44140625E-4 : f32
      %mul3A_1474 = vector.broadcast %mul3A_1473 : f32 to vector<16xf32>
      %mul3A_1475 = arith.mulf %add3A_1472, %mul3A_1474 : vector<16xf32>
      %mul3A_1476 = arith.constant 9.765625E-4 : f32
      %mul3A_1477 = vector.broadcast %mul3A_1476 : f32 to vector<16xf32>
      %mul3A_1478 = arith.mulf %gather3A_1448, %mul3A_1477 : vector<16xf32>
      %sub3A_1479 = arith.subf %mul3A_1478, %mul3A_1475 : vector<16xf32>
      %mul3A_1480 = arith.constant 9.765625E-4 : f32
      %mul3A_1481 = vector.broadcast %mul3A_1480 : f32 to vector<16xf32>
      %mul3A_1482 = arith.mulf %gather3A_1451, %mul3A_1481 : vector<16xf32>
      %sub3A_1483 = arith.subf %mul3A_1482, %mul3A_1475 : vector<16xf32>
      %mul3A_1484 = arith.constant 9.765625E-4 : f32
      %mul3A_1485 = vector.broadcast %mul3A_1484 : f32 to vector<16xf32>
      %mul3A_1486 = arith.mulf %gather3A_1454, %mul3A_1485 : vector<16xf32>
      %sub3A_1487 = arith.subf %mul3A_1486, %mul3A_1475 : vector<16xf32>
      %mul3A_1488 = arith.constant 9.765625E-4 : f32
      %mul3A_1489 = vector.broadcast %mul3A_1488 : f32 to vector<16xf32>
      %mul3A_1490 = arith.mulf %gather3A_1457, %mul3A_1489 : vector<16xf32>
      %sub3A_1491 = arith.subf %mul3A_1490, %mul3A_1475 : vector<16xf32>
      %add3A_1492 = arith.addf %gather3A_1460, %gather3A_1463 : vector<16xf32>
      %add3A_1493 = arith.addf %add3A_1492, %gather3A_1466 : vector<16xf32>
      %add3A_1494 = arith.addf %add3A_1493, %gather3A_1469 : vector<16xf32>
      %mul3A_1495 = arith.mulf %sub3A_1479, %sub3A_1479 : vector<16xf32>
      %mul3A_1496 = arith.mulf %sub3A_1483, %sub3A_1483 : vector<16xf32>
      %add3A_1497 = arith.addf %mul3A_1495, %mul3A_1496 : vector<16xf32>
      %mul3A_1498 = arith.mulf %sub3A_1487, %sub3A_1487 : vector<16xf32>
      %add3A_1499 = arith.addf %add3A_1497, %mul3A_1498 : vector<16xf32>
      %mul3A_1500 = arith.mulf %sub3A_1491, %sub3A_1491 : vector<16xf32>
      %add3A_1501 = arith.addf %add3A_1499, %mul3A_1500 : vector<16xf32>
      %mul3A_1502 = arith.constant 1.024000e+03 : f32
      %mul3A_1503 = vector.broadcast %mul3A_1502 : f32 to vector<16xf32>
      %mul3A_1504 = arith.mulf %mul3A_1503, %add3A_1501 : vector<16xf32>
      %add3A_1505 = arith.addf %add3A_1494, %mul3A_1504 : vector<16xf32>
      %add3A_1506 = arith.constant 0 : i32
      %add3A_1507 = arith.addi %add3A_1506, %scan3A_1421 : i32
      %swap3A_1508 = arith.index_cast %add3A_1507 : i32 to index
      %swap3A_1509 = arith.constant 0 : index
      %swap3A_1510 = tpu.vector_load %arg10[%swap3A_1508, %swap3A_1509] {strides = array<i32>} : memref<16x128xf32, #tpu.memory_space<vmem>>, vector<16xf32>,
      tpu.vector_store %arg10[%swap3A_1508, %swap3A_1509], %add3A_1472 {strides = array<i32>} : memref<16x128xf32, #tpu.memory_space<vmem>>, vector<16xf32>,
      %add3A_1511 = arith.constant 0 : i32
      %add3A_1512 = arith.addi %add3A_1511, %scan3A_1421 : i32
      %swap3A_1513 = arith.index_cast %add3A_1512 : i32 to index
      %swap3A_1514 = arith.constant 0 : index
      %swap3A_1515 = tpu.vector_load %arg11[%swap3A_1513, %swap3A_1514] {strides = array<i32>} : memref<16x128xf32, #tpu.memory_space<vmem>>, vector<16xf32>,
      tpu.vector_store %arg11[%swap3A_1513, %swap3A_1514], %add3A_1505 {strides = array<i32>} : memref<16x128xf32, #tpu.memory_space<vmem>>, vector<16xf32>,
    }
    %scan3A_145 = arith.constant 8 : i32
    %get3A_146 = arith.constant 0 : i32
    %get3A_147 = arith.index_cast %get3A_146 : i32 to index
    %get3A_148 = arith.constant 0 : index
    %get3A_149 = tpu.vector_load %arg10[%get3A_147, %get3A_148] {strides = array<i32>} : memref<16x128xf32, #tpu.memory_space<vmem>>, vector<16xf32>,
    %get3A_150 = arith.constant 1 : i32
    %get3A_151 = arith.index_cast %get3A_150 : i32 to index
    %get3A_152 = arith.constant 0 : index
    %get3A_153 = tpu.vector_load %arg10[%get3A_151, %get3A_152] {strides = array<i32>} : memref<16x128xf32, #tpu.memory_space<vmem>>, vector<16xf32>,
    %get3A_154 = arith.constant 0 : i32
    %get3A_155 = arith.index_cast %get3A_154 : i32 to index
    %get3A_156 = arith.constant 0 : index
    %get3A_157 = tpu.vector_load %arg11[%get3A_155, %get3A_156] {strides = array<i32>} : memref<16x128xf32, #tpu.memory_space<vmem>>, vector<16xf32>,
    %get3A_158 = arith.constant 1 : i32
    %get3A_159 = arith.index_cast %get3A_158 : i32 to index
    %get3A_160 = arith.constant 0 : index
    %get3A_161 = tpu.vector_load %arg11[%get3A_159, %get3A_160] {strides = array<i32>} : memref<16x128xf32, #tpu.memory_space<vmem>>, vector<16xf32>,
    %reshape3A_162 = vector.shape_cast %min3A_130 : vector<16xi32> to vector<16x1xi32>
    %gather3A_163 = vector.shape_cast %reshape3A_162 : vector<16x1xi32> to vector<16xi32>
    %gather3A_164 = tpu.dynamic_gather %get3A_149[%gather3A_163] in [0] : vector<16xf32>, vector<16xi32> -> vector<16xf32>
    %reshape3A_165 = vector.shape_cast %min3A_139 : vector<16xi32> to vector<16x1xi32>
    %gather3A_166 = vector.shape_cast %reshape3A_165 : vector<16x1xi32> to vector<16xi32>
    %gather3A_167 = tpu.dynamic_gather %get3A_149[%gather3A_166] in [0] : vector<16xf32>, vector<16xi32> -> vector<16xf32>
    %reshape3A_168 = vector.shape_cast %min3A_130 : vector<16xi32> to vector<16x1xi32>
    %gather3A_169 = vector.shape_cast %reshape3A_168 : vector<16x1xi32> to vector<16xi32>
    %gather3A_170 = tpu.dynamic_gather %get3A_153[%gather3A_169] in [0] : vector<16xf32>, vector<16xi32> -> vector<16xf32>
    %reshape3A_171 = vector.shape_cast %min3A_139 : vector<16xi32> to vector<16x1xi32>
    %gather3A_172 = vector.shape_cast %reshape3A_171 : vector<16x1xi32> to vector<16xi32>
    %gather3A_173 = tpu.dynamic_gather %get3A_153[%gather3A_172] in [0] : vector<16xf32>, vector<16xi32> -> vector<16xf32>
    %reshape3A_174 = vector.shape_cast %min3A_130 : vector<16xi32> to vector<16x1xi32>
    %gather3A_175 = vector.shape_cast %reshape3A_174 : vector<16x1xi32> to vector<16xi32>
    %gather3A_176 = tpu.dynamic_gather %get3A_157[%gather3A_175] in [0] : vector<16xf32>, vector<16xi32> -> vector<16xf32>
    %reshape3A_177 = vector.shape_cast %min3A_139 : vector<16xi32> to vector<16x1xi32>
    %gather3A_178 = vector.shape_cast %reshape3A_177 : vector<16x1xi32> to vector<16xi32>
    %gather3A_179 = tpu.dynamic_gather %get3A_157[%gather3A_178] in [0] : vector<16xf32>, vector<16xi32> -> vector<16xf32>
    %reshape3A_180 = vector.shape_cast %min3A_130 : vector<16xi32> to vector<16x1xi32>
    %gather3A_181 = vector.shape_cast %reshape3A_180 : vector<16x1xi32> to vector<16xi32>
    %gather3A_182 = tpu.dynamic_gather %get3A_161[%gather3A_181] in [0] : vector<16xf32>, vector<16xi32> -> vector<16xf32>
    %reshape3A_183 = vector.shape_cast %min3A_139 : vector<16xi32> to vector<16x1xi32>
    %gather3A_184 = vector.shape_cast %reshape3A_183 : vector<16x1xi32> to vector<16xi32>
    %gather3A_185 = tpu.dynamic_gather %get3A_161[%gather3A_184] in [0] : vector<16xf32>, vector<16xi32> -> vector<16xf32>
    %add3A_186 = arith.addf %gather3A_164, %gather3A_167 : vector<16xf32>
    %add3A_187 = arith.addf %add3A_186, %gather3A_170 : vector<16xf32>
    %add3A_188 = arith.addf %add3A_187, %gather3A_173 : vector<16xf32>
    %mul3A_189 = arith.constant 6.10351563E-5 : f32
    %mul3A_190 = vector.broadcast %mul3A_189 : f32 to vector<16xf32>
    %mul3A_191 = arith.mulf %add3A_188, %mul3A_190 : vector<16xf32>
    %mul3A_192 = arith.constant 2.44140625E-4 : f32
    %mul3A_193 = vector.broadcast %mul3A_192 : f32 to vector<16xf32>
    %mul3A_194 = arith.mulf %gather3A_164, %mul3A_193 : vector<16xf32>
    %sub3A_195 = arith.subf %mul3A_194, %mul3A_191 : vector<16xf32>
    %mul3A_196 = arith.constant 2.44140625E-4 : f32
    %mul3A_197 = vector.broadcast %mul3A_196 : f32 to vector<16xf32>
    %mul3A_198 = arith.mulf %gather3A_167, %mul3A_197 : vector<16xf32>
    %sub3A_199 = arith.subf %mul3A_198, %mul3A_191 : vector<16xf32>
    %mul3A_200 = arith.constant 2.44140625E-4 : f32
    %mul3A_201 = vector.broadcast %mul3A_200 : f32 to vector<16xf32>
    %mul3A_202 = arith.mulf %gather3A_170, %mul3A_201 : vector<16xf32>
    %sub3A_203 = arith.subf %mul3A_202, %mul3A_191 : vector<16xf32>
    %mul3A_204 = arith.constant 2.44140625E-4 : f32
    %mul3A_205 = vector.broadcast %mul3A_204 : f32 to vector<16xf32>
    %mul3A_206 = arith.mulf %gather3A_173, %mul3A_205 : vector<16xf32>
    %sub3A_207 = arith.subf %mul3A_206, %mul3A_191 : vector<16xf32>
    %add3A_208 = arith.addf %gather3A_176, %gather3A_179 : vector<16xf32>
    %add3A_209 = arith.addf %add3A_208, %gather3A_182 : vector<16xf32>
    %add3A_210 = arith.addf %add3A_209, %gather3A_185 : vector<16xf32>
    %mul3A_211 = arith.mulf %sub3A_195, %sub3A_195 : vector<16xf32>
    %mul3A_212 = arith.mulf %sub3A_199, %sub3A_199 : vector<16xf32>
    %add3A_213 = arith.addf %mul3A_211, %mul3A_212 : vector<16xf32>
    %mul3A_214 = arith.mulf %sub3A_203, %sub3A_203 : vector<16xf32>
    %add3A_215 = arith.addf %add3A_213, %mul3A_214 : vector<16xf32>
    %mul3A_216 = arith.mulf %sub3A_207, %sub3A_207 : vector<16xf32>
    %add3A_217 = arith.addf %add3A_215, %mul3A_216 : vector<16xf32>
    %mul3A_218 = arith.constant 4.096000e+03 : f32
    %mul3A_219 = vector.broadcast %mul3A_218 : f32 to vector<16xf32>
    %mul3A_220 = arith.mulf %mul3A_219, %add3A_217 : vector<16xf32>
    %add3A_221 = arith.addf %add3A_210, %mul3A_220 : vector<16xf32>
    %swap3A_222 = arith.constant 8 : i32
    %swap3A_223 = arith.index_cast %swap3A_222 : i32 to index
    %swap3A_224 = arith.constant 0 : index
    %swap3A_225 = tpu.vector_load %arg10[%swap3A_223, %swap3A_224] {strides = array<i32>} : memref<16x128xf32, #tpu.memory_space<vmem>>, vector<16xf32>,
    tpu.vector_store %arg10[%swap3A_223, %swap3A_224], %add3A_188 {strides = array<i32>} : memref<16x128xf32, #tpu.memory_space<vmem>>, vector<16xf32>,
    %swap3A_226 = arith.constant 8 : i32
    %swap3A_227 = arith.index_cast %swap3A_226 : i32 to index
    %swap3A_228 = arith.constant 0 : index
    %swap3A_229 = tpu.vector_load %arg11[%swap3A_227, %swap3A_228] {strides = array<i32>} : memref<16x128xf32, #tpu.memory_space<vmem>>, vector<16xf32>,
    tpu.vector_store %arg11[%swap3A_227, %swap3A_228], %add3A_221 {strides = array<i32>} : memref<16x128xf32, #tpu.memory_space<vmem>>, vector<16xf32>,
    %get3A_230 = arith.constant 2 : i32
    %get3A_231 = arith.index_cast %get3A_230 : i32 to index
    %get3A_232 = arith.constant 0 : index
    %get3A_233 = tpu.vector_load %arg10[%get3A_231, %get3A_232] {strides = array<i32>} : memref<16x128xf32, #tpu.memory_space<vmem>>, vector<16xf32>,
    %get3A_234 = arith.constant 3 : i32
    %get3A_235 = arith.index_cast %get3A_234 : i32 to index
    %get3A_236 = arith.constant 0 : index
    %get3A_237 = tpu.vector_load %arg10[%get3A_235, %get3A_236] {strides = array<i32>} : memref<16x128xf32, #tpu.memory_space<vmem>>, vector<16xf32>,
    %get3A_238 = arith.constant 2 : i32
    %get3A_239 = arith.index_cast %get3A_238 : i32 to index
    %get3A_240 = arith.constant 0 : index
    %get3A_241 = tpu.vector_load %arg11[%get3A_239, %get3A_240] {strides = array<i32>} : memref<16x128xf32, #tpu.memory_space<vmem>>, vector<16xf32>,
    %get3A_242 = arith.constant 3 : i32
    %get3A_243 = arith.index_cast %get3A_242 : i32 to index
    %get3A_244 = arith.constant 0 : index
    %get3A_245 = tpu.vector_load %arg11[%get3A_243, %get3A_244] {strides = array<i32>} : memref<16x128xf32, #tpu.memory_space<vmem>>, vector<16xf32>,
    %reshape3A_246 = vector.shape_cast %min3A_130 : vector<16xi32> to vector<16x1xi32>
    %gather3A_247 = vector.shape_cast %reshape3A_246 : vector<16x1xi32> to vector<16xi32>
    %gather3A_248 = tpu.dynamic_gather %get3A_233[%gather3A_247] in [0] : vector<16xf32>, vector<16xi32> -> vector<16xf32>
    %reshape3A_249 = vector.shape_cast %min3A_139 : vector<16xi32> to vector<16x1xi32>
    %gather3A_250 = vector.shape_cast %reshape3A_249 : vector<16x1xi32> to vector<16xi32>
    %gather3A_251 = tpu.dynamic_gather %get3A_233[%gather3A_250] in [0] : vector<16xf32>, vector<16xi32> -> vector<16xf32>
    %reshape3A_252 = vector.shape_cast %min3A_130 : vector<16xi32> to vector<16x1xi32>
    %gather3A_253 = vector.shape_cast %reshape3A_252 : vector<16x1xi32> to vector<16xi32>
    %gather3A_254 = tpu.dynamic_gather %get3A_237[%gather3A_253] in [0] : vector<16xf32>, vector<16xi32> -> vector<16xf32>
    %reshape3A_255 = vector.shape_cast %min3A_139 : vector<16xi32> to vector<16x1xi32>
    %gather3A_256 = vector.shape_cast %reshape3A_255 : vector<16x1xi32> to vector<16xi32>
    %gather3A_257 = tpu.dynamic_gather %get3A_237[%gather3A_256] in [0] : vector<16xf32>, vector<16xi32> -> vector<16xf32>
    %reshape3A_258 = vector.shape_cast %min3A_130 : vector<16xi32> to vector<16x1xi32>
    %gather3A_259 = vector.shape_cast %reshape3A_258 : vector<16x1xi32> to vector<16xi32>
    %gather3A_260 = tpu.dynamic_gather %get3A_241[%gather3A_259] in [0] : vector<16xf32>, vector<16xi32> -> vector<16xf32>
    %reshape3A_261 = vector.shape_cast %min3A_139 : vector<16xi32> to vector<16x1xi32>
    %gather3A_262 = vector.shape_cast %reshape3A_261 : vector<16x1xi32> to vector<16xi32>
    %gather3A_263 = tpu.dynamic_gather %get3A_241[%gather3A_262] in [0] : vector<16xf32>, vector<16xi32> -> vector<16xf32>
    %reshape3A_264 = vector.shape_cast %min3A_130 : vector<16xi32> to vector<16x1xi32>
    %gather3A_265 = vector.shape_cast %reshape3A_264 : vector<16x1xi32> to vector<16xi32>
    %gather3A_266 = tpu.dynamic_gather %get3A_245[%gather3A_265] in [0] : vector<16xf32>, vector<16xi32> -> vector<16xf32>
    %reshape3A_267 = vector.shape_cast %min3A_139 : vector<16xi32> to vector<16x1xi32>
    %gather3A_268 = vector.shape_cast %reshape3A_267 : vector<16x1xi32> to vector<16xi32>
    %gather3A_269 = tpu.dynamic_gather %get3A_245[%gather3A_268] in [0] : vector<16xf32>, vector<16xi32> -> vector<16xf32>
    %add3A_270 = arith.addf %gather3A_248, %gather3A_251 : vector<16xf32>
    %add3A_271 = arith.addf %add3A_270, %gather3A_254 : vector<16xf32>
    %add3A_272 = arith.addf %add3A_271, %gather3A_257 : vector<16xf32>
    %mul3A_273 = arith.constant 6.10351563E-5 : f32
    %mul3A_274 = vector.broadcast %mul3A_273 : f32 to vector<16xf32>
    %mul3A_275 = arith.mulf %add3A_272, %mul3A_274 : vector<16xf32>
    %mul3A_276 = arith.constant 2.44140625E-4 : f32
    %mul3A_277 = vector.broadcast %mul3A_276 : f32 to vector<16xf32>
    %mul3A_278 = arith.mulf %gather3A_248, %mul3A_277 : vector<16xf32>
    %sub3A_279 = arith.subf %mul3A_278, %mul3A_275 : vector<16xf32>
    %mul3A_280 = arith.constant 2.44140625E-4 : f32
    %mul3A_281 = vector.broadcast %mul3A_280 : f32 to vector<16xf32>
    %mul3A_282 = arith.mulf %gather3A_251, %mul3A_281 : vector<16xf32>
    %sub3A_283 = arith.subf %mul3A_282, %mul3A_275 : vector<16xf32>
    %mul3A_284 = arith.constant 2.44140625E-4 : f32
    %mul3A_285 = vector.broadcast %mul3A_284 : f32 to vector<16xf32>
    %mul3A_286 = arith.mulf %gather3A_254, %mul3A_285 : vector<16xf32>
    %sub3A_287 = arith.subf %mul3A_286, %mul3A_275 : vector<16xf32>
    %mul3A_288 = arith.constant 2.44140625E-4 : f32
    %mul3A_289 = vector.broadcast %mul3A_288 : f32 to vector<16xf32>
    %mul3A_290 = arith.mulf %gather3A_257, %mul3A_289 : vector<16xf32>
    %sub3A_291 = arith.subf %mul3A_290, %mul3A_275 : vector<16xf32>
    %add3A_292 = arith.addf %gather3A_260, %gather3A_263 : vector<16xf32>
    %add3A_293 = arith.addf %add3A_292, %gather3A_266 : vector<16xf32>
    %add3A_294 = arith.addf %add3A_293, %gather3A_269 : vector<16xf32>
    %mul3A_295 = arith.mulf %sub3A_279, %sub3A_279 : vector<16xf32>
    %mul3A_296 = arith.mulf %sub3A_283, %sub3A_283 : vector<16xf32>
    %add3A_297 = arith.addf %mul3A_295, %mul3A_296 : vector<16xf32>
    %mul3A_298 = arith.mulf %sub3A_287, %sub3A_287 : vector<16xf32>
    %add3A_299 = arith.addf %add3A_297, %mul3A_298 : vector<16xf32>
    %mul3A_300 = arith.mulf %sub3A_291, %sub3A_291 : vector<16xf32>
    %add3A_301 = arith.addf %add3A_299, %mul3A_300 : vector<16xf32>
    %mul3A_302 = arith.constant 4.096000e+03 : f32
    %mul3A_303 = vector.broadcast %mul3A_302 : f32 to vector<16xf32>
    %mul3A_304 = arith.mulf %mul3A_303, %add3A_301 : vector<16xf32>
    %add3A_305 = arith.addf %add3A_294, %mul3A_304 : vector<16xf32>
    %swap3A_306 = arith.constant 9 : i32
    %swap3A_307 = arith.index_cast %swap3A_306 : i32 to index
    %swap3A_308 = arith.constant 0 : index
    %swap3A_309 = tpu.vector_load %arg10[%swap3A_307, %swap3A_308] {strides = array<i32>} : memref<16x128xf32, #tpu.memory_space<vmem>>, vector<16xf32>,
    tpu.vector_store %arg10[%swap3A_307, %swap3A_308], %add3A_272 {strides = array<i32>} : memref<16x128xf32, #tpu.memory_space<vmem>>, vector<16xf32>,
    %swap3A_310 = arith.constant 9 : i32
    %swap3A_311 = arith.index_cast %swap3A_310 : i32 to index
    %swap3A_312 = arith.constant 0 : index
    %swap3A_313 = tpu.vector_load %arg11[%swap3A_311, %swap3A_312] {strides = array<i32>} : memref<16x128xf32, #tpu.memory_space<vmem>>, vector<16xf32>,
    tpu.vector_store %arg11[%swap3A_311, %swap3A_312], %add3A_305 {strides = array<i32>} : memref<16x128xf32, #tpu.memory_space<vmem>>, vector<16xf32>,
    %get3A_314 = arith.constant 4 : i32
    %get3A_315 = arith.index_cast %get3A_314 : i32 to index
    %get3A_316 = arith.constant 0 : index
    %get3A_317 = tpu.vector_load %arg10[%get3A_315, %get3A_316] {strides = array<i32>} : memref<16x128xf32, #tpu.memory_space<vmem>>, vector<16xf32>,
    %get3A_318 = arith.constant 5 : i32
    %get3A_319 = arith.index_cast %get3A_318 : i32 to index
    %get3A_320 = arith.constant 0 : index
    %get3A_321 = tpu.vector_load %arg10[%get3A_319, %get3A_320] {strides = array<i32>} : memref<16x128xf32, #tpu.memory_space<vmem>>, vector<16xf32>,
    %get3A_322 = arith.constant 4 : i32
    %get3A_323 = arith.index_cast %get3A_322 : i32 to index
    %get3A_324 = arith.constant 0 : index
    %get3A_325 = tpu.vector_load %arg11[%get3A_323, %get3A_324] {strides = array<i32>} : memref<16x128xf32, #tpu.memory_space<vmem>>, vector<16xf32>,
    %get3A_326 = arith.constant 5 : i32
    %get3A_327 = arith.index_cast %get3A_326 : i32 to index
    %get3A_328 = arith.constant 0 : index
    %get3A_329 = tpu.vector_load %arg11[%get3A_327, %get3A_328] {strides = array<i32>} : memref<16x128xf32, #tpu.memory_space<vmem>>, vector<16xf32>,
    %reshape3A_330 = vector.shape_cast %min3A_130 : vector<16xi32> to vector<16x1xi32>
    %gather3A_331 = vector.shape_cast %reshape3A_330 : vector<16x1xi32> to vector<16xi32>
    %gather3A_332 = tpu.dynamic_gather %get3A_317[%gather3A_331] in [0] : vector<16xf32>, vector<16xi32> -> vector<16xf32>
    %reshape3A_333 = vector.shape_cast %min3A_139 : vector<16xi32> to vector<16x1xi32>
    %gather3A_334 = vector.shape_cast %reshape3A_333 : vector<16x1xi32> to vector<16xi32>
    %gather3A_335 = tpu.dynamic_gather %get3A_317[%gather3A_334] in [0] : vector<16xf32>, vector<16xi32> -> vector<16xf32>
    %reshape3A_336 = vector.shape_cast %min3A_130 : vector<16xi32> to vector<16x1xi32>
    %gather3A_337 = vector.shape_cast %reshape3A_336 : vector<16x1xi32> to vector<16xi32>
    %gather3A_338 = tpu.dynamic_gather %get3A_321[%gather3A_337] in [0] : vector<16xf32>, vector<16xi32> -> vector<16xf32>
    %reshape3A_339 = vector.shape_cast %min3A_139 : vector<16xi32> to vector<16x1xi32>
    %gather3A_340 = vector.shape_cast %reshape3A_339 : vector<16x1xi32> to vector<16xi32>
    %gather3A_341 = tpu.dynamic_gather %get3A_321[%gather3A_340] in [0] : vector<16xf32>, vector<16xi32> -> vector<16xf32>
    %reshape3A_342 = vector.shape_cast %min3A_130 : vector<16xi32> to vector<16x1xi32>
    %gather3A_343 = vector.shape_cast %reshape3A_342 : vector<16x1xi32> to vector<16xi32>
    %gather3A_344 = tpu.dynamic_gather %get3A_325[%gather3A_343] in [0] : vector<16xf32>, vector<16xi32> -> vector<16xf32>
    %reshape3A_345 = vector.shape_cast %min3A_139 : vector<16xi32> to vector<16x1xi32>
    %gather3A_346 = vector.shape_cast %reshape3A_345 : vector<16x1xi32> to vector<16xi32>
    %gather3A_347 = tpu.dynamic_gather %get3A_325[%gather3A_346] in [0] : vector<16xf32>, vector<16xi32> -> vector<16xf32>
    %reshape3A_348 = vector.shape_cast %min3A_130 : vector<16xi32> to vector<16x1xi32>
    %gather3A_349 = vector.shape_cast %reshape3A_348 : vector<16x1xi32> to vector<16xi32>
    %gather3A_350 = tpu.dynamic_gather %get3A_329[%gather3A_349] in [0] : vector<16xf32>, vector<16xi32> -> vector<16xf32>
    %reshape3A_351 = vector.shape_cast %min3A_139 : vector<16xi32> to vector<16x1xi32>
    %gather3A_352 = vector.shape_cast %reshape3A_351 : vector<16x1xi32> to vector<16xi32>
    %gather3A_353 = tpu.dynamic_gather %get3A_329[%gather3A_352] in [0] : vector<16xf32>, vector<16xi32> -> vector<16xf32>
    %add3A_354 = arith.addf %gather3A_332, %gather3A_335 : vector<16xf32>
    %add3A_355 = arith.addf %add3A_354, %gather3A_338 : vector<16xf32>
    %add3A_356 = arith.addf %add3A_355, %gather3A_341 : vector<16xf32>
    %mul3A_357 = arith.constant 6.10351563E-5 : f32
    %mul3A_358 = vector.broadcast %mul3A_357 : f32 to vector<16xf32>
    %mul3A_359 = arith.mulf %add3A_356, %mul3A_358 : vector<16xf32>
    %mul3A_360 = arith.constant 2.44140625E-4 : f32
    %mul3A_361 = vector.broadcast %mul3A_360 : f32 to vector<16xf32>
    %mul3A_362 = arith.mulf %gather3A_332, %mul3A_361 : vector<16xf32>
    %sub3A_363 = arith.subf %mul3A_362, %mul3A_359 : vector<16xf32>
    %mul3A_364 = arith.constant 2.44140625E-4 : f32
    %mul3A_365 = vector.broadcast %mul3A_364 : f32 to vector<16xf32>
    %mul3A_366 = arith.mulf %gather3A_335, %mul3A_365 : vector<16xf32>
    %sub3A_367 = arith.subf %mul3A_366, %mul3A_359 : vector<16xf32>
    %mul3A_368 = arith.constant 2.44140625E-4 : f32
    %mul3A_369 = vector.broadcast %mul3A_368 : f32 to vector<16xf32>
    %mul3A_370 = arith.mulf %gather3A_338, %mul3A_369 : vector<16xf32>
    %sub3A_371 = arith.subf %mul3A_370, %mul3A_359 : vector<16xf32>
    %mul3A_372 = arith.constant 2.44140625E-4 : f32
    %mul3A_373 = vector.broadcast %mul3A_372 : f32 to vector<16xf32>
    %mul3A_374 = arith.mulf %gather3A_341, %mul3A_373 : vector<16xf32>
    %sub3A_375 = arith.subf %mul3A_374, %mul3A_359 : vector<16xf32>
    %add3A_376 = arith.addf %gather3A_344, %gather3A_347 : vector<16xf32>
    %add3A_377 = arith.addf %add3A_376, %gather3A_350 : vector<16xf32>
    %add3A_378 = arith.addf %add3A_377, %gather3A_353 : vector<16xf32>
    %mul3A_379 = arith.mulf %sub3A_363, %sub3A_363 : vector<16xf32>
    %mul3A_380 = arith.mulf %sub3A_367, %sub3A_367 : vector<16xf32>
    %add3A_381 = arith.addf %mul3A_379, %mul3A_380 : vector<16xf32>
    %mul3A_382 = arith.mulf %sub3A_371, %sub3A_371 : vector<16xf32>
    %add3A_383 = arith.addf %add3A_381, %mul3A_382 : vector<16xf32>
    %mul3A_384 = arith.mulf %sub3A_375, %sub3A_375 : vector<16xf32>
    %add3A_385 = arith.addf %add3A_383, %mul3A_384 : vector<16xf32>
    %mul3A_386 = arith.constant 4.096000e+03 : f32
    %mul3A_387 = vector.broadcast %mul3A_386 : f32 to vector<16xf32>
    %mul3A_388 = arith.mulf %mul3A_387, %add3A_385 : vector<16xf32>
    %add3A_389 = arith.addf %add3A_378, %mul3A_388 : vector<16xf32>
    %swap3A_390 = arith.constant 10 : i32
    %swap3A_391 = arith.index_cast %swap3A_390 : i32 to index
    %swap3A_392 = arith.constant 0 : index
    %swap3A_393 = tpu.vector_load %arg10[%swap3A_391, %swap3A_392] {strides = array<i32>} : memref<16x128xf32, #tpu.memory_space<vmem>>, vector<16xf32>,
    tpu.vector_store %arg10[%swap3A_391, %swap3A_392], %add3A_356 {strides = array<i32>} : memref<16x128xf32, #tpu.memory_space<vmem>>, vector<16xf32>,
    %swap3A_394 = arith.constant 10 : i32
    %swap3A_395 = arith.index_cast %swap3A_394 : i32 to index
    %swap3A_396 = arith.constant 0 : index
    %swap3A_397 = tpu.vector_load %arg11[%swap3A_395, %swap3A_396] {strides = array<i32>} : memref<16x128xf32, #tpu.memory_space<vmem>>, vector<16xf32>,
    tpu.vector_store %arg11[%swap3A_395, %swap3A_396], %add3A_389 {strides = array<i32>} : memref<16x128xf32, #tpu.memory_space<vmem>>, vector<16xf32>,
    %get3A_398 = arith.constant 6 : i32
    %get3A_399 = arith.index_cast %get3A_398 : i32 to index
    %get3A_400 = arith.constant 0 : index
    %get3A_401 = tpu.vector_load %arg10[%get3A_399, %get3A_400] {strides = array<i32>} : memref<16x128xf32, #tpu.memory_space<vmem>>, vector<16xf32>,
    %get3A_402 = arith.constant 7 : i32
    %get3A_403 = arith.index_cast %get3A_402 : i32 to index
    %get3A_404 = arith.constant 0 : index
    %get3A_405 = tpu.vector_load %arg10[%get3A_403, %get3A_404] {strides = array<i32>} : memref<16x128xf32, #tpu.memory_space<vmem>>, vector<16xf32>,
    %get3A_406 = arith.constant 6 : i32
    %get3A_407 = arith.index_cast %get3A_406 : i32 to index
    %get3A_408 = arith.constant 0 : index
    %get3A_409 = tpu.vector_load %arg11[%get3A_407, %get3A_408] {strides = array<i32>} : memref<16x128xf32, #tpu.memory_space<vmem>>, vector<16xf32>,
    %get3A_410 = arith.constant 7 : i32
    %get3A_411 = arith.index_cast %get3A_410 : i32 to index
    %get3A_412 = arith.constant 0 : index
    %get3A_413 = tpu.vector_load %arg11[%get3A_411, %get3A_412] {strides = array<i32>} : memref<16x128xf32, #tpu.memory_space<vmem>>, vector<16xf32>,
    %reshape3A_414 = vector.shape_cast %min3A_130 : vector<16xi32> to vector<16x1xi32>
    %gather3A_415 = vector.shape_cast %reshape3A_414 : vector<16x1xi32> to vector<16xi32>
    %gather3A_416 = tpu.dynamic_gather %get3A_401[%gather3A_415] in [0] : vector<16xf32>, vector<16xi32> -> vector<16xf32>
    %reshape3A_417 = vector.shape_cast %min3A_139 : vector<16xi32> to vector<16x1xi32>
    %gather3A_418 = vector.shape_cast %reshape3A_417 : vector<16x1xi32> to vector<16xi32>
    %gather3A_419 = tpu.dynamic_gather %get3A_401[%gather3A_418] in [0] : vector<16xf32>, vector<16xi32> -> vector<16xf32>
    %reshape3A_420 = vector.shape_cast %min3A_130 : vector<16xi32> to vector<16x1xi32>
    %gather3A_421 = vector.shape_cast %reshape3A_420 : vector<16x1xi32> to vector<16xi32>
    %gather3A_422 = tpu.dynamic_gather %get3A_405[%gather3A_421] in [0] : vector<16xf32>, vector<16xi32> -> vector<16xf32>
    %reshape3A_423 = vector.shape_cast %min3A_139 : vector<16xi32> to vector<16x1xi32>
    %gather3A_424 = vector.shape_cast %reshape3A_423 : vector<16x1xi32> to vector<16xi32>
    %gather3A_425 = tpu.dynamic_gather %get3A_405[%gather3A_424] in [0] : vector<16xf32>, vector<16xi32> -> vector<16xf32>
    %reshape3A_426 = vector.shape_cast %min3A_130 : vector<16xi32> to vector<16x1xi32>
    %gather3A_427 = vector.shape_cast %reshape3A_426 : vector<16x1xi32> to vector<16xi32>
    %gather3A_428 = tpu.dynamic_gather %get3A_409[%gather3A_427] in [0] : vector<16xf32>, vector<16xi32> -> vector<16xf32>
    %reshape3A_429 = vector.shape_cast %min3A_139 : vector<16xi32> to vector<16x1xi32>
    %gather3A_430 = vector.shape_cast %reshape3A_429 : vector<16x1xi32> to vector<16xi32>
    %gather3A_431 = tpu.dynamic_gather %get3A_409[%gather3A_430] in [0] : vector<16xf32>, vector<16xi32> -> vector<16xf32>
    %reshape3A_432 = vector.shape_cast %min3A_130 : vector<16xi32> to vector<16x1xi32>
    %gather3A_433 = vector.shape_cast %reshape3A_432 : vector<16x1xi32> to vector<16xi32>
    %gather3A_434 = tpu.dynamic_gather %get3A_413[%gather3A_433] in [0] : vector<16xf32>, vector<16xi32> -> vector<16xf32>
    %reshape3A_435 = vector.shape_cast %min3A_139 : vector<16xi32> to vector<16x1xi32>
    %gather3A_436 = vector.shape_cast %reshape3A_435 : vector<16x1xi32> to vector<16xi32>
    %gather3A_437 = tpu.dynamic_gather %get3A_413[%gather3A_436] in [0] : vector<16xf32>, vector<16xi32> -> vector<16xf32>
    %add3A_438 = arith.addf %gather3A_416, %gather3A_419 : vector<16xf32>
    %add3A_439 = arith.addf %add3A_438, %gather3A_422 : vector<16xf32>
    %add3A_440 = arith.addf %add3A_439, %gather3A_425 : vector<16xf32>
    %mul3A_441 = arith.constant 6.10351563E-5 : f32
    %mul3A_442 = vector.broadcast %mul3A_441 : f32 to vector<16xf32>
    %mul3A_443 = arith.mulf %add3A_440, %mul3A_442 : vector<16xf32>
    %mul3A_444 = arith.constant 2.44140625E-4 : f32
    %mul3A_445 = vector.broadcast %mul3A_444 : f32 to vector<16xf32>
    %mul3A_446 = arith.mulf %gather3A_416, %mul3A_445 : vector<16xf32>
    %sub3A_447 = arith.subf %mul3A_446, %mul3A_443 : vector<16xf32>
    %mul3A_448 = arith.constant 2.44140625E-4 : f32
    %mul3A_449 = vector.broadcast %mul3A_448 : f32 to vector<16xf32>
    %mul3A_450 = arith.mulf %gather3A_419, %mul3A_449 : vector<16xf32>
    %sub3A_451 = arith.subf %mul3A_450, %mul3A_443 : vector<16xf32>
    %mul3A_452 = arith.constant 2.44140625E-4 : f32
    %mul3A_453 = vector.broadcast %mul3A_452 : f32 to vector<16xf32>
    %mul3A_454 = arith.mulf %gather3A_422, %mul3A_453 : vector<16xf32>
    %sub3A_455 = arith.subf %mul3A_454, %mul3A_443 : vector<16xf32>
    %mul3A_456 = arith.constant 2.44140625E-4 : f32
    %mul3A_457 = vector.broadcast %mul3A_456 : f32 to vector<16xf32>
    %mul3A_458 = arith.mulf %gather3A_425, %mul3A_457 : vector<16xf32>
    %sub3A_459 = arith.subf %mul3A_458, %mul3A_443 : vector<16xf32>
    %add3A_460 = arith.addf %gather3A_428, %gather3A_431 : vector<16xf32>
    %add3A_461 = arith.addf %add3A_460, %gather3A_434 : vector<16xf32>
    %add3A_462 = arith.addf %add3A_461, %gather3A_437 : vector<16xf32>
    %mul3A_463 = arith.mulf %sub3A_447, %sub3A_447 : vector<16xf32>
    %mul3A_464 = arith.mulf %sub3A_451, %sub3A_451 : vector<16xf32>
    %add3A_465 = arith.addf %mul3A_463, %mul3A_464 : vector<16xf32>
    %mul3A_466 = arith.mulf %sub3A_455, %sub3A_455 : vector<16xf32>
    %add3A_467 = arith.addf %add3A_465, %mul3A_466 : vector<16xf32>
    %mul3A_468 = arith.mulf %sub3A_459, %sub3A_459 : vector<16xf32>
    %add3A_469 = arith.addf %add3A_467, %mul3A_468 : vector<16xf32>
    %mul3A_470 = arith.constant 4.096000e+03 : f32
    %mul3A_471 = vector.broadcast %mul3A_470 : f32 to vector<16xf32>
    %mul3A_472 = arith.mulf %mul3A_471, %add3A_469 : vector<16xf32>
    %add3A_473 = arith.addf %add3A_462, %mul3A_472 : vector<16xf32>
    %swap3A_474 = arith.constant 11 : i32
    %swap3A_475 = arith.index_cast %swap3A_474 : i32 to index
    %swap3A_476 = arith.constant 0 : index
    %swap3A_477 = tpu.vector_load %arg10[%swap3A_475, %swap3A_476] {strides = array<i32>} : memref<16x128xf32, #tpu.memory_space<vmem>>, vector<16xf32>,
    tpu.vector_store %arg10[%swap3A_475, %swap3A_476], %add3A_440 {strides = array<i32>} : memref<16x128xf32, #tpu.memory_space<vmem>>, vector<16xf32>,
    %swap3A_478 = arith.constant 11 : i32
    %swap3A_479 = arith.index_cast %swap3A_478 : i32 to index
    %swap3A_480 = arith.constant 0 : index
    %swap3A_481 = tpu.vector_load %arg11[%swap3A_479, %swap3A_480] {strides = array<i32>} : memref<16x128xf32, #tpu.memory_space<vmem>>, vector<16xf32>,
    tpu.vector_store %arg11[%swap3A_479, %swap3A_480], %add3A_473 {strides = array<i32>} : memref<16x128xf32, #tpu.memory_space<vmem>>, vector<16xf32>,
    %get3A_482 = arith.constant 8 : i32
    %get3A_483 = arith.index_cast %get3A_482 : i32 to index
    %get3A_484 = arith.constant 0 : index
    %get3A_485 = tpu.vector_load %arg10[%get3A_483, %get3A_484] {strides = array<i32>} : memref<16x128xf32, #tpu.memory_space<vmem>>, vector<16xf32>,
    %get3A_486 = arith.constant 9 : i32
    %get3A_487 = arith.index_cast %get3A_486 : i32 to index
    %get3A_488 = arith.constant 0 : index
    %get3A_489 = tpu.vector_load %arg10[%get3A_487, %get3A_488] {strides = array<i32>} : memref<16x128xf32, #tpu.memory_space<vmem>>, vector<16xf32>,
    %get3A_490 = arith.constant 8 : i32
    %get3A_491 = arith.index_cast %get3A_490 : i32 to index
    %get3A_492 = arith.constant 0 : index
    %get3A_493 = tpu.vector_load %arg11[%get3A_491, %get3A_492] {strides = array<i32>} : memref<16x128xf32, #tpu.memory_space<vmem>>, vector<16xf32>,
    %get3A_494 = arith.constant 9 : i32
    %get3A_495 = arith.index_cast %get3A_494 : i32 to index
    %get3A_496 = arith.constant 0 : index
    %get3A_497 = tpu.vector_load %arg11[%get3A_495, %get3A_496] {strides = array<i32>} : memref<16x128xf32, #tpu.memory_space<vmem>>, vector<16xf32>,
    %reshape3A_498 = vector.shape_cast %min3A_130 : vector<16xi32> to vector<16x1xi32>
    %gather3A_499 = vector.shape_cast %reshape3A_498 : vector<16x1xi32> to vector<16xi32>
    %gather3A_500 = tpu.dynamic_gather %get3A_485[%gather3A_499] in [0] : vector<16xf32>, vector<16xi32> -> vector<16xf32>
    %reshape3A_501 = vector.shape_cast %min3A_139 : vector<16xi32> to vector<16x1xi32>
    %gather3A_502 = vector.shape_cast %reshape3A_501 : vector<16x1xi32> to vector<16xi32>
    %gather3A_503 = tpu.dynamic_gather %get3A_485[%gather3A_502] in [0] : vector<16xf32>, vector<16xi32> -> vector<16xf32>
    %reshape3A_504 = vector.shape_cast %min3A_130 : vector<16xi32> to vector<16x1xi32>
    %gather3A_505 = vector.shape_cast %reshape3A_504 : vector<16x1xi32> to vector<16xi32>
    %gather3A_506 = tpu.dynamic_gather %get3A_489[%gather3A_505] in [0] : vector<16xf32>, vector<16xi32> -> vector<16xf32>
    %reshape3A_507 = vector.shape_cast %min3A_139 : vector<16xi32> to vector<16x1xi32>
    %gather3A_508 = vector.shape_cast %reshape3A_507 : vector<16x1xi32> to vector<16xi32>
    %gather3A_509 = tpu.dynamic_gather %get3A_489[%gather3A_508] in [0] : vector<16xf32>, vector<16xi32> -> vector<16xf32>
    %reshape3A_510 = vector.shape_cast %min3A_130 : vector<16xi32> to vector<16x1xi32>
    %gather3A_511 = vector.shape_cast %reshape3A_510 : vector<16x1xi32> to vector<16xi32>
    %gather3A_512 = tpu.dynamic_gather %get3A_493[%gather3A_511] in [0] : vector<16xf32>, vector<16xi32> -> vector<16xf32>
    %reshape3A_513 = vector.shape_cast %min3A_139 : vector<16xi32> to vector<16x1xi32>
    %gather3A_514 = vector.shape_cast %reshape3A_513 : vector<16x1xi32> to vector<16xi32>
    %gather3A_515 = tpu.dynamic_gather %get3A_493[%gather3A_514] in [0] : vector<16xf32>, vector<16xi32> -> vector<16xf32>
    %reshape3A_516 = vector.shape_cast %min3A_130 : vector<16xi32> to vector<16x1xi32>
    %gather3A_517 = vector.shape_cast %reshape3A_516 : vector<16x1xi32> to vector<16xi32>
    %gather3A_518 = tpu.dynamic_gather %get3A_497[%gather3A_517] in [0] : vector<16xf32>, vector<16xi32> -> vector<16xf32>
    %reshape3A_519 = vector.shape_cast %min3A_139 : vector<16xi32> to vector<16x1xi32>
    %gather3A_520 = vector.shape_cast %reshape3A_519 : vector<16x1xi32> to vector<16xi32>
    %gather3A_521 = tpu.dynamic_gather %get3A_497[%gather3A_520] in [0] : vector<16xf32>, vector<16xi32> -> vector<16xf32>
    %add3A_522 = arith.addf %gather3A_500, %gather3A_503 : vector<16xf32>
    %add3A_523 = arith.addf %add3A_522, %gather3A_506 : vector<16xf32>
    %add3A_524 = arith.addf %add3A_523, %gather3A_509 : vector<16xf32>
    %mul3A_525 = arith.constant 1.52587891E-5 : f32
    %mul3A_526 = vector.broadcast %mul3A_525 : f32 to vector<16xf32>
    %mul3A_527 = arith.mulf %add3A_524, %mul3A_526 : vector<16xf32>
    %mul3A_528 = arith.constant 6.10351563E-5 : f32
    %mul3A_529 = vector.broadcast %mul3A_528 : f32 to vector<16xf32>
    %mul3A_530 = arith.mulf %gather3A_500, %mul3A_529 : vector<16xf32>
    %sub3A_531 = arith.subf %mul3A_530, %mul3A_527 : vector<16xf32>
    %mul3A_532 = arith.constant 6.10351563E-5 : f32
    %mul3A_533 = vector.broadcast %mul3A_532 : f32 to vector<16xf32>
    %mul3A_534 = arith.mulf %gather3A_503, %mul3A_533 : vector<16xf32>
    %sub3A_535 = arith.subf %mul3A_534, %mul3A_527 : vector<16xf32>
    %mul3A_536 = arith.constant 6.10351563E-5 : f32
    %mul3A_537 = vector.broadcast %mul3A_536 : f32 to vector<16xf32>
    %mul3A_538 = arith.mulf %gather3A_506, %mul3A_537 : vector<16xf32>
    %sub3A_539 = arith.subf %mul3A_538, %mul3A_527 : vector<16xf32>
    %mul3A_540 = arith.constant 6.10351563E-5 : f32
    %mul3A_541 = vector.broadcast %mul3A_540 : f32 to vector<16xf32>
    %mul3A_542 = arith.mulf %gather3A_509, %mul3A_541 : vector<16xf32>
    %sub3A_543 = arith.subf %mul3A_542, %mul3A_527 : vector<16xf32>
    %add3A_544 = arith.addf %gather3A_512, %gather3A_515 : vector<16xf32>
    %add3A_545 = arith.addf %add3A_544, %gather3A_518 : vector<16xf32>
    %add3A_546 = arith.addf %add3A_545, %gather3A_521 : vector<16xf32>
    %mul3A_547 = arith.mulf %sub3A_531, %sub3A_531 : vector<16xf32>
    %mul3A_548 = arith.mulf %sub3A_535, %sub3A_535 : vector<16xf32>
    %add3A_549 = arith.addf %mul3A_547, %mul3A_548 : vector<16xf32>
    %mul3A_550 = arith.mulf %sub3A_539, %sub3A_539 : vector<16xf32>
    %add3A_551 = arith.addf %add3A_549, %mul3A_550 : vector<16xf32>
    %mul3A_552 = arith.mulf %sub3A_543, %sub3A_543 : vector<16xf32>
    %add3A_553 = arith.addf %add3A_551, %mul3A_552 : vector<16xf32>
    %mul3A_554 = arith.constant 1.638400e+04 : f32
    %mul3A_555 = vector.broadcast %mul3A_554 : f32 to vector<16xf32>
    %mul3A_556 = arith.mulf %mul3A_555, %add3A_553 : vector<16xf32>
    %add3A_557 = arith.addf %add3A_546, %mul3A_556 : vector<16xf32>
    %swap3A_558 = arith.constant 12 : i32
    %swap3A_559 = arith.index_cast %swap3A_558 : i32 to index
    %swap3A_560 = arith.constant 0 : index
    %swap3A_561 = tpu.vector_load %arg10[%swap3A_559, %swap3A_560] {strides = array<i32>} : memref<16x128xf32, #tpu.memory_space<vmem>>, vector<16xf32>,
    tpu.vector_store %arg10[%swap3A_559, %swap3A_560], %add3A_524 {strides = array<i32>} : memref<16x128xf32, #tpu.memory_space<vmem>>, vector<16xf32>,
    %swap3A_562 = arith.constant 12 : i32
    %swap3A_563 = arith.index_cast %swap3A_562 : i32 to index
    %swap3A_564 = arith.constant 0 : index
    %swap3A_565 = tpu.vector_load %arg11[%swap3A_563, %swap3A_564] {strides = array<i32>} : memref<16x128xf32, #tpu.memory_space<vmem>>, vector<16xf32>,
    tpu.vector_store %arg11[%swap3A_563, %swap3A_564], %add3A_557 {strides = array<i32>} : memref<16x128xf32, #tpu.memory_space<vmem>>, vector<16xf32>,
    %get3A_566 = arith.constant 10 : i32
    %get3A_567 = arith.index_cast %get3A_566 : i32 to index
    %get3A_568 = arith.constant 0 : index
    %get3A_569 = tpu.vector_load %arg10[%get3A_567, %get3A_568] {strides = array<i32>} : memref<16x128xf32, #tpu.memory_space<vmem>>, vector<16xf32>,
    %get3A_570 = arith.constant 11 : i32
    %get3A_571 = arith.index_cast %get3A_570 : i32 to index
    %get3A_572 = arith.constant 0 : index
    %get3A_573 = tpu.vector_load %arg10[%get3A_571, %get3A_572] {strides = array<i32>} : memref<16x128xf32, #tpu.memory_space<vmem>>, vector<16xf32>,
    %get3A_574 = arith.constant 10 : i32
    %get3A_575 = arith.index_cast %get3A_574 : i32 to index
    %get3A_576 = arith.constant 0 : index
    %get3A_577 = tpu.vector_load %arg11[%get3A_575, %get3A_576] {strides = array<i32>} : memref<16x128xf32, #tpu.memory_space<vmem>>, vector<16xf32>,
    %get3A_578 = arith.constant 11 : i32
    %get3A_579 = arith.index_cast %get3A_578 : i32 to index
    %get3A_580 = arith.constant 0 : index
    %get3A_581 = tpu.vector_load %arg11[%get3A_579, %get3A_580] {strides = array<i32>} : memref<16x128xf32, #tpu.memory_space<vmem>>, vector<16xf32>,
    %reshape3A_582 = vector.shape_cast %min3A_130 : vector<16xi32> to vector<16x1xi32>
    %gather3A_583 = vector.shape_cast %reshape3A_582 : vector<16x1xi32> to vector<16xi32>
    %gather3A_584 = tpu.dynamic_gather %get3A_569[%gather3A_583] in [0] : vector<16xf32>, vector<16xi32> -> vector<16xf32>
    %reshape3A_585 = vector.shape_cast %min3A_139 : vector<16xi32> to vector<16x1xi32>
    %gather3A_586 = vector.shape_cast %reshape3A_585 : vector<16x1xi32> to vector<16xi32>
    %gather3A_587 = tpu.dynamic_gather %get3A_569[%gather3A_586] in [0] : vector<16xf32>, vector<16xi32> -> vector<16xf32>
    %reshape3A_588 = vector.shape_cast %min3A_130 : vector<16xi32> to vector<16x1xi32>
    %gather3A_589 = vector.shape_cast %reshape3A_588 : vector<16x1xi32> to vector<16xi32>
    %gather3A_590 = tpu.dynamic_gather %get3A_573[%gather3A_589] in [0] : vector<16xf32>, vector<16xi32> -> vector<16xf32>
    %reshape3A_591 = vector.shape_cast %min3A_139 : vector<16xi32> to vector<16x1xi32>
    %gather3A_592 = vector.shape_cast %reshape3A_591 : vector<16x1xi32> to vector<16xi32>
    %gather3A_593 = tpu.dynamic_gather %get3A_573[%gather3A_592] in [0] : vector<16xf32>, vector<16xi32> -> vector<16xf32>
    %reshape3A_594 = vector.shape_cast %min3A_130 : vector<16xi32> to vector<16x1xi32>
    %gather3A_595 = vector.shape_cast %reshape3A_594 : vector<16x1xi32> to vector<16xi32>
    %gather3A_596 = tpu.dynamic_gather %get3A_577[%gather3A_595] in [0] : vector<16xf32>, vector<16xi32> -> vector<16xf32>
    %reshape3A_597 = vector.shape_cast %min3A_139 : vector<16xi32> to vector<16x1xi32>
    %gather3A_598 = vector.shape_cast %reshape3A_597 : vector<16x1xi32> to vector<16xi32>
    %gather3A_599 = tpu.dynamic_gather %get3A_577[%gather3A_598] in [0] : vector<16xf32>, vector<16xi32> -> vector<16xf32>
    %reshape3A_600 = vector.shape_cast %min3A_130 : vector<16xi32> to vector<16x1xi32>
    %gather3A_601 = vector.shape_cast %reshape3A_600 : vector<16x1xi32> to vector<16xi32>
    %gather3A_602 = tpu.dynamic_gather %get3A_581[%gather3A_601] in [0] : vector<16xf32>, vector<16xi32> -> vector<16xf32>
    %reshape3A_603 = vector.shape_cast %min3A_139 : vector<16xi32> to vector<16x1xi32>
    %gather3A_604 = vector.shape_cast %reshape3A_603 : vector<16x1xi32> to vector<16xi32>
    %gather3A_605 = tpu.dynamic_gather %get3A_581[%gather3A_604] in [0] : vector<16xf32>, vector<16xi32> -> vector<16xf32>
    %add3A_606 = arith.addf %gather3A_584, %gather3A_587 : vector<16xf32>
    %add3A_607 = arith.addf %add3A_606, %gather3A_590 : vector<16xf32>
    %add3A_608 = arith.addf %add3A_607, %gather3A_593 : vector<16xf32>
    %mul3A_609 = arith.constant 1.52587891E-5 : f32
    %mul3A_610 = vector.broadcast %mul3A_609 : f32 to vector<16xf32>
    %mul3A_611 = arith.mulf %add3A_608, %mul3A_610 : vector<16xf32>
    %mul3A_612 = arith.constant 6.10351563E-5 : f32
    %mul3A_613 = vector.broadcast %mul3A_612 : f32 to vector<16xf32>
    %mul3A_614 = arith.mulf %gather3A_584, %mul3A_613 : vector<16xf32>
    %sub3A_615 = arith.subf %mul3A_614, %mul3A_611 : vector<16xf32>
    %mul3A_616 = arith.constant 6.10351563E-5 : f32
    %mul3A_617 = vector.broadcast %mul3A_616 : f32 to vector<16xf32>
    %mul3A_618 = arith.mulf %gather3A_587, %mul3A_617 : vector<16xf32>
    %sub3A_619 = arith.subf %mul3A_618, %mul3A_611 : vector<16xf32>
    %mul3A_620 = arith.constant 6.10351563E-5 : f32
    %mul3A_621 = vector.broadcast %mul3A_620 : f32 to vector<16xf32>
    %mul3A_622 = arith.mulf %gather3A_590, %mul3A_621 : vector<16xf32>
    %sub3A_623 = arith.subf %mul3A_622, %mul3A_611 : vector<16xf32>
    %mul3A_624 = arith.constant 6.10351563E-5 : f32
    %mul3A_625 = vector.broadcast %mul3A_624 : f32 to vector<16xf32>
    %mul3A_626 = arith.mulf %gather3A_593, %mul3A_625 : vector<16xf32>
    %sub3A_627 = arith.subf %mul3A_626, %mul3A_611 : vector<16xf32>
    %add3A_628 = arith.addf %gather3A_596, %gather3A_599 : vector<16xf32>
    %add3A_629 = arith.addf %add3A_628, %gather3A_602 : vector<16xf32>
    %add3A_630 = arith.addf %add3A_629, %gather3A_605 : vector<16xf32>
    %mul3A_631 = arith.mulf %sub3A_615, %sub3A_615 : vector<16xf32>
    %mul3A_632 = arith.mulf %sub3A_619, %sub3A_619 : vector<16xf32>
    %add3A_633 = arith.addf %mul3A_631, %mul3A_632 : vector<16xf32>
    %mul3A_634 = arith.mulf %sub3A_623, %sub3A_623 : vector<16xf32>
    %add3A_635 = arith.addf %add3A_633, %mul3A_634 : vector<16xf32>
    %mul3A_636 = arith.mulf %sub3A_627, %sub3A_627 : vector<16xf32>
    %add3A_637 = arith.addf %add3A_635, %mul3A_636 : vector<16xf32>
    %mul3A_638 = arith.constant 1.638400e+04 : f32
    %mul3A_639 = vector.broadcast %mul3A_638 : f32 to vector<16xf32>
    %mul3A_640 = arith.mulf %mul3A_639, %add3A_637 : vector<16xf32>
    %add3A_641 = arith.addf %add3A_630, %mul3A_640 : vector<16xf32>
    %swap3A_642 = arith.constant 13 : i32
    %swap3A_643 = arith.index_cast %swap3A_642 : i32 to index
    %swap3A_644 = arith.constant 0 : index
    %swap3A_645 = tpu.vector_load %arg10[%swap3A_643, %swap3A_644] {strides = array<i32>} : memref<16x128xf32, #tpu.memory_space<vmem>>, vector<16xf32>,
    tpu.vector_store %arg10[%swap3A_643, %swap3A_644], %add3A_608 {strides = array<i32>} : memref<16x128xf32, #tpu.memory_space<vmem>>, vector<16xf32>,
    %swap3A_646 = arith.constant 13 : i32
    %swap3A_647 = arith.index_cast %swap3A_646 : i32 to index
    %swap3A_648 = arith.constant 0 : index
    %swap3A_649 = tpu.vector_load %arg11[%swap3A_647, %swap3A_648] {strides = array<i32>} : memref<16x128xf32, #tpu.memory_space<vmem>>, vector<16xf32>,
    tpu.vector_store %arg11[%swap3A_647, %swap3A_648], %add3A_641 {strides = array<i32>} : memref<16x128xf32, #tpu.memory_space<vmem>>, vector<16xf32>,
    %get3A_650 = arith.constant 12 : i32
    %get3A_651 = arith.index_cast %get3A_650 : i32 to index
    %get3A_652 = arith.constant 0 : index
    %get3A_653 = tpu.vector_load %arg10[%get3A_651, %get3A_652] {strides = array<i32>} : memref<16x128xf32, #tpu.memory_space<vmem>>, vector<16xf32>,
    %get3A_654 = arith.constant 13 : i32
    %get3A_655 = arith.index_cast %get3A_654 : i32 to index
    %get3A_656 = arith.constant 0 : index
    %get3A_657 = tpu.vector_load %arg10[%get3A_655, %get3A_656] {strides = array<i32>} : memref<16x128xf32, #tpu.memory_space<vmem>>, vector<16xf32>,
    %get3A_658 = arith.constant 12 : i32
    %get3A_659 = arith.index_cast %get3A_658 : i32 to index
    %get3A_660 = arith.constant 0 : index
    %get3A_661 = tpu.vector_load %arg11[%get3A_659, %get3A_660] {strides = array<i32>} : memref<16x128xf32, #tpu.memory_space<vmem>>, vector<16xf32>,
    %get3A_662 = arith.constant 13 : i32
    %get3A_663 = arith.index_cast %get3A_662 : i32 to index
    %get3A_664 = arith.constant 0 : index
    %get3A_665 = tpu.vector_load %arg11[%get3A_663, %get3A_664] {strides = array<i32>} : memref<16x128xf32, #tpu.memory_space<vmem>>, vector<16xf32>,
    %reshape3A_666 = vector.shape_cast %min3A_130 : vector<16xi32> to vector<16x1xi32>
    %gather3A_667 = vector.shape_cast %reshape3A_666 : vector<16x1xi32> to vector<16xi32>
    %gather3A_668 = tpu.dynamic_gather %get3A_653[%gather3A_667] in [0] : vector<16xf32>, vector<16xi32> -> vector<16xf32>
    %reshape3A_669 = vector.shape_cast %min3A_139 : vector<16xi32> to vector<16x1xi32>
    %gather3A_670 = vector.shape_cast %reshape3A_669 : vector<16x1xi32> to vector<16xi32>
    %gather3A_671 = tpu.dynamic_gather %get3A_653[%gather3A_670] in [0] : vector<16xf32>, vector<16xi32> -> vector<16xf32>
    %reshape3A_672 = vector.shape_cast %min3A_130 : vector<16xi32> to vector<16x1xi32>
    %gather3A_673 = vector.shape_cast %reshape3A_672 : vector<16x1xi32> to vector<16xi32>
    %gather3A_674 = tpu.dynamic_gather %get3A_657[%gather3A_673] in [0] : vector<16xf32>, vector<16xi32> -> vector<16xf32>
    %reshape3A_675 = vector.shape_cast %min3A_139 : vector<16xi32> to vector<16x1xi32>
    %gather3A_676 = vector.shape_cast %reshape3A_675 : vector<16x1xi32> to vector<16xi32>
    %gather3A_677 = tpu.dynamic_gather %get3A_657[%gather3A_676] in [0] : vector<16xf32>, vector<16xi32> -> vector<16xf32>
    %reshape3A_678 = vector.shape_cast %min3A_130 : vector<16xi32> to vector<16x1xi32>
    %gather3A_679 = vector.shape_cast %reshape3A_678 : vector<16x1xi32> to vector<16xi32>
    %gather3A_680 = tpu.dynamic_gather %get3A_661[%gather3A_679] in [0] : vector<16xf32>, vector<16xi32> -> vector<16xf32>
    %reshape3A_681 = vector.shape_cast %min3A_139 : vector<16xi32> to vector<16x1xi32>
    %gather3A_682 = vector.shape_cast %reshape3A_681 : vector<16x1xi32> to vector<16xi32>
    %gather3A_683 = tpu.dynamic_gather %get3A_661[%gather3A_682] in [0] : vector<16xf32>, vector<16xi32> -> vector<16xf32>
    %reshape3A_684 = vector.shape_cast %min3A_130 : vector<16xi32> to vector<16x1xi32>
    %gather3A_685 = vector.shape_cast %reshape3A_684 : vector<16x1xi32> to vector<16xi32>
    %gather3A_686 = tpu.dynamic_gather %get3A_665[%gather3A_685] in [0] : vector<16xf32>, vector<16xi32> -> vector<16xf32>
    %reshape3A_687 = vector.shape_cast %min3A_139 : vector<16xi32> to vector<16x1xi32>
    %gather3A_688 = vector.shape_cast %reshape3A_687 : vector<16x1xi32> to vector<16xi32>
    %gather3A_689 = tpu.dynamic_gather %get3A_665[%gather3A_688] in [0] : vector<16xf32>, vector<16xi32> -> vector<16xf32>
    %add3A_690 = arith.addf %gather3A_668, %gather3A_671 : vector<16xf32>
    %add3A_691 = arith.addf %add3A_690, %gather3A_674 : vector<16xf32>
    %add3A_692 = arith.addf %add3A_691, %gather3A_677 : vector<16xf32>
    %mul3A_693 = arith.constant 3.81469727E-6 : f32
    %mul3A_694 = vector.broadcast %mul3A_693 : f32 to vector<16xf32>
    %mul3A_695 = arith.mulf %add3A_692, %mul3A_694 : vector<16xf32>
    %mul3A_696 = arith.constant 1.52587891E-5 : f32
    %mul3A_697 = vector.broadcast %mul3A_696 : f32 to vector<16xf32>
    %mul3A_698 = arith.mulf %gather3A_668, %mul3A_697 : vector<16xf32>
    %sub3A_699 = arith.subf %mul3A_698, %mul3A_695 : vector<16xf32>
    %mul3A_700 = arith.constant 1.52587891E-5 : f32
    %mul3A_701 = vector.broadcast %mul3A_700 : f32 to vector<16xf32>
    %mul3A_702 = arith.mulf %gather3A_671, %mul3A_701 : vector<16xf32>
    %sub3A_703 = arith.subf %mul3A_702, %mul3A_695 : vector<16xf32>
    %mul3A_704 = arith.constant 1.52587891E-5 : f32
    %mul3A_705 = vector.broadcast %mul3A_704 : f32 to vector<16xf32>
    %mul3A_706 = arith.mulf %gather3A_674, %mul3A_705 : vector<16xf32>
    %sub3A_707 = arith.subf %mul3A_706, %mul3A_695 : vector<16xf32>
    %mul3A_708 = arith.constant 1.52587891E-5 : f32
    %mul3A_709 = vector.broadcast %mul3A_708 : f32 to vector<16xf32>
    %mul3A_710 = arith.mulf %gather3A_677, %mul3A_709 : vector<16xf32>
    %sub3A_711 = arith.subf %mul3A_710, %mul3A_695 : vector<16xf32>
    %add3A_712 = arith.addf %gather3A_680, %gather3A_683 : vector<16xf32>
    %add3A_713 = arith.addf %add3A_712, %gather3A_686 : vector<16xf32>
    %add3A_714 = arith.addf %add3A_713, %gather3A_689 : vector<16xf32>
    %mul3A_715 = arith.mulf %sub3A_699, %sub3A_699 : vector<16xf32>
    %mul3A_716 = arith.mulf %sub3A_703, %sub3A_703 : vector<16xf32>
    %add3A_717 = arith.addf %mul3A_715, %mul3A_716 : vector<16xf32>
    %mul3A_718 = arith.mulf %sub3A_707, %sub3A_707 : vector<16xf32>
    %add3A_719 = arith.addf %add3A_717, %mul3A_718 : vector<16xf32>
    %mul3A_720 = arith.mulf %sub3A_711, %sub3A_711 : vector<16xf32>
    %add3A_721 = arith.addf %add3A_719, %mul3A_720 : vector<16xf32>
    %mul3A_722 = arith.constant 6.553600e+04 : f32
    %mul3A_723 = vector.broadcast %mul3A_722 : f32 to vector<16xf32>
    %mul3A_724 = arith.mulf %mul3A_723, %add3A_721 : vector<16xf32>
    %add3A_725 = arith.addf %add3A_714, %mul3A_724 : vector<16xf32>
    %swap3A_726 = arith.constant 14 : i32
    %swap3A_727 = arith.index_cast %swap3A_726 : i32 to index
    %swap3A_728 = arith.constant 0 : index
    %swap3A_729 = tpu.vector_load %arg10[%swap3A_727, %swap3A_728] {strides = array<i32>} : memref<16x128xf32, #tpu.memory_space<vmem>>, vector<16xf32>,
    tpu.vector_store %arg10[%swap3A_727, %swap3A_728], %add3A_692 {strides = array<i32>} : memref<16x128xf32, #tpu.memory_space<vmem>>, vector<16xf32>,
    %swap3A_730 = arith.constant 14 : i32
    %swap3A_731 = arith.index_cast %swap3A_730 : i32 to index
    %swap3A_732 = arith.constant 0 : index
    %swap3A_733 = tpu.vector_load %arg11[%swap3A_731, %swap3A_732] {strides = array<i32>} : memref<16x128xf32, #tpu.memory_space<vmem>>, vector<16xf32>,
    tpu.vector_store %arg11[%swap3A_731, %swap3A_732], %add3A_725 {strides = array<i32>} : memref<16x128xf32, #tpu.memory_space<vmem>>, vector<16xf32>,
    %get3A_734 = arith.constant 14 : i32
    %get3A_735 = arith.index_cast %get3A_734 : i32 to index
    %get3A_736 = arith.constant 0 : index
    %get3A_737 = tpu.vector_load %arg10[%get3A_735, %get3A_736] {strides = array<i32>} : memref<16x128xf32, #tpu.memory_space<vmem>>, vector<16xf32>,
    %get3A_738 = arith.constant 14 : i32
    %get3A_739 = arith.index_cast %get3A_738 : i32 to index
    %get3A_740 = arith.constant 0 : index
    %get3A_741 = tpu.vector_load %arg11[%get3A_739, %get3A_740] {strides = array<i32>} : memref<16x128xf32, #tpu.memory_space<vmem>>, vector<16xf32>,
    %broadcast_in_dim3A_742 = arith.constant 0 : i32
    %broadcast_in_dim3A_743 = vector.broadcast %broadcast_in_dim3A_742 : i32 to vector<16xi32>
    %reshape3A_744 = vector.shape_cast %broadcast_in_dim3A_743 : vector<16xi32> to vector<16x1xi32>
    %gather3A_745 = vector.shape_cast %reshape3A_744 : vector<16x1xi32> to vector<16xi32>
    %gather3A_746 = tpu.dynamic_gather %get3A_737[%gather3A_745] in [0] : vector<16xf32>, vector<16xi32> -> vector<16xf32>
    %mul3A_747 = arith.constant 3.81469727E-6 : f32
    %mul3A_748 = vector.broadcast %mul3A_747 : f32 to vector<16xf32>
    %mul3A_749 = arith.mulf %gather3A_746, %mul3A_748 : vector<16xf32>
    %broadcast_in_dim3A_750 = arith.constant 0 : i32
    %broadcast_in_dim3A_751 = vector.broadcast %broadcast_in_dim3A_750 : i32 to vector<16xi32>
    %reshape3A_752 = vector.shape_cast %broadcast_in_dim3A_751 : vector<16xi32> to vector<16x1xi32>
    %gather3A_753 = vector.shape_cast %reshape3A_752 : vector<16x1xi32> to vector<16xi32>
    %gather3A_754 = tpu.dynamic_gather %get3A_741[%gather3A_753] in [0] : vector<16xf32>, vector<16xi32> -> vector<16xf32>
    %ge3A = arith.constant 4.19428801E+12 : f32
    %ge3A_755 = vector.broadcast %ge3A : f32 to vector<16xf32>
    %ge3A_756 = arith.cmpf oge, %gather3A_754, %ge3A_755 : vector<16xf32>
    %shift_right_arithmetic3A = arith.constant 1 : i32
    %shift_right_arithmetic3A_757 = vector.broadcast %shift_right_arithmetic3A : i32 to vector<16xi32>
    %shift_right_arithmetic3A_758 = arith.shrsi %iota3A, %shift_right_arithmetic3A_757 : vector<16xi32>
    %shift_right_arithmetic3A_759 = arith.constant 2 : i32
    %shift_right_arithmetic3A_760 = vector.broadcast %shift_right_arithmetic3A_759 : i32 to vector<16xi32>
    %shift_right_arithmetic3A_761 = arith.shrsi %iota3A, %shift_right_arithmetic3A_760 : vector<16xi32>
    %shift_right_arithmetic3A_762 = arith.constant 3 : i32
    %shift_right_arithmetic3A_763 = vector.broadcast %shift_right_arithmetic3A_762 : i32 to vector<16xi32>
    %shift_right_arithmetic3A_764 = arith.shrsi %iota3A, %shift_right_arithmetic3A_763 : vector<16xi32>
    %mul3A_765 = arith.constant 2 : i32
    %mul3A_766 = arith.muli %mul3A_765, %select_n3A_30 : i32
    %add3A_767 = arith.constant 0 : i32
    %add3A_768 = arith.addi %mul3A_766, %add3A_767 : i32
    %jit3A_769 = arith.constant 2 : i32
    %div3A_770 = arith.divsi %add3A_768, %jit3A_769 : i32
    %sign3A_771 = arith.constant 0 : i32
    %sign3A_772 = arith.cmpi sgt, %add3A_768, %sign3A_771 : i32
    %sign3A_773 = arith.extui %sign3A_772 : i1 to i32
    %sign3A_774 = arith.constant 0 : i32
    %sign3A_775 = arith.cmpi slt, %add3A_768, %sign3A_774 : i32
    %sign3A_776 = arith.extui %sign3A_775 : i1 to i32
    %sign3A_777 = arith.subi %sign3A_773, %sign3A_776 : i32
    %sign3A_778 = arith.constant 0 : i32
    %sign3A_779 = arith.cmpi sgt, %jit3A_769, %sign3A_778 : i32
    %sign3A_780 = arith.extui %sign3A_779 : i1 to i32
    %sign3A_781 = arith.constant 0 : i32
    %sign3A_782 = arith.cmpi slt, %jit3A_769, %sign3A_781 : i32
    %sign3A_783 = arith.extui %sign3A_782 : i1 to i32
    %sign3A_784 = arith.subi %sign3A_780, %sign3A_783 : i32
    %ne3A_785 = arith.cmpi ne, %sign3A_777, %sign3A_784 : i32
    %rem3A_786 = arith.remsi %add3A_768, %jit3A_769 : i32
    %ne3A_787 = arith.constant 0 : i32
    %ne3A_788 = arith.cmpi ne, %rem3A_786, %ne3A_787 : i32
    %and3A_789 = arith.andi %ne3A_785, %ne3A_788 : i1
    %sub3A_790 = arith.constant 1 : i32
    %sub3A_791 = arith.subi %div3A_770, %sub3A_790 : i32
    %select_n3A_792 = arith.select %and3A_789, %sub3A_791, %div3A_770 : i32
    %add3A_793 = arith.constant 0 : i32
    %add3A_794 = arith.addi %add3A_793, %select_n3A_792 : i32
    %get3A_795 = arith.index_cast %add3A_794 : i32 to index
    %get3A_796 = arith.constant 0 : index
    %get3A_797 = tpu.vector_load %arg10[%get3A_795, %get3A_796] {strides = array<i32>} : memref<16x128xf32, #tpu.memory_space<vmem>>, vector<16xf32>,
    %reshape3A_798 = vector.shape_cast %shift_right_arithmetic3A_758 : vector<16xi32> to vector<16x1xi32>
    %gather3A_799 = vector.shape_cast %reshape3A_798 : vector<16x1xi32> to vector<16xi32>
    %gather3A_800 = tpu.dynamic_gather %get3A_797[%gather3A_799] in [0] : vector<16xf32>, vector<16xi32> -> vector<16xf32>
    %jit3A_801 = arith.constant 2 : i32
    %div3A_802 = arith.divsi %add3A_768, %jit3A_801 : i32
    %sign3A_803 = arith.constant 0 : i32
    %sign3A_804 = arith.cmpi sgt, %add3A_768, %sign3A_803 : i32
    %sign3A_805 = arith.extui %sign3A_804 : i1 to i32
    %sign3A_806 = arith.constant 0 : i32
    %sign3A_807 = arith.cmpi slt, %add3A_768, %sign3A_806 : i32
    %sign3A_808 = arith.extui %sign3A_807 : i1 to i32
    %sign3A_809 = arith.subi %sign3A_805, %sign3A_808 : i32
    %sign3A_810 = arith.constant 0 : i32
    %sign3A_811 = arith.cmpi sgt, %jit3A_801, %sign3A_810 : i32
    %sign3A_812 = arith.extui %sign3A_811 : i1 to i32
    %sign3A_813 = arith.constant 0 : i32
    %sign3A_814 = arith.cmpi slt, %jit3A_801, %sign3A_813 : i32
    %sign3A_815 = arith.extui %sign3A_814 : i1 to i32
    %sign3A_816 = arith.subi %sign3A_812, %sign3A_815 : i32
    %ne3A_817 = arith.cmpi ne, %sign3A_809, %sign3A_816 : i32
    %rem3A_818 = arith.remsi %add3A_768, %jit3A_801 : i32
    %ne3A_819 = arith.constant 0 : i32
    %ne3A_820 = arith.cmpi ne, %rem3A_818, %ne3A_819 : i32
    %and3A_821 = arith.andi %ne3A_817, %ne3A_820 : i1
    %sub3A_822 = arith.constant 1 : i32
    %sub3A_823 = arith.subi %div3A_802, %sub3A_822 : i32
    %select_n3A_824 = arith.select %and3A_821, %sub3A_823, %div3A_802 : i32
    %add3A_825 = arith.constant 0 : i32
    %add3A_826 = arith.addi %add3A_825, %select_n3A_824 : i32
    %get3A_827 = arith.index_cast %add3A_826 : i32 to index
    %get3A_828 = arith.constant 0 : index
    %get3A_829 = tpu.vector_load %arg11[%get3A_827, %get3A_828] {strides = array<i32>} : memref<16x128xf32, #tpu.memory_space<vmem>>, vector<16xf32>,
    %reshape3A_830 = vector.shape_cast %shift_right_arithmetic3A_758 : vector<16xi32> to vector<16x1xi32>
    %gather3A_831 = vector.shape_cast %reshape3A_830 : vector<16x1xi32> to vector<16xi32>
    %gather3A_832 = tpu.dynamic_gather %get3A_829[%gather3A_831] in [0] : vector<16xf32>, vector<16xi32> -> vector<16xf32>
    %jit3A_833 = arith.constant 4 : i32
    %div3A_834 = arith.divsi %add3A_768, %jit3A_833 : i32
    %sign3A_835 = arith.constant 0 : i32
    %sign3A_836 = arith.cmpi sgt, %add3A_768, %sign3A_835 : i32
    %sign3A_837 = arith.extui %sign3A_836 : i1 to i32
    %sign3A_838 = arith.constant 0 : i32
    %sign3A_839 = arith.cmpi slt, %add3A_768, %sign3A_838 : i32
    %sign3A_840 = arith.extui %sign3A_839 : i1 to i32
    %sign3A_841 = arith.subi %sign3A_837, %sign3A_840 : i32
    %sign3A_842 = arith.constant 0 : i32
    %sign3A_843 = arith.cmpi sgt, %jit3A_833, %sign3A_842 : i32
    %sign3A_844 = arith.extui %sign3A_843 : i1 to i32
    %sign3A_845 = arith.constant 0 : i32
    %sign3A_846 = arith.cmpi slt, %jit3A_833, %sign3A_845 : i32
    %sign3A_847 = arith.extui %sign3A_846 : i1 to i32
    %sign3A_848 = arith.subi %sign3A_844, %sign3A_847 : i32
    %ne3A_849 = arith.cmpi ne, %sign3A_841, %sign3A_848 : i32
    %rem3A_850 = arith.remsi %add3A_768, %jit3A_833 : i32
    %ne3A_851 = arith.constant 0 : i32
    %ne3A_852 = arith.cmpi ne, %rem3A_850, %ne3A_851 : i32
    %and3A_853 = arith.andi %ne3A_849, %ne3A_852 : i1
    %sub3A_854 = arith.constant 1 : i32
    %sub3A_855 = arith.subi %div3A_834, %sub3A_854 : i32
    %select_n3A_856 = arith.select %and3A_853, %sub3A_855, %div3A_834 : i32
    %add3A_857 = arith.constant 8 : i32
    %add3A_858 = arith.addi %add3A_857, %select_n3A_856 : i32
    %get3A_859 = arith.index_cast %add3A_858 : i32 to index
    %get3A_860 = arith.constant 0 : index
    %get3A_861 = tpu.vector_load %arg10[%get3A_859, %get3A_860] {strides = array<i32>} : memref<16x128xf32, #tpu.memory_space<vmem>>, vector<16xf32>,
    %reshape3A_862 = vector.shape_cast %shift_right_arithmetic3A_761 : vector<16xi32> to vector<16x1xi32>
    %gather3A_863 = vector.shape_cast %reshape3A_862 : vector<16x1xi32> to vector<16xi32>
    %gather3A_864 = tpu.dynamic_gather %get3A_861[%gather3A_863] in [0] : vector<16xf32>, vector<16xi32> -> vector<16xf32>
    %jit3A_865 = arith.constant 4 : i32
    %div3A_866 = arith.divsi %add3A_768, %jit3A_865 : i32
    %sign3A_867 = arith.constant 0 : i32
    %sign3A_868 = arith.cmpi sgt, %add3A_768, %sign3A_867 : i32
    %sign3A_869 = arith.extui %sign3A_868 : i1 to i32
    %sign3A_870 = arith.constant 0 : i32
    %sign3A_871 = arith.cmpi slt, %add3A_768, %sign3A_870 : i32
    %sign3A_872 = arith.extui %sign3A_871 : i1 to i32
    %sign3A_873 = arith.subi %sign3A_869, %sign3A_872 : i32
    %sign3A_874 = arith.constant 0 : i32
    %sign3A_875 = arith.cmpi sgt, %jit3A_865, %sign3A_874 : i32
    %sign3A_876 = arith.extui %sign3A_875 : i1 to i32
    %sign3A_877 = arith.constant 0 : i32
    %sign3A_878 = arith.cmpi slt, %jit3A_865, %sign3A_877 : i32
    %sign3A_879 = arith.extui %sign3A_878 : i1 to i32
    %sign3A_880 = arith.subi %sign3A_876, %sign3A_879 : i32
    %ne3A_881 = arith.cmpi ne, %sign3A_873, %sign3A_880 : i32
    %rem3A_882 = arith.remsi %add3A_768, %jit3A_865 : i32
    %ne3A_883 = arith.constant 0 : i32
    %ne3A_884 = arith.cmpi ne, %rem3A_882, %ne3A_883 : i32
    %and3A_885 = arith.andi %ne3A_881, %ne3A_884 : i1
    %sub3A_886 = arith.constant 1 : i32
    %sub3A_887 = arith.subi %div3A_866, %sub3A_886 : i32
    %select_n3A_888 = arith.select %and3A_885, %sub3A_887, %div3A_866 : i32
    %add3A_889 = arith.constant 8 : i32
    %add3A_890 = arith.addi %add3A_889, %select_n3A_888 : i32
    %get3A_891 = arith.index_cast %add3A_890 : i32 to index
    %get3A_892 = arith.constant 0 : index
    %get3A_893 = tpu.vector_load %arg11[%get3A_891, %get3A_892] {strides = array<i32>} : memref<16x128xf32, #tpu.memory_space<vmem>>, vector<16xf32>,
    %reshape3A_894 = vector.shape_cast %shift_right_arithmetic3A_761 : vector<16xi32> to vector<16x1xi32>
    %gather3A_895 = vector.shape_cast %reshape3A_894 : vector<16x1xi32> to vector<16xi32>
    %gather3A_896 = tpu.dynamic_gather %get3A_893[%gather3A_895] in [0] : vector<16xf32>, vector<16xi32> -> vector<16xf32>
    %jit3A_897 = arith.constant 8 : i32
    %div3A_898 = arith.divsi %add3A_768, %jit3A_897 : i32
    %sign3A_899 = arith.constant 0 : i32
    %sign3A_900 = arith.cmpi sgt, %add3A_768, %sign3A_899 : i32
    %sign3A_901 = arith.extui %sign3A_900 : i1 to i32
    %sign3A_902 = arith.constant 0 : i32
    %sign3A_903 = arith.cmpi slt, %add3A_768, %sign3A_902 : i32
    %sign3A_904 = arith.extui %sign3A_903 : i1 to i32
    %sign3A_905 = arith.subi %sign3A_901, %sign3A_904 : i32
    %sign3A_906 = arith.constant 0 : i32
    %sign3A_907 = arith.cmpi sgt, %jit3A_897, %sign3A_906 : i32
    %sign3A_908 = arith.extui %sign3A_907 : i1 to i32
    %sign3A_909 = arith.constant 0 : i32
    %sign3A_910 = arith.cmpi slt, %jit3A_897, %sign3A_909 : i32
    %sign3A_911 = arith.extui %sign3A_910 : i1 to i32
    %sign3A_912 = arith.subi %sign3A_908, %sign3A_911 : i32
    %ne3A_913 = arith.cmpi ne, %sign3A_905, %sign3A_912 : i32
    %rem3A_914 = arith.remsi %add3A_768, %jit3A_897 : i32
    %ne3A_915 = arith.constant 0 : i32
    %ne3A_916 = arith.cmpi ne, %rem3A_914, %ne3A_915 : i32
    %and3A_917 = arith.andi %ne3A_913, %ne3A_916 : i1
    %sub3A_918 = arith.constant 1 : i32
    %sub3A_919 = arith.subi %div3A_898, %sub3A_918 : i32
    %select_n3A_920 = arith.select %and3A_917, %sub3A_919, %div3A_898 : i32
    %add3A_921 = arith.constant 12 : i32
    %add3A_922 = arith.addi %add3A_921, %select_n3A_920 : i32
    %get3A_923 = arith.index_cast %add3A_922 : i32 to index
    %get3A_924 = arith.constant 0 : index
    %get3A_925 = tpu.vector_load %arg10[%get3A_923, %get3A_924] {strides = array<i32>} : memref<16x128xf32, #tpu.memory_space<vmem>>, vector<16xf32>,
    %reshape3A_926 = vector.shape_cast %shift_right_arithmetic3A_764 : vector<16xi32> to vector<16x1xi32>
    %gather3A_927 = vector.shape_cast %reshape3A_926 : vector<16x1xi32> to vector<16xi32>
    %gather3A_928 = tpu.dynamic_gather %get3A_925[%gather3A_927] in [0] : vector<16xf32>, vector<16xi32> -> vector<16xf32>
    %jit3A_929 = arith.constant 8 : i32
    %div3A_930 = arith.divsi %add3A_768, %jit3A_929 : i32
    %sign3A_931 = arith.constant 0 : i32
    %sign3A_932 = arith.cmpi sgt, %add3A_768, %sign3A_931 : i32
    %sign3A_933 = arith.extui %sign3A_932 : i1 to i32
    %sign3A_934 = arith.constant 0 : i32
    %sign3A_935 = arith.cmpi slt, %add3A_768, %sign3A_934 : i32
    %sign3A_936 = arith.extui %sign3A_935 : i1 to i32
    %sign3A_937 = arith.subi %sign3A_933, %sign3A_936 : i32
    %sign3A_938 = arith.constant 0 : i32
    %sign3A_939 = arith.cmpi sgt, %jit3A_929, %sign3A_938 : i32
    %sign3A_940 = arith.extui %sign3A_939 : i1 to i32
    %sign3A_941 = arith.constant 0 : i32
    %sign3A_942 = arith.cmpi slt, %jit3A_929, %sign3A_941 : i32
    %sign3A_943 = arith.extui %sign3A_942 : i1 to i32
    %sign3A_944 = arith.subi %sign3A_940, %sign3A_943 : i32
    %ne3A_945 = arith.cmpi ne, %sign3A_937, %sign3A_944 : i32
    %rem3A_946 = arith.remsi %add3A_768, %jit3A_929 : i32
    %ne3A_947 = arith.constant 0 : i32
    %ne3A_948 = arith.cmpi ne, %rem3A_946, %ne3A_947 : i32
    %and3A_949 = arith.andi %ne3A_945, %ne3A_948 : i1
    %sub3A_950 = arith.constant 1 : i32
    %sub3A_951 = arith.subi %div3A_930, %sub3A_950 : i32
    %select_n3A_952 = arith.select %and3A_949, %sub3A_951, %div3A_930 : i32
    %add3A_953 = arith.constant 12 : i32
    %add3A_954 = arith.addi %add3A_953, %select_n3A_952 : i32
    %get3A_955 = arith.index_cast %add3A_954 : i32 to index
    %get3A_956 = arith.constant 0 : index
    %get3A_957 = tpu.vector_load %arg11[%get3A_955, %get3A_956] {strides = array<i32>} : memref<16x128xf32, #tpu.memory_space<vmem>>, vector<16xf32>,
    %reshape3A_958 = vector.shape_cast %shift_right_arithmetic3A_764 : vector<16xi32> to vector<16x1xi32>
    %gather3A_959 = vector.shape_cast %reshape3A_958 : vector<16x1xi32> to vector<16xi32>
    %gather3A_960 = tpu.dynamic_gather %get3A_957[%gather3A_959] in [0] : vector<16xf32>, vector<16xi32> -> vector<16xf32>
    %get3A_961 = arith.constant 0 : i32
    %get3A_962 = arith.index_cast %get3A_961 : i32 to index
    %get3A_963 = arith.constant 0 : index
    %get3A_964 = tpu.vector_load %arg6[%get3A_962, %get3A_963] {strides = array<i32>} : memref<4x128xf32, #tpu.memory_space<vmem>>, vector<16xf32>,
    %mul3A_965 = arith.constant 9.765625E-4 : f32
    %mul3A_966 = vector.broadcast %mul3A_965 : f32 to vector<16xf32>
    %mul3A_967 = arith.mulf %get3A_964, %mul3A_966 : vector<16xf32>
    %ge3A_968 = arith.constant 6.552000e+10 : f32
    %ge3A_969 = vector.broadcast %ge3A_968 : f32 to vector<16xf32>
    %ge3A_970 = arith.cmpf oge, %gather3A_832, %ge3A_969 : vector<16xf32>
    %mul3A_971 = arith.constant 2.44140625E-4 : f32
    %mul3A_972 = vector.broadcast %mul3A_971 : f32 to vector<16xf32>
    %mul3A_973 = arith.mulf %gather3A_800, %mul3A_972 : vector<16xf32>
    %select_n3A_974 = arith.select %ge3A_970, %mul3A_967, %mul3A_973 : vector<16xi1>, vector<16xf32>
    %ge3A_975 = arith.constant 2.621280e+11 : f32
    %ge3A_976 = vector.broadcast %ge3A_975 : f32 to vector<16xf32>
    %ge3A_977 = arith.cmpf oge, %gather3A_896, %ge3A_976 : vector<16xf32>
    %mul3A_978 = arith.constant 6.10351563E-5 : f32
    %mul3A_979 = vector.broadcast %mul3A_978 : f32 to vector<16xf32>
    %mul3A_980 = arith.mulf %gather3A_864, %mul3A_979 : vector<16xf32>
    %select_n3A_981 = arith.select %ge3A_977, %select_n3A_974, %mul3A_980 : vector<16xi1>, vector<16xf32>
    %ge3A_982 = arith.constant 1.048560e+12 : f32
    %ge3A_983 = vector.broadcast %ge3A_982 : f32 to vector<16xf32>
    %ge3A_984 = arith.cmpf oge, %gather3A_960, %ge3A_983 : vector<16xf32>
    %mul3A_985 = arith.constant 1.52587891E-5 : f32
    %mul3A_986 = vector.broadcast %mul3A_985 : f32 to vector<16xf32>
    %mul3A_987 = arith.mulf %gather3A_928, %mul3A_986 : vector<16xf32>
    %select_n3A_988 = arith.select %ge3A_984, %select_n3A_981, %mul3A_987 : vector<16xi1>, vector<16xf32>
    %select_n3A_989 = arith.select %ge3A_756, %select_n3A_988, %mul3A_749 : vector<16xi1>, vector<16xf32>
    %add3A_990 = arith.addf %select_n3A_989, %gather3A_60 : vector<16xf32>
    %broadcast_in_dim3A_991 = arith.constant 0 : i32
    %broadcast_in_dim3A_992 = vector.broadcast %broadcast_in_dim3A_991 : i32 to vector<16xi32>
    %reshape3A_993 = vector.shape_cast %broadcast_in_dim3A_992 : vector<16xi32> to vector<16x1xi32>
    %gather3A_994 = vector.shape_cast %reshape3A_993 : vector<16x1xi32> to vector<16xi32>
    %gather3A_995 = tpu.dynamic_gather %add3A_990[%gather3A_994] in [0] : vector<16xf32>, vector<16xi32> -> vector<16xf32>
    %broadcast_in_dim3A_996 = arith.constant 1 : i32
    %broadcast_in_dim3A_997 = vector.broadcast %broadcast_in_dim3A_996 : i32 to vector<16xi32>
    %reshape3A_998 = vector.shape_cast %broadcast_in_dim3A_997 : vector<16xi32> to vector<16x1xi32>
    %gather3A_999 = vector.shape_cast %reshape3A_998 : vector<16x1xi32> to vector<16xi32>
    %gather3A_1000 = tpu.dynamic_gather %add3A_990[%gather3A_999] in [0] : vector<16xf32>, vector<16xi32> -> vector<16xf32>
    %broadcast_in_dim3A_1001 = arith.constant 2 : i32
    %broadcast_in_dim3A_1002 = vector.broadcast %broadcast_in_dim3A_1001 : i32 to vector<16xi32>
    %reshape3A_1003 = vector.shape_cast %broadcast_in_dim3A_1002 : vector<16xi32> to vector<16x1xi32>
    %gather3A_1004 = vector.shape_cast %reshape3A_1003 : vector<16x1xi32> to vector<16xi32>
    %gather3A_1005 = tpu.dynamic_gather %add3A_990[%gather3A_1004] in [0] : vector<16xf32>, vector<16xi32> -> vector<16xf32>
    %broadcast_in_dim3A_1006 = arith.constant 3 : i32
    %broadcast_in_dim3A_1007 = vector.broadcast %broadcast_in_dim3A_1006 : i32 to vector<16xi32>
    %reshape3A_1008 = vector.shape_cast %broadcast_in_dim3A_1007 : vector<16xi32> to vector<16x1xi32>
    %gather3A_1009 = vector.shape_cast %reshape3A_1008 : vector<16x1xi32> to vector<16xi32>
    %gather3A_1010 = tpu.dynamic_gather %add3A_990[%gather3A_1009] in [0] : vector<16xf32>, vector<16xi32> -> vector<16xf32>
    %broadcast_in_dim3A_1011 = arith.constant 4 : i32
    %broadcast_in_dim3A_1012 = vector.broadcast %broadcast_in_dim3A_1011 : i32 to vector<16xi32>
    %reshape3A_1013 = vector.shape_cast %broadcast_in_dim3A_1012 : vector<16xi32> to vector<16x1xi32>
    %gather3A_1014 = vector.shape_cast %reshape3A_1013 : vector<16x1xi32> to vector<16xi32>
    %gather3A_1015 = tpu.dynamic_gather %add3A_990[%gather3A_1014] in [0] : vector<16xf32>, vector<16xi32> -> vector<16xf32>
    %broadcast_in_dim3A_1016 = arith.constant 5 : i32
    %broadcast_in_dim3A_1017 = vector.broadcast %broadcast_in_dim3A_1016 : i32 to vector<16xi32>
    %reshape3A_1018 = vector.shape_cast %broadcast_in_dim3A_1017 : vector<16xi32> to vector<16x1xi32>
    %gather3A_1019 = vector.shape_cast %reshape3A_1018 : vector<16x1xi32> to vector<16xi32>
    %gather3A_1020 = tpu.dynamic_gather %add3A_990[%gather3A_1019] in [0] : vector<16xf32>, vector<16xi32> -> vector<16xf32>
    %broadcast_in_dim3A_1021 = arith.constant 6 : i32
    %broadcast_in_dim3A_1022 = vector.broadcast %broadcast_in_dim3A_1021 : i32 to vector<16xi32>
    %reshape3A_1023 = vector.shape_cast %broadcast_in_dim3A_1022 : vector<16xi32> to vector<16x1xi32>
    %gather3A_1024 = vector.shape_cast %reshape3A_1023 : vector<16x1xi32> to vector<16xi32>
    %gather3A_1025 = tpu.dynamic_gather %add3A_990[%gather3A_1024] in [0] : vector<16xf32>, vector<16xi32> -> vector<16xf32>
    %broadcast_in_dim3A_1026 = arith.constant 7 : i32
    %broadcast_in_dim3A_1027 = vector.broadcast %broadcast_in_dim3A_1026 : i32 to vector<16xi32>
    %reshape3A_1028 = vector.shape_cast %broadcast_in_dim3A_1027 : vector<16xi32> to vector<16x1xi32>
    %gather3A_1029 = vector.shape_cast %reshape3A_1028 : vector<16x1xi32> to vector<16xi32>
    %gather3A_1030 = tpu.dynamic_gather %add3A_990[%gather3A_1029] in [0] : vector<16xf32>, vector<16xi32> -> vector<16xf32>
    %broadcast_in_dim3A_1031 = arith.constant 8 : i32
    %broadcast_in_dim3A_1032 = vector.broadcast %broadcast_in_dim3A_1031 : i32 to vector<16xi32>
    %reshape3A_1033 = vector.shape_cast %broadcast_in_dim3A_1032 : vector<16xi32> to vector<16x1xi32>
    %gather3A_1034 = vector.shape_cast %reshape3A_1033 : vector<16x1xi32> to vector<16xi32>
    %gather3A_1035 = tpu.dynamic_gather %add3A_990[%gather3A_1034] in [0] : vector<16xf32>, vector<16xi32> -> vector<16xf32>
    %broadcast_in_dim3A_1036 = arith.constant 9 : i32
    %broadcast_in_dim3A_1037 = vector.broadcast %broadcast_in_dim3A_1036 : i32 to vector<16xi32>
    %reshape3A_1038 = vector.shape_cast %broadcast_in_dim3A_1037 : vector<16xi32> to vector<16x1xi32>
    %gather3A_1039 = vector.shape_cast %reshape3A_1038 : vector<16x1xi32> to vector<16xi32>
    %gather3A_1040 = tpu.dynamic_gather %add3A_990[%gather3A_1039] in [0] : vector<16xf32>, vector<16xi32> -> vector<16xf32>
    %broadcast_in_dim3A_1041 = arith.constant 10 : i32
    %broadcast_in_dim3A_1042 = vector.broadcast %broadcast_in_dim3A_1041 : i32 to vector<16xi32>
    %reshape3A_1043 = vector.shape_cast %broadcast_in_dim3A_1042 : vector<16xi32> to vector<16x1xi32>
    %gather3A_1044 = vector.shape_cast %reshape3A_1043 : vector<16x1xi32> to vector<16xi32>
    %gather3A_1045 = tpu.dynamic_gather %add3A_990[%gather3A_1044] in [0] : vector<16xf32>, vector<16xi32> -> vector<16xf32>
    %broadcast_in_dim3A_1046 = arith.constant 11 : i32
    %broadcast_in_dim3A_1047 = vector.broadcast %broadcast_in_dim3A_1046 : i32 to vector<16xi32>
    %reshape3A_1048 = vector.shape_cast %broadcast_in_dim3A_1047 : vector<16xi32> to vector<16x1xi32>
    %gather3A_1049 = vector.shape_cast %reshape3A_1048 : vector<16x1xi32> to vector<16xi32>
    %gather3A_1050 = tpu.dynamic_gather %add3A_990[%gather3A_1049] in [0] : vector<16xf32>, vector<16xi32> -> vector<16xf32>
    %broadcast_in_dim3A_1051 = arith.constant 12 : i32
    %broadcast_in_dim3A_1052 = vector.broadcast %broadcast_in_dim3A_1051 : i32 to vector<16xi32>
    %reshape3A_1053 = vector.shape_cast %broadcast_in_dim3A_1052 : vector<16xi32> to vector<16x1xi32>
    %gather3A_1054 = vector.shape_cast %reshape3A_1053 : vector<16x1xi32> to vector<16xi32>
    %gather3A_1055 = tpu.dynamic_gather %add3A_990[%gather3A_1054] in [0] : vector<16xf32>, vector<16xi32> -> vector<16xf32>
    %broadcast_in_dim3A_1056 = arith.constant 13 : i32
    %broadcast_in_dim3A_1057 = vector.broadcast %broadcast_in_dim3A_1056 : i32 to vector<16xi32>
    %reshape3A_1058 = vector.shape_cast %broadcast_in_dim3A_1057 : vector<16xi32> to vector<16x1xi32>
    %gather3A_1059 = vector.shape_cast %reshape3A_1058 : vector<16x1xi32> to vector<16xi32>
    %gather3A_1060 = tpu.dynamic_gather %add3A_990[%gather3A_1059] in [0] : vector<16xf32>, vector<16xi32> -> vector<16xf32>
    %broadcast_in_dim3A_1061 = arith.constant 14 : i32
    %broadcast_in_dim3A_1062 = vector.broadcast %broadcast_in_dim3A_1061 : i32 to vector<16xi32>
    %reshape3A_1063 = vector.shape_cast %broadcast_in_dim3A_1062 : vector<16xi32> to vector<16x1xi32>
    %gather3A_1064 = vector.shape_cast %reshape3A_1063 : vector<16x1xi32> to vector<16xi32>
    %gather3A_1065 = tpu.dynamic_gather %add3A_990[%gather3A_1064] in [0] : vector<16xf32>, vector<16xi32> -> vector<16xf32>
    %broadcast_in_dim3A_1066 = arith.constant 15 : i32
    %broadcast_in_dim3A_1067 = vector.broadcast %broadcast_in_dim3A_1066 : i32 to vector<16xi32>
    %reshape3A_1068 = vector.shape_cast %broadcast_in_dim3A_1067 : vector<16xi32> to vector<16x1xi32>
    %gather3A_1069 = vector.shape_cast %reshape3A_1068 : vector<16x1xi32> to vector<16xi32>
    %gather3A_1070 = tpu.dynamic_gather %add3A_990[%gather3A_1069] in [0] : vector<16xf32>, vector<16xi32> -> vector<16xf32>
    %scan3A_1071 = arith.constant 0 : i32
    %scan3A_1072 = arith.constant 0 : i32
    %scan3A_1073 = arith.constant 32 : i32
    %scan3A_1074 = arith.addi %scan3A_1072, %scan3A_1073 : i32
    %scan3A_1075 = arith.constant 1 : i32
    scf.for %scan3A_1421 = %scan3A_1072 to %scan3A_1074 step %scan3A_1075  : i32 {
      %swap3A_1422 = arith.index_cast %scan3A_1421 : i32 to index
      %swap3A_1423 = arith.constant 0 : index
      %swap3A_1424 = tpu.vector_load %arg4[%swap3A_1422, %swap3A_1423] {strides = array<i32>} : memref<32x512xf32, #tpu.memory_space<vmem>>, vector<16xf32>,
      tpu.vector_store %arg4[%swap3A_1422, %swap3A_1423], %gather3A_995 {strides = array<i32>} : memref<32x512xf32, #tpu.memory_space<vmem>>, vector<16xf32>,
      %swap3A_1425 = arith.index_cast %scan3A_1421 : i32 to index
      %swap3A_1426 = arith.constant 16 : index
      %swap3A_1427 = tpu.vector_load %arg4[%swap3A_1425, %swap3A_1426] {strides = array<i32>} : memref<32x512xf32, #tpu.memory_space<vmem>>, vector<16xf32>,
      tpu.vector_store %arg4[%swap3A_1425, %swap3A_1426], %gather3A_995 {strides = array<i32>} : memref<32x512xf32, #tpu.memory_space<vmem>>, vector<16xf32>,
      %swap3A_1428 = arith.index_cast %scan3A_1421 : i32 to index
      %swap3A_1429 = arith.constant 32 : index
      %swap3A_1430 = tpu.vector_load %arg4[%swap3A_1428, %swap3A_1429] {strides = array<i32>} : memref<32x512xf32, #tpu.memory_space<vmem>>, vector<16xf32>,
      tpu.vector_store %arg4[%swap3A_1428, %swap3A_1429], %gather3A_1000 {strides = array<i32>} : memref<32x512xf32, #tpu.memory_space<vmem>>, vector<16xf32>,
      %swap3A_1431 = arith.index_cast %scan3A_1421 : i32 to index
      %swap3A_1432 = arith.constant 48 : index
      %swap3A_1433 = tpu.vector_load %arg4[%swap3A_1431, %swap3A_1432] {strides = array<i32>} : memref<32x512xf32, #tpu.memory_space<vmem>>, vector<16xf32>,
      tpu.vector_store %arg4[%swap3A_1431, %swap3A_1432], %gather3A_1000 {strides = array<i32>} : memref<32x512xf32, #tpu.memory_space<vmem>>, vector<16xf32>,
      %swap3A_1434 = arith.index_cast %scan3A_1421 : i32 to index
      %swap3A_1435 = arith.constant 64 : index
      %swap3A_1436 = tpu.vector_load %arg4[%swap3A_1434, %swap3A_1435] {strides = array<i32>} : memref<32x512xf32, #tpu.memory_space<vmem>>, vector<16xf32>,
      tpu.vector_store %arg4[%swap3A_1434, %swap3A_1435], %gather3A_1005 {strides = array<i32>} : memref<32x512xf32, #tpu.memory_space<vmem>>, vector<16xf32>,
      %swap3A_1437 = arith.index_cast %scan3A_1421 : i32 to index
      %swap3A_1438 = arith.constant 80 : index
      %swap3A_1439 = tpu.vector_load %arg4[%swap3A_1437, %swap3A_1438] {strides = array<i32>} : memref<32x512xf32, #tpu.memory_space<vmem>>, vector<16xf32>,
      tpu.vector_store %arg4[%swap3A_1437, %swap3A_1438], %gather3A_1005 {strides = array<i32>} : memref<32x512xf32, #tpu.memory_space<vmem>>, vector<16xf32>,
      %swap3A_1440 = arith.index_cast %scan3A_1421 : i32 to index
      %swap3A_1441 = arith.constant 96 : index
      %swap3A_1442 = tpu.vector_load %arg4[%swap3A_1440, %swap3A_1441] {strides = array<i32>} : memref<32x512xf32, #tpu.memory_space<vmem>>, vector<16xf32>,
      tpu.vector_store %arg4[%swap3A_1440, %swap3A_1441], %gather3A_1010 {strides = array<i32>} : memref<32x512xf32, #tpu.memory_space<vmem>>, vector<16xf32>,
      %swap3A_1443 = arith.index_cast %scan3A_1421 : i32 to index
      %swap3A_1444 = arith.constant 112 : index
      %swap3A_1445 = tpu.vector_load %arg4[%swap3A_1443, %swap3A_1444] {strides = array<i32>} : memref<32x512xf32, #tpu.memory_space<vmem>>, vector<16xf32>,
      tpu.vector_store %arg4[%swap3A_1443, %swap3A_1444], %gather3A_1010 {strides = array<i32>} : memref<32x512xf32, #tpu.memory_space<vmem>>, vector<16xf32>,
      %swap3A_1446 = arith.index_cast %scan3A_1421 : i32 to index
      %swap3A_1447 = arith.constant 128 : index
      %swap3A_1448 = tpu.vector_load %arg4[%swap3A_1446, %swap3A_1447] {strides = array<i32>} : memref<32x512xf32, #tpu.memory_space<vmem>>, vector<16xf32>,
      tpu.vector_store %arg4[%swap3A_1446, %swap3A_1447], %gather3A_1015 {strides = array<i32>} : memref<32x512xf32, #tpu.memory_space<vmem>>, vector<16xf32>,
      %swap3A_1449 = arith.index_cast %scan3A_1421 : i32 to index
      %swap3A_1450 = arith.constant 144 : index
      %swap3A_1451 = tpu.vector_load %arg4[%swap3A_1449, %swap3A_1450] {strides = array<i32>} : memref<32x512xf32, #tpu.memory_space<vmem>>, vector<16xf32>,
      tpu.vector_store %arg4[%swap3A_1449, %swap3A_1450], %gather3A_1015 {strides = array<i32>} : memref<32x512xf32, #tpu.memory_space<vmem>>, vector<16xf32>,
      %swap3A_1452 = arith.index_cast %scan3A_1421 : i32 to index
      %swap3A_1453 = arith.constant 160 : index
      %swap3A_1454 = tpu.vector_load %arg4[%swap3A_1452, %swap3A_1453] {strides = array<i32>} : memref<32x512xf32, #tpu.memory_space<vmem>>, vector<16xf32>,
      tpu.vector_store %arg4[%swap3A_1452, %swap3A_1453], %gather3A_1020 {strides = array<i32>} : memref<32x512xf32, #tpu.memory_space<vmem>>, vector<16xf32>,
      %swap3A_1455 = arith.index_cast %scan3A_1421 : i32 to index
      %swap3A_1456 = arith.constant 176 : index
      %swap3A_1457 = tpu.vector_load %arg4[%swap3A_1455, %swap3A_1456] {strides = array<i32>} : memref<32x512xf32, #tpu.memory_space<vmem>>, vector<16xf32>,
      tpu.vector_store %arg4[%swap3A_1455, %swap3A_1456], %gather3A_1020 {strides = array<i32>} : memref<32x512xf32, #tpu.memory_space<vmem>>, vector<16xf32>,
      %swap3A_1458 = arith.index_cast %scan3A_1421 : i32 to index
      %swap3A_1459 = arith.constant 192 : index
      %swap3A_1460 = tpu.vector_load %arg4[%swap3A_1458, %swap3A_1459] {strides = array<i32>} : memref<32x512xf32, #tpu.memory_space<vmem>>, vector<16xf32>,
      tpu.vector_store %arg4[%swap3A_1458, %swap3A_1459], %gather3A_1025 {strides = array<i32>} : memref<32x512xf32, #tpu.memory_space<vmem>>, vector<16xf32>,
      %swap3A_1461 = arith.index_cast %scan3A_1421 : i32 to index
      %swap3A_1462 = arith.constant 208 : index
      %swap3A_1463 = tpu.vector_load %arg4[%swap3A_1461, %swap3A_1462] {strides = array<i32>} : memref<32x512xf32, #tpu.memory_space<vmem>>, vector<16xf32>,
      tpu.vector_store %arg4[%swap3A_1461, %swap3A_1462], %gather3A_1025 {strides = array<i32>} : memref<32x512xf32, #tpu.memory_space<vmem>>, vector<16xf32>,
      %swap3A_1464 = arith.index_cast %scan3A_1421 : i32 to index
      %swap3A_1465 = arith.constant 224 : index
      %swap3A_1466 = tpu.vector_load %arg4[%swap3A_1464, %swap3A_1465] {strides = array<i32>} : memref<32x512xf32, #tpu.memory_space<vmem>>, vector<16xf32>,
      tpu.vector_store %arg4[%swap3A_1464, %swap3A_1465], %gather3A_1030 {strides = array<i32>} : memref<32x512xf32, #tpu.memory_space<vmem>>, vector<16xf32>,
      %swap3A_1467 = arith.index_cast %scan3A_1421 : i32 to index
      %swap3A_1468 = arith.constant 240 : index
      %swap3A_1469 = tpu.vector_load %arg4[%swap3A_1467, %swap3A_1468] {strides = array<i32>} : memref<32x512xf32, #tpu.memory_space<vmem>>, vector<16xf32>,
      tpu.vector_store %arg4[%swap3A_1467, %swap3A_1468], %gather3A_1030 {strides = array<i32>} : memref<32x512xf32, #tpu.memory_space<vmem>>, vector<16xf32>,
      %swap3A_1470 = arith.index_cast %scan3A_1421 : i32 to index
      %swap3A_1471 = arith.constant 256 : index
      %swap3A_1472 = tpu.vector_load %arg4[%swap3A_1470, %swap3A_1471] {strides = array<i32>} : memref<32x512xf32, #tpu.memory_space<vmem>>, vector<16xf32>,
      tpu.vector_store %arg4[%swap3A_1470, %swap3A_1471], %gather3A_1035 {strides = array<i32>} : memref<32x512xf32, #tpu.memory_space<vmem>>, vector<16xf32>,
      %swap3A_1473 = arith.index_cast %scan3A_1421 : i32 to index
      %swap3A_1474 = arith.constant 272 : index
      %swap3A_1475 = tpu.vector_load %arg4[%swap3A_1473, %swap3A_1474] {strides = array<i32>} : memref<32x512xf32, #tpu.memory_space<vmem>>, vector<16xf32>,
      tpu.vector_store %arg4[%swap3A_1473, %swap3A_1474], %gather3A_1035 {strides = array<i32>} : memref<32x512xf32, #tpu.memory_space<vmem>>, vector<16xf32>,
      %swap3A_1476 = arith.index_cast %scan3A_1421 : i32 to index
      %swap3A_1477 = arith.constant 288 : index
      %swap3A_1478 = tpu.vector_load %arg4[%swap3A_1476, %swap3A_1477] {strides = array<i32>} : memref<32x512xf32, #tpu.memory_space<vmem>>, vector<16xf32>,
      tpu.vector_store %arg4[%swap3A_1476, %swap3A_1477], %gather3A_1040 {strides = array<i32>} : memref<32x512xf32, #tpu.memory_space<vmem>>, vector<16xf32>,
      %swap3A_1479 = arith.index_cast %scan3A_1421 : i32 to index
      %swap3A_1480 = arith.constant 304 : index
      %swap3A_1481 = tpu.vector_load %arg4[%swap3A_1479, %swap3A_1480] {strides = array<i32>} : memref<32x512xf32, #tpu.memory_space<vmem>>, vector<16xf32>,
      tpu.vector_store %arg4[%swap3A_1479, %swap3A_1480], %gather3A_1040 {strides = array<i32>} : memref<32x512xf32, #tpu.memory_space<vmem>>, vector<16xf32>,
      %swap3A_1482 = arith.index_cast %scan3A_1421 : i32 to index
      %swap3A_1483 = arith.constant 320 : index
      %swap3A_1484 = tpu.vector_load %arg4[%swap3A_1482, %swap3A_1483] {strides = array<i32>} : memref<32x512xf32, #tpu.memory_space<vmem>>, vector<16xf32>,
      tpu.vector_store %arg4[%swap3A_1482, %swap3A_1483], %gather3A_1045 {strides = array<i32>} : memref<32x512xf32, #tpu.memory_space<vmem>>, vector<16xf32>,
      %swap3A_1485 = arith.index_cast %scan3A_1421 : i32 to index
      %swap3A_1486 = arith.constant 336 : index
      %swap3A_1487 = tpu.vector_load %arg4[%swap3A_1485, %swap3A_1486] {strides = array<i32>} : memref<32x512xf32, #tpu.memory_space<vmem>>, vector<16xf32>,
      tpu.vector_store %arg4[%swap3A_1485, %swap3A_1486], %gather3A_1045 {strides = array<i32>} : memref<32x512xf32, #tpu.memory_space<vmem>>, vector<16xf32>,
      %swap3A_1488 = arith.index_cast %scan3A_1421 : i32 to index
      %swap3A_1489 = arith.constant 352 : index
      %swap3A_1490 = tpu.vector_load %arg4[%swap3A_1488, %swap3A_1489] {strides = array<i32>} : memref<32x512xf32, #tpu.memory_space<vmem>>, vector<16xf32>,
      tpu.vector_store %arg4[%swap3A_1488, %swap3A_1489], %gather3A_1050 {strides = array<i32>} : memref<32x512xf32, #tpu.memory_space<vmem>>, vector<16xf32>,
      %swap3A_1491 = arith.index_cast %scan3A_1421 : i32 to index
      %swap3A_1492 = arith.constant 368 : index
      %swap3A_1493 = tpu.vector_load %arg4[%swap3A_1491, %swap3A_1492] {strides = array<i32>} : memref<32x512xf32, #tpu.memory_space<vmem>>, vector<16xf32>,
      tpu.vector_store %arg4[%swap3A_1491, %swap3A_1492], %gather3A_1050 {strides = array<i32>} : memref<32x512xf32, #tpu.memory_space<vmem>>, vector<16xf32>,
      %swap3A_1494 = arith.index_cast %scan3A_1421 : i32 to index
      %swap3A_1495 = arith.constant 384 : index
      %swap3A_1496 = tpu.vector_load %arg4[%swap3A_1494, %swap3A_1495] {strides = array<i32>} : memref<32x512xf32, #tpu.memory_space<vmem>>, vector<16xf32>,
      tpu.vector_store %arg4[%swap3A_1494, %swap3A_1495], %gather3A_1055 {strides = array<i32>} : memref<32x512xf32, #tpu.memory_space<vmem>>, vector<16xf32>,
      %swap3A_1497 = arith.index_cast %scan3A_1421 : i32 to index
      %swap3A_1498 = arith.constant 400 : index
      %swap3A_1499 = tpu.vector_load %arg4[%swap3A_1497, %swap3A_1498] {strides = array<i32>} : memref<32x512xf32, #tpu.memory_space<vmem>>, vector<16xf32>,
      tpu.vector_store %arg4[%swap3A_1497, %swap3A_1498], %gather3A_1055 {strides = array<i32>} : memref<32x512xf32, #tpu.memory_space<vmem>>, vector<16xf32>,
      %swap3A_1500 = arith.index_cast %scan3A_1421 : i32 to index
      %swap3A_1501 = arith.constant 416 : index
      %swap3A_1502 = tpu.vector_load %arg4[%swap3A_1500, %swap3A_1501] {strides = array<i32>} : memref<32x512xf32, #tpu.memory_space<vmem>>, vector<16xf32>,
      tpu.vector_store %arg4[%swap3A_1500, %swap3A_1501], %gather3A_1060 {strides = array<i32>} : memref<32x512xf32, #tpu.memory_space<vmem>>, vector<16xf32>,
      %swap3A_1503 = arith.index_cast %scan3A_1421 : i32 to index
      %swap3A_1504 = arith.constant 432 : index
      %swap3A_1505 = tpu.vector_load %arg4[%swap3A_1503, %swap3A_1504] {strides = array<i32>} : memref<32x512xf32, #tpu.memory_space<vmem>>, vector<16xf32>,
      tpu.vector_store %arg4[%swap3A_1503, %swap3A_1504], %gather3A_1060 {strides = array<i32>} : memref<32x512xf32, #tpu.memory_space<vmem>>, vector<16xf32>,
      %swap3A_1506 = arith.index_cast %scan3A_1421 : i32 to index
      %swap3A_1507 = arith.constant 448 : index
      %swap3A_1508 = tpu.vector_load %arg4[%swap3A_1506, %swap3A_1507] {strides = array<i32>} : memref<32x512xf32, #tpu.memory_space<vmem>>, vector<16xf32>,
      tpu.vector_store %arg4[%swap3A_1506, %swap3A_1507], %gather3A_1065 {strides = array<i32>} : memref<32x512xf32, #tpu.memory_space<vmem>>, vector<16xf32>,
      %swap3A_1509 = arith.index_cast %scan3A_1421 : i32 to index
      %swap3A_1510 = arith.constant 464 : index
      %swap3A_1511 = tpu.vector_load %arg4[%swap3A_1509, %swap3A_1510] {strides = array<i32>} : memref<32x512xf32, #tpu.memory_space<vmem>>, vector<16xf32>,
      tpu.vector_store %arg4[%swap3A_1509, %swap3A_1510], %gather3A_1065 {strides = array<i32>} : memref<32x512xf32, #tpu.memory_space<vmem>>, vector<16xf32>,
      %swap3A_1512 = arith.index_cast %scan3A_1421 : i32 to index
      %swap3A_1513 = arith.constant 480 : index
      %swap3A_1514 = tpu.vector_load %arg4[%swap3A_1512, %swap3A_1513] {strides = array<i32>} : memref<32x512xf32, #tpu.memory_space<vmem>>, vector<16xf32>,
      tpu.vector_store %arg4[%swap3A_1512, %swap3A_1513], %gather3A_1070 {strides = array<i32>} : memref<32x512xf32, #tpu.memory_space<vmem>>, vector<16xf32>,
      %swap3A_1515 = arith.index_cast %scan3A_1421 : i32 to index
      %swap3A_1516 = arith.constant 496 : index
      %swap3A_1517 = tpu.vector_load %arg4[%swap3A_1515, %swap3A_1516] {strides = array<i32>} : memref<32x512xf32, #tpu.memory_space<vmem>>, vector<16xf32>,
      tpu.vector_store %arg4[%swap3A_1515, %swap3A_1516], %gather3A_1070 {strides = array<i32>} : memref<32x512xf32, #tpu.memory_space<vmem>>, vector<16xf32>,
    }
    %scan3A_1076 = arith.constant 32 : i32
    %mul3A_1077 = arith.constant 32 : i32
    %mul3A_1078 = arith.muli %add3A_768, %mul3A_1077 : i32
    %dma_start3A_1079 = arith.constant 0 : i32
    %dma_start3A_1080 = arith.constant 0 : i32
    %dma_start3A_1081 = tpu.memref_slice %arg3[%add3A, %dma_start3A_1079, %mul3A_1078, %dma_start3A_1080] : memref<4x1x512x512xf32, #tpu.memory_space<hbm>> -> memref<1x1x32x512xf32, #tpu.memory_space<hbm>>
    %dma_start3A_1082 = tpu.memref_squeeze %dma_start3A_1081 : memref<1x1x32x512xf32, #tpu.memory_space<hbm>> -> memref<32x512xf32, #tpu.memory_space<hbm>>
    %dma_start3A_1083 = arith.constant 0 : i32
    %dma_start3A_1084 = tpu.memref_slice %arg3[%add3A, %dma_start3A_1079, %mul3A_1078, %dma_start3A_1083] : memref<4x1x512x512xf32, #tpu.memory_space<hbm>> -> memref<1x1x32x512xf32, #tpu.memory_space<hbm>>
    %dma_start3A_1085 = tpu.memref_squeeze %dma_start3A_1084 : memref<1x1x32x512xf32, #tpu.memory_space<hbm>> -> memref<32x512xf32, #tpu.memory_space<hbm>>
    tpu.enqueue_dma source(%arg4 : memref<32x512xf32, #tpu.memory_space<vmem>>) target(%dma_start3A_1085 : memref<32x512xf32, #tpu.memory_space<hbm>>) target_semaphore(%arg13 : memref<!tpu.dma_semaphore, #tpu.memory_space<semaphore_mem>>)
    %mul3A_1086 = arith.constant 2 : i32
    %mul3A_1087 = arith.muli %mul3A_1086, %select_n3A_30 : i32
    %add3A_1088 = arith.constant 1 : i32
    %add3A_1089 = arith.addi %mul3A_1087, %add3A_1088 : i32
    %jit3A_1090 = arith.constant 2 : i32
    %div3A_1091 = arith.divsi %add3A_1089, %jit3A_1090 : i32
    %sign3A_1092 = arith.constant 0 : i32
    %sign3A_1093 = arith.cmpi sgt, %add3A_1089, %sign3A_1092 : i32
    %sign3A_1094 = arith.extui %sign3A_1093 : i1 to i32
    %sign3A_1095 = arith.constant 0 : i32
    %sign3A_1096 = arith.cmpi slt, %add3A_1089, %sign3A_1095 : i32
    %sign3A_1097 = arith.extui %sign3A_1096 : i1 to i32
    %sign3A_1098 = arith.subi %sign3A_1094, %sign3A_1097 : i32
    %sign3A_1099 = arith.constant 0 : i32
    %sign3A_1100 = arith.cmpi sgt, %jit3A_1090, %sign3A_1099 : i32
    %sign3A_1101 = arith.extui %sign3A_1100 : i1 to i32
    %sign3A_1102 = arith.constant 0 : i32
    %sign3A_1103 = arith.cmpi slt, %jit3A_1090, %sign3A_1102 : i32
    %sign3A_1104 = arith.extui %sign3A_1103 : i1 to i32
    %sign3A_1105 = arith.subi %sign3A_1101, %sign3A_1104 : i32
    %ne3A_1106 = arith.cmpi ne, %sign3A_1098, %sign3A_1105 : i32
    %rem3A_1107 = arith.remsi %add3A_1089, %jit3A_1090 : i32
    %ne3A_1108 = arith.constant 0 : i32
    %ne3A_1109 = arith.cmpi ne, %rem3A_1107, %ne3A_1108 : i32
    %and3A_1110 = arith.andi %ne3A_1106, %ne3A_1109 : i1
    %sub3A_1111 = arith.constant 1 : i32
    %sub3A_1112 = arith.subi %div3A_1091, %sub3A_1111 : i32
    %select_n3A_1113 = arith.select %and3A_1110, %sub3A_1112, %div3A_1091 : i32
    %add3A_1114 = arith.constant 0 : i32
    %add3A_1115 = arith.addi %add3A_1114, %select_n3A_1113 : i32
    %get3A_1116 = arith.index_cast %add3A_1115 : i32 to index
    %get3A_1117 = arith.constant 0 : index
    %get3A_1118 = tpu.vector_load %arg10[%get3A_1116, %get3A_1117] {strides = array<i32>} : memref<16x128xf32, #tpu.memory_space<vmem>>, vector<16xf32>,
    %reshape3A_1119 = vector.shape_cast %shift_right_arithmetic3A_758 : vector<16xi32> to vector<16x1xi32>
    %gather3A_1120 = vector.shape_cast %reshape3A_1119 : vector<16x1xi32> to vector<16xi32>
    %gather3A_1121 = tpu.dynamic_gather %get3A_1118[%gather3A_1120] in [0] : vector<16xf32>, vector<16xi32> -> vector<16xf32>
    %jit3A_1122 = arith.constant 2 : i32
    %div3A_1123 = arith.divsi %add3A_1089, %jit3A_1122 : i32
    %sign3A_1124 = arith.constant 0 : i32
    %sign3A_1125 = arith.cmpi sgt, %add3A_1089, %sign3A_1124 : i32
    %sign3A_1126 = arith.extui %sign3A_1125 : i1 to i32
    %sign3A_1127 = arith.constant 0 : i32
    %sign3A_1128 = arith.cmpi slt, %add3A_1089, %sign3A_1127 : i32
    %sign3A_1129 = arith.extui %sign3A_1128 : i1 to i32
    %sign3A_1130 = arith.subi %sign3A_1126, %sign3A_1129 : i32
    %sign3A_1131 = arith.constant 0 : i32
    %sign3A_1132 = arith.cmpi sgt, %jit3A_1122, %sign3A_1131 : i32
    %sign3A_1133 = arith.extui %sign3A_1132 : i1 to i32
    %sign3A_1134 = arith.constant 0 : i32
    %sign3A_1135 = arith.cmpi slt, %jit3A_1122, %sign3A_1134 : i32
    %sign3A_1136 = arith.extui %sign3A_1135 : i1 to i32
    %sign3A_1137 = arith.subi %sign3A_1133, %sign3A_1136 : i32
    %ne3A_1138 = arith.cmpi ne, %sign3A_1130, %sign3A_1137 : i32
    %rem3A_1139 = arith.remsi %add3A_1089, %jit3A_1122 : i32
    %ne3A_1140 = arith.constant 0 : i32
    %ne3A_1141 = arith.cmpi ne, %rem3A_1139, %ne3A_1140 : i32
    %and3A_1142 = arith.andi %ne3A_1138, %ne3A_1141 : i1
    %sub3A_1143 = arith.constant 1 : i32
    %sub3A_1144 = arith.subi %div3A_1123, %sub3A_1143 : i32
    %select_n3A_1145 = arith.select %and3A_1142, %sub3A_1144, %div3A_1123 : i32
    %add3A_1146 = arith.constant 0 : i32
    %add3A_1147 = arith.addi %add3A_1146, %select_n3A_1145 : i32
    %get3A_1148 = arith.index_cast %add3A_1147 : i32 to index
    %get3A_1149 = arith.constant 0 : index
    %get3A_1150 = tpu.vector_load %arg11[%get3A_1148, %get3A_1149] {strides = array<i32>} : memref<16x128xf32, #tpu.memory_space<vmem>>, vector<16xf32>,
    %reshape3A_1151 = vector.shape_cast %shift_right_arithmetic3A_758 : vector<16xi32> to vector<16x1xi32>
    %gather3A_1152 = vector.shape_cast %reshape3A_1151 : vector<16x1xi32> to vector<16xi32>
    %gather3A_1153 = tpu.dynamic_gather %get3A_1150[%gather3A_1152] in [0] : vector<16xf32>, vector<16xi32> -> vector<16xf32>
    %jit3A_1154 = arith.constant 4 : i32
    %div3A_1155 = arith.divsi %add3A_1089, %jit3A_1154 : i32
    %sign3A_1156 = arith.constant 0 : i32
    %sign3A_1157 = arith.cmpi sgt, %add3A_1089, %sign3A_1156 : i32
    %sign3A_1158 = arith.extui %sign3A_1157 : i1 to i32
    %sign3A_1159 = arith.constant 0 : i32
    %sign3A_1160 = arith.cmpi slt, %add3A_1089, %sign3A_1159 : i32
    %sign3A_1161 = arith.extui %sign3A_1160 : i1 to i32
    %sign3A_1162 = arith.subi %sign3A_1158, %sign3A_1161 : i32
    %sign3A_1163 = arith.constant 0 : i32
    %sign3A_1164 = arith.cmpi sgt, %jit3A_1154, %sign3A_1163 : i32
    %sign3A_1165 = arith.extui %sign3A_1164 : i1 to i32
    %sign3A_1166 = arith.constant 0 : i32
    %sign3A_1167 = arith.cmpi slt, %jit3A_1154, %sign3A_1166 : i32
    %sign3A_1168 = arith.extui %sign3A_1167 : i1 to i32
    %sign3A_1169 = arith.subi %sign3A_1165, %sign3A_1168 : i32
    %ne3A_1170 = arith.cmpi ne, %sign3A_1162, %sign3A_1169 : i32
    %rem3A_1171 = arith.remsi %add3A_1089, %jit3A_1154 : i32
    %ne3A_1172 = arith.constant 0 : i32
    %ne3A_1173 = arith.cmpi ne, %rem3A_1171, %ne3A_1172 : i32
    %and3A_1174 = arith.andi %ne3A_1170, %ne3A_1173 : i1
    %sub3A_1175 = arith.constant 1 : i32
    %sub3A_1176 = arith.subi %div3A_1155, %sub3A_1175 : i32
    %select_n3A_1177 = arith.select %and3A_1174, %sub3A_1176, %div3A_1155 : i32
    %add3A_1178 = arith.constant 8 : i32
    %add3A_1179 = arith.addi %add3A_1178, %select_n3A_1177 : i32
    %get3A_1180 = arith.index_cast %add3A_1179 : i32 to index
    %get3A_1181 = arith.constant 0 : index
    %get3A_1182 = tpu.vector_load %arg10[%get3A_1180, %get3A_1181] {strides = array<i32>} : memref<16x128xf32, #tpu.memory_space<vmem>>, vector<16xf32>,
    %reshape3A_1183 = vector.shape_cast %shift_right_arithmetic3A_761 : vector<16xi32> to vector<16x1xi32>
    %gather3A_1184 = vector.shape_cast %reshape3A_1183 : vector<16x1xi32> to vector<16xi32>
    %gather3A_1185 = tpu.dynamic_gather %get3A_1182[%gather3A_1184] in [0] : vector<16xf32>, vector<16xi32> -> vector<16xf32>
    %jit3A_1186 = arith.constant 4 : i32
    %div3A_1187 = arith.divsi %add3A_1089, %jit3A_1186 : i32
    %sign3A_1188 = arith.constant 0 : i32
    %sign3A_1189 = arith.cmpi sgt, %add3A_1089, %sign3A_1188 : i32
    %sign3A_1190 = arith.extui %sign3A_1189 : i1 to i32
    %sign3A_1191 = arith.constant 0 : i32
    %sign3A_1192 = arith.cmpi slt, %add3A_1089, %sign3A_1191 : i32
    %sign3A_1193 = arith.extui %sign3A_1192 : i1 to i32
    %sign3A_1194 = arith.subi %sign3A_1190, %sign3A_1193 : i32
    %sign3A_1195 = arith.constant 0 : i32
    %sign3A_1196 = arith.cmpi sgt, %jit3A_1186, %sign3A_1195 : i32
    %sign3A_1197 = arith.extui %sign3A_1196 : i1 to i32
    %sign3A_1198 = arith.constant 0 : i32
    %sign3A_1199 = arith.cmpi slt, %jit3A_1186, %sign3A_1198 : i32
    %sign3A_1200 = arith.extui %sign3A_1199 : i1 to i32
    %sign3A_1201 = arith.subi %sign3A_1197, %sign3A_1200 : i32
    %ne3A_1202 = arith.cmpi ne, %sign3A_1194, %sign3A_1201 : i32
    %rem3A_1203 = arith.remsi %add3A_1089, %jit3A_1186 : i32
    %ne3A_1204 = arith.constant 0 : i32
    %ne3A_1205 = arith.cmpi ne, %rem3A_1203, %ne3A_1204 : i32
    %and3A_1206 = arith.andi %ne3A_1202, %ne3A_1205 : i1
    %sub3A_1207 = arith.constant 1 : i32
    %sub3A_1208 = arith.subi %div3A_1187, %sub3A_1207 : i32
    %select_n3A_1209 = arith.select %and3A_1206, %sub3A_1208, %div3A_1187 : i32
    %add3A_1210 = arith.constant 8 : i32
    %add3A_1211 = arith.addi %add3A_1210, %select_n3A_1209 : i32
    %get3A_1212 = arith.index_cast %add3A_1211 : i32 to index
    %get3A_1213 = arith.constant 0 : index
    %get3A_1214 = tpu.vector_load %arg11[%get3A_1212, %get3A_1213] {strides = array<i32>} : memref<16x128xf32, #tpu.memory_space<vmem>>, vector<16xf32>,
    %reshape3A_1215 = vector.shape_cast %shift_right_arithmetic3A_761 : vector<16xi32> to vector<16x1xi32>
    %gather3A_1216 = vector.shape_cast %reshape3A_1215 : vector<16x1xi32> to vector<16xi32>
    %gather3A_1217 = tpu.dynamic_gather %get3A_1214[%gather3A_1216] in [0] : vector<16xf32>, vector<16xi32> -> vector<16xf32>
    %jit3A_1218 = arith.constant 8 : i32
    %div3A_1219 = arith.divsi %add3A_1089, %jit3A_1218 : i32
    %sign3A_1220 = arith.constant 0 : i32
    %sign3A_1221 = arith.cmpi sgt, %add3A_1089, %sign3A_1220 : i32
    %sign3A_1222 = arith.extui %sign3A_1221 : i1 to i32
    %sign3A_1223 = arith.constant 0 : i32
    %sign3A_1224 = arith.cmpi slt, %add3A_1089, %sign3A_1223 : i32
    %sign3A_1225 = arith.extui %sign3A_1224 : i1 to i32
    %sign3A_1226 = arith.subi %sign3A_1222, %sign3A_1225 : i32
    %sign3A_1227 = arith.constant 0 : i32
    %sign3A_1228 = arith.cmpi sgt, %jit3A_1218, %sign3A_1227 : i32
    %sign3A_1229 = arith.extui %sign3A_1228 : i1 to i32
    %sign3A_1230 = arith.constant 0 : i32
    %sign3A_1231 = arith.cmpi slt, %jit3A_1218, %sign3A_1230 : i32
    %sign3A_1232 = arith.extui %sign3A_1231 : i1 to i32
    %sign3A_1233 = arith.subi %sign3A_1229, %sign3A_1232 : i32
    %ne3A_1234 = arith.cmpi ne, %sign3A_1226, %sign3A_1233 : i32
    %rem3A_1235 = arith.remsi %add3A_1089, %jit3A_1218 : i32
    %ne3A_1236 = arith.constant 0 : i32
    %ne3A_1237 = arith.cmpi ne, %rem3A_1235, %ne3A_1236 : i32
    %and3A_1238 = arith.andi %ne3A_1234, %ne3A_1237 : i1
    %sub3A_1239 = arith.constant 1 : i32
    %sub3A_1240 = arith.subi %div3A_1219, %sub3A_1239 : i32
    %select_n3A_1241 = arith.select %and3A_1238, %sub3A_1240, %div3A_1219 : i32
    %add3A_1242 = arith.constant 12 : i32
    %add3A_1243 = arith.addi %add3A_1242, %select_n3A_1241 : i32
    %get3A_1244 = arith.index_cast %add3A_1243 : i32 to index
    %get3A_1245 = arith.constant 0 : index
    %get3A_1246 = tpu.vector_load %arg10[%get3A_1244, %get3A_1245] {strides = array<i32>} : memref<16x128xf32, #tpu.memory_space<vmem>>, vector<16xf32>,
    %reshape3A_1247 = vector.shape_cast %shift_right_arithmetic3A_764 : vector<16xi32> to vector<16x1xi32>
    %gather3A_1248 = vector.shape_cast %reshape3A_1247 : vector<16x1xi32> to vector<16xi32>
    %gather3A_1249 = tpu.dynamic_gather %get3A_1246[%gather3A_1248] in [0] : vector<16xf32>, vector<16xi32> -> vector<16xf32>
    %jit3A_1250 = arith.constant 8 : i32
    %div3A_1251 = arith.divsi %add3A_1089, %jit3A_1250 : i32
    %sign3A_1252 = arith.constant 0 : i32
    %sign3A_1253 = arith.cmpi sgt, %add3A_1089, %sign3A_1252 : i32
    %sign3A_1254 = arith.extui %sign3A_1253 : i1 to i32
    %sign3A_1255 = arith.constant 0 : i32
    %sign3A_1256 = arith.cmpi slt, %add3A_1089, %sign3A_1255 : i32
    %sign3A_1257 = arith.extui %sign3A_1256 : i1 to i32
    %sign3A_1258 = arith.subi %sign3A_1254, %sign3A_1257 : i32
    %sign3A_1259 = arith.constant 0 : i32
    %sign3A_1260 = arith.cmpi sgt, %jit3A_1250, %sign3A_1259 : i32
    %sign3A_1261 = arith.extui %sign3A_1260 : i1 to i32
    %sign3A_1262 = arith.constant 0 : i32
    %sign3A_1263 = arith.cmpi slt, %jit3A_1250, %sign3A_1262 : i32
    %sign3A_1264 = arith.extui %sign3A_1263 : i1 to i32
    %sign3A_1265 = arith.subi %sign3A_1261, %sign3A_1264 : i32
    %ne3A_1266 = arith.cmpi ne, %sign3A_1258, %sign3A_1265 : i32
    %rem3A_1267 = arith.remsi %add3A_1089, %jit3A_1250 : i32
    %ne3A_1268 = arith.constant 0 : i32
    %ne3A_1269 = arith.cmpi ne, %rem3A_1267, %ne3A_1268 : i32
    %and3A_1270 = arith.andi %ne3A_1266, %ne3A_1269 : i1
    %sub3A_1271 = arith.constant 1 : i32
    %sub3A_1272 = arith.subi %div3A_1251, %sub3A_1271 : i32
    %select_n3A_1273 = arith.select %and3A_1270, %sub3A_1272, %div3A_1251 : i32
    %add3A_1274 = arith.constant 12 : i32
    %add3A_1275 = arith.addi %add3A_1274, %select_n3A_1273 : i32
    %get3A_1276 = arith.index_cast %add3A_1275 : i32 to index
    %get3A_1277 = arith.constant 0 : index
    %get3A_1278 = tpu.vector_load %arg11[%get3A_1276, %get3A_1277] {strides = array<i32>} : memref<16x128xf32, #tpu.memory_space<vmem>>, vector<16xf32>,
    %reshape3A_1279 = vector.shape_cast %shift_right_arithmetic3A_764 : vector<16xi32> to vector<16x1xi32>
    %gather3A_1280 = vector.shape_cast %reshape3A_1279 : vector<16x1xi32> to vector<16xi32>
    %gather3A_1281 = tpu.dynamic_gather %get3A_1278[%gather3A_1280] in [0] : vector<16xf32>, vector<16xi32> -> vector<16xf32>
    %get3A_1282 = arith.constant 2 : i32
    %get3A_1283 = arith.index_cast %get3A_1282 : i32 to index
    %get3A_1284 = arith.constant 0 : index
    %get3A_1285 = tpu.vector_load %arg6[%get3A_1283, %get3A_1284] {strides = array<i32>} : memref<4x128xf32, #tpu.memory_space<vmem>>, vector<16xf32>,
    %mul3A_1286 = arith.constant 9.765625E-4 : f32
    %mul3A_1287 = vector.broadcast %mul3A_1286 : f32 to vector<16xf32>
    %mul3A_1288 = arith.mulf %get3A_1285, %mul3A_1287 : vector<16xf32>
    %ge3A_1289 = arith.constant 6.552000e+10 : f32
    %ge3A_1290 = vector.broadcast %ge3A_1289 : f32 to vector<16xf32>
    %ge3A_1291 = arith.cmpf oge, %gather3A_1153, %ge3A_1290 : vector<16xf32>
    %mul3A_1292 = arith.constant 2.44140625E-4 : f32
    %mul3A_1293 = vector.broadcast %mul3A_1292 : f32 to vector<16xf32>
    %mul3A_1294 = arith.mulf %gather3A_1121, %mul3A_1293 : vector<16xf32>
    %select_n3A_1295 = arith.select %ge3A_1291, %mul3A_1288, %mul3A_1294 : vector<16xi1>, vector<16xf32>
    %ge3A_1296 = arith.constant 2.621280e+11 : f32
    %ge3A_1297 = vector.broadcast %ge3A_1296 : f32 to vector<16xf32>
    %ge3A_1298 = arith.cmpf oge, %gather3A_1217, %ge3A_1297 : vector<16xf32>
    %mul3A_1299 = arith.constant 6.10351563E-5 : f32
    %mul3A_1300 = vector.broadcast %mul3A_1299 : f32 to vector<16xf32>
    %mul3A_1301 = arith.mulf %gather3A_1185, %mul3A_1300 : vector<16xf32>
    %select_n3A_1302 = arith.select %ge3A_1298, %select_n3A_1295, %mul3A_1301 : vector<16xi1>, vector<16xf32>
    %ge3A_1303 = arith.constant 1.048560e+12 : f32
    %ge3A_1304 = vector.broadcast %ge3A_1303 : f32 to vector<16xf32>
    %ge3A_1305 = arith.cmpf oge, %gather3A_1281, %ge3A_1304 : vector<16xf32>
    %mul3A_1306 = arith.constant 1.52587891E-5 : f32
    %mul3A_1307 = vector.broadcast %mul3A_1306 : f32 to vector<16xf32>
    %mul3A_1308 = arith.mulf %gather3A_1249, %mul3A_1307 : vector<16xf32>
    %select_n3A_1309 = arith.select %ge3A_1305, %select_n3A_1302, %mul3A_1308 : vector<16xi1>, vector<16xf32>
    %select_n3A_1310 = arith.select %ge3A_756, %select_n3A_1309, %mul3A_749 : vector<16xi1>, vector<16xf32>
    %add3A_1311 = arith.addf %select_n3A_1310, %gather3A_60 : vector<16xf32>
    %broadcast_in_dim3A_1312 = arith.constant 0 : i32
    %broadcast_in_dim3A_1313 = vector.broadcast %broadcast_in_dim3A_1312 : i32 to vector<16xi32>
    %reshape3A_1314 = vector.shape_cast %broadcast_in_dim3A_1313 : vector<16xi32> to vector<16x1xi32>
    %gather3A_1315 = vector.shape_cast %reshape3A_1314 : vector<16x1xi32> to vector<16xi32>
    %gather3A_1316 = tpu.dynamic_gather %add3A_1311[%gather3A_1315] in [0] : vector<16xf32>, vector<16xi32> -> vector<16xf32>
    %broadcast_in_dim3A_1317 = arith.constant 1 : i32
    %broadcast_in_dim3A_1318 = vector.broadcast %broadcast_in_dim3A_1317 : i32 to vector<16xi32>
    %reshape3A_1319 = vector.shape_cast %broadcast_in_dim3A_1318 : vector<16xi32> to vector<16x1xi32>
    %gather3A_1320 = vector.shape_cast %reshape3A_1319 : vector<16x1xi32> to vector<16xi32>
    %gather3A_1321 = tpu.dynamic_gather %add3A_1311[%gather3A_1320] in [0] : vector<16xf32>, vector<16xi32> -> vector<16xf32>
    %broadcast_in_dim3A_1322 = arith.constant 2 : i32
    %broadcast_in_dim3A_1323 = vector.broadcast %broadcast_in_dim3A_1322 : i32 to vector<16xi32>
    %reshape3A_1324 = vector.shape_cast %broadcast_in_dim3A_1323 : vector<16xi32> to vector<16x1xi32>
    %gather3A_1325 = vector.shape_cast %reshape3A_1324 : vector<16x1xi32> to vector<16xi32>
    %gather3A_1326 = tpu.dynamic_gather %add3A_1311[%gather3A_1325] in [0] : vector<16xf32>, vector<16xi32> -> vector<16xf32>
    %broadcast_in_dim3A_1327 = arith.constant 3 : i32
    %broadcast_in_dim3A_1328 = vector.broadcast %broadcast_in_dim3A_1327 : i32 to vector<16xi32>
    %reshape3A_1329 = vector.shape_cast %broadcast_in_dim3A_1328 : vector<16xi32> to vector<16x1xi32>
    %gather3A_1330 = vector.shape_cast %reshape3A_1329 : vector<16x1xi32> to vector<16xi32>
    %gather3A_1331 = tpu.dynamic_gather %add3A_1311[%gather3A_1330] in [0] : vector<16xf32>, vector<16xi32> -> vector<16xf32>
    %broadcast_in_dim3A_1332 = arith.constant 4 : i32
    %broadcast_in_dim3A_1333 = vector.broadcast %broadcast_in_dim3A_1332 : i32 to vector<16xi32>
    %reshape3A_1334 = vector.shape_cast %broadcast_in_dim3A_1333 : vector<16xi32> to vector<16x1xi32>
    %gather3A_1335 = vector.shape_cast %reshape3A_1334 : vector<16x1xi32> to vector<16xi32>
    %gather3A_1336 = tpu.dynamic_gather %add3A_1311[%gather3A_1335] in [0] : vector<16xf32>, vector<16xi32> -> vector<16xf32>
    %broadcast_in_dim3A_1337 = arith.constant 5 : i32
    %broadcast_in_dim3A_1338 = vector.broadcast %broadcast_in_dim3A_1337 : i32 to vector<16xi32>
    %reshape3A_1339 = vector.shape_cast %broadcast_in_dim3A_1338 : vector<16xi32> to vector<16x1xi32>
    %gather3A_1340 = vector.shape_cast %reshape3A_1339 : vector<16x1xi32> to vector<16xi32>
    %gather3A_1341 = tpu.dynamic_gather %add3A_1311[%gather3A_1340] in [0] : vector<16xf32>, vector<16xi32> -> vector<16xf32>
    %broadcast_in_dim3A_1342 = arith.constant 6 : i32
    %broadcast_in_dim3A_1343 = vector.broadcast %broadcast_in_dim3A_1342 : i32 to vector<16xi32>
    %reshape3A_1344 = vector.shape_cast %broadcast_in_dim3A_1343 : vector<16xi32> to vector<16x1xi32>
    %gather3A_1345 = vector.shape_cast %reshape3A_1344 : vector<16x1xi32> to vector<16xi32>
    %gather3A_1346 = tpu.dynamic_gather %add3A_1311[%gather3A_1345] in [0] : vector<16xf32>, vector<16xi32> -> vector<16xf32>
    %broadcast_in_dim3A_1347 = arith.constant 7 : i32
    %broadcast_in_dim3A_1348 = vector.broadcast %broadcast_in_dim3A_1347 : i32 to vector<16xi32>
    %reshape3A_1349 = vector.shape_cast %broadcast_in_dim3A_1348 : vector<16xi32> to vector<16x1xi32>
    %gather3A_1350 = vector.shape_cast %reshape3A_1349 : vector<16x1xi32> to vector<16xi32>
    %gather3A_1351 = tpu.dynamic_gather %add3A_1311[%gather3A_1350] in [0] : vector<16xf32>, vector<16xi32> -> vector<16xf32>
    %broadcast_in_dim3A_1352 = arith.constant 8 : i32
    %broadcast_in_dim3A_1353 = vector.broadcast %broadcast_in_dim3A_1352 : i32 to vector<16xi32>
    %reshape3A_1354 = vector.shape_cast %broadcast_in_dim3A_1353 : vector<16xi32> to vector<16x1xi32>
    %gather3A_1355 = vector.shape_cast %reshape3A_1354 : vector<16x1xi32> to vector<16xi32>
    %gather3A_1356 = tpu.dynamic_gather %add3A_1311[%gather3A_1355] in [0] : vector<16xf32>, vector<16xi32> -> vector<16xf32>
    %broadcast_in_dim3A_1357 = arith.constant 9 : i32
    %broadcast_in_dim3A_1358 = vector.broadcast %broadcast_in_dim3A_1357 : i32 to vector<16xi32>
    %reshape3A_1359 = vector.shape_cast %broadcast_in_dim3A_1358 : vector<16xi32> to vector<16x1xi32>
    %gather3A_1360 = vector.shape_cast %reshape3A_1359 : vector<16x1xi32> to vector<16xi32>
    %gather3A_1361 = tpu.dynamic_gather %add3A_1311[%gather3A_1360] in [0] : vector<16xf32>, vector<16xi32> -> vector<16xf32>
    %broadcast_in_dim3A_1362 = arith.constant 10 : i32
    %broadcast_in_dim3A_1363 = vector.broadcast %broadcast_in_dim3A_1362 : i32 to vector<16xi32>
    %reshape3A_1364 = vector.shape_cast %broadcast_in_dim3A_1363 : vector<16xi32> to vector<16x1xi32>
    %gather3A_1365 = vector.shape_cast %reshape3A_1364 : vector<16x1xi32> to vector<16xi32>
    %gather3A_1366 = tpu.dynamic_gather %add3A_1311[%gather3A_1365] in [0] : vector<16xf32>, vector<16xi32> -> vector<16xf32>
    %broadcast_in_dim3A_1367 = arith.constant 11 : i32
    %broadcast_in_dim3A_1368 = vector.broadcast %broadcast_in_dim3A_1367 : i32 to vector<16xi32>
    %reshape3A_1369 = vector.shape_cast %broadcast_in_dim3A_1368 : vector<16xi32> to vector<16x1xi32>
    %gather3A_1370 = vector.shape_cast %reshape3A_1369 : vector<16x1xi32> to vector<16xi32>
    %gather3A_1371 = tpu.dynamic_gather %add3A_1311[%gather3A_1370] in [0] : vector<16xf32>, vector<16xi32> -> vector<16xf32>
    %broadcast_in_dim3A_1372 = arith.constant 12 : i32
    %broadcast_in_dim3A_1373 = vector.broadcast %broadcast_in_dim3A_1372 : i32 to vector<16xi32>
    %reshape3A_1374 = vector.shape_cast %broadcast_in_dim3A_1373 : vector<16xi32> to vector<16x1xi32>
    %gather3A_1375 = vector.shape_cast %reshape3A_1374 : vector<16x1xi32> to vector<16xi32>
    %gather3A_1376 = tpu.dynamic_gather %add3A_1311[%gather3A_1375] in [0] : vector<16xf32>, vector<16xi32> -> vector<16xf32>
    %broadcast_in_dim3A_1377 = arith.constant 13 : i32
    %broadcast_in_dim3A_1378 = vector.broadcast %broadcast_in_dim3A_1377 : i32 to vector<16xi32>
    %reshape3A_1379 = vector.shape_cast %broadcast_in_dim3A_1378 : vector<16xi32> to vector<16x1xi32>
    %gather3A_1380 = vector.shape_cast %reshape3A_1379 : vector<16x1xi32> to vector<16xi32>
    %gather3A_1381 = tpu.dynamic_gather %add3A_1311[%gather3A_1380] in [0] : vector<16xf32>, vector<16xi32> -> vector<16xf32>
    %broadcast_in_dim3A_1382 = arith.constant 14 : i32
    %broadcast_in_dim3A_1383 = vector.broadcast %broadcast_in_dim3A_1382 : i32 to vector<16xi32>
    %reshape3A_1384 = vector.shape_cast %broadcast_in_dim3A_1383 : vector<16xi32> to vector<16x1xi32>
    %gather3A_1385 = vector.shape_cast %reshape3A_1384 : vector<16x1xi32> to vector<16xi32>
    %gather3A_1386 = tpu.dynamic_gather %add3A_1311[%gather3A_1385] in [0] : vector<16xf32>, vector<16xi32> -> vector<16xf32>
    %broadcast_in_dim3A_1387 = arith.constant 15 : i32
    %broadcast_in_dim3A_1388 = vector.broadcast %broadcast_in_dim3A_1387 : i32 to vector<16xi32>
    %reshape3A_1389 = vector.shape_cast %broadcast_in_dim3A_1388 : vector<16xi32> to vector<16x1xi32>
    %gather3A_1390 = vector.shape_cast %reshape3A_1389 : vector<16x1xi32> to vector<16xi32>
    %gather3A_1391 = tpu.dynamic_gather %add3A_1311[%gather3A_1390] in [0] : vector<16xf32>, vector<16xi32> -> vector<16xf32>
    %scan3A_1392 = arith.constant 0 : i32
    %scan3A_1393 = arith.constant 0 : i32
    %scan3A_1394 = arith.constant 32 : i32
    %scan3A_1395 = arith.addi %scan3A_1393, %scan3A_1394 : i32
    %scan3A_1396 = arith.constant 1 : i32
    scf.for %scan3A_1421 = %scan3A_1393 to %scan3A_1395 step %scan3A_1396  : i32 {
      %swap3A_1422 = arith.index_cast %scan3A_1421 : i32 to index
      %swap3A_1423 = arith.constant 0 : index
      %swap3A_1424 = tpu.vector_load %arg5[%swap3A_1422, %swap3A_1423] {strides = array<i32>} : memref<32x512xf32, #tpu.memory_space<vmem>>, vector<16xf32>,
      tpu.vector_store %arg5[%swap3A_1422, %swap3A_1423], %gather3A_1316 {strides = array<i32>} : memref<32x512xf32, #tpu.memory_space<vmem>>, vector<16xf32>,
      %swap3A_1425 = arith.index_cast %scan3A_1421 : i32 to index
      %swap3A_1426 = arith.constant 16 : index
      %swap3A_1427 = tpu.vector_load %arg5[%swap3A_1425, %swap3A_1426] {strides = array<i32>} : memref<32x512xf32, #tpu.memory_space<vmem>>, vector<16xf32>,
      tpu.vector_store %arg5[%swap3A_1425, %swap3A_1426], %gather3A_1316 {strides = array<i32>} : memref<32x512xf32, #tpu.memory_space<vmem>>, vector<16xf32>,
      %swap3A_1428 = arith.index_cast %scan3A_1421 : i32 to index
      %swap3A_1429 = arith.constant 32 : index
      %swap3A_1430 = tpu.vector_load %arg5[%swap3A_1428, %swap3A_1429] {strides = array<i32>} : memref<32x512xf32, #tpu.memory_space<vmem>>, vector<16xf32>,
      tpu.vector_store %arg5[%swap3A_1428, %swap3A_1429], %gather3A_1321 {strides = array<i32>} : memref<32x512xf32, #tpu.memory_space<vmem>>, vector<16xf32>,
      %swap3A_1431 = arith.index_cast %scan3A_1421 : i32 to index
      %swap3A_1432 = arith.constant 48 : index
      %swap3A_1433 = tpu.vector_load %arg5[%swap3A_1431, %swap3A_1432] {strides = array<i32>} : memref<32x512xf32, #tpu.memory_space<vmem>>, vector<16xf32>,
      tpu.vector_store %arg5[%swap3A_1431, %swap3A_1432], %gather3A_1321 {strides = array<i32>} : memref<32x512xf32, #tpu.memory_space<vmem>>, vector<16xf32>,
      %swap3A_1434 = arith.index_cast %scan3A_1421 : i32 to index
      %swap3A_1435 = arith.constant 64 : index
      %swap3A_1436 = tpu.vector_load %arg5[%swap3A_1434, %swap3A_1435] {strides = array<i32>} : memref<32x512xf32, #tpu.memory_space<vmem>>, vector<16xf32>,
      tpu.vector_store %arg5[%swap3A_1434, %swap3A_1435], %gather3A_1326 {strides = array<i32>} : memref<32x512xf32, #tpu.memory_space<vmem>>, vector<16xf32>,
      %swap3A_1437 = arith.index_cast %scan3A_1421 : i32 to index
      %swap3A_1438 = arith.constant 80 : index
      %swap3A_1439 = tpu.vector_load %arg5[%swap3A_1437, %swap3A_1438] {strides = array<i32>} : memref<32x512xf32, #tpu.memory_space<vmem>>, vector<16xf32>,
      tpu.vector_store %arg5[%swap3A_1437, %swap3A_1438], %gather3A_1326 {strides = array<i32>} : memref<32x512xf32, #tpu.memory_space<vmem>>, vector<16xf32>,
      %swap3A_1440 = arith.index_cast %scan3A_1421 : i32 to index
      %swap3A_1441 = arith.constant 96 : index
      %swap3A_1442 = tpu.vector_load %arg5[%swap3A_1440, %swap3A_1441] {strides = array<i32>} : memref<32x512xf32, #tpu.memory_space<vmem>>, vector<16xf32>,
      tpu.vector_store %arg5[%swap3A_1440, %swap3A_1441], %gather3A_1331 {strides = array<i32>} : memref<32x512xf32, #tpu.memory_space<vmem>>, vector<16xf32>,
      %swap3A_1443 = arith.index_cast %scan3A_1421 : i32 to index
      %swap3A_1444 = arith.constant 112 : index
      %swap3A_1445 = tpu.vector_load %arg5[%swap3A_1443, %swap3A_1444] {strides = array<i32>} : memref<32x512xf32, #tpu.memory_space<vmem>>, vector<16xf32>,
      tpu.vector_store %arg5[%swap3A_1443, %swap3A_1444], %gather3A_1331 {strides = array<i32>} : memref<32x512xf32, #tpu.memory_space<vmem>>, vector<16xf32>,
      %swap3A_1446 = arith.index_cast %scan3A_1421 : i32 to index
      %swap3A_1447 = arith.constant 128 : index
      %swap3A_1448 = tpu.vector_load %arg5[%swap3A_1446, %swap3A_1447] {strides = array<i32>} : memref<32x512xf32, #tpu.memory_space<vmem>>, vector<16xf32>,
      tpu.vector_store %arg5[%swap3A_1446, %swap3A_1447], %gather3A_1336 {strides = array<i32>} : memref<32x512xf32, #tpu.memory_space<vmem>>, vector<16xf32>,
      %swap3A_1449 = arith.index_cast %scan3A_1421 : i32 to index
      %swap3A_1450 = arith.constant 144 : index
      %swap3A_1451 = tpu.vector_load %arg5[%swap3A_1449, %swap3A_1450] {strides = array<i32>} : memref<32x512xf32, #tpu.memory_space<vmem>>, vector<16xf32>,
      tpu.vector_store %arg5[%swap3A_1449, %swap3A_1450], %gather3A_1336 {strides = array<i32>} : memref<32x512xf32, #tpu.memory_space<vmem>>, vector<16xf32>,
      %swap3A_1452 = arith.index_cast %scan3A_1421 : i32 to index
      %swap3A_1453 = arith.constant 160 : index
      %swap3A_1454 = tpu.vector_load %arg5[%swap3A_1452, %swap3A_1453] {strides = array<i32>} : memref<32x512xf32, #tpu.memory_space<vmem>>, vector<16xf32>,
      tpu.vector_store %arg5[%swap3A_1452, %swap3A_1453], %gather3A_1341 {strides = array<i32>} : memref<32x512xf32, #tpu.memory_space<vmem>>, vector<16xf32>,
      %swap3A_1455 = arith.index_cast %scan3A_1421 : i32 to index
      %swap3A_1456 = arith.constant 176 : index
      %swap3A_1457 = tpu.vector_load %arg5[%swap3A_1455, %swap3A_1456] {strides = array<i32>} : memref<32x512xf32, #tpu.memory_space<vmem>>, vector<16xf32>,
      tpu.vector_store %arg5[%swap3A_1455, %swap3A_1456], %gather3A_1341 {strides = array<i32>} : memref<32x512xf32, #tpu.memory_space<vmem>>, vector<16xf32>,
      %swap3A_1458 = arith.index_cast %scan3A_1421 : i32 to index
      %swap3A_1459 = arith.constant 192 : index
      %swap3A_1460 = tpu.vector_load %arg5[%swap3A_1458, %swap3A_1459] {strides = array<i32>} : memref<32x512xf32, #tpu.memory_space<vmem>>, vector<16xf32>,
      tpu.vector_store %arg5[%swap3A_1458, %swap3A_1459], %gather3A_1346 {strides = array<i32>} : memref<32x512xf32, #tpu.memory_space<vmem>>, vector<16xf32>,
      %swap3A_1461 = arith.index_cast %scan3A_1421 : i32 to index
      %swap3A_1462 = arith.constant 208 : index
      %swap3A_1463 = tpu.vector_load %arg5[%swap3A_1461, %swap3A_1462] {strides = array<i32>} : memref<32x512xf32, #tpu.memory_space<vmem>>, vector<16xf32>,
      tpu.vector_store %arg5[%swap3A_1461, %swap3A_1462], %gather3A_1346 {strides = array<i32>} : memref<32x512xf32, #tpu.memory_space<vmem>>, vector<16xf32>,
      %swap3A_1464 = arith.index_cast %scan3A_1421 : i32 to index
      %swap3A_1465 = arith.constant 224 : index
      %swap3A_1466 = tpu.vector_load %arg5[%swap3A_1464, %swap3A_1465] {strides = array<i32>} : memref<32x512xf32, #tpu.memory_space<vmem>>, vector<16xf32>,
      tpu.vector_store %arg5[%swap3A_1464, %swap3A_1465], %gather3A_1351 {strides = array<i32>} : memref<32x512xf32, #tpu.memory_space<vmem>>, vector<16xf32>,
      %swap3A_1467 = arith.index_cast %scan3A_1421 : i32 to index
      %swap3A_1468 = arith.constant 240 : index
      %swap3A_1469 = tpu.vector_load %arg5[%swap3A_1467, %swap3A_1468] {strides = array<i32>} : memref<32x512xf32, #tpu.memory_space<vmem>>, vector<16xf32>,
      tpu.vector_store %arg5[%swap3A_1467, %swap3A_1468], %gather3A_1351 {strides = array<i32>} : memref<32x512xf32, #tpu.memory_space<vmem>>, vector<16xf32>,
      %swap3A_1470 = arith.index_cast %scan3A_1421 : i32 to index
      %swap3A_1471 = arith.constant 256 : index
      %swap3A_1472 = tpu.vector_load %arg5[%swap3A_1470, %swap3A_1471] {strides = array<i32>} : memref<32x512xf32, #tpu.memory_space<vmem>>, vector<16xf32>,
      tpu.vector_store %arg5[%swap3A_1470, %swap3A_1471], %gather3A_1356 {strides = array<i32>} : memref<32x512xf32, #tpu.memory_space<vmem>>, vector<16xf32>,
      %swap3A_1473 = arith.index_cast %scan3A_1421 : i32 to index
      %swap3A_1474 = arith.constant 272 : index
      %swap3A_1475 = tpu.vector_load %arg5[%swap3A_1473, %swap3A_1474] {strides = array<i32>} : memref<32x512xf32, #tpu.memory_space<vmem>>, vector<16xf32>,
      tpu.vector_store %arg5[%swap3A_1473, %swap3A_1474], %gather3A_1356 {strides = array<i32>} : memref<32x512xf32, #tpu.memory_space<vmem>>, vector<16xf32>,
      %swap3A_1476 = arith.index_cast %scan3A_1421 : i32 to index
      %swap3A_1477 = arith.constant 288 : index
      %swap3A_1478 = tpu.vector_load %arg5[%swap3A_1476, %swap3A_1477] {strides = array<i32>} : memref<32x512xf32, #tpu.memory_space<vmem>>, vector<16xf32>,
      tpu.vector_store %arg5[%swap3A_1476, %swap3A_1477], %gather3A_1361 {strides = array<i32>} : memref<32x512xf32, #tpu.memory_space<vmem>>, vector<16xf32>,
      %swap3A_1479 = arith.index_cast %scan3A_1421 : i32 to index
      %swap3A_1480 = arith.constant 304 : index
      %swap3A_1481 = tpu.vector_load %arg5[%swap3A_1479, %swap3A_1480] {strides = array<i32>} : memref<32x512xf32, #tpu.memory_space<vmem>>, vector<16xf32>,
      tpu.vector_store %arg5[%swap3A_1479, %swap3A_1480], %gather3A_1361 {strides = array<i32>} : memref<32x512xf32, #tpu.memory_space<vmem>>, vector<16xf32>,
      %swap3A_1482 = arith.index_cast %scan3A_1421 : i32 to index
      %swap3A_1483 = arith.constant 320 : index
      %swap3A_1484 = tpu.vector_load %arg5[%swap3A_1482, %swap3A_1483] {strides = array<i32>} : memref<32x512xf32, #tpu.memory_space<vmem>>, vector<16xf32>,
      tpu.vector_store %arg5[%swap3A_1482, %swap3A_1483], %gather3A_1366 {strides = array<i32>} : memref<32x512xf32, #tpu.memory_space<vmem>>, vector<16xf32>,
      %swap3A_1485 = arith.index_cast %scan3A_1421 : i32 to index
      %swap3A_1486 = arith.constant 336 : index
      %swap3A_1487 = tpu.vector_load %arg5[%swap3A_1485, %swap3A_1486] {strides = array<i32>} : memref<32x512xf32, #tpu.memory_space<vmem>>, vector<16xf32>,
      tpu.vector_store %arg5[%swap3A_1485, %swap3A_1486], %gather3A_1366 {strides = array<i32>} : memref<32x512xf32, #tpu.memory_space<vmem>>, vector<16xf32>,
      %swap3A_1488 = arith.index_cast %scan3A_1421 : i32 to index
      %swap3A_1489 = arith.constant 352 : index
      %swap3A_1490 = tpu.vector_load %arg5[%swap3A_1488, %swap3A_1489] {strides = array<i32>} : memref<32x512xf32, #tpu.memory_space<vmem>>, vector<16xf32>,
      tpu.vector_store %arg5[%swap3A_1488, %swap3A_1489], %gather3A_1371 {strides = array<i32>} : memref<32x512xf32, #tpu.memory_space<vmem>>, vector<16xf32>,
      %swap3A_1491 = arith.index_cast %scan3A_1421 : i32 to index
      %swap3A_1492 = arith.constant 368 : index
      %swap3A_1493 = tpu.vector_load %arg5[%swap3A_1491, %swap3A_1492] {strides = array<i32>} : memref<32x512xf32, #tpu.memory_space<vmem>>, vector<16xf32>,
      tpu.vector_store %arg5[%swap3A_1491, %swap3A_1492], %gather3A_1371 {strides = array<i32>} : memref<32x512xf32, #tpu.memory_space<vmem>>, vector<16xf32>,
      %swap3A_1494 = arith.index_cast %scan3A_1421 : i32 to index
      %swap3A_1495 = arith.constant 384 : index
      %swap3A_1496 = tpu.vector_load %arg5[%swap3A_1494, %swap3A_1495] {strides = array<i32>} : memref<32x512xf32, #tpu.memory_space<vmem>>, vector<16xf32>,
      tpu.vector_store %arg5[%swap3A_1494, %swap3A_1495], %gather3A_1376 {strides = array<i32>} : memref<32x512xf32, #tpu.memory_space<vmem>>, vector<16xf32>,
      %swap3A_1497 = arith.index_cast %scan3A_1421 : i32 to index
      %swap3A_1498 = arith.constant 400 : index
      %swap3A_1499 = tpu.vector_load %arg5[%swap3A_1497, %swap3A_1498] {strides = array<i32>} : memref<32x512xf32, #tpu.memory_space<vmem>>, vector<16xf32>,
      tpu.vector_store %arg5[%swap3A_1497, %swap3A_1498], %gather3A_1376 {strides = array<i32>} : memref<32x512xf32, #tpu.memory_space<vmem>>, vector<16xf32>,
      %swap3A_1500 = arith.index_cast %scan3A_1421 : i32 to index
      %swap3A_1501 = arith.constant 416 : index
      %swap3A_1502 = tpu.vector_load %arg5[%swap3A_1500, %swap3A_1501] {strides = array<i32>} : memref<32x512xf32, #tpu.memory_space<vmem>>, vector<16xf32>,
      tpu.vector_store %arg5[%swap3A_1500, %swap3A_1501], %gather3A_1381 {strides = array<i32>} : memref<32x512xf32, #tpu.memory_space<vmem>>, vector<16xf32>,
      %swap3A_1503 = arith.index_cast %scan3A_1421 : i32 to index
      %swap3A_1504 = arith.constant 432 : index
      %swap3A_1505 = tpu.vector_load %arg5[%swap3A_1503, %swap3A_1504] {strides = array<i32>} : memref<32x512xf32, #tpu.memory_space<vmem>>, vector<16xf32>,
      tpu.vector_store %arg5[%swap3A_1503, %swap3A_1504], %gather3A_1381 {strides = array<i32>} : memref<32x512xf32, #tpu.memory_space<vmem>>, vector<16xf32>,
      %swap3A_1506 = arith.index_cast %scan3A_1421 : i32 to index
      %swap3A_1507 = arith.constant 448 : index
      %swap3A_1508 = tpu.vector_load %arg5[%swap3A_1506, %swap3A_1507] {strides = array<i32>} : memref<32x512xf32, #tpu.memory_space<vmem>>, vector<16xf32>,
      tpu.vector_store %arg5[%swap3A_1506, %swap3A_1507], %gather3A_1386 {strides = array<i32>} : memref<32x512xf32, #tpu.memory_space<vmem>>, vector<16xf32>,
      %swap3A_1509 = arith.index_cast %scan3A_1421 : i32 to index
      %swap3A_1510 = arith.constant 464 : index
      %swap3A_1511 = tpu.vector_load %arg5[%swap3A_1509, %swap3A_1510] {strides = array<i32>} : memref<32x512xf32, #tpu.memory_space<vmem>>, vector<16xf32>,
      tpu.vector_store %arg5[%swap3A_1509, %swap3A_1510], %gather3A_1386 {strides = array<i32>} : memref<32x512xf32, #tpu.memory_space<vmem>>, vector<16xf32>,
      %swap3A_1512 = arith.index_cast %scan3A_1421 : i32 to index
      %swap3A_1513 = arith.constant 480 : index
      %swap3A_1514 = tpu.vector_load %arg5[%swap3A_1512, %swap3A_1513] {strides = array<i32>} : memref<32x512xf32, #tpu.memory_space<vmem>>, vector<16xf32>,
      tpu.vector_store %arg5[%swap3A_1512, %swap3A_1513], %gather3A_1391 {strides = array<i32>} : memref<32x512xf32, #tpu.memory_space<vmem>>, vector<16xf32>,
      %swap3A_1515 = arith.index_cast %scan3A_1421 : i32 to index
      %swap3A_1516 = arith.constant 496 : index
      %swap3A_1517 = tpu.vector_load %arg5[%swap3A_1515, %swap3A_1516] {strides = array<i32>} : memref<32x512xf32, #tpu.memory_space<vmem>>, vector<16xf32>,
      tpu.vector_store %arg5[%swap3A_1515, %swap3A_1516], %gather3A_1391 {strides = array<i32>} : memref<32x512xf32, #tpu.memory_space<vmem>>, vector<16xf32>,
    }
    %scan3A_1397 = arith.constant 32 : i32
    %mul3A_1398 = arith.constant 32 : i32
    %mul3A_1399 = arith.muli %add3A_1089, %mul3A_1398 : i32
    %dma_start3A_1400 = arith.constant 0 : i32
    %dma_start3A_1401 = arith.constant 0 : i32
    %dma_start3A_1402 = tpu.memref_slice %arg3[%add3A, %dma_start3A_1400, %mul3A_1399, %dma_start3A_1401] : memref<4x1x512x512xf32, #tpu.memory_space<hbm>> -> memref<1x1x32x512xf32, #tpu.memory_space<hbm>>
    %dma_start3A_1403 = tpu.memref_squeeze %dma_start3A_1402 : memref<1x1x32x512xf32, #tpu.memory_space<hbm>> -> memref<32x512xf32, #tpu.memory_space<hbm>>
    %dma_start3A_1404 = arith.constant 0 : i32
    %dma_start3A_1405 = tpu.memref_slice %arg3[%add3A, %dma_start3A_1400, %mul3A_1399, %dma_start3A_1404] : memref<4x1x512x512xf32, #tpu.memory_space<hbm>> -> memref<1x1x32x512xf32, #tpu.memory_space<hbm>>
    %dma_start3A_1406 = tpu.memref_squeeze %dma_start3A_1405 : memref<1x1x32x512xf32, #tpu.memory_space<hbm>> -> memref<32x512xf32, #tpu.memory_space<hbm>>
    tpu.enqueue_dma source(%arg5 : memref<32x512xf32, #tpu.memory_space<vmem>>) target(%dma_start3A_1406 : memref<32x512xf32, #tpu.memory_space<hbm>>) target_semaphore(%arg14 : memref<!tpu.dma_semaphore, #tpu.memory_space<semaphore_mem>>)
    %dma_wait3A_1407 = arith.constant 0 : i32
    %dma_wait3A_1408 = arith.constant 0 : i32
    %dma_wait3A_1409 = tpu.memref_slice %arg3[%add3A, %dma_wait3A_1407, %mul3A_1078, %dma_wait3A_1408] : memref<4x1x512x512xf32, #tpu.memory_space<hbm>> -> memref<1x1x32x512xf32, #tpu.memory_space<hbm>>
    %dma_wait3A_1410 = tpu.memref_squeeze %dma_wait3A_1409 : memref<1x1x32x512xf32, #tpu.memory_space<hbm>> -> memref<32x512xf32, #tpu.memory_space<hbm>>
    %dma_wait3A_1411 = arith.constant 0 : i32
    %dma_wait3A_1412 = tpu.memref_slice %arg3[%add3A, %dma_wait3A_1407, %mul3A_1078, %dma_wait3A_1411] : memref<4x1x512x512xf32, #tpu.memory_space<hbm>> -> memref<1x1x32x512xf32, #tpu.memory_space<hbm>>
    %dma_wait3A_1413 = tpu.memref_squeeze %dma_wait3A_1412 : memref<1x1x32x512xf32, #tpu.memory_space<hbm>> -> memref<32x512xf32, #tpu.memory_space<hbm>>
    tpu.wait_dma2 semaphore(%arg13 : memref<!tpu.dma_semaphore, #tpu.memory_space<semaphore_mem>>) src(%arg4 : memref<32x512xf32, #tpu.memory_space<vmem>>) dst(%dma_wait3A_1413 : memref<32x512xf32, #tpu.memory_space<hbm>>)
    %dma_wait3A_1414 = arith.constant 0 : i32
    %dma_wait3A_1415 = arith.constant 0 : i32
    %dma_wait3A_1416 = tpu.memref_slice %arg3[%add3A, %dma_wait3A_1414, %mul3A_1399, %dma_wait3A_1415] : memref<4x1x512x512xf32, #tpu.memory_space<hbm>> -> memref<1x1x32x512xf32, #tpu.memory_space<hbm>>
    %dma_wait3A_1417 = tpu.memref_squeeze %dma_wait3A_1416 : memref<1x1x32x512xf32, #tpu.memory_space<hbm>> -> memref<32x512xf32, #tpu.memory_space<hbm>>
    %dma_wait3A_1418 = arith.constant 0 : i32
    %dma_wait3A_1419 = tpu.memref_slice %arg3[%add3A, %dma_wait3A_1414, %mul3A_1399, %dma_wait3A_1418] : memref<4x1x512x512xf32, #tpu.memory_space<hbm>> -> memref<1x1x32x512xf32, #tpu.memory_space<hbm>>
    %dma_wait3A_1420 = tpu.memref_squeeze %dma_wait3A_1419 : memref<1x1x32x512xf32, #tpu.memory_space<hbm>> -> memref<32x512xf32, #tpu.memory_space<hbm>>
    tpu.wait_dma2 semaphore(%arg14 : memref<!tpu.dma_semaphore, #tpu.memory_space<semaphore_mem>>) src(%arg5 : memref<32x512xf32, #tpu.memory_space<vmem>>) dst(%dma_wait3A_1420 : memref<32x512xf32, #tpu.memory_space<hbm>>)
    return
  }
}

</mosaic_0001>

<sc_bundles>
// kernel: kernel.3.cloned.1.call-start
scs
__scs_entry_jumppad:
0x0: {  	(pc) =	sbr.rel $0x88, $3  }
0x1: {  	(tag) =	ssettag $0x0;
	lr =	simm.s32 $0x1  }
0x2: {  	[smem:$0x3FA0] =	sst lr;
	_ =	strace $0xD0000000  }
0x3: {  	_ = 	snop  }
0x4: {  	_ = 	snop  }
0x5: {  	_ = 	snop  }
0x6: {  	_ = 	snop  }
0x7: {  	_ = 	snop  }
__scs_overlays_trampoline_lowered:
0x8: {  	[smem:$0x3FAF] =	sst s0  }
0x9: {  	[smem:$0x3FB0] =	sst s1  }
0xa: {  	[smem:$0x3FB1] =	sst s2  }
0xb: {  	[smem:$0x3FB2] =	sst s3  }
0xc: {  	[smem:$0x3FB3] =	sst s4  }
0xd: {  	[smem:$0x3FB4] =	sst s5  }
0xe: {  	[smem:$0x3FB5] =	sst s6  }
0xf: {  	[smem:$0x3FB6] =	sst s7  }
0x10: {  	[smem:$0x3FB7] =	sst s8  }
0x11: {  	[smem:$0x3FB8] =	sst s9;
	s0 =	simm.s32 @!p0 $0x0  }
0x12: {  	s1 =	sld [smem:$0x3F9E];
	s0 =	simm.s32 @p0 $0x1  }
0x13: {  	[smem:$0x3FB9] =	sst s0;
	s0 =	simm.s32 @!p1 $0x0  }
0x14: {  	s2 =	sld [smem:$0x3F9D];
	s0 =	simm.s32 @p1 $0x1  }
0x15: {  	[smem:$0x3FBA] =	sst s0;
	s0 =	simm.s32 @!p2 $0x0  }
0x16: {  	s3 =	sld [smem:$0x3FDB];
	s0 =	simm.s32 @p2 $0x1  }
0x17: {  	s4 =	simm.s32 $0x1BF5;
	[smem:$0x3FBC] =	sst s0  }
0x18: {  	s0 =	sld [smem:$0x3F9F];
	_ =	swait.ge [sflag:s4], $0x0  }
0x19: {  	s7 =	sld [smem:$0x3FA0]  }
0x1a: {  	s8 =	sadd.s32 $0xFFFFE003, lr  }
0x1b: {  	s9 =	sadd.s32 $0xFFFFFEF7, lr;
	s5 =	simm.s32 $0xFFFFFFFF;
	p2 =	slt.u32 s8, $0xFFFFF086  }
0x1c: {  	p1 =	slt.u32 s9, $0xF7A;
	s5 =	simm.s32 @!p2 $0x0  }
0x1d: {  	s5 =	simm.s32 @p1 $0x1;
	p0 =	seq.s32 s7, s2  }
0x1e: {  	s7 =	smul.u32 @!p0 $0xF7A, s2;
	p2 =	seq.s32 @!p0 s5, $0x0  }
0x1f: {  	s9 =	smul.u32 $0xF7A, s1;
	s8 =	simm.s32 @!p0 $0x1BF5;
	p2 =	por !p2, p0  }
0x20: {  	[sflag:s8] =	ssyncset.s32 @!p0 $0xFFFFF086;
	s6 =	sadd.s32 @!p0 s3, s7;
	s7 =	simm.s32 @!p0 $0x108  }
0x21: {  	s3 =	sadd.s32 s3, s9;
	s6 =	sadd.s32 @!p0 $0x88, s6;
	s7 =	simm.s32 @p2 $0x1082  }
0x22: {  	[simem:s7], [sflag:s8] =	dma.local @!p0 [hbm:s6], $0xF7A  }
0x23: {  	s9 =	sor.u32 $0xD0000000, s2;
	s6 =	simm.s32 $0x108;
	_ =	swait.ge @!p0 [sflag:s8], $0x0  }
0x24: {  	s3 =	sadd.s32 $0x88, s3;
	s6 =	simm.s32 @!p1 $0x1082;
	[sflag:s4] =	ssyncset.s32 $0xFFFFF086  }
0x25: {  	[simem:s6], [sflag:s4] =	dma.local [hbm:s3], $0xF7A  }
0x26: {  	[smem:$0x3FA0] =	sst s1;
	(tag) =	ssettag s2;
	_ =	strace s9  }
0x27: {  	s1 =	sld [smem:$0x3FB0]  }
0x28: {  	s2 =	sld [smem:$0x3FB1]  }
0x29: {  	s4 =	sld [smem:$0x3FB3]  }
0x2a: {  	p0 =	seq.s32 s5, $0x0;
	s5 =	sld [smem:$0x3FB4]  }
0x2b: {  	s6 =	sld [smem:$0x3FB5]  }
0x2c: {  	s7 =	sld [smem:$0x3FB6]  }
0x2d: {  	s3 =	simm.s32 $0x108;
	s8 =	sld [smem:$0x3FB7]  }
0x2e: {  	s3 =	simm.s32 @!p0 $0x1082;
	s9 =	sld [smem:$0x3FB8]  }
0x2f: {  	lr =	sadd.s32 s0, s3;
	s0 =	sld [smem:$0x3FAF]  }
0x30: {  	s3 =	sld [smem:$0x3FB2]  }
0x31: {  	[smem:$0x3FBB] =	sst s10  }
0x32: {  	s10 =	sld [smem:$0x3FB9];
	_ =	sdelay $0x3  }
0x33: {  	p0 =	seq.s32 s10, $0x1;
	s10 =	sld [smem:$0x3FBB];
	_ =	sdelay $0x3  }
0x34: {  	[smem:$0x3FBB] =	sst s10  }
0x35: {  	s10 =	sld [smem:$0x3FBA];
	_ =	sdelay $0x3  }
0x36: {  	p1 =	seq.s32 s10, $0x1;
	s10 =	sld [smem:$0x3FBB];
	_ =	sdelay $0x3  }
0x37: {  	[smem:$0x3FBB] =	sst s10  }
0x38: {  	s10 =	sld [smem:$0x3FBC]  }
0x39: {  	_ = 	snop;
	(pc) =	sbr.ind lr, $3  }
0x3a: {  	_ = 	snop  }
0x3b: {  	_ = 	snop  }
0x3c: {  	p2 =	seq.s32 s10, $0x1;
	s10 =	sld [smem:$0x3FBB]  }
0x3d: {  	_ =	shalt  }
0x3e: {  	_ =	shalt  }
0x3f: {  	_ =	shalt  }
0x40: {  	_ =	shalt  }
0x41: {  	_ =	shalt  }
0x42: {  	_ =	shalt  }
0x43: {  	_ =	shalt  }
0x44: {  	_ =	shalt  }
0x45: {  	_ =	shalt  }
0x46: {  	_ =	shalt  }
0x47: {  	_ =	shalt  }
0x48: {  	_ =	shalt  }
0x49: {  	_ =	shalt  }
0x4a: {  	_ =	shalt  }
0x4b: {  	_ =	shalt  }
0x4c: {  	_ =	shalt  }
0x4d: {  	_ =	shalt  }
0x4e: {  	_ =	shalt  }
0x4f: {  	_ =	shalt  }
0x50: {  	_ =	shalt  }
0x51: {  	_ =	shalt  }
0x52: {  	_ =	shalt  }
0x53: {  	_ =	shalt  }
0x54: {  	_ =	shalt  }
0x55: {  	_ =	shalt  }
0x56: {  	_ =	shalt  }
0x57: {  	_ =	shalt  }
0x58: {  	_ =	shalt  }
0x59: {  	_ =	shalt  }
0x5a: {  	_ =	shalt  }
0x5b: {  	_ =	shalt  }
0x5c: {  	_ =	shalt  }
0x5d: {  	_ =	shalt  }
0x5e: {  	_ =	shalt  }
0x5f: {  	_ =	shalt  }
0x60: {  	_ =	shalt  }
0x61: {  	_ =	shalt  }
0x62: {  	_ =	shalt  }
0x63: {  	_ =	shalt  }
0x64: {  	_ =	shalt  }
0x65: {  	_ =	shalt  }
0x66: {  	_ =	shalt  }
0x67: {  	_ =	shalt  }
0x68: {  	_ =	shalt  }
0x69: {  	_ =	shalt  }
0x6a: {  	_ =	shalt  }
0x6b: {  	_ =	shalt  }
0x6c: {  	_ =	shalt  }
0x6d: {  	_ =	shalt  }
0x6e: {  	_ =	shalt  }
0x6f: {  	_ =	shalt  }
0x70: {  	_ =	shalt  }
0x71: {  	_ =	shalt  }
0x72: {  	_ =	shalt  }
0x73: {  	_ =	shalt  }
0x74: {  	_ =	shalt  }
0x75: {  	_ =	shalt  }
0x76: {  	_ =	shalt  }
0x77: {  	_ =	shalt  }
0x78: {  	_ =	shalt  }
0x79: {  	_ =	shalt  }
0x7a: {  	_ =	shalt  }
0x7b: {  	_ =	shalt  }
0x7c: {  	_ =	shalt  }
0x7d: {  	_ =	shalt  }
0x7e: {  	_ =	shalt  }
0x7f: {  	_ =	shalt  }
0x80: {  	_ =	shalt  }
0x81: {  	_ =	shalt  }
0x82: {  	_ =	shalt  }
0x83: {  	_ =	shalt  }
0x84: {  	_ =	shalt  }
0x85: {  	_ =	shalt  }
0x86: {  	_ =	shalt  }
0x87: {  	_ =	shalt  }
.Lfunc_end0:
.L_simem_size_0:
called_computation_lowered:
.L_overlay_start_0:
0x88: {  	s2 =	sld [smem:$0x3FD9]  }
0x89: {  	s3 =	sld [smem:$0x3FFE];
	_ =	sdelay $0x1  }
0x8a: {  	s1 =	srdreg.scid  }
0x8b: {  	s0 =	sand.u32 $0x1, s1  }
0x8c: {  	s18 =	sshll.u32 s0, $0xA;
	s2 =	sadd.s32 s3, s2  }
0x8d: {  	s2 =	sadd.s32 s2, s18  }
0x8e: {  	[smem:$0x3FC7] =	sst s2  }
0x8f: {  	_ = 	snop  }
0x90: {  	s2 =	sld [smem:$0x3FC9]  }
0x91: {  	s19 =	sld [smem:$0x3FD0];
	(tm) =	ssettm $0x1  }
0x92: {  	s4 =	sld [smem:$0x3FFB];
	_ =	sdelay $0x3  }
0x93: {  	_ =	strace s4  }
0x94: {  	s4 =	sld [smem:$0x3FFC];
	_ =	sdelay $0x3  }
0x95: {  	_ =	strace s4  }
0x96: {  	s4 =	sld [smem:$0x3FFD];
	_ =	sdelay $0x3  }
0x97: {  	_ =	strace s4  }
0x98: {  	_ =	strace $0x8FFFFFFF  }
0x99: {  	s20 =	sld [smem:$0x3FDB];
	_ =	sdelay $0x1  }
0x9a: {  	s5 =	simm.s32 $_scs_section_size  }
0x9b: {  	s6 =	simm.s32 $_size__tile_overlayer_lowered;
	s7 =	simm.s32 $_tile_overlayer_lowered  }
0x9c: {  	s23 =	simm.s32 $0x1BFF;
	s22 =	sshll.u32 s7, $0x1;
	s4 =	sadd.s32 s5, s20  }
0x9d: {  	s8 =	simm.s32 $0x0;
	s21 =	sshll.u32 s6, $0x1;
	s6 =	sadd.s32 s22, s4  }
0x9e: {  	[timem:s8], [sflag:s23] =	dma.local [hbm:s6], s21  }
0x9f: {  	_ =	swait.ge [sflag:s23], s21  }
0xa0: {  	s5 =	ssub.s32 $0x0, s21;
	[sflag:s23] =	ssyncset.done $0x0  }
0xa1: {  	[sflag:s23] =	ssyncadd.s32 s5;
	_ =	sdelay $0x1  }
0xa2: {  	s24 =	simm.s32 $0x1B8B  }
0xa3: {  	_ =	swait.ge [sflag:s24], $0x1  }
0xa4: {  	[sflag:s24] =	ssyncset.done $0x0  }
0xa5: {  	s25 =	simm.s32 $0x1B8E;
	[sflag:s24] =	ssyncadd.s32 $0xFFFFFFFF  }
0xa6: {  	s26 =	simm.s32 $execute0_lowered;
	[smem:$0x3FD2] =	sst s25  }
0xa7: {  	s5 =	sshll.u32 s26, $0x1;
	_ =	strace $0x80000046;
	[dreg:$0x1] =	wrdreg $0xFFFFFFFF  }
0xa8: {  	s28 =	simm.s32 $_size_execute0_lowered;
	s4 =	sadd.s32 s4, s5;
	[dreg:$0x0] =	wrdreg $0x0  }
0xa9: {  	s5 =	sshll.u32 s28, $0x1;
	[dreg:$0x2] =	wrdreg s4  }
0xaa: {  	[dreg:$0x3] =	wrdreg s5  }
0xab: {  	[dreg:$0x4] =	wrdreg $0xC0  }
0xac: {  	_ =	task [dreg:s8], $0x5FFFF  }
0xad: {  	[dreg:$0x1] =	wrdreg $0xFFFFFFFF  }
0xae: {  	[dreg:$0x0] =	wrdreg $0x60  }
0xaf: {  	[dreg:$0x2] =	wrdreg s2  }
0xb0: {  	[dreg:$0x3] =	wrdreg s19  }
0xb1: {  	[dreg:$0x4] =	wrdreg $0x82000  }
0xb2: {  	[dreg:$0x5] =	wrdreg $0x9  }
0xb3: {  	_ =	task.clear_ibuf [dreg:s8], $0x6FFFF;
	_ =	strace $0x90000046  }
0xb4: {  	s29 =	simm.s32 $0x9;
	_ =	strace $0x80000048  }
0xb5: {  	_ =	swait.ge [sflag:s29], $0x1  }
0xb6: {  	[sflag:s29] =	ssyncadd.s32 $0xFFFFFFFF  }
0xb7: {  	_ =	strace $0x90000048  }
0xb8: {  	_ =	sfence  }
0xb9: {  	s30 =	sld [smem:$0x0];
	_ =	sdelay $0x2  }
0xba: {  	s31 =	sshll.u32 s1, $0xD;
	s1 =	sshrl.u32 s1, $0x2  }
0xbb: {  	s3 =	sand.u32 $0x4000, s31;
	s1 =	sadd.s32 s1, s30  }
0xbc: {  	s0 =	sor.u32 s3, s0;
	s1 =	sshll.u32 s1, $0x11  }
0xbd: {  	s0 =	sor.u32 s1, s0  }
0xbe: {  	s0 =	sadd.s32 $0x8F2B, s0  }
0xbf: {  	[sflag:s0] =	ssyncadd.remote.s32 $0x1  }
0xc0: {  	_ =	sfence.sel $0xFFFF  }
0xc1: {  	[dreg:$0x0] =	wrdreg $0xFFFFFFFF;
	(pc) =	sbr.abs _section_cstart, $3  }
0xc2: {  	[dreg:$0x1] =	wrdreg $0xFFFFFFFF  }
0xc3: {  	_ =	task.clear_ibuf [dreg:s8], $0x2FFFF;
	_ =	strace $0x9FFFFFFF  }
0xc4: {  	(tm) =	ssettm $0x7FFFFFFF  }
0xc5: {  	_ =	shalt  }
tec
execute0_lowered:
.L_overlay_start_1:
0x0: {  	(tag) =	ssettag $0x1  }
0x1: {  	s1 =	rddreg [dreg:$0x0]  }
0x2: {  	s0 =	rddreg [dreg:$0x1]  }
0x3: {  	s2 =	rddreg [dreg:$0x2];
	s11 =	simm.s32 $0x0;
	s3 =	srdreg.scid  }
0x4: {  	v0 =	vimm.s32 $0x76543210;
	s12 =	stileid.u32;
	v3 =	vimm.s32 $0xBA98FEDC;
	[smem:$0x7FF] =	sst s11;
	s3 =	sand.u32 $0x1, s3  }
0x5: {  	v4 =	vimm.s32 $0x32107654;
	v5 =	vimm.s32 $0xDCFE98BA;
	v6 =	vimm.s32 $0x54761032;
	s5 =	sshrl.u32 s12, $0x3;
	s6 =	sand.u32 $0x7, s12;
	s25 =	sshll.u32 s12, $0x5  }
0x6: {  	v7 =	vimm.s32 $0xEFCDAB89;
	v8 =	vimm.s32 $0x67452301;
	_ =	strace $0x80000047;
	s4 =	sshll.u32 s3, $0x1;
	s3 =	ssub.s32 $0x2, s3  }
0x7: {  	v9 =	vimm.s32 $0xECA86420;
	v10 =	vimm.s32 $0xFDB97531;
	s7 =	sshll.u32 s6, $0xF;
	s8 =	sshllo.u32 s6, $0x1;
	s19 =	sshll.u32 s6, $0x8  }
0x8: {  	vm0 =	vcmask $0x1F00;
	v11 =	vimm.s32 $0x4;
	v12 =	vimm.s32 $0x5;
	s6 =	sshll.u32 s6, $0x7;
	s4 =	sor.u32 s5, s4;
	s9 =	sshrl.u32 s3, $0x1  }
0x9: {  	v13 =	vimm.s32 $0x6;
	v14 =	vimm.s32 $0x7;
	v15 =	vimm.s32 $0x8;
	s10 =	sshll.u32 s8, $0xE;
	s21 =	sshll.u32 s8, $0x7;
	s17 =	sshll.u32 s4, $0xC  }
0xa: {  	v16 =	vimm.s32 $0x9;
	v17 =	vimm.s32 $0xA;
	v18 =	vimm.s32 $0xB;
	[smem:$0x7FB] =	sst s6;
	s3 =	ssub.s32 s3, s9;
	s9 =	sadd.s32 s17, s2  }
0xb: {  	v19 =	vimm.s32 $0xC;
	v20 =	vimm.s32 $0xD;
	v21 =	vimm.s32 $0xE;
	s5 =	sshll.u32 s4, $0x12;
	s31 =	smax.u32 s3, $0x1;
	[smem:$0x7F6] =	sst s9  }
0xc: {  	v22 =	vimm.s32 $0xF;
	v1 =	vunpack.c.l.s4.s8 v0;
	v0 =	vimm.s32 $0xFEDCBA98;
	s7 =	sor.u32 s7, s5;
	s20 =	sadd.s32 s19, s9;
	[smem:$0x7FA] =	sst s31  }
0xd: {  	v3 =	vunpack.c.l.s4.s8 v3;
	v4 =	vunpack.c.l.s4.s8 v4;
	v5 =	vunpack.c.l.s4.s8 v5;
	s5 =	sor.u32 s5, s10;
	s23 =	sadd.s32 s21, s9;
	[smem:$0x7F2] =	sst s20  }
0xe: {  	v6 =	vunpack.c.l.s4.s8 v6;
	v7 =	vunpack.c.l.s4.s8 v7;
	v8 =	vunpack.c.l.s4.s8 v8;
	s2 =	sand.u32 $0x80, s25;
	s26 =	sadd.s32 $0x800, s9;
	[smem:$0x7F4] =	sst s23  }
0xf: {  	v2 =	vunpack.c.l.s4.s8 v0;
	v0 =	vimm.s32 $0x0;
	v1 =	vunpack.c.0.s8.s32 v1;
	s7 =	sshrl.u32 s7, $0x3;
	s29 =	sor.u32 $0x600, s2;
	[smem:$0x7F7] =	sst s26  }
0x10: {  	v3 =	vunpack.c.0.s8.s32 v3;
	v4 =	vunpack.c.0.s8.s32 v4;
	v5 =	vunpack.c.0.s8.s32 v5;
	s5 =	sshrl.u32 s5, $0x3;
	s16 =	sadd.s32 s1, s7;
	[smem:$0x7FD] =	sst s29  }
0x11: {  	v6 =	vunpack.c.0.s8.s32 v6;
	v7 =	vunpack.c.0.s8.s32 v7;
	v2 =	vunpack.c.0.s8.s32 v2;
	s4 =	sshll.u32 s4, $0xF;
	s18 =	sadd.s32 s1, s5;
	[smem:$0x7EF] =	sst s16  }
0x12: {  	v8 =	vunpack.c.0.s8.s32 v8;
	v3 =	vcombine.low v4, v3;
	v4 =	vunpack.c.l.s4.s8 v9;
	s1 =	sadd.s32 s1, s4;
	[smem:$0x7F0] =	sst s18  }
0x13: {  	v9 =	vunpack.c.l.s4.s8 v10;
	v5 =	vcombine.low v6, v5;
	v2 =	vand.u32 $0xF, v2;
	s22 =	sadd.s32 $0x800, s20;
	[smem:$0x7F1] =	sst s1  }
0x14: {  	v6 =	vcombine.low v8, v7;
	v10 =	vimm.s32 $0x3;
	v1 =	vcombine.low v2, v1;
	s30 =	sadd.s32 s0, s7;
	[smem:$0x7F3] =	sst s22  }
0x15: {  	s24 =	sshll.u32 s12, $0x6;
	v7 =	vunpack.c.0.s8.s32 v4;
	v8 =	vunpack.c.0.s8.s32 v9;
	v2 =	vand.u32 $0xF, v3;
	s1 =	sadd.s32 $0x800, s23;
	[smem:$0x7F8] =	sst s30  }
0x16: {  	v3 =	vand.u32 $0xF, v5;
	v4 =	vand.u32 $0xF, v6;
	v5 =	vlaneseq.u32;
	s0 =	sadd.s32 s0, s5;
	[smem:$0x7F5] =	sst s1;
	s1 =	sand.u32 $0x180, s24  }
0x17: {  	s3 =	simm.s32 $0x1;
	v9 =	vimm.s32 $0x2;
	[smem:$0x7F9] =	sst s0;
	v6 =	vand.u32 $0xF, v7;
	v7 =	vand.u32 $0xF, v8;
	s28 =	sor.u32 $0x400, s1  }
0x18: {  	s4 =	simm.s32 $0x0;
	v8 =	vimm.s32 $0x1;
	v6 =	vnsel vm0, $0xF, v6;
	v7 =	vnsel vm0, $0xF, v7;
	s1 =	simm.s32 $0x4000;
	[smem:$0x7FC] =	sst s28  }
.LBB2_1:
0x19: {  	s0 =	sld [smem:$0x7EF];
	_ =	sdelay $0x1  }
0x1a: {  	s9 =	sld [smem:$0x7F0]  }
0x1b: {  	[tilespmem:s11], [sflag:$0x1] =	stream.linear.gather [hbm4b:s0+s11], $0x4000, $0x38;
	[tilespmem:$0xAA00] =	vst v63  }
0x1c: {  	s10 =	sld [smem:$0x7F1]  }
0x1d: {  	[tilespmem:s1], [sflag:$0x2] =	stream.linear.gather [hbm4b:s9+s11], $0x4000, $0x38;
	[tilespmem:$0xAA00] =	vst v63  }
0x1e: {  	[smem:$0x7EE] =	sst s4;
	s12 =	simm.s32 $0xA600;
	s13 =	simm.s32 $0x3  }
0x1f: {  	[tilespmem:s12], [sflag:$0x3] =	stream.linear.gather [hbm4b:s10+s11], $0x400, $0x38;
	[tilespmem:$0xAA00] =	vst v63  }
0x20: {  	_ =	swait.ge [sflag:s13], $0x400  }
0x21: {  	[sflag:s13] =	ssyncset.done $0x0  }
0x22: {  	[sflag:s13] =	ssyncadd.s32 $0xFFFFFC00  }
0x23: {  	v23 =	vld [tilespmem:$0xA600];
	_ =	swait.ge [sflag:s3], $0x4000  }
0x24: {  	s2 =	sand.u32 $0xC00, s11;
	s0 =	sand.u32 $0x60, s11;
	[sflag:s3] =	ssyncset.done $0x0  }
0x25: {  	s14 =	sor.u32 s0, s2;
	[sflag:s3] =	ssyncadd.s32 $0xFFFFC000  }
0x26: {  	v25 =	vld [tilespmem:s14+$0x0];
	_ =	sdelay $0x1  }
0x27: {  	s1 =	sor.u32 $0x10, s0  }
0x28: {  	s15 =	sor.u32 s1, s2  }
0x29: {  	v26 =	vld [tilespmem:s15+$0x0]  }
0x2a: {  	v24 =	vperm.xlane v25, v0  }
0x2b: {  	v27 =	vld [tilespmem:s14+$0x80]  }
0x2c: {  	v25 =	vsub.f32 v25, v24  }
0x2d: {  	v28 =	vld [tilespmem:s15+$0x80]  }
0x2e: {  	v26 =	vsub.f32 v26, v24;
	v29 =	vadd.f32 $0.0e+00, v25  }
0x2f: {  	v30 =	vld [tilespmem:s14+$0x100]  }
0x30: {  	v27 =	vsub.f32 v27, v24;
	v29 =	vadd.f32 v26, v29  }
0x31: {  	v31 =	vld [tilespmem:s15+$0x100];
	v25 =	vmul.f32 v25, v25;
	v26 =	vmul.f32 v26, v26  }
0x32: {  	v28 =	vsub.f32 v28, v24;
	v29 =	vadd.f32 v27, v29  }
0x33: {  	v27 =	vmul.f32 v27, v27;
	v25 =	vadd.f32 v26, v25;
	v26 =	vld [tilespmem:s14+$0x180]  }
0x34: {  	v30 =	vsub.f32 v30, v24;
	v29 =	vadd.f32 v28, v29  }
0x35: {  	v25 =	vadd.f32 v27, v25;
	v27 =	vmul.f32 v28, v28;
	v28 =	vld [tilespmem:s15+$0x180]  }
0x36: {  	v31 =	vsub.f32 v31, v24;
	v29 =	vadd.f32 v30, v29  }
0x37: {  	v32 =	vld [tilespmem:s14+$0x200];
	v30 =	vmul.f32 v30, v30;
	v25 =	vadd.f32 v27, v25  }
0x38: {  	v26 =	vsub.f32 v26, v24;
	v27 =	vadd.f32 v31, v29  }
0x39: {  	v29 =	vld [tilespmem:s15+$0x200];
	v25 =	vadd.f32 v30, v25;
	v30 =	vmul.f32 v31, v31  }
0x3a: {  	v28 =	vsub.f32 v28, v24;
	v27 =	vadd.f32 v26, v27  }
0x3b: {  	s5 =	sand.u32 $0x3, s11;
	v26 =	vmul.f32 v26, v26;
	v25 =	vadd.f32 v30, v25;
	v30 =	vld [tilespmem:s14+$0x280]  }
0x3c: {  	s16 =	sshll.u32 s5, $0x5;
	v31 =	vsub.f32 v32, v24;
	v27 =	vadd.f32 v28, v27  }
0x3d: {  	s3 =	sadd.s32 $0x0, s16;
	v46 =	vld [tilespmem:s15+$0x280];
	v28 =	vmul.f32 v28, v28;
	v25 =	vadd.f32 v26, v25  }
0x3e: {  	s17 =	sor.u32 $0x300, s3;
	v26 =	vsub.f32 v29, v24;
	v27 =	vadd.f32 v31, v27  }
0x3f: {  	s3 =	sadd.s32 $0x10, s3;
	v29 =	vmul.f32 v31, v31;
	v25 =	vadd.f32 v28, v25;
	v28 =	vld [tilespmem:s17+$0x0]  }
0x40: {  	s18 =	sor.u32 $0x300, s3;
	v30 =	vsub.f32 v30, v24;
	v27 =	vadd.f32 v26, v27  }
0x41: {  	s19 =	sor.u32 s11, s11;
	v25 =	vadd.f32 v29, v25;
	v26 =	vmul.f32 v26, v26;
	v29 =	vld [tilespmem:s18+$0x0]  }
0x42: {  	s4 =	sor.u32 $0x380, s19;
	v31 =	vsub.f32 v46, v24;
	v27 =	vadd.f32 v30, v27  }
0x43: {  	v25 =	vadd.f32 v26, v25;
	v26 =	vmul.f32 v30, v30;
	v30 =	vld [tilespmem:s4+$0x0]  }
0x44: {  	s3 =	sor.u32 $0x380, s3;
	v28 =	vsub.f32 v28, v24;
	v27 =	vadd.f32 v31, v27  }
0x45: {  	s20 =	sor.u32 $0x1000, s2;
	v47 =	vld [tilespmem:s3+$0x0];
	v25 =	vadd.f32 v26, v25;
	v26 =	vmul.f32 v31, v31  }
0x46: {  	s21 =	sor.u32 s0, s20;
	v29 =	vsub.f32 v29, v24;
	v27 =	vadd.f32 v28, v27  }
0x47: {  	v31 =	vld [tilespmem:s21+$0x0];
	v28 =	vmul.f32 v28, v28;
	v25 =	vadd.f32 v26, v25  }
0x48: {  	s22 =	sor.u32 s1, s20;
	v26 =	vadd.f32 v29, v27;
	v27 =	vsub.f32 v30, v24  }
0x49: {  	s23 =	sor.u32 $0x1080, s2;
	v29 =	vmul.f32 v29, v29;
	v30 =	vld [tilespmem:s22+$0x0];
	v25 =	vadd.f32 v28, v25  }
0x4a: {  	s24 =	sor.u32 s0, s23;
	v28 =	vsub.f32 v47, v24;
	v26 =	vadd.f32 v27, v26  }
0x4b: {  	v48 =	vld [tilespmem:s24+$0x0];
	v27 =	vmul.f32 v27, v27;
	v25 =	vadd.f32 v29, v25  }
0x4c: {  	s25 =	sor.u32 s1, s23;
	v29 =	vsub.f32 v31, v24;
	v26 =	vadd.f32 v28, v26  }
0x4d: {  	s26 =	sor.u32 $0x1100, s2;
	v31 =	vld [tilespmem:s25+$0x0];
	v28 =	vmul.f32 v28, v28;
	v25 =	vadd.f32 v27, v25  }
0x4e: {  	s28 =	sor.u32 s0, s26;
	v27 =	vsub.f32 v30, v24;
	v26 =	vadd.f32 v29, v26  }
0x4f: {  	v30 =	vld [tilespmem:s28+$0x0];
	v25 =	vadd.f32 v28, v25;
	v28 =	vmul.f32 v29, v29  }
0x50: {  	s29 =	sor.u32 s1, s26;
	v29 =	vsub.f32 v48, v24;
	v26 =	vadd.f32 v27, v26  }
0x51: {  	s30 =	sor.u32 $0x1180, s2;
	v49 =	vld [tilespmem:s29+$0x0];
	v25 =	vadd.f32 v28, v25;
	v27 =	vmul.f32 v27, v27  }
0x52: {  	s5 =	sor.u32 s0, s30;
	v28 =	vsub.f32 v31, v24;
	v26 =	vadd.f32 v29, v26  }
0x53: {  	v31 =	vld [tilespmem:s5+$0x0];
	v25 =	vadd.f32 v27, v25;
	v27 =	vmul.f32 v29, v29  }
0x54: {  	s6 =	sor.u32 s1, s30;
	v29 =	vsub.f32 v30, v24;
	v26 =	vadd.f32 v28, v26  }
0x55: {  	s7 =	sor.u32 $0x1200, s2;
	v30 =	vld [tilespmem:s6+$0x0];
	v25 =	vadd.f32 v27, v25;
	v27 =	vmul.f32 v28, v28  }
0x56: {  	s8 =	sor.u32 s0, s7;
	v28 =	vsub.f32 v49, v24;
	v26 =	vadd.f32 v29, v26  }
0x57: {  	v50 =	vld [tilespmem:s8+$0x0];
	v25 =	vadd.f32 v27, v25;
	v27 =	vmul.f32 v29, v29  }
0x58: {  	s9 =	sor.u32 s1, s7;
	v29 =	vsub.f32 v31, v24;
	v26 =	vadd.f32 v28, v26  }
0x59: {  	s10 =	sor.u32 $0x1280, s2;
	v31 =	vld [tilespmem:s9+$0x0];
	v25 =	vadd.f32 v27, v25;
	v27 =	vmul.f32 v28, v28  }
0x5a: {  	s11 =	sor.u32 s0, s10;
	v28 =	vsub.f32 v30, v24;
	v26 =	vadd.f32 v29, v26  }
0x5b: {  	v30 =	vld [tilespmem:s11+$0x0];
	v25 =	vadd.f32 v27, v25;
	v27 =	vmul.f32 v29, v29  }
0x5c: {  	s12 =	sor.u32 s1, s10;
	v29 =	vsub.f32 v50, v24;
	v26 =	vadd.f32 v28, v26  }
0x5d: {  	s13 =	sor.u32 $0x1300, s2;
	v51 =	vld [tilespmem:s12+$0x0];
	v25 =	vadd.f32 v27, v25;
	v27 =	vmul.f32 v28, v28  }
0x5e: {  	s14 =	sor.u32 s0, s13;
	v28 =	vsub.f32 v31, v24;
	v26 =	vadd.f32 v29, v26  }
0x5f: {  	v31 =	vld [tilespmem:s14+$0x0];
	v25 =	vadd.f32 v27, v25;
	v27 =	vmul.f32 v29, v29  }
0x60: {  	s15 =	sor.u32 s1, s13;
	v29 =	vsub.f32 v30, v24;
	v26 =	vadd.f32 v28, v26  }
0x61: {  	s16 =	sor.u32 $0x1380, s2;
	v30 =	vld [tilespmem:s15+$0x0];
	v25 =	vadd.f32 v27, v25;
	v27 =	vmul.f32 v28, v28  }
0x62: {  	s17 =	sor.u32 s0, s16;
	v28 =	vsub.f32 v51, v24;
	v26 =	vadd.f32 v29, v26  }
0x63: {  	v52 =	vld [tilespmem:s17+$0x0];
	v25 =	vadd.f32 v27, v25;
	v27 =	vmul.f32 v29, v29  }
0x64: {  	s18 =	sor.u32 s1, s16;
	v29 =	vsub.f32 v31, v24;
	v26 =	vadd.f32 v28, v26  }
0x65: {  	s19 =	sor.u32 $0x2000, s2;
	v31 =	vld [tilespmem:s18+$0x0];
	v25 =	vadd.f32 v27, v25;
	v27 =	vmul.f32 v28, v28  }
0x66: {  	s20 =	sor.u32 s0, s19;
	v28 =	vsub.f32 v30, v24;
	v26 =	vadd.f32 v29, v26  }
0x67: {  	v30 =	vld [tilespmem:s20+$0x0];
	v25 =	vadd.f32 v27, v25;
	v27 =	vmul.f32 v29, v29  }
0x68: {  	s21 =	sor.u32 s1, s19;
	v29 =	vsub.f32 v52, v24;
	v26 =	vadd.f32 v28, v26  }
0x69: {  	v53 =	vld [tilespmem:s21+$0x0];
	s22 =	sor.u32 $0x2080, s2;
	v25 =	vadd.f32 v27, v25;
	v27 =	vmul.f32 v28, v28  }
0x6a: {  	s23 =	sor.u32 s0, s22;
	v28 =	vsub.f32 v31, v24;
	v26 =	vadd.f32 v29, v26  }
0x6b: {  	v31 =	vld [tilespmem:s23+$0x0];
	v25 =	vadd.f32 v27, v25;
	v27 =	vmul.f32 v29, v29  }
0x6c: {  	s24 =	sor.u32 s1, s22;
	v29 =	vsub.f32 v30, v24;
	v26 =	vadd.f32 v28, v26  }
0x6d: {  	s25 =	sor.u32 $0x2100, s2;
	v30 =	vld [tilespmem:s24+$0x0];
	v25 =	vadd.f32 v27, v25;
	v27 =	vmul.f32 v28, v28  }
0x6e: {  	s8 =	sor.u32 $0x3380, s2;
	s26 =	sor.u32 s0, s25;
	v28 =	vsub.f32 v53, v24;
	v26 =	vadd.f32 v29, v26  }
0x6f: {  	s3 =	sor.u32 s0, s8;
	v54 =	vld [tilespmem:s26+$0x0];
	v25 =	vadd.f32 v27, v25;
	v27 =	vmul.f32 v29, v29  }
0x70: {  	v56 =	vld [tilespmem:s3+$0x0];
	s16 =	sor.u32 $0x2300, s2;
	s29 =	sor.u32 s1, s25;
	v31 =	vsub.f32 v31, v24;
	v26 =	vadd.f32 v28, v26  }
0x71: {  	s30 =	sor.u32 $0x2180, s2;
	s17 =	sor.u32 s0, s16;
	v33 =	vld [tilespmem:s29+$0x0];
	v25 =	vadd.f32 v27, v25;
	v27 =	vmul.f32 v28, v28  }
0x72: {  	s7 =	sor.u32 s0, s30;
	v58 =	vld [tilespmem:s17+$0x0];
	v28 =	vsub.f32 v30, v24;
	v26 =	vadd.f32 v31, v26  }
0x73: {  	s4 =	sor.u32 s1, s30;
	v30 =	vld [tilespmem:s7+$0x0];
	v25 =	vadd.f32 v27, v25;
	v27 =	vmul.f32 v31, v31  }
0x74: {  	s10 =	sor.u32 $0x2200, s2;
	s3 =	sor.u32 s1, s16;
	v34 =	vld [tilespmem:s4+$0x0];
	v31 =	vsub.f32 v54, v24;
	v26 =	vadd.f32 v28, v26  }
0x75: {  	s12 =	sor.u32 $0x2280, s2;
	v41 =	vld [tilespmem:s3+$0x0];
	s11 =	sor.u32 s0, s10;
	v25 =	vadd.f32 v27, v25;
	v27 =	vmul.f32 v28, v28  }
0x76: {  	s21 =	sor.u32 $0x2380, s2;
	v55 =	vsub.f32 v33, v24;
	s14 =	sor.u32 s0, s12;
	v28 =	vld [tilespmem:s11+$0x0];
	v26 =	vadd.f32 v31, v26  }
0x77: {  	v36 =	vld [tilespmem:s14+$0x0];
	s23 =	sor.u32 s0, s21;
	v25 =	vadd.f32 v27, v25;
	v27 =	vmul.f32 v31, v31  }
0x78: {  	s4 =	sor.u32 s1, s10;
	s25 =	sor.u32 $0x3000, s2;
	v62 =	vld [tilespmem:s23+$0x0];
	v30 =	vsub.f32 v30, v24;
	v26 =	vadd.f32 v55, v26  }
0x79: {  	s13 =	sor.u32 $0x3300, s2;
	v34 =	vsub.f32 v34, v24;
	s26 =	sor.u32 s0, s25;
	v32 =	vmul.f32 v55, v55;
	v31 =	vld [tilespmem:s4+$0x0];
	v25 =	vadd.f32 v27, v25  }
0x7a: {  	s28 =	sor.u32 $0x3080, s2;
	v48 =	vsub.f32 v41, v24;
	v41 =	vld [tilespmem:s26+$0x0];
	s15 =	sor.u32 s1, s13;
	v26 =	vadd.f32 v30, v26  }
0x7b: {  	s5 =	sor.u32 s1, s28;
	v39 =	vld [tilespmem:s15+$0x0];
	v38 =	vsub.f32 v28, v24;
	v28 =	vmul.f32 v30, v30;
	v25 =	vadd.f32 v32, v25  }
0x7c: {  	v23 =	vperm.xlane v23, v0;
	v37 =	vld [tilespmem:s5+$0x0];
	s5 =	sor.u32 s1, s12;
	v59 =	vsub.f32 v36, v24;
	v26 =	vadd.f32 v34, v26  }
0x7d: {  	v57 =	vmul.f32 v34, v34;
	s9 =	sor.u32 s1, s8;
	v44 =	vsub.f32 v62, v24;
	v30 =	vld [tilespmem:s5+$0x0];
	v25 =	vadd.f32 v28, v25  }
0x7e: {  	v35 =	vld [tilespmem:s9+$0x0];
	s4 =	sor.u32 s0, s13;
	v31 =	vsub.f32 v31, v24;
	v26 =	vadd.f32 v38, v26  }
0x7f: {  	s18 =	sor.u32 $0x3280, s2;
	v40 =	vld [tilespmem:s4+$0x0];
	v27 =	vsub.f32 v24, v23;
	s5 =	sor.u32 s1, s21;
	v25 =	vadd.f32 v57, v25;
	v38 =	vmul.f32 v38, v38  }
0x80: {  	s19 =	sor.u32 s1, s18;
	v32 =	vsub.f32 v39, v24;
	v46 =	vld [tilespmem:s5+$0x0];
	v26 =	vadd.f32 v31, v26  }
0x81: {  	s22 =	sor.u32 $0x3200, s2;
	v60 =	vld [tilespmem:s19+$0x0];
	s20 =	sor.u32 s0, s18;
	v28 =	vsub.f32 v56, v24;
	v25 =	vadd.f32 v38, v25;
	v31 =	vmul.f32 v31, v31  }
0x82: {  	v42 =	vld [tilespmem:s20+$0x0];
	s24 =	sor.u32 s1, s22;
	v61 =	vsub.f32 v30, v24;
	v26 =	vadd.f32 v59, v26  }
0x83: {  	s3 =	sor.u32 s0, s22;
	v33 =	vmul.f32 v59, v59;
	v45 =	vld [tilespmem:s24+$0x0];
	v34 =	vsub.f32 v58, v24;
	v63 =	vadd.f32 v31, v25  }
0x84: {  	s6 =	sor.u32 s0, s28;
	v36 =	vld [tilespmem:s3+$0x0];
	v30 =	vsub.f32 v40, v24;
	v40 =	vmul.f32 v48, v48;
	v26 =	vadd.f32 v61, v26  }
0x85: {  	s31 =	simm.s32 $0x100;
	s28 =	sor.u32 $0x3180, s2;
	v29 =	vld [tilespmem:s6+$0x0];
	s4 =	sor.u32 s1, s25;
	v46 =	vsub.f32 v46, v24;
	v39 =	vmul.f32 v61, v61;
	v43 =	vadd.f32 v33, v63  }
0x86: {  	s29 =	sor.u32 s1, s28;
	s30 =	sor.u32 s0, s28;
	s2 =	sor.u32 $0x3100, s2;
	v47 =	vld [tilespmem:s4+$0x0];
	v31 =	vsub.f32 v60, v24;
	v25 =	vimm.f32 $0.0e+00;
	v26 =	vadd.f32 v34, v26  }
0x87: {  	s8 =	simm.s32 $0x0;
	s26 =	sor.u32 s0, s2;
	s19 =	simm.s32 $0x20;
	v38 =	vld [tilespmem:s29+$0x0];
	v33 =	vsub.f32 v42, v24;
	v42 =	vadd.f32 v39, v43;
	v43 =	vmul.f32 v34, v34  }
0x88: {  	s22 =	simm.s32 $0x0;
	s25 =	sor.u32 s1, s2;
	s2 =	simm.s32 $0x1;
	v34 =	vsub.f32 v45, v24;
	v39 =	vld [tilespmem:s30+$0x0];
	v45 =	vadd.f32 v48, v26;
	v26 =	vimm.f32 $0.0e+00  }
.LBB2_2:
0x89: {  	s13 =	sand.u32 $0x60, s19;
	s10 =	sand.u32 $0xC00, s31  }
0x8a: {  	v48 =	vld [tilespmem:s26+$0x0];
	s22 =	sadd.s32 $0x1, s22;
	s26 =	sor.u32 s13, s10  }
0x8b: {  	s14 =	sor.u32 $0x10, s13;
	s30 =	sor.u32 $0x3380, s10;
	s0 =	sor.u32 $0x1000, s10  }
0x8c: {  	s17 =	sor.u32 $0x1080, s10;
	s3 =	sor.u32 $0x1100, s10;
	s20 =	sor.u32 $0x1200, s10  }
0x8d: {  	s1 =	sor.u32 s14, s30;
	s4 =	sor.u32 s13, s0;
	s5 =	sor.u32 s14, s3  }
0x8e: {  	s12 =	sor.u32 s14, s0;
	s16 =	sor.u32 s13, s20;
	s24 =	sor.u32 s13, s3  }
0x8f: {  	v49 =	vadd.f32 v44, v45;
	s3 =	sor.u32 $0x2000, s10;
	s30 =	sor.u32 s13, s30;
	[dreg:$0x6] =	wrdreg s1  }
0x90: {  	v29 =	vsub.f32 v29, v24;
	v42 =	vadd.f32 v43, v42;
	s1 =	sor.u32 s13, s3;
	s0 =	sor.u32 s14, s3;
	s3 =	sor.u32 $0x2080, s10  }
0x91: {  	v57 =	vsub.f32 v37, v24;
	s11 =	sor.u32 s14, s20;
	v49 =	vadd.f32 v46, v49;
	[dreg:$0x1c] =	wrdreg s30;
	s20 =	sor.u32 s13, s3  }
0x92: {  	s15 =	sor.u32 $0x1280, s10;
	v51 =	vld [tilespmem:s26+$0x0];
	v47 =	vsub.f32 v47, v24;
	v40 =	vadd.f32 v40, v42;
	[smem:$0x7E6] =	sst s20;
	s20 =	sor.u32 s14, s3  }
0x93: {  	v50 =	vld [tilespmem:s25+$0x0];
	v45 =	vmul.f32 v44, v44;
	s18 =	sor.u32 s13, s15;
	v36 =	vsub.f32 v36, v24;
	v41 =	vsub.f32 v41, v24;
	[smem:$0x7E7] =	sst s20;
	s20 =	sor.u32 $0x2100, s10  }
0x94: {  	v52 =	vld [tilespmem:s26+$0x200];
	v38 =	vsub.f32 v38, v24;
	v39 =	vsub.f32 v39, v24;
	[smem:$0x7E5] =	sst s0;
	s3 =	sor.u32 s13, s20;
	s20 =	sor.u32 s14, s20  }
0x95: {  	v44 =	vmul.f32 v46, v46;
	s25 =	sor.u32 s14, s10;
	v54 =	vld [tilespmem:s18+$0x0];
	v35 =	vsub.f32 v35, v24;
	v40 =	vadd.f32 v45, v40;
	[smem:$0x7E9] =	sst s20;
	s20 =	sor.u32 $0x2180, s10  }
0x96: {  	v55 =	vld [tilespmem:s25+$0x0];
	v48 =	vsub.f32 v48, v24;
	v49 =	vadd.f32 v41, v49;
	[smem:$0x7E8] =	sst s3;
	s3 =	sor.u32 s13, s20;
	s20 =	sor.u32 s14, s20  }
0x97: {  	s7 =	sor.u32 $0x1180, s10;
	v58 =	vld [tilespmem:s26+$0x80];
	v46 =	vmul.f32 v41, v41;
	v62 =	vperm.xlane v51, v0;
	v40 =	vadd.f32 v44, v40;
	[smem:$0x7EB] =	sst s20;
	s20 =	sor.u32 $0x2200, s10  }
0x98: {  	v41 =	vsub.f32 v50, v24;
	v49 =	vadd.f32 v47, v49;
	[smem:$0x7EA] =	sst s3;
	s3 =	sor.u32 s13, s20;
	s20 =	sor.u32 s14, s20  }
0x99: {  	s23 =	sor.u32 $0x1300, s10;
	v56 =	vld [tilespmem:s25+$0x280];
	v51 =	vsub.f32 v51, v62;
	v24 =	vmov v62;
	v40 =	vadd.f32 v46, v40;
	[dreg:$0x1d] =	wrdreg s20;
	s20 =	sor.u32 $0x2280, s10  }
0x9a: {  	s28 =	sor.u32 $0x1380, s10;
	v53 =	vld [tilespmem:s25+$0x200];
	v59 =	vadd.f32 v29, v49;
	v37 =	vsub.f32 v54, v24;
	[smem:$0x7EC] =	sst s3;
	s3 =	sor.u32 s13, s20  }
0x9b: {  	s0 =	sor.u32 $0x3300, s10;
	v50 =	vld [tilespmem:s25+$0x80];
	v55 =	vsub.f32 v55, v24;
	v54 =	vadd.f32 $0.0e+00, v51;
	s20 =	sor.u32 s14, s20;
	[smem:$0x7ED] =	sst s3  }
0x9c: {  	s21 =	sor.u32 s13, s17;
	v52 =	vsub.f32 v52, v24;
	v58 =	vsub.f32 v58, v24;
	[dreg:$0x15] =	wrdreg s20;
	s3 =	sor.u32 s14, s0  }
0x9d: {  	v60 =	vld [tilespmem:s26+$0x100];
	s30 =	sor.u32 $0x2300, s10;
	v51 =	vmul.f32 v51, v51;
	v54 =	vadd.f32 v55, v54;
	v55 =	vmul.f32 v55, v55;
	s0 =	sor.u32 s13, s0;
	[dreg:$0x1e] =	wrdreg s3  }
0x9e: {  	v49 =	vsub.f32 v56, v24;
	v63 =	vadd.f32 v57, v59;
	[dreg:$0x1b] =	wrdreg s0;
	s3 =	sor.u32 s14, s30;
	s0 =	sor.u32 $0x2380, s10  }
0x9f: {  	s9 =	sor.u32 s14, s17;
	v59 =	vld [tilespmem:s25+$0x100];
	v54 =	vadd.f32 v58, v54;
	v58 =	vmul.f32 v58, v58;
	v51 =	vadd.f32 v55, v51;
	[dreg:$0x12] =	wrdreg s3;
	s3 =	sor.u32 s13, s0  }
0xa0: {  	s6 =	sor.u32 s13, s7;
	v53 =	vsub.f32 v53, v24;
	v50 =	vsub.f32 v50, v24;
	v55 =	vld [tilespmem:s26+$0x180];
	s0 =	sor.u32 s14, s0;
	[dreg:$0x17] =	wrdreg s3  }
0xa1: {  	v47 =	vmul.f32 v47, v47;
	v56 =	vadd.f32 v48, v63;
	s20 =	sor.u32 $0x3280, s10;
	v51 =	vadd.f32 v58, v51;
	v58 =	vld [tilespmem:s25+$0x180];
	s25 =	sor.u32 s13, s30;
	[dreg:$0xd] =	wrdreg s0  }
0xa2: {  	s17 =	sor.u32 s14, s7;
	v60 =	vsub.f32 v60, v24;
	v54 =	vadd.f32 v50, v54;
	s30 =	sor.u32 s14, s20;
	[dreg:$0x14] =	wrdreg s25  }
0xa3: {  	v40 =	vadd.f32 v47, v40;
	v56 =	vadd.f32 v41, v56;
	v50 =	vmul.f32 v50, v50;
	s25 =	sor.u32 s13, s20;
	[dreg:$0x1a] =	wrdreg s30;
	s20 =	sor.u32 $0x3000, s10  }
0xa4: {  	v59 =	vsub.f32 v59, v24;
	v54 =	vadd.f32 v60, v54;
	[dreg:$0xe] =	wrdreg s25;
	s25 =	sor.u32 $0x3200, s10;
	s3 =	sor.u32 s13, s20  }
0xa5: {  	s7 =	sor.u32 s13, s23;
	v56 =	vadd.f32 v39, v56;
	v60 =	vmul.f32 v60, v60;
	v50 =	vadd.f32 v50, v51;
	s30 =	sor.u32 s14, s25;
	[dreg:$0xa] =	wrdreg s3  }
0xa6: {  	s0 =	sor.u32 $0x3080, s10;
	v62 =	vsub.f32 v55, v24;
	s25 =	sor.u32 s13, s25;
	v43 =	vadd.f32 v59, v54;
	[dreg:$0x13] =	wrdreg s30  }
0xa7: {  	v63 =	vmul.f32 v59, v59;
	v54 =	vmul.f32 v29, v29;
	v29 =	vadd.f32 v60, v50;
	s30 =	sor.u32 s14, s20;
	s20 =	sor.u32 $0x3100, s10;
	s10 =	sor.u32 $0x3180, s10  }
0xa8: {  	s15 =	sor.u32 s14, s15;
	[dreg:$0x10] =	wrdreg s25;
	v60 =	vsub.f32 v58, v24;
	s3 =	sor.u32 s13, s10;
	v55 =	vadd.f32 v62, v43  }
0xa9: {  	s25 =	sand.u32 $0x3, s22;
	v59 =	vmul.f32 v62, v62;
	s10 =	sor.u32 s14, s10;
	v29 =	vadd.f32 v63, v29;
	v62 =	vld [tilespmem:s26+$0x280];
	[dreg:$0xb] =	wrdreg s3;
	v63 =	vadd.f32 v38, v56  }
0xaa: {  	s18 =	sor.u32 s14, s23;
	v45 =	vmul.f32 v57, v57;
	s25 =	sshll.u32 s25, $0x5;
	[dreg:$0x16] =	wrdreg s10;
	v40 =	vadd.f32 v54, v40;
	v42 =	vadd.f32 v60, v55  }
0xab: {  	s3 =	sor.u32 s13, s0;
	s10 =	sor.u32 s14, s0;
	s0 =	sadd.s32 s25, s31;
	v51 =	vmul.f32 v60, v60;
	v43 =	vadd.f32 v59, v29;
	v56 =	vadd.f32 v36, v63  }
0xac: {  	s23 =	sor.u32 s13, s28;
	v48 =	vmul.f32 v48, v48;
	v29 =	vld [tilespmem:s3+$0x0];
	s3 =	sor.u32 $0x300, s0;
	s0 =	sadd.s32 $0x10, s0;
	v40 =	vadd.f32 v45, v40;
	v42 =	vadd.f32 v52, v42  }
0xad: {  	s28 =	sor.u32 s14, s28;
	v61 =	vmul.f32 v52, v52;
	s25 =	sor.u32 s14, s20;
	v57 =	vld [tilespmem:s3+$0x0];
	s14 =	sor.u32 $0x300, s0;
	v43 =	vadd.f32 v51, v43;
	v44 =	vadd.f32 v34, v56  }
0xae: {  	v41 =	vmul.f32 v41, v41;
	s0 =	sor.u32 $0x380, s0;
	v60 =	vld [tilespmem:s14+$0x0];
	v40 =	vadd.f32 v48, v40;
	v58 =	vsub.f32 v62, v24  }
0xaf: {  	v59 =	vmul.f32 v53, v53;
	v63 =	vld [tilespmem:s0+$0x0];
	v42 =	vadd.f32 v53, v42;
	v43 =	vadd.f32 v61, v43  }
0xb0: {  	v39 =	vmul.f32 v39, v39;
	s26 =	sor.u32 s13, s20;
	s20 =	sor.u32 s31, s19;
	v40 =	vadd.f32 v41, v40;
	v44 =	vadd.f32 v33, v44  }
0xb1: {  	s13 =	sor.u32 $0x380, s20;
	v51 =	vld [tilespmem:s6+$0x0];
	v42 =	vadd.f32 v58, v42;
	v43 =	vadd.f32 v59, v43  }
0xb2: {  	v61 =	vld [tilespmem:s13+$0x0];
	v46 =	vmul.f32 v58, v58;
	v62 =	vsub.f32 v57, v24;
	v39 =	vadd.f32 v39, v40  }
0xb3: {  	v38 =	vmul.f32 v38, v38;
	v57 =	vld [tilespmem:s4+$0x0];
	v56 =	vsub.f32 v60, v24;
	v42 =	vadd.f32 v49, v42  }
0xb4: {  	v54 =	vmul.f32 v49, v49;
	v59 =	vld [tilespmem:s12+$0x0];
	v60 =	vsub.f32 v63, v24;
	v43 =	vadd.f32 v46, v43  }
0xb5: {  	v38 =	vadd.f32 v38, v39;
	v42 =	vadd.f32 v62, v42  }
0xb6: {  	v55 =	vmul.f32 v62, v62;
	v46 =	vsub.f32 v51, v24;
	v43 =	vadd.f32 v54, v43  }
0xb7: {  	v47 =	vsub.f32 v61, v24;
	v42 =	vadd.f32 v56, v42  }
0xb8: {  	v52 =	vld [tilespmem:s21+$0x0];
	v58 =	vmul.f32 v56, v56;
	v63 =	vsub.f32 v57, v24;
	v61 =	vadd.f32 v55, v43  }
0xb9: {  	v36 =	vmul.f32 v36, v36;
	v56 =	vsub.f32 v59, v24;
	v42 =	vadd.f32 v47, v42  }
0xba: {  	v62 =	vmul.f32 v47, v47;
	v57 =	vld [tilespmem:s9+$0x0];
	v59 =	vadd.f32 v31, v44;
	v53 =	vadd.f32 v58, v61  }
0xbb: {  	v36 =	vadd.f32 v36, v38;
	v54 =	vadd.f32 v60, v42  }
0xbc: {  	v55 =	vmul.f32 v60, v60;
	v58 =	vld [tilespmem:s24+$0x0];
	v39 =	vadd.f32 v30, v59;
	v40 =	vadd.f32 v62, v53  }
0xbd: {  	v59 =	vld [tilespmem:s16+$0x0];
	v60 =	vsub.f32 v52, v24;
	v41 =	vadd.f32 v63, v54  }
0xbe: {  	v61 =	vmul.f32 v63, v63;
	v52 =	vadd.f32 v32, v39;
	v40 =	vadd.f32 v55, v40  }
0xbf: {  	v48 =	vmul.f32 v32, v32;
	v62 =	vld [tilespmem:s5+$0x0];
	v63 =	vsub.f32 v57, v24;
	v41 =	vadd.f32 v56, v41  }
0xc0: {  	v50 =	vmul.f32 v56, v56;
	v32 =	vadd.f32 v28, v52;
	v40 =	vadd.f32 v61, v40  }
0xc1: {  	v31 =	vmul.f32 v31, v31;
	v54 =	vsub.f32 v58, v24;
	v41 =	vadd.f32 v60, v41  }
0xc2: {  	v49 =	vsub.f32 v59, v24;
	v56 =	vmul.f32 v60, v60;
	v40 =	vadd.f32 v50, v40  }
0xc3: {  	v58 =	vmul.f32 v63, v63;
	v32 =	vadd.f32 v35, v32;
	v53 =	vadd.f32 v63, v41  }
0xc4: {  	v57 =	vld [tilespmem:s17+$0x0];
	v45 =	vsub.f32 v62, v24;
	v62 =	vmul.f32 v34, v34;
	v40 =	vadd.f32 v56, v40  }
0xc5: {  	v61 =	vperm.xlane v32, v1;
	v50 =	vmul.f32 v33, v33;
	v39 =	vadd.f32 v54, v53  }
0xc6: {  	v60 =	vld [tilespmem:s11+$0x0];
	v34 =	vadd.f32 v62, v36;
	v41 =	vmul.f32 v54, v54;
	v40 =	vadd.f32 v58, v40  }
0xc7: {  	v30 =	vmul.f32 v30, v30;
	v32 =	vadd.f32 v32, v61;
	v39 =	vadd.f32 v45, v39  }
0xc8: {  	v61 =	vld [tilespmem:s18+$0x0];
	v33 =	vadd.f32 v50, v34;
	v63 =	vadd.f32 v41, v40;
	v45 =	vmul.f32 v45, v45  }
0xc9: {  	v55 =	vmov s8;
	v44 =	vsub.f32 v57, v24;
	v53 =	vld [tilespmem:s15+$0x0];
	v39 =	vadd.f32 v46, v39  }
0xca: {  	v52 =	vmul.f32 v46, v46;
	v31 =	vadd.f32 v31, v33;
	v51 =	vadd.f32 v45, v63  }
0xcb: {  	vm0 =	veq.s32 v55, v5;
	v42 =	vsub.f32 v60, v24;
	v39 =	vadd.f32 v44, v39  }
0xcc: {  	v55 =	vmul.f32 v44, v44;
	v30 =	vadd.f32 v30, v31;
	v54 =	vadd.f32 v52, v51  }
0xcd: {  	v59 =	vmul.f32 v49, v49;
	v57 =	vld [tilespmem:s7+$0x0];
	v38 =	vsub.f32 v61, v24;
	v56 =	vadd.f32 v49, v39  }
0xce: {  	s24 =	sld [smem:$0x7E5];
	v31 =	vperm.xlane v32, v2;
	v63 =	vld [tilespmem:s23+$0x0];
	v40 =	vsub.f32 v53, v24;
	v58 =	vadd.f32 v55, v54  }
0xcf: {  	v28 =	vmul.f32 v28, v28;
	v30 =	vadd.f32 v48, v30;
	v60 =	vadd.f32 v42, v56  }
0xd0: {  	v62 =	vmul.f32 v42, v42;
	v31 =	vadd.f32 v32, v31;
	v33 =	vadd.f32 v59, v58  }
0xd1: {  	v44 =	vmul.f32 v37, v37;
	v52 =	vld [tilespmem:s24+$0x0];
	v28 =	vadd.f32 v28, v30;
	v36 =	vadd.f32 v37, v60  }
0xd2: {  	v30 =	vmul.f32 v35, v35;
	v39 =	vsub.f32 v57, v24;
	v33 =	vadd.f32 v62, v33  }
0xd3: {  	v49 =	vsub.f32 v63, v24;
	v36 =	vadd.f32 v40, v36  }
0xd4: {  	v45 =	vld [tilespmem:s28+$0x0];
	v46 =	vmul.f32 v40, v40;
	v28 =	vadd.f32 v30, v28;
	v33 =	vadd.f32 v44, v33  }
0xd5: {  	s28 =	sld [smem:$0x7E6];
	v48 =	vld [tilespmem:s1+$0x0];
	v50 =	vmul.f32 v39, v39;
	v56 =	vperm.xlane v31, v3;
	v47 =	vadd.f32 v39, v36  }
0xd6: {  	s0 =	sld [smem:$0x7E8];
	v53 =	vperm.xlane v28, v1;
	v35 =	vsub.f32 v52, v24;
	v30 =	vadd.f32 v46, v33  }
0xd7: {  	v54 =	vmul.f32 v38, v38;
	v31 =	vadd.f32 v31, v56;
	v51 =	vadd.f32 v38, v47  }
0xd8: {  	s29 =	smov.u32 s2;
	v55 =	vld [tilespmem:s28+$0x0];
	v57 =	vmul.f32 v49, v49;
	v28 =	vadd.f32 v53, v28;
	v30 =	vadd.f32 v50, v30  }
0xd9: {  	s8 =	smov.u32 s29;
	s29 =	sld [smem:$0x7E7];
	v37 =	vsub.f32 v45, v24;
	v62 =	vld [tilespmem:s0+$0x0];
	v63 =	vperm.xlane v31, v4;
	v34 =	vadd.f32 v49, v51  }
0xda: {  	v60 =	vperm.xlane v28, v2;
	v36 =	vsub.f32 v48, v24;
	v30 =	vadd.f32 v54, v30  }
0xdb: {  	v27 =	vmul.f32 $1.024000000e+03, v27;
	v31 =	vadd.f32 v31, v63;
	v58 =	vadd.f32 v37, v34  }
0xdc: {  	s3 =	sld [smem:$0x7E9];
	v59 =	vld [tilespmem:s29+$0x0];
	v61 =	vmul.f32 v37, v37;
	v28 =	vadd.f32 v60, v28;
	v30 =	vadd.f32 v57, v30  }
0xdd: {  	v38 =	vsub.f32 v55, v24;
	v43 =	vmul.f32 v36, v36;
	v33 =	vadd.f32 v36, v58  }
0xde: {  	s4 =	sld [smem:$0x7EA];
	v47 =	vsub.f32 v62, v24;
	v39 =	vperm.xlane v28, v3;
	v30 =	vadd.f32 v61, v30  }
0xdf: {  	v44 =	vld [tilespmem:s3+$0x0];
	v27 =	vadd.f32 v31, v27;
	v33 =	vadd.f32 v35, v33  }
0xe0: {  	s5 =	sld [smem:$0x7EB];
	v45 =	vmul.f32 v35, v35;
	v28 =	vadd.f32 v39, v28;
	v30 =	vadd.f32 v43, v30  }
0xe1: {  	s28 =	rddreg [dreg:$0xa];
	v46 =	vld [tilespmem:s4+$0x0];
	v48 =	vmul.f32 v31, v31;
	v34 =	vsub.f32 v59, v24;
	v33 =	vadd.f32 v38, v33  }
0xe2: {  	s7 =	sld [smem:$0x7EC];
	v41 =	vld [tilespmem:s28+$0x0];
	v49 =	vmul.f32 v38, v38;
	v25 =	vsel vm0, v27, v25;
	v30 =	vadd.f32 v45, v30  }
0xe3: {  	s13 =	rddreg [dreg:$0x15];
	v50 =	vld [tilespmem:s5+$0x0];
	v27 =	vsub.f32 v24, v23;
	v51 =	vperm.xlane v28, v4;
	v33 =	vadd.f32 v34, v33  }
0xe4: {  	s9 =	rddreg [dreg:$0x1d];
	v59 =	vld [tilespmem:s13+$0x0];
	v36 =	vsub.f32 v44, v24;
	v31 =	vmul.f32 v34, v34;
	v30 =	vadd.f32 v49, v30  }
0xe5: {  	s11 =	sld [smem:$0x7ED];
	v53 =	vld [tilespmem:s7+$0x0];
	v39 =	vmul.f32 $-9.765625000e-04, v48;
	v28 =	vadd.f32 v51, v28;
	v52 =	vadd.f32 v47, v33  }
0xe6: {  	v55 =	vld [tilespmem:s9+$0x0];
	v54 =	vsub.f32 v46, v24;
	v30 =	vadd.f32 v31, v30;
	v31 =	vmul.f32 v47, v47  }
0xe7: {  	v37 =	vld [tilespmem:s10+$0x0];
	v28 =	vadd.f32 v39, v28;
	v32 =	vadd.f32 v36, v52  }
0xe8: {  	s23 =	rddreg [dreg:$0xd];
	v57 =	vld [tilespmem:s11+$0x0];
	v38 =	vsub.f32 v50, v24;
	v30 =	vadd.f32 v31, v30;
	v31 =	vmul.f32 v36, v36  }
0xe9: {  	s10 =	rddreg [dreg:$0x1c];
	v34 =	vsub.f32 v59, v24;
	v59 =	vld [tilespmem:s23+$0x0];
	v32 =	vadd.f32 v54, v32  }
0xea: {  	s12 =	rddreg [dreg:$0x1e];
	v56 =	vld [tilespmem:s10+$0x0];
	v26 =	vsel vm0, v28, v26;
	v28 =	vadd.f32 v31, v30;
	v30 =	vmul.f32 v54, v54  }
0xeb: {  	s15 =	rddreg [dreg:$0x14];
	v58 =	vld [tilespmem:s12+$0x0];
	v33 =	vsub.f32 v53, v24;
	v31 =	vadd.f32 v38, v32  }
0xec: {  	s17 =	rddreg [dreg:$0x12];
	v62 =	vld [tilespmem:s15+$0x0];
	v40 =	vsub.f32 v55, v24;
	v61 =	vmul.f32 v38, v38;
	v30 =	vadd.f32 v30, v28  }
0xed: {  	s14 =	rddreg [dreg:$0x1b];
	v36 =	vsub.f32 v57, v24;
	v52 =	vld [tilespmem:s17+$0x0];
	v31 =	vadd.f32 v33, v31  }
0xee: {  	s20 =	rddreg [dreg:$0x17];
	v60 =	vld [tilespmem:s14+$0x0];
	v46 =	vsub.f32 v59, v24;
	v30 =	vadd.f32 v61, v30;
	v33 =	vmul.f32 v33, v33  }
0xef: {  	s16 =	rddreg [dreg:$0x1a];
	v54 =	vld [tilespmem:s20+$0x0];
	v28 =	vsub.f32 v56, v24;
	v31 =	vadd.f32 v40, v31  }
0xf0: {  	s18 =	rddreg [dreg:$0xe];
	v63 =	vld [tilespmem:s16+$0x0];
	v32 =	vsub.f32 v58, v24;
	v33 =	vadd.f32 v33, v30;
	v40 =	vmul.f32 v40, v40  }
0xf1: {  	s21 =	rddreg [dreg:$0x13];
	v53 =	vld [tilespmem:s18+$0x0];
	v56 =	vsub.f32 v62, v24;
	v55 =	vadd.f32 v36, v31  }
0xf2: {  	p0 =	sne.s32 s2, $0xF;
	s6 =	rddreg [dreg:$0x6];
	v57 =	vld [tilespmem:s21+$0x0];
	v58 =	vmul.f32 v36, v36;
	v61 =	vsub.f32 v52, v24;
	v33 =	vadd.f32 v40, v33  }
.Ltmp0:
0xf3: {  	v35 =	vld [tilespmem:s6+$0x0];
	v30 =	vsub.f32 v60, v24;
	v60 =	vadd.f32 v34, v55;
	(pc) =	sbr.rel @p0 .LBB2_2-.Ltmp0, $4  }
0xf4: {  	v47 =	vld [tilespmem:s30+$0x0];
	s30 =	rddreg [dreg:$0xb];
	v44 =	vsub.f32 v54, v24;
	v62 =	vadd.f32 v58, v33;
	v34 =	vmul.f32 v34, v34  }
0xf5: {  	s29 =	rddreg [dreg:$0x16];
	v39 =	vld [tilespmem:s30+$0x0];
	v31 =	vsub.f32 v63, v24;
	v63 =	vadd.f32 v56, v60  }
0xf6: {  	s24 =	rddreg [dreg:$0x10];
	v38 =	vld [tilespmem:s29+$0x0];
	v43 =	vmul.f32 v56, v56;
	v33 =	vsub.f32 v53, v24;
	v42 =	vadd.f32 v34, v62  }
0xf7: {  	s2 =	sadd.s32 $0x1, s2;
	s31 =	sadd.s32 $0x100, s31;
	s19 =	sadd.s32 $0x20, s19;
	v36 =	vld [tilespmem:s24+$0x0];
	v40 =	vmul.f32 v61, v61;
	v34 =	vsub.f32 v57, v24;
	v45 =	vadd.f32 v61, v63  }
0xf8: {  	_ = 	snop  }
0xf9: {  	v42 =	vadd.f32 v43, v42;
	v45 =	vadd.f32 v44, v45  }
0xfa: {  	v41 =	vsub.f32 v41, v24  }
0xfb: {  	v51 =	vmul.f32 v44, v44;
	v40 =	vadd.f32 v40, v42;
	v52 =	vadd.f32 v46, v45  }
0xfc: {  	v53 =	vsub.f32 v47, v24  }
0xfd: {  	v54 =	vld [tilespmem:s26+$0x0];
	v55 =	vmul.f32 v46, v46;
	v40 =	vadd.f32 v51, v40;
	v44 =	vadd.f32 v41, v52  }
0xfe: {  	v29 =	vsub.f32 v29, v24  }
0xff: {  	v56 =	vld [tilespmem:s25+$0x0];
	v41 =	vmul.f32 v41, v41;
	v40 =	vadd.f32 v55, v40;
	v44 =	vadd.f32 v53, v44  }
0x100: {  	v37 =	vsub.f32 v37, v24  }
0x101: {  	v42 =	vmul.f32 v53, v53;
	v40 =	vadd.f32 v41, v40;
	v44 =	vadd.f32 v29, v44  }
0x102: {  	v57 =	vsub.f32 v54, v24  }
0x103: {  	v29 =	vmul.f32 v29, v29;
	v40 =	vadd.f32 v42, v40;
	v44 =	vadd.f32 v37, v44  }
0x104: {  	v58 =	vsub.f32 v56, v24  }
0x105: {  	v37 =	vmul.f32 v37, v37;
	v29 =	vadd.f32 v29, v40;
	v59 =	vadd.f32 v57, v44  }
0x106: {  	v39 =	vsub.f32 v39, v24  }
0x107: {  	v41 =	vmul.f32 v57, v57;
	v29 =	vadd.f32 v37, v29;
	v60 =	vadd.f32 v58, v59  }
0x108: {  	v61 =	vsub.f32 v38, v24  }
0x109: {  	v63 =	vmul.f32 v58, v58;
	v29 =	vadd.f32 v41, v29;
	v62 =	vadd.f32 v39, v60  }
0x10a: {  	v36 =	vsub.f32 v36, v24  }
0x10b: {  	v39 =	vmul.f32 v39, v39;
	v29 =	vadd.f32 v63, v29;
	v38 =	vadd.f32 v61, v62;
	_ =	sdelay $0x1  }
0x10c: {  	v37 =	vmul.f32 v61, v61;
	v29 =	vadd.f32 v39, v29;
	v38 =	vadd.f32 v36, v38;
	_ =	sdelay $0x1  }
0x10d: {  	v36 =	vmul.f32 v36, v36;
	v29 =	vadd.f32 v37, v29;
	v38 =	vadd.f32 v34, v38;
	_ =	sdelay $0x1  }
0x10e: {  	v41 =	vmul.f32 v34, v34;
	v29 =	vadd.f32 v36, v29;
	v40 =	vadd.f32 v33, v38;
	_ =	sdelay $0x1  }
0x10f: {  	v43 =	vmul.f32 v33, v33;
	v29 =	vadd.f32 v41, v29;
	v42 =	vadd.f32 v31, v40;
	_ =	sdelay $0x1  }
0x110: {  	v31 =	vmul.f32 v31, v31;
	v29 =	vadd.f32 v43, v29;
	v44 =	vadd.f32 v30, v42;
	_ =	sdelay $0x1  }
0x111: {  	v30 =	vmul.f32 v30, v30;
	v29 =	vadd.f32 v31, v29;
	v45 =	vadd.f32 v32, v44  }
0x112: {  	v24 =	vsub.f32 v35, v24  }
0x113: {  	v31 =	vmul.f32 v32, v32;
	v29 =	vadd.f32 v30, v29;
	v46 =	vadd.f32 v28, v45;
	_ =	sdelay $0x1  }
0x114: {  	v28 =	vmul.f32 v28, v28;
	v29 =	vadd.f32 v31, v29;
	v30 =	vadd.f32 v24, v46;
	_ =	sdelay $0x1  }
0x115: {  	v24 =	vmul.f32 v24, v24;
	v28 =	vadd.f32 v28, v29;
	v31 =	vperm.xlane v30, v1;
	_ =	sdelay $0x1  }
0x116: {  	v24 =	vadd.f32 v24, v28;
	v29 =	vadd.f32 v30, v31;
	_ =	sdelay $0x1  }
0x117: {  	v30 =	vperm.xlane v24, v1;
	v28 =	vperm.xlane v29, v2;
	_ =	sdelay $0x1  }
0x118: {  	v24 =	vadd.f32 v30, v24;
	v28 =	vadd.f32 v29, v28;
	_ =	sdelay $0x1  }
0x119: {  	v30 =	vperm.xlane v24, v2;
	v29 =	vperm.xlane v28, v3;
	_ =	sdelay $0x1  }
0x11a: {  	v24 =	vadd.f32 v30, v24;
	v28 =	vadd.f32 v28, v29;
	_ =	sdelay $0x1  }
0x11b: {  	v30 =	vperm.xlane v24, v3;
	v29 =	vperm.xlane v28, v4;
	_ =	sdelay $0x1  }
0x11c: {  	v24 =	vadd.f32 v30, v24;
	v28 =	vadd.f32 v28, v29;
	_ =	sdelay $0x1  }
0x11d: {  	v30 =	vperm.xlane v24, v4;
	v29 =	vmul.f32 v28, v28  }
0x11e: {  	v27 =	vmul.f32 $1.024000000e+03, v27  }
0x11f: {  	v24 =	vadd.f32 v30, v24;
	v29 =	vmul.f32 $-9.765625000e-04, v29  }
0x120: {  	v27 =	vadd.f32 v28, v27;
	v30 =	vmov s8  }
0x121: {  	vm0 =	veq.s32 v30, v5;
	v24 =	vadd.f32 v29, v24  }
0x122: {  	s0 =	sld [smem:$0x7F2];
	v25 =	vsel vm0, v27, v25  }
0x123: {  	[tilespmem:$0x8000] =	vst v25;
	v24 =	vsel vm0, v24, v26  }
0x124: {  	s1 =	simm.s32 $0x8000;
	s20 =	simm.s32 $0x3;
	[tilespmem:$0x8080] =	vst v24  }
0x125: {  	[spmem:s0] =	stream.linear.scatter [tilespmem:s1], [sflag:$0x3], $0x80, $0x38;
	[tilespmem:$0xAA00] =	vst v63  }
0x126: {  	_ =	swait.ge [sflag:s20], $0x80  }
0x127: {  	s21 =	sld [smem:$0x7F3]  }
0x128: {  	[sflag:s20] =	ssyncset.done $0x0  }
0x129: {  	s2 =	simm.s32 $0x8080;
	[sflag:s20] =	ssyncadd.s32 $0xFFFFFF80  }
0x12a: {  	[spmem:s21] =	stream.linear.scatter [tilespmem:s2], [sflag:$0x3], $0x80, $0x38;
	[tilespmem:$0xAA00] =	vst v63  }
0x12b: {  	_ =	swait.ge [sflag:s20], $0x80  }
0x12c: {  	[sflag:s20] =	ssyncset.done $0x0  }
0x12d: {  	s22 =	simm.s32 $0x2;
	s0 =	simm.s32 $0x0;
	[sflag:s20] =	ssyncadd.s32 $0xFFFFFF80  }
0x12e: {  	s3 =	sand.u32 $0xC00, s0;
	_ =	swait.ge [sflag:s22], $0x4000  }
0x12f: {  	s4 =	sor.u32 $0x4000, s3;
	s2 =	sand.u32 $0x60, s0;
	[sflag:s22] =	ssyncset.done $0x0  }
0x130: {  	s5 =	sor.u32 s2, s4;
	[sflag:s22] =	ssyncadd.s32 $0xFFFFC000  }
0x131: {  	v24 =	vld [tilespmem:s5+$0x0]  }
0x132: {  	s1 =	sor.u32 $0x10, s2  }
0x133: {  	s4 =	sor.u32 s1, s4  }
0x134: {  	v26 =	vld [tilespmem:s4+$0x0];
	_ =	sdelay $0x1  }
0x135: {  	v27 =	vld [tilespmem:s5+$0x80];
	v25 =	vperm.xlane v24, v0;
	_ =	sdelay $0x1  }
0x136: {  	v28 =	vld [tilespmem:s4+$0x80];
	v24 =	vsub.f32 v24, v25  }
0x137: {  	v26 =	vsub.f32 v26, v25  }
0x138: {  	v30 =	vld [tilespmem:s5+$0x100];
	v29 =	vadd.f32 $0.0e+00, v24  }
0x139: {  	v27 =	vsub.f32 v27, v25;
	v24 =	vmul.f32 v24, v24;
	v31 =	vmul.f32 v26, v26  }
0x13a: {  	v47 =	vld [tilespmem:s4+$0x100];
	v26 =	vadd.f32 v26, v29  }
0x13b: {  	v28 =	vsub.f32 v28, v25;
	v29 =	vmul.f32 v27, v27;
	v24 =	vadd.f32 v31, v24  }
0x13c: {  	v26 =	vadd.f32 v27, v26;
	v27 =	vld [tilespmem:s5+$0x180]  }
0x13d: {  	v30 =	vsub.f32 v30, v25;
	v31 =	vmul.f32 v28, v28;
	v24 =	vadd.f32 v29, v24  }
0x13e: {  	v26 =	vadd.f32 v28, v26;
	v28 =	vld [tilespmem:s4+$0x180]  }
0x13f: {  	v48 =	vmul.f32 v30, v30;
	v29 =	vsub.f32 v47, v25;
	v24 =	vadd.f32 v31, v24  }
0x140: {  	v26 =	vadd.f32 v30, v26;
	v30 =	vld [tilespmem:s5+$0x200]  }
0x141: {  	v31 =	vmul.f32 v29, v29;
	v24 =	vadd.f32 v48, v24;
	v27 =	vsub.f32 v27, v25  }
0x142: {  	v26 =	vadd.f32 v29, v26;
	v29 =	vld [tilespmem:s4+$0x200]  }
0x143: {  	v24 =	vadd.f32 v31, v24;
	v28 =	vsub.f32 v28, v25;
	v31 =	vmul.f32 v27, v27  }
0x144: {  	s6 =	sand.u32 $0x3, s0;
	v26 =	vadd.f32 v27, v26;
	v27 =	vld [tilespmem:s5+$0x280]  }
0x145: {  	s23 =	sshll.u32 s6, $0x5;
	v30 =	vsub.f32 v30, v25;
	v24 =	vadd.f32 v31, v24;
	v31 =	vmul.f32 v28, v28  }
0x146: {  	s24 =	sadd.s32 $0x0, s23;
	v26 =	vadd.f32 v28, v26;
	v28 =	vld [tilespmem:s4+$0x280]  }
0x147: {  	s5 =	sor.u32 $0x300, s24;
	v29 =	vsub.f32 v29, v25;
	v24 =	vadd.f32 v31, v24;
	v31 =	vmul.f32 v30, v30  }
0x148: {  	s4 =	sadd.s32 $0x10, s24;
	v26 =	vadd.f32 v30, v26;
	v30 =	vld [tilespmem:s5+$0x4000]  }
0x149: {  	s25 =	sor.u32 $0x300, s4;
	v27 =	vsub.f32 v27, v25;
	v24 =	vadd.f32 v31, v24;
	v31 =	vmul.f32 v29, v29  }
0x14a: {  	s26 =	sor.u32 s0, s0;
	v26 =	vadd.f32 v29, v26;
	v29 =	vld [tilespmem:s25+$0x4000]  }
0x14b: {  	s5 =	sor.u32 $0x380, s26;
	v28 =	vsub.f32 v28, v25;
	v24 =	vadd.f32 v31, v24;
	v31 =	vmul.f32 v27, v27  }
0x14c: {  	v26 =	vadd.f32 v27, v26;
	v27 =	vld [tilespmem:s5+$0x4000]  }
0x14d: {  	s4 =	sor.u32 $0x380, s4;
	v30 =	vsub.f32 v30, v25;
	v24 =	vadd.f32 v31, v24;
	v31 =	vmul.f32 v28, v28  }
0x14e: {  	s29 =	sor.u32 $0x5000, s3;
	v26 =	vadd.f32 v28, v26;
	v28 =	vld [tilespmem:s4+$0x4000]  }
0x14f: {  	s30 =	sor.u32 s2, s29;
	v29 =	vsub.f32 v29, v25;
	v24 =	vadd.f32 v31, v24;
	v31 =	vmul.f32 v30, v30  }
0x150: {  	v26 =	vadd.f32 v30, v26;
	v30 =	vld [tilespmem:s30+$0x0]  }
0x151: {  	s5 =	sor.u32 s1, s29;
	v27 =	vsub.f32 v27, v25;
	v24 =	vadd.f32 v31, v24;
	v31 =	vmul.f32 v29, v29  }
0x152: {  	s6 =	sor.u32 $0x5080, s3;
	v26 =	vadd.f32 v29, v26;
	v29 =	vld [tilespmem:s5+$0x0]  }
0x153: {  	s7 =	sor.u32 s2, s6;
	v28 =	vsub.f32 v28, v25;
	v24 =	vadd.f32 v31, v24;
	v31 =	vmul.f32 v27, v27  }
0x154: {  	v26 =	vadd.f32 v27, v26;
	v27 =	vld [tilespmem:s7+$0x0]  }
0x155: {  	s8 =	sor.u32 s1, s6;
	v30 =	vsub.f32 v30, v25;
	v24 =	vadd.f32 v31, v24;
	v31 =	vmul.f32 v28, v28  }
0x156: {  	s9 =	sor.u32 $0x5100, s3;
	v26 =	vadd.f32 v28, v26;
	v28 =	vld [tilespmem:s8+$0x0]  }
0x157: {  	s10 =	sor.u32 s2, s9;
	v29 =	vsub.f32 v29, v25;
	v24 =	vadd.f32 v31, v24;
	v31 =	vmul.f32 v30, v30  }
0x158: {  	v26 =	vadd.f32 v30, v26;
	v30 =	vld [tilespmem:s10+$0x0]  }
0x159: {  	s11 =	sor.u32 s1, s9;
	v27 =	vsub.f32 v27, v25;
	v24 =	vadd.f32 v31, v24;
	v31 =	vmul.f32 v29, v29  }
0x15a: {  	s12 =	sor.u32 $0x5180, s3;
	v26 =	vadd.f32 v29, v26;
	v29 =	vld [tilespmem:s11+$0x0]  }
0x15b: {  	s13 =	sor.u32 s2, s12;
	v28 =	vsub.f32 v28, v25;
	v24 =	vadd.f32 v31, v24;
	v31 =	vmul.f32 v27, v27  }
0x15c: {  	v26 =	vadd.f32 v27, v26;
	v27 =	vld [tilespmem:s13+$0x0]  }
0x15d: {  	s14 =	sor.u32 s1, s12;
	v30 =	vsub.f32 v30, v25;
	v24 =	vadd.f32 v31, v24;
	v31 =	vmul.f32 v28, v28  }
0x15e: {  	s15 =	sor.u32 $0x5200, s3;
	v26 =	vadd.f32 v28, v26;
	v28 =	vld [tilespmem:s14+$0x0]  }
0x15f: {  	s16 =	sor.u32 s2, s15;
	v29 =	vsub.f32 v29, v25;
	v24 =	vadd.f32 v31, v24;
	v31 =	vmul.f32 v30, v30  }
0x160: {  	v49 =	vld [tilespmem:s16+$0x0];
	v26 =	vadd.f32 v30, v26  }
0x161: {  	s17 =	sor.u32 s1, s15;
	v27 =	vsub.f32 v27, v25;
	v24 =	vadd.f32 v31, v24;
	v30 =	vmul.f32 v29, v29  }
0x162: {  	s18 =	sor.u32 $0x5280, s3;
	v31 =	vld [tilespmem:s17+$0x0];
	v26 =	vadd.f32 v29, v26  }
0x163: {  	s19 =	sor.u32 s2, s18;
	v28 =	vsub.f32 v28, v25;
	v24 =	vadd.f32 v30, v24;
	v29 =	vmul.f32 v27, v27  }
0x164: {  	v30 =	vld [tilespmem:s19+$0x0];
	v26 =	vadd.f32 v27, v26  }
0x165: {  	s20 =	sor.u32 s1, s18;
	v27 =	vsub.f32 v49, v25;
	v24 =	vadd.f32 v29, v24;
	v29 =	vmul.f32 v28, v28  }
0x166: {  	s21 =	sor.u32 $0x5300, s3;
	v50 =	vld [tilespmem:s20+$0x0];
	v26 =	vadd.f32 v28, v26  }
0x167: {  	s22 =	sor.u32 s2, s21;
	v28 =	vsub.f32 v31, v25;
	v24 =	vadd.f32 v29, v24;
	v29 =	vmul.f32 v27, v27  }
0x168: {  	v31 =	vld [tilespmem:s22+$0x0];
	v26 =	vadd.f32 v27, v26  }
0x169: {  	s23 =	sor.u32 s1, s21;
	v27 =	vsub.f32 v30, v25;
	v24 =	vadd.f32 v29, v24;
	v29 =	vmul.f32 v28, v28  }
0x16a: {  	s24 =	sor.u32 $0x5380, s3;
	v26 =	vadd.f32 v28, v26;
	v28 =	vld [tilespmem:s23+$0x0]  }
0x16b: {  	s25 =	sor.u32 s2, s24;
	v30 =	vsub.f32 v50, v25;
	v24 =	vadd.f32 v29, v24;
	v29 =	vmul.f32 v27, v27  }
0x16c: {  	v26 =	vadd.f32 v27, v26;
	v27 =	vld [tilespmem:s25+$0x0]  }
0x16d: {  	s26 =	sor.u32 s1, s24;
	v31 =	vsub.f32 v31, v25;
	v24 =	vadd.f32 v29, v24;
	v29 =	vmul.f32 v30, v30  }
0x16e: {  	s29 =	sor.u32 $0x6000, s3;
	v26 =	vadd.f32 v30, v26;
	v30 =	vld [tilespmem:s26+$0x0]  }
0x16f: {  	s30 =	sor.u32 s2, s29;
	v28 =	vsub.f32 v28, v25;
	v24 =	vadd.f32 v29, v24;
	v29 =	vmul.f32 v31, v31  }
0x170: {  	v26 =	vadd.f32 v31, v26;
	v31 =	vld [tilespmem:s30+$0x0]  }
0x171: {  	s6 =	sor.u32 s1, s29;
	v27 =	vsub.f32 v27, v25;
	v24 =	vadd.f32 v29, v24;
	v29 =	vmul.f32 v28, v28  }
0x172: {  	s7 =	sor.u32 $0x6080, s3;
	v26 =	vadd.f32 v28, v26;
	v28 =	vld [tilespmem:s6+$0x0]  }
0x173: {  	s15 =	sor.u32 $0x7280, s3;
	s8 =	sor.u32 s2, s7;
	v30 =	vsub.f32 v30, v25;
	v24 =	vadd.f32 v29, v24;
	v29 =	vmul.f32 v27, v27  }
0x174: {  	s17 =	sor.u32 s1, s15;
	v26 =	vadd.f32 v27, v26;
	v27 =	vld [tilespmem:s8+$0x0]  }
0x175: {  	s24 =	sor.u32 $0x6300, s3;
	s9 =	sor.u32 s1, s7;
	v36 =	vld [tilespmem:s17+$0x0];
	v31 =	vsub.f32 v31, v25;
	v24 =	vadd.f32 v29, v24;
	v29 =	vmul.f32 v30, v30  }
0x176: {  	s10 =	sor.u32 $0x6100, s3;
	s25 =	sor.u32 s2, s24;
	v26 =	vadd.f32 v30, v26;
	v30 =	vld [tilespmem:s9+$0x0]  }
0x177: {  	s11 =	sor.u32 s2, s10;
	v59 =	vld [tilespmem:s25+$0x0];
	s30 =	sor.u32 $0x7180, s3;
	v28 =	vsub.f32 v28, v25;
	v24 =	vadd.f32 v29, v24;
	v29 =	vmul.f32 v31, v31  }
0x178: {  	s12 =	sor.u32 s1, s10;
	s10 =	sor.u32 s2, s30;
	v26 =	vadd.f32 v31, v26;
	v31 =	vld [tilespmem:s11+$0x0]  }
0x179: {  	v63 =	vld [tilespmem:s10+$0x0];
	v27 =	vsub.f32 v27, v25;
	v24 =	vadd.f32 v29, v24;
	v29 =	vmul.f32 v28, v28  }
0x17a: {  	s13 =	sor.u32 $0x6180, s3;
	s6 =	sor.u32 s2, s15;
	v26 =	vadd.f32 v28, v26;
	v28 =	vld [tilespmem:s12+$0x0]  }
0x17b: {  	s14 =	sor.u32 s2, s13;
	s23 =	sor.u32 $0x7080, s3;
	v37 =	vld [tilespmem:s6+$0x0];
	v30 =	vsub.f32 v30, v25;
	v29 =	vadd.f32 v29, v24;
	v51 =	vmul.f32 v27, v27  }
0x17c: {  	s8 =	sor.u32 s2, s23;
	v26 =	vadd.f32 v27, v26;
	v27 =	vld [tilespmem:s14+$0x0]  }
0x17d: {  	s5 =	sor.u32 s1, s13;
	v62 =	vld [tilespmem:s8+$0x0];
	s11 =	sor.u32 $0x6380, s3;
	v31 =	vsub.f32 v31, v25;
	v29 =	vadd.f32 v51, v29;
	v52 =	vmul.f32 v30, v30  }
0x17e: {  	s16 =	sor.u32 $0x6200, s3;
	v32 =	vsub.f32 v36, v25;
	s12 =	sor.u32 s2, s11;
	v26 =	vadd.f32 v30, v26;
	v30 =	vld [tilespmem:s5+$0x0]  }
0x17f: {  	s18 =	sor.u32 s2, s16;
	s4 =	sor.u32 $0x7000, s3;
	v48 =	vld [tilespmem:s12+$0x0];
	v28 =	vsub.f32 v28, v25;
	v29 =	vadd.f32 v52, v29;
	v53 =	vmul.f32 v31, v31  }
0x180: {  	s7 =	sor.u32 s1, s4;
	v33 =	vsub.f32 v59, v25;
	v26 =	vadd.f32 v31, v26;
	v31 =	vld [tilespmem:s18+$0x0]  }
0x181: {  	s20 =	sor.u32 $0x6280, s3;
	v24 =	vld [tilespmem:s7+$0x0];
	s7 =	sor.u32 s1, s16;
	v27 =	vsub.f32 v27, v25;
	v29 =	vadd.f32 v53, v29;
	v55 =	vmul.f32 v28, v28  }
0x182: {  	v38 =	vsub.f32 v62, v25;
	v54 =	vld [tilespmem:s7+$0x0];
	s7 =	sor.u32 s1, s20;
	v26 =	vadd.f32 v28, v26  }
0x183: {  	s22 =	sor.u32 s2, s20;
	v57 =	vld [tilespmem:s7+$0x0];
	v28 =	vsub.f32 v30, v25;
	v29 =	vadd.f32 v55, v29;
	v56 =	vmul.f32 v27, v27  }
0x184: {  	s13 =	sor.u32 $0x7100, s3;
	s8 =	sor.u32 s1, s11;
	v39 =	vsub.f32 v48, v25;
	v26 =	vadd.f32 v27, v26;
	v27 =	vld [tilespmem:s22+$0x0]  }
0x185: {  	v51 =	vld [tilespmem:s8+$0x0];
	s18 =	sor.u32 s1, s13;
	v31 =	vsub.f32 v31, v25;
	v29 =	vadd.f32 v56, v29;
	v58 =	vmul.f32 v28, v28  }
0x186: {  	s19 =	sor.u32 $0x7300, s3;
	s14 =	sor.u32 s2, s13;
	v46 =	vsub.f32 v24, v25;
	v48 =	vld [tilespmem:s18+$0x0];
	v26 =	vadd.f32 v28, v26  }
0x187: {  	s21 =	sor.u32 s2, s19;
	v50 =	vld [tilespmem:s14+$0x0];
	v28 =	vsub.f32 v54, v25;
	v29 =	vadd.f32 v58, v29;
	v60 =	vmul.f32 v31, v31  }
0x188: {  	s6 =	sor.u32 s1, s24;
	v34 =	vsub.f32 v57, v25;
	v30 =	vld [tilespmem:s21+$0x0];
	v26 =	vadd.f32 v31, v26  }
0x189: {  	s4 =	sor.u32 s2, s4;
	s26 =	sor.u32 $0x7200, s3;
	v31 =	vld [tilespmem:s6+$0x0];
	v61 =	vsub.f32 v27, v25;
	v27 =	vadd.f32 v60, v29;
	v29 =	vmul.f32 v28, v28  }
0x18a: {  	s29 =	sor.u32 s2, s26;
	v43 =	vsub.f32 v51, v25;
	v54 =	vld [tilespmem:s4+$0x0];
	v26 =	vadd.f32 v28, v26  }
0x18b: {  	s9 =	sor.u32 s1, s23;
	v44 =	vsub.f32 v48, v25;
	v28 =	vld [tilespmem:s29+$0x0];
	v29 =	vadd.f32 v29, v27;
	v47 =	vmul.f32 v61, v61  }
0x18c: {  	s17 =	simm.s32 $0x100;
	v42 =	vld [tilespmem:s9+$0x0];
	s3 =	sor.u32 $0x7380, s3;
	s21 =	sor.u32 s1, s26;
	v27 =	vsub.f32 v25, v23;
	v35 =	vadd.f32 v61, v26  }
0x18d: {  	s15 =	sor.u32 s1, s3;
	s16 =	sor.u32 s1, s19;
	s2 =	sor.u32 s2, s3;
	v49 =	vmul.f32 v34, v34;
	v58 =	vld [tilespmem:s21+$0x0];
	v26 =	vsub.f32 v30, v25;
	v29 =	vadd.f32 v47, v29  }
0x18e: {  	s20 =	simm.s32 $0x20;
	v57 =	vld [tilespmem:s2+$0x0];
	s1 =	sor.u32 s1, s30;
	s22 =	sand.u32 $0xC00, s17;
	v52 =	vsub.f32 v31, v25;
	v30 =	vadd.f32 v34, v35  }
0x18f: {  	s19 =	sand.u32 $0x60, s20;
	v53 =	vmul.f32 v33, v33;
	s23 =	sor.u32 $0x4000, s22;
	v35 =	vsub.f32 v50, v25;
	v50 =	vld [tilespmem:s1+$0x0];
	v29 =	vadd.f32 v49, v29  }
0x190: {  	s24 =	sor.u32 s19, s23;
	v40 =	vsub.f32 v54, v25;
	v31 =	vsub.f32 v28, v25;
	v28 =	vld [tilespmem:s15+$0x0]  }
0x191: {  	s2 =	sor.u32 $0x10, s19;
	v55 =	vmul.f32 v52, v52;
	v49 =	vld [tilespmem:s24+$0x0];
	v30 =	vadd.f32 v33, v30;
	v29 =	vadd.f32 v53, v29  }
0x192: {  	v56 =	vld [tilespmem:s16+$0x0];
	s25 =	sor.u32 $0x5280, s22;
	s6 =	sor.u32 s2, s23;
	v36 =	vsub.f32 v58, v25;
	v47 =	vsub.f32 v42, v25  }
0x193: {  	v60 =	vld [tilespmem:s6+$0x100];
	s1 =	sor.u32 s19, s25;
	v41 =	vadd.f32 v52, v30;
	v30 =	vmul.f32 v39, v39;
	v29 =	vadd.f32 v55, v29  }
0x194: {  	v34 =	vsub.f32 v63, v25;
	v63 =	vld [tilespmem:s1+$0x0];
	v33 =	vsub.f32 v37, v25  }
0x195: {  	v59 =	vmul.f32 v43, v43;
	v48 =	vld [tilespmem:s24+$0x80];
	v37 =	vsub.f32 v50, v25;
	v29 =	vadd.f32 v30, v29  }
0x196: {  	s26 =	sor.u32 s2, s25;
	v54 =	vld [tilespmem:s6+$0x0];
	v28 =	vsub.f32 v28, v25;
	v24 =	vperm.xlane v49, v0;
	v39 =	vadd.f32 v39, v41  }
0x197: {  	v53 =	vld [tilespmem:s26+$0x0];
	v52 =	vmul.f32 v40, v40;
	v30 =	vsub.f32 v56, v25;
	v51 =	vadd.f32 v59, v29  }
0x198: {  	v49 =	vsub.f32 v49, v24;
	v55 =	vsub.f32 v60, v24  }
0x199: {  	v62 =	vmul.f32 v46, v46;
	v42 =	vsub.f32 v63, v24;
	v61 =	vadd.f32 v52, v51;
	v51 =	vld [tilespmem:s6+$0x80]  }
0x19a: {  	v48 =	vsub.f32 v48, v24;
	v60 =	vadd.f32 $0.0e+00, v49  }
0x19b: {  	s1 =	sor.u32 $0x5300, s22;
	v56 =	vld [tilespmem:s24+$0x100];
	v59 =	vmul.f32 v38, v38;
	v58 =	vadd.f32 v62, v61;
	v61 =	vsub.f32 v54, v24  }
0x19c: {  	s29 =	sor.u32 s19, s1;
	v29 =	vsub.f32 v57, v25;
	v25 =	vsub.f32 v53, v24  }
0x19d: {  	v63 =	vld [tilespmem:s29+$0x0];
	v62 =	vmul.f32 v47, v47;
	v50 =	vadd.f32 v59, v58;
	v45 =	vadd.f32 v61, v60  }
0x19e: {  	v49 =	vmul.f32 v49, v49;
	v53 =	vmul.f32 v61, v61;
	v61 =	vld [tilespmem:s24+$0x180];
	v51 =	vsub.f32 v51, v24  }
0x19f: {  	v60 =	vmul.f32 v35, v35;
	v50 =	vadd.f32 v62, v50;
	v45 =	vadd.f32 v48, v45  }
0x1a0: {  	v56 =	vsub.f32 v56, v24;
	v48 =	vmul.f32 v48, v48;
	v49 =	vadd.f32 v53, v49  }
0x1a1: {  	s30 =	sor.u32 $0x5200, s22;
	v62 =	vmul.f32 v44, v44;
	v50 =	vadd.f32 v60, v50;
	v58 =	vadd.f32 v51, v45  }
0x1a2: {  	s10 =	sor.u32 s19, s30;
	v52 =	vld [tilespmem:s6+$0x180];
	v45 =	vsub.f32 v63, v24;
	v51 =	vmul.f32 v51, v51;
	v49 =	vadd.f32 v48, v49  }
0x1a3: {  	v59 =	vmul.f32 v34, v34;
	v54 =	vsub.f32 v61, v24;
	v61 =	vld [tilespmem:s10+$0x0];
	v63 =	vadd.f32 v56, v58  }
0x1a4: {  	v50 =	vadd.f32 v62, v50;
	v56 =	vmul.f32 v56, v56;
	v49 =	vadd.f32 v51, v49;
	v51 =	vld [tilespmem:s24+$0x200]  }
0x1a5: {  	v39 =	vadd.f32 v43, v39;
	v60 =	vmul.f32 v37, v37;
	v53 =	vadd.f32 v55, v63  }
0x1a6: {  	v50 =	vadd.f32 v59, v50;
	v55 =	vmul.f32 v55, v55;
	v49 =	vadd.f32 v56, v49;
	v56 =	vld [tilespmem:s6+$0x200]  }
0x1a7: {  	s31 =	simm.s32 $0x1;
	v52 =	vsub.f32 v52, v24;
	v53 =	vadd.f32 v54, v53  }
0x1a8: {  	s11 =	sand.u32 $0x3, s31;
	v63 =	vld [tilespmem:s24+$0x280];
	v50 =	vadd.f32 v60, v50;
	v49 =	vadd.f32 v55, v49;
	v54 =	vmul.f32 v54, v54  }
0x1a9: {  	s12 =	sshll.u32 s11, $0x5;
	v62 =	vmul.f32 v31, v31;
	v58 =	vsub.f32 v61, v24;
	v51 =	vsub.f32 v51, v24  }
0x1aa: {  	s5 =	sadd.s32 $0x100, s12;
	v53 =	vadd.f32 v52, v53;
	v49 =	vadd.f32 v54, v49;
	v52 =	vmul.f32 v52, v52;
	v54 =	vld [tilespmem:s6+$0x280]  }
0x1ab: {  	s13 =	sor.u32 $0x300, s5;
	v60 =	vmul.f32 v36, v36;
	v50 =	vadd.f32 v62, v50;
	v56 =	vsub.f32 v56, v24  }
0x1ac: {  	s5 =	sadd.s32 $0x10, s5;
	v53 =	vadd.f32 v51, v53;
	v49 =	vadd.f32 v52, v49;
	v51 =	vmul.f32 v51, v51;
	v52 =	vld [tilespmem:s13+$0x4000]  }
0x1ad: {  	s14 =	sor.u32 $0x300, s5;
	v61 =	vmul.f32 v33, v33;
	v55 =	vsub.f32 v63, v24;
	v50 =	vadd.f32 v60, v50  }
0x1ae: {  	s3 =	sor.u32 s17, s20;
	v62 =	vmul.f32 v56, v56;
	v53 =	vadd.f32 v56, v53;
	v49 =	vadd.f32 v51, v49;
	v56 =	vld [tilespmem:s14+$0x4000]  }
0x1af: {  	s3 =	sor.u32 $0x380, s3;
	v63 =	vmul.f32 v32, v32;
	v50 =	vadd.f32 v61, v50;
	v54 =	vsub.f32 v54, v24  }
0x1b0: {  	v60 =	vmul.f32 v55, v55;
	v53 =	vadd.f32 v55, v53;
	v49 =	vadd.f32 v62, v49;
	v55 =	vld [tilespmem:s3+$0x4000]  }
0x1b1: {  	s15 =	sor.u32 $0x380, s5;
	v61 =	vmul.f32 v26, v26;
	v50 =	vadd.f32 v63, v50;
	v52 =	vsub.f32 v52, v24  }
0x1b2: {  	s16 =	sor.u32 $0x5000, s22;
	s9 =	sor.u32 s2, s30;
	v63 =	vld [tilespmem:s15+$0x4000];
	v62 =	vmul.f32 v54, v54;
	v53 =	vadd.f32 v54, v53;
	v49 =	vadd.f32 v60, v49  }
0x1b3: {  	s17 =	sor.u32 s19, s16;
	v57 =	vld [tilespmem:s9+$0x0];
	v50 =	vadd.f32 v61, v50;
	v56 =	vsub.f32 v56, v24  }
0x1b4: {  	v61 =	vmul.f32 v52, v52;
	v53 =	vadd.f32 v52, v53;
	v49 =	vadd.f32 v62, v49;
	v52 =	vld [tilespmem:s17+$0x0]  }
0x1b5: {  	s18 =	sor.u32 s2, s16;
	v39 =	vadd.f32 v40, v39;
	v60 =	vmul.f32 v30, v30;
	v55 =	vsub.f32 v55, v24  }
0x1b6: {  	s20 =	sor.u32 $0x5080, s22;
	v51 =	vmul.f32 v56, v56;
	v53 =	vadd.f32 v56, v53;
	v49 =	vadd.f32 v61, v49;
	v56 =	vld [tilespmem:s18+$0x0]  }
0x1b7: {  	s21 =	sor.u32 s19, s20;
	v50 =	vadd.f32 v60, v50;
	v54 =	vsub.f32 v63, v24  }
0x1b8: {  	v60 =	vld [tilespmem:s21+$0x0];
	v62 =	vmul.f32 v55, v55;
	v53 =	vadd.f32 v55, v53;
	v49 =	vadd.f32 v51, v49  }
0x1b9: {  	s23 =	sor.u32 s2, s20;
	v48 =	vsub.f32 v57, v24;
	v59 =	vmul.f32 v29, v29;
	v52 =	vsub.f32 v52, v24  }
0x1ba: {  	s24 =	sor.u32 $0x5100, s22;
	v63 =	vmul.f32 v54, v54;
	v55 =	vld [tilespmem:s23+$0x0];
	v53 =	vadd.f32 v54, v53;
	v49 =	vadd.f32 v62, v49  }
0x1bb: {  	v57 =	vmul.f32 v28, v28;
	s25 =	sor.u32 s19, s24;
	v50 =	vadd.f32 v59, v50;
	v54 =	vsub.f32 v56, v24  }
0x1bc: {  	v56 =	vld [tilespmem:s25+$0x0];
	v61 =	vmul.f32 v52, v52;
	v53 =	vadd.f32 v52, v53;
	v49 =	vadd.f32 v63, v49  }
0x1bd: {  	s26 =	sor.u32 s2, s24;
	v50 =	vadd.f32 v57, v50;
	v62 =	vsub.f32 v60, v24  }
0x1be: {  	s29 =	sor.u32 $0x5180, s22;
	v57 =	vld [tilespmem:s26+$0x0];
	v59 =	vmul.f32 v54, v54;
	v53 =	vadd.f32 v54, v53;
	v63 =	vadd.f32 v61, v49  }
0x1bf: {  	s30 =	sor.u32 s19, s29;
	v39 =	vadd.f32 v46, v39;
	v60 =	vsub.f32 v55, v24  }
0x1c0: {  	v54 =	vld [tilespmem:s30+$0x0];
	v61 =	vmul.f32 v62, v62;
	v53 =	vadd.f32 v62, v53;
	v41 =	vadd.f32 v59, v63  }
0x1c1: {  	s5 =	sor.u32 s2, s29;
	v38 =	vadd.f32 v38, v39;
	v62 =	vsub.f32 v56, v24  }
0x1c2: {  	v59 =	vmul.f32 v60, v60;
	v63 =	vadd.f32 v60, v53;
	v53 =	vld [tilespmem:s5+$0x0];
	v56 =	vadd.f32 v61, v41  }
0x1c3: {  	v38 =	vadd.f32 v47, v38;
	v60 =	vsub.f32 v57, v24  }
0x1c4: {  	v61 =	vadd.f32 v62, v63;
	v40 =	vadd.f32 v59, v56;
	v62 =	vmul.f32 v62, v62  }
0x1c5: {  	v35 =	vadd.f32 v35, v38;
	v63 =	vsub.f32 v54, v24  }
0x1c6: {  	v56 =	vmul.f32 v60, v60;
	v51 =	vadd.f32 v60, v61;
	v55 =	vadd.f32 v62, v40  }
0x1c7: {  	v35 =	vadd.f32 v44, v35;
	v57 =	vsub.f32 v53, v24  }
0x1c8: {  	v61 =	vmul.f32 v63, v63;
	v59 =	vadd.f32 v63, v51;
	v39 =	vadd.f32 v56, v55  }
0x1c9: {  	v34 =	vadd.f32 v34, v35  }
0x1ca: {  	v63 =	vmul.f32 v57, v57;
	v43 =	vadd.f32 v57, v59;
	v39 =	vadd.f32 v61, v39  }
0x1cb: {  	v34 =	vadd.f32 v37, v34;
	v54 =	vperm.xlane v50, v1  }
0x1cc: {  	v47 =	vmul.f32 v58, v58;
	v46 =	vadd.f32 v58, v43;
	v39 =	vadd.f32 v63, v39  }
0x1cd: {  	s1 =	sor.u32 s2, s1;
	v31 =	vadd.f32 v31, v34;
	v60 =	vadd.f32 v54, v50  }
0x1ce: {  	s6 =	sor.u32 $0x5380, s22;
	v49 =	vld [tilespmem:s1+$0x0];
	v51 =	vmul.f32 v48, v48;
	v41 =	vadd.f32 v48, v46;
	v39 =	vadd.f32 v47, v39  }
0x1cf: {  	s7 =	sor.u32 s19, s6;
	v31 =	vadd.f32 v36, v31;
	v62 =	vperm.xlane v60, v2  }
0x1d0: {  	v52 =	vld [tilespmem:s7+$0x0];
	v54 =	vmul.f32 v42, v42;
	v41 =	vadd.f32 v42, v41;
	v53 =	vadd.f32 v51, v39  }
0x1d1: {  	s8 =	sor.u32 s2, s6;
	v31 =	vadd.f32 v33, v31;
	v38 =	vadd.f32 v62, v60  }
0x1d2: {  	s9 =	sor.u32 $0x6000, s22;
	v56 =	vld [tilespmem:s8+$0x0];
	v55 =	vadd.f32 v25, v41;
	v57 =	vadd.f32 v54, v53;
	v25 =	vmul.f32 v25, v25  }
0x1d3: {  	s10 =	sor.u32 s19, s9;
	v31 =	vadd.f32 v32, v31;
	v50 =	vperm.xlane v38, v3;
	v58 =	vsub.f32 v49, v24  }
0x1d4: {  	v60 =	vld [tilespmem:s10+$0x0];
	v61 =	vmul.f32 v45, v45;
	v59 =	vadd.f32 v45, v55;
	v25 =	vadd.f32 v25, v57  }
0x1d5: {  	s11 =	sor.u32 s2, s9;
	v62 =	vsub.f32 v52, v24;
	v37 =	vadd.f32 v50, v38  }
0x1d6: {  	s12 =	sor.u32 $0x6080, s22;
	v63 =	vld [tilespmem:s11+$0x0];
	v43 =	vmul.f32 v58, v58;
	v38 =	vadd.f32 v58, v59;
	v25 =	vadd.f32 v61, v25  }
0x1d7: {  	s13 =	sor.u32 s19, s12;
	v26 =	vadd.f32 v26, v31;
	v44 =	vsub.f32 v56, v24  }
0x1d8: {  	v46 =	vld [tilespmem:s13+$0x0];
	v47 =	vmul.f32 v62, v62;
	v45 =	vadd.f32 v62, v38;
	v25 =	vadd.f32 v43, v25  }
0x1d9: {  	s14 =	sor.u32 s2, s12;
	v26 =	vadd.f32 v30, v26;
	v48 =	vsub.f32 v60, v24  }
0x1da: {  	s15 =	sor.u32 $0x6100, s22;
	v49 =	vld [tilespmem:s14+$0x0];
	v31 =	vmul.f32 v44, v44;
	v35 =	vadd.f32 v44, v45;
	v25 =	vadd.f32 v47, v25  }
0x1db: {  	s16 =	sor.u32 s19, s15;
	v26 =	vadd.f32 v29, v26;
	v50 =	vsub.f32 v63, v24  }
0x1dc: {  	v52 =	vld [tilespmem:s16+$0x0];
	v30 =	vmul.f32 v48, v48;
	v51 =	vadd.f32 v48, v35;
	v25 =	vadd.f32 v31, v25  }
0x1dd: {  	v26 =	vadd.f32 v28, v26;
	s1 =	sor.u32 s2, s15;
	v31 =	vsub.f32 v46, v24  }
0x1de: {  	s17 =	sor.u32 $0x6180, s22;
	v53 =	vld [tilespmem:s1+$0x0];
	v29 =	vmul.f32 v50, v50;
	v34 =	vadd.f32 v50, v51;
	v25 =	vadd.f32 v30, v25  }
0x1df: {  	s18 =	sor.u32 s19, s17;
	v57 =	vperm.xlane v26, v1;
	v30 =	vsub.f32 v49, v24  }
0x1e0: {  	s3 =	sor.u32 $0x7300, s22;
	s20 =	sor.u32 s2, s17;
	v55 =	vld [tilespmem:s18+$0x0];
	v54 =	vadd.f32 v31, v34;
	v25 =	vadd.f32 v29, v25;
	v31 =	vmul.f32 v31, v31  }
0x1e1: {  	s9 =	sor.u32 $0x6300, s22;
	s30 =	sor.u32 s19, s3;
	v56 =	vld [tilespmem:s20+$0x0];
	v33 =	vsub.f32 v52, v24;
	v28 =	vperm.xlane v37, v4;
	v26 =	vadd.f32 v26, v57  }
0x1e2: {  	s24 =	sor.u32 $0x6200, s22;
	s14 =	sor.u32 s2, s9;
	v60 =	vld [tilespmem:s30+$0x0];
	v32 =	vadd.f32 v30, v54;
	v25 =	vadd.f32 v31, v25;
	v30 =	vmul.f32 v30, v30  }
0x1e3: {  	s23 =	sor.u32 $0x7280, s22;
	s26 =	sor.u32 s19, s24;
	v52 =	vld [tilespmem:s14+$0x0];
	v40 =	vadd.f32 v28, v37;
	v38 =	vperm.xlane v26, v2;
	v31 =	vsub.f32 v53, v24  }
0x1e4: {  	s5 =	sor.u32 s19, s23;
	v28 =	vmul.f32 v33, v33;
	v32 =	vadd.f32 v33, v32;
	v25 =	vadd.f32 v30, v25;
	v30 =	vld [tilespmem:s26+$0x0]  }
0x1e5: {  	s4 =	sor.u32 s2, s24;
	s20 =	sor.u32 $0x6380, s22;
	v37 =	vld [tilespmem:s5+$0x0];
	v58 =	vsub.f32 v55, v24;
	v38 =	vadd.f32 v26, v38  }
0x1e6: {  	s29 =	sor.u32 $0x6280, s22;
	s25 =	sor.u32 s2, s23;
	s23 =	sor.u32 s19, s20;
	v59 =	vld [tilespmem:s4+$0x0];
	v32 =	vadd.f32 v31, v32;
	v28 =	vadd.f32 v28, v25;
	v31 =	vmul.f32 v31, v31  }
0x1e7: {  	s7 =	sor.u32 s19, s29;
	v36 =	vsub.f32 v56, v24;
	v56 =	vld [tilespmem:s23+$0x0];
	v26 =	vsub.f32 v24, v23;
	v63 =	vperm.xlane v38, v3  }
0x1e8: {  	s4 =	sor.u32 s2, s29;
	v61 =	vld [tilespmem:s7+$0x0];
	v32 =	vadd.f32 v58, v32;
	v28 =	vadd.f32 v31, v28;
	v31 =	vmul.f32 v58, v58  }
0x1e9: {  	v27 =	vmul.f32 $1.024000000e+03, v27;
	s15 =	sor.u32 $0x7200, s22;
	s11 =	sor.u32 s19, s9;
	v62 =	vld [tilespmem:s4+$0x0];
	v38 =	vadd.f32 v38, v63;
	v30 =	vsub.f32 v30, v24  }
0x1ea: {  	s17 =	sor.u32 s19, s15;
	s8 =	sor.u32 $0x7080, s22;
	v48 =	vld [tilespmem:s11+$0x0];
	v32 =	vadd.f32 v36, v32;
	v28 =	vadd.f32 v31, v28;
	v31 =	vmul.f32 v36, v36  }
0x1eb: {  	s10 =	sor.u32 s2, s8;
	v55 =	vld [tilespmem:s17+$0x0];
	v50 =	vmov s0;
	v34 =	vsub.f32 v59, v24;
	v53 =	vperm.xlane v38, v4  }
0x1ec: {  	s1 =	sor.u32 $0x7000, s22;
	v45 =	vld [tilespmem:s10+$0x0];
	v49 =	vadd.f32 v30, v32;
	v31 =	vadd.f32 v31, v28;
	v30 =	vmul.f32 v30, v30  }
0x1ed: {  	s21 =	sor.u32 s2, s1;
	s1 =	sor.u32 s19, s1;
	v35 =	vld [tilespmem:s25+$0x0];
	vm0 =	veq.s32 v50, v5;
	v33 =	vsub.f32 v61, v24;
	v38 =	vadd.f32 v38, v53  }
0x1ee: {  	s18 =	sor.u32 $0x7180, s22;
	v46 =	vld [tilespmem:s1+$0x0];
	v51 =	vadd.f32 v34, v49;
	v30 =	vadd.f32 v30, v31;
	v34 =	vmul.f32 v34, v34  }
0x1ef: {  	v29 =	vld [tilespmem:s21+$0x0];
	s21 =	sor.u32 s19, s18;
	v57 =	vsub.f32 v48, v24;
	v54 =	vsub.f32 v62, v24;
	v58 =	vmul.f32 v38, v38  }
0x1f0: {  	s24 =	sor.u32 $0x7100, s22;
	v41 =	vld [tilespmem:s21+$0x0];
	s26 =	sor.u32 s2, s20;
	v39 =	vadd.f32 v33, v51;
	v30 =	vadd.f32 v34, v30;
	v33 =	vmul.f32 v33, v33  }
0x1f1: {  	s12 =	sor.u32 $0x7380, s22;
	s25 =	sor.u32 s19, s24;
	v43 =	vld [tilespmem:s26+$0x0];
	v27 =	vadd.f32 v38, v27;
	v62 =	vmul.f32 $-9.765625000e-04, v58;
	v28 =	vsub.f32 v60, v24  }
0x1f2: {  	s13 =	sor.u32 s19, s12;
	v59 =	vmul.f32 v54, v54;
	v36 =	vld [tilespmem:s25+$0x0];
	v39 =	vadd.f32 v54, v39;
	v30 =	vadd.f32 v33, v30  }
0x1f3: {  	s16 =	sor.u32 s19, s8;
	v42 =	vmul.f32 v57, v57;
	v32 =	vld [tilespmem:s13+$0x0];
	v60 =	vsub.f32 v52, v24;
	v33 =	vadd.f32 v62, v40  }
0x1f4: {  	s30 =	sor.u32 s2, s12;
	s22 =	simm.s32 $0x40;
	s28 =	sor.u32 s2, s18;
	v25 =	vimm.f32 $0.0e+00;
	v31 =	vld [tilespmem:s16+$0x0];
	v61 =	vadd.f32 v57, v39;
	v63 =	vadd.f32 v59, v30  }
0x1f5: {  	s29 =	sor.u32 s2, s3;
	s1 =	simm.s32 $0x1;
	s19 =	simm.s32 $0x200;
	v27 =	vsel vm0, v27, v25;
	v40 =	vsub.f32 v56, v24;
	v30 =	vsub.f32 v55, v24;
	v39 =	vld [tilespmem:s30+$0x0]  }
0x1f6: {  	s26 =	sor.u32 s2, s24;
	s25 =	sor.u32 s2, s15;
	s2 =	simm.s32 $0x2;
	v47 =	vmul.f32 v60, v60;
	v38 =	vadd.f32 v60, v61;
	v44 =	vadd.f32 v42, v63;
	v42 =	vld [tilespmem:s29+$0x0]  }
.LBB2_4:
0x1f7: {  	[dreg:$0x5] =	wrdreg s1  }
0x1f8: {  	s8 =	sand.u32 $0x60, s22;
	s11 =	sand.u32 $0xC00, s19;
	s0 =	smov.u32 s2  }
0x1f9: {  	s31 =	sadd.s32 $0x1, s31;
	[dreg:$0x4] =	wrdreg s0;
	s20 =	sor.u32 $0x4000, s11  }
0x1fa: {  	s15 =	sor.u32 $0x10, s8;
	s4 =	sor.u32 $0x5300, s11;
	s23 =	sor.u32 $0x5000, s11  }
0x1fb: {  	v49 =	vld [tilespmem:s26+$0x0];
	v55 =	vadd.f32 v47, v44;
	v56 =	vmul.f32 v40, v40;
	s3 =	sor.u32 $0x5200, s11;
	s5 =	sor.u32 $0x5280, s11;
	s24 =	sor.u32 $0x5080, s11  }
0x1fc: {  	v57 =	vld [tilespmem:s25+$0x0];
	v35 =	vsub.f32 v35, v24;
	s25 =	sor.u32 $0x5100, s11;
	s10 =	sor.u32 $0x5180, s11;
	s26 =	sor.u32 $0x5380, s11;
	v44 =	vsub.f32 v43, v24  }
0x1fd: {  	v48 =	vld [tilespmem:s28+$0x0];
	s0 =	sor.u32 $0x6080, s11;
	s28 =	sor.u32 $0x7180, s11;
	v38 =	vadd.f32 v40, v38;
	s29 =	sor.u32 s8, s20;
	v47 =	vadd.f32 v56, v55  }
0x1fe: {  	s16 =	sor.u32 s15, s20;
	s21 =	sor.u32 s8, s4;
	s20 =	sor.u32 s15, s3;
	v50 =	vld [tilespmem:s29+$0x0];
	v32 =	vsub.f32 v32, v24;
	v43 =	vsub.f32 v46, v24;
	v51 =	vmul.f32 v44, v44  }
0x1ff: {  	s7 =	sor.u32 s8, s5;
	s5 =	sor.u32 s15, s5;
	s13 =	sor.u32 s8, s23;
	v36 =	vsub.f32 v36, v24;
	v34 =	vsub.f32 v41, v24  }
0x200: {  	s9 =	sor.u32 s15, s23;
	s1 =	sor.u32 s8, s3;
	s14 =	sor.u32 s8, s24;
	v52 =	vld [tilespmem:s16+$0x100];
	v59 =	vmul.f32 v43, v43;
	v58 =	vadd.f32 v51, v47;
	v47 =	vsub.f32 v29, v24  }
0x201: {  	v25 =	vsel vm0, v33, v25;
	s12 =	sor.u32 s15, s24;
	s6 =	sor.u32 s8, s25;
	s3 =	sor.u32 s15, s25;
	v41 =	vsub.f32 v31, v24;
	v31 =	vsub.f32 v39, v24;
	v29 =	vld [tilespmem:s5+$0x0]  }
0x202: {  	s4 =	sor.u32 s15, s4;
	s18 =	sor.u32 s15, s26;
	s23 =	sor.u32 $0x6100, s11;
	v53 =	vld [tilespmem:s21+$0x0];
	v33 =	vsub.f32 v42, v24;
	v54 =	vadd.f32 v59, v58;
	v55 =	vmul.f32 v47, v47  }
0x203: {  	s25 =	sor.u32 $0x6180, s11;
	s21 =	sor.u32 $0x6000, s11;
	s17 =	sor.u32 s8, s23;
	v37 =	vsub.f32 v37, v24;
	v46 =	vsub.f32 v49, v24;
	v56 =	vperm.xlane v50, v0;
	v58 =	vld [tilespmem:s29+$0x80]  }
0x204: {  	s23 =	sor.u32 s15, s23;
	s24 =	sor.u32 s8, s21;
	[smem:$0x7DC] =	sst s17;
	v49 =	vsub.f32 v45, v24;
	v61 =	vmul.f32 v41, v41;
	v51 =	vld [tilespmem:s16+$0x0];
	v60 =	vadd.f32 v55, v54  }
0x205: {  	s30 =	sor.u32 s15, s21;
	[smem:$0x7DD] =	sst s23;
	s17 =	sor.u32 s8, s25;
	v39 =	vsub.f32 v57, v24;
	v57 =	vld [tilespmem:s7+$0x0];
	v42 =	vsub.f32 v48, v24;
	v24 =	vmov v56  }
0x206: {  	s7 =	sor.u32 s8, s26;
	[smem:$0x7DB] =	sst s30;
	s26 =	sor.u32 $0x6200, s11;
	v62 =	vmul.f32 v49, v49;
	v45 =	vsub.f32 v29, v24;
	v29 =	vadd.f32 v61, v60  }
0x207: {  	s21 =	sor.u32 s15, s0;
	[smem:$0x7DE] =	sst s17;
	s23 =	sor.u32 s8, s26;
	v38 =	vadd.f32 v44, v38;
	v50 =	vsub.f32 v50, v56;
	v55 =	vld [tilespmem:s16+$0x80]  }
0x208: {  	s30 =	sor.u32 s8, s0;
	[smem:$0x7E0] =	sst s23;
	v29 =	vadd.f32 v62, v29;
	v62 =	vsub.f32 v58, v24;
	v58 =	vld [tilespmem:s20+$0x0];
	s20 =	sor.u32 s15, s25  }
0x209: {  	v63 =	vadd.f32 $0.0e+00, v50;
	v60 =	vsub.f32 v51, v24;
	v51 =	vld [tilespmem:s29+$0x100];
	s25 =	sor.u32 s15, s26;
	s26 =	sor.u32 $0x6280, s11;
	[smem:$0x7DF] =	sst s20  }
0x20a: {  	s0 =	sor.u32 $0x7000, s11;
	v52 =	vsub.f32 v52, v56;
	v48 =	vsub.f32 v57, v24;
	[smem:$0x7E1] =	sst s25;
	s17 =	sor.u32 s8, s26  }
0x20b: {  	s23 =	sor.u32 $0x7300, s11;
	v59 =	vmul.f32 v50, v50;
	v61 =	vmul.f32 v36, v36;
	v56 =	vadd.f32 v60, v63;
	s20 =	sor.u32 s15, s26;
	[smem:$0x7E2] =	sst s17  }
0x20c: {  	v50 =	vsub.f32 v53, v24;
	v57 =	vmul.f32 v60, v60;
	v55 =	vsub.f32 v55, v24;
	s25 =	sor.u32 s15, s23;
	[smem:$0x7E3] =	sst s20;
	s20 =	sor.u32 $0x6300, s11  }
0x20d: {  	s5 =	sor.u32 s8, s10;
	v54 =	vmul.f32 v46, v46;
	v29 =	vadd.f32 v61, v29;
	v56 =	vadd.f32 v62, v56;
	v61 =	vld [tilespmem:s29+$0x180];
	[dreg:$0x7] =	wrdreg s25;
	s26 =	sor.u32 s8, s20  }
0x20e: {  	v60 =	vmul.f32 v62, v62;
	v53 =	vadd.f32 v57, v59;
	s17 =	sor.u32 $0x7200, s11;
	v57 =	vsub.f32 v51, v24;
	s20 =	sor.u32 s15, s20;
	[smem:$0x7E4] =	sst s26  }
0x20f: {  	s25 =	sor.u32 $0x6380, s11;
	v59 =	vmul.f32 v34, v34;
	v62 =	vld [tilespmem:s16+$0x180];
	v56 =	vadd.f32 v55, v56;
	[dreg:$0x18] =	wrdreg s20;
	s26 =	sor.u32 s8, s17;
	v29 =	vadd.f32 v54, v29  }
0x210: {  	s10 =	sor.u32 s15, s10;
	v55 =	vmul.f32 v55, v55;
	v53 =	vadd.f32 v60, v53;
	s20 =	sor.u32 s8, s25;
	[dreg:$0xf] =	wrdreg s26;
	v51 =	vsub.f32 v58, v24  }
0x211: {  	v54 =	vmul.f32 v42, v42;
	s25 =	sor.u32 s15, s25;
	[dreg:$0x9] =	wrdreg s20;
	s20 =	sor.u32 $0x7100, s11;
	v58 =	vld [tilespmem:s1+$0x0];
	v56 =	vadd.f32 v57, v56;
	v29 =	vadd.f32 v59, v29  }
0x212: {  	[dreg:$0x8] =	wrdreg s25;
	s1 =	sor.u32 s8, s28;
	s25 =	sor.u32 s8, s0;
	v57 =	vmul.f32 v57, v57;
	v53 =	vadd.f32 v55, v53;
	v59 =	vld [tilespmem:s29+$0x200];
	v55 =	vsub.f32 v61, v24  }
0x213: {  	v60 =	vmul.f32 v30, v30;
	s28 =	sor.u32 s15, s28;
	s26 =	sor.u32 s8, s20;
	[dreg:$0x19] =	wrdreg s1;
	v56 =	vadd.f32 v52, v56;
	v54 =	vadd.f32 v54, v29  }
0x214: {  	[dreg:$0xc] =	wrdreg s26;
	s26 =	sor.u32 s15, s20;
	v61 =	vld [tilespmem:s16+$0x200];
	s20 =	sor.u32 $0x7380, s11;
	v52 =	vmul.f32 v52, v52;
	v53 =	vadd.f32 v57, v53;
	v57 =	vsub.f32 v62, v24  }
0x215: {  	[dreg:$0x11] =	wrdreg s25;
	s25 =	sor.u32 s15, s17;
	s17 =	sor.u32 s15, s20;
	v56 =	vadd.f32 v55, v56;
	v54 =	vadd.f32 v60, v54;
	v60 =	vmul.f32 v39, v39  }
0x216: {  	s0 =	sor.u32 s15, s0;
	v62 =	vld [tilespmem:s29+$0x280];
	[dreg:$0x1f] =	wrdreg s17;
	s17 =	sand.u32 $0x3, s31;
	v53 =	vadd.f32 v52, v53;
	v55 =	vmul.f32 v55, v55;
	v52 =	vsub.f32 v58, v24  }
0x217: {  	s1 =	sor.u32 s8, s23;
	s23 =	sor.u32 $0x7080, s11;
	v29 =	vld [tilespmem:s0+$0x0];
	s17 =	sshll.u32 s17, $0x5;
	v58 =	vsub.f32 v59, v24;
	v59 =	vmul.f32 v37, v37;
	v56 =	vadd.f32 v57, v56  }
0x218: {  	s11 =	sor.u32 $0x7280, s11;
	s0 =	sor.u32 s8, s23;
	s17 =	sadd.s32 s17, s19;
	v53 =	vadd.f32 v55, v53;
	v55 =	vmul.f32 v57, v57;
	v57 =	vld [tilespmem:s16+$0x280];
	v54 =	vadd.f32 v60, v54  }
0x219: {  	s23 =	sor.u32 s15, s23;
	s29 =	sor.u32 s8, s20;
	v60 =	vsub.f32 v61, v24;
	s20 =	sor.u32 $0x300, s17;
	v56 =	vadd.f32 v58, v56  }
0x21a: {  	s8 =	sor.u32 s8, s11;
	s11 =	sor.u32 s15, s11;
	s15 =	sadd.s32 $0x10, s17;
	v53 =	vadd.f32 v55, v53;
	v55 =	vmul.f32 v58, v58;
	v58 =	vld [tilespmem:s20+$0x4000];
	v54 =	vadd.f32 v59, v54  }
0x21b: {  	s17 =	sor.u32 $0x300, s15;
	v59 =	vsub.f32 v62, v24;
	v56 =	vadd.f32 v60, v56  }
0x21c: {  	v61 =	vmul.f32 v35, v35;
	s20 =	sor.u32 s19, s22;
	v53 =	vadd.f32 v55, v53;
	v55 =	vmul.f32 v60, v60;
	v60 =	vld [tilespmem:s17+$0x4000]  }
0x21d: {  	v62 =	vmul.f32 v28, v28;
	s16 =	sor.u32 $0x380, s20;
	v57 =	vsub.f32 v57, v24;
	v56 =	vadd.f32 v59, v56  }
0x21e: {  	v54 =	vadd.f32 v61, v54;
	v53 =	vadd.f32 v55, v53;
	v55 =	vmul.f32 v59, v59;
	v59 =	vld [tilespmem:s16+$0x4000]  }
0x21f: {  	s15 =	sor.u32 $0x380, s15;
	v61 =	vmul.f32 v33, v33;
	v58 =	vsub.f32 v58, v24;
	v56 =	vadd.f32 v57, v56  }
0x220: {  	v54 =	vadd.f32 v62, v54;
	v53 =	vadd.f32 v55, v53;
	v55 =	vmul.f32 v57, v57;
	v57 =	vld [tilespmem:s15+$0x4000]  }
0x221: {  	v62 =	vmul.f32 v32, v32;
	v60 =	vsub.f32 v60, v24;
	v56 =	vadd.f32 v58, v56  }
0x222: {  	v54 =	vadd.f32 v61, v54;
	v63 =	vmul.f32 v58, v58;
	v53 =	vadd.f32 v55, v53;
	v58 =	vld [tilespmem:s13+$0x0]  }
0x223: {  	v61 =	vmul.f32 v31, v31;
	v59 =	vsub.f32 v59, v24;
	v56 =	vadd.f32 v60, v56  }
0x224: {  	v54 =	vadd.f32 v62, v54;
	v55 =	vmul.f32 v60, v60;
	v53 =	vadd.f32 v63, v53;
	v60 =	vld [tilespmem:s9+$0x0]  }
0x225: {  	v57 =	vsub.f32 v57, v24;
	v56 =	vadd.f32 v59, v56  }
0x226: {  	v54 =	vadd.f32 v61, v54;
	v61 =	vld [tilespmem:s14+$0x0];
	v53 =	vadd.f32 v55, v53;
	v55 =	vmul.f32 v59, v59  }
0x227: {  	v58 =	vsub.f32 v58, v24;
	v56 =	vadd.f32 v57, v56  }
0x228: {  	v62 =	vld [tilespmem:s12+$0x0];
	v59 =	vperm.xlane v54, v1;
	v63 =	vmul.f32 v57, v57;
	v53 =	vadd.f32 v55, v53  }
0x229: {  	v57 =	vsub.f32 v60, v24;
	v56 =	vadd.f32 v58, v56  }
0x22a: {  	v54 =	vadd.f32 v59, v54;
	v59 =	vld [tilespmem:s6+$0x0];
	v55 =	vmul.f32 v58, v58;
	v53 =	vadd.f32 v63, v53  }
0x22b: {  	v58 =	vsub.f32 v61, v24;
	v56 =	vadd.f32 v57, v56  }
0x22c: {  	v38 =	vadd.f32 v43, v38;
	v60 =	vld [tilespmem:s3+$0x0];
	v53 =	vadd.f32 v55, v53;
	v55 =	vmul.f32 v57, v57  }
0x22d: {  	v57 =	vsub.f32 v62, v24;
	v56 =	vadd.f32 v58, v56  }
0x22e: {  	v38 =	vadd.f32 v47, v38;
	v61 =	vld [tilespmem:s5+$0x0];
	v62 =	vmul.f32 v58, v58;
	v63 =	vadd.f32 v55, v53  }
0x22f: {  	v55 =	vsub.f32 v59, v24;
	v56 =	vadd.f32 v57, v56  }
0x230: {  	v38 =	vadd.f32 v41, v38;
	v58 =	vld [tilespmem:s10+$0x0];
	v43 =	vadd.f32 v62, v63;
	v63 =	vmul.f32 v57, v57  }
0x231: {  	v62 =	vsub.f32 v60, v24;
	v56 =	vadd.f32 v55, v56  }
0x232: {  	v38 =	vadd.f32 v49, v38;
	v43 =	vadd.f32 v63, v43;
	v63 =	vmul.f32 v55, v55  }
0x233: {  	v57 =	vsub.f32 v61, v24;
	v59 =	vadd.f32 v62, v56  }
0x234: {  	v36 =	vadd.f32 v36, v38;
	v61 =	vmul.f32 v62, v62;
	v60 =	vadd.f32 v63, v43  }
0x235: {  	v62 =	vsub.f32 v58, v24;
	v63 =	vadd.f32 v57, v59  }
0x236: {  	v40 =	vperm.xlane v54, v2;
	v55 =	vmul.f32 v57, v57;
	v41 =	vadd.f32 v61, v60  }
0x237: {  	v36 =	vadd.f32 v46, v36;
	v56 =	vadd.f32 v62, v63  }
0x238: {  	v40 =	vadd.f32 v40, v54;
	v58 =	vmul.f32 v62, v62;
	v57 =	vadd.f32 v55, v41  }
0x239: {  	v34 =	vadd.f32 v34, v36;
	v60 =	vadd.f32 v52, v56  }
0x23a: {  	v59 =	vperm.xlane v40, v3;
	v61 =	vmul.f32 v52, v52;
	v38 =	vadd.f32 v58, v57  }
0x23b: {  	v42 =	vadd.f32 v42, v34;
	v62 =	vadd.f32 v51, v60  }
0x23c: {  	v40 =	vadd.f32 v59, v40;
	v63 =	vld [tilespmem:s4+$0x0];
	v52 =	vmul.f32 v51, v51;
	v49 =	vadd.f32 v61, v38  }
0x23d: {  	v30 =	vadd.f32 v30, v42;
	v43 =	vadd.f32 v48, v62  }
0x23e: {  	v54 =	vld [tilespmem:s7+$0x0];
	v55 =	vmul.f32 v48, v48;
	v53 =	vperm.xlane v40, v4;
	v36 =	vadd.f32 v52, v49  }
0x23f: {  	v30 =	vadd.f32 v39, v30;
	v56 =	vadd.f32 v45, v43  }
0x240: {  	v57 =	vld [tilespmem:s18+$0x0];
	v58 =	vmul.f32 v45, v45;
	v34 =	vadd.f32 v53, v40;
	v36 =	vadd.f32 v55, v36  }
0x241: {  	v60 =	vld [tilespmem:s24+$0x0];
	s24 =	sld [smem:$0x7DB];
	v59 =	vsub.f32 v63, v24;
	v40 =	vadd.f32 v50, v56  }
0x242: {  	v30 =	vadd.f32 v37, v30;
	v61 =	vmul.f32 v50, v50;
	v36 =	vadd.f32 v58, v36  }
0x243: {  	v62 =	vsub.f32 v54, v24;
	v40 =	vadd.f32 v59, v40  }
0x244: {  	v30 =	vadd.f32 v35, v30;
	v63 =	vld [tilespmem:s24+$0x0];
	v47 =	vmul.f32 v59, v59;
	v36 =	vadd.f32 v61, v36  }
0x245: {  	v48 =	vsub.f32 v57, v24;
	v40 =	vadd.f32 v62, v40  }
0x246: {  	v28 =	vadd.f32 v28, v30;
	v49 =	vld [tilespmem:s30+$0x0];
	v51 =	vmul.f32 v62, v62;
	v50 =	vadd.f32 v47, v36  }
0x247: {  	s4 =	sld [smem:$0x7DC];
	v52 =	vsub.f32 v60, v24;
	v53 =	vadd.f32 v48, v40  }
0x248: {  	v28 =	vadd.f32 v33, v28;
	s5 =	sld [smem:$0x7DD];
	v54 =	vld [tilespmem:s21+$0x0];
	v55 =	vmul.f32 v48, v48;
	v30 =	vadd.f32 v51, v50  }
0x249: {  	v56 =	vsub.f32 v63, v24;
	v57 =	vadd.f32 v52, v53  }
0x24a: {  	v28 =	vadd.f32 v32, v28;
	v60 =	vld [tilespmem:s4+$0x0];
	v58 =	vmul.f32 v52, v52;
	v30 =	vadd.f32 v55, v30  }
0x24b: {  	s6 =	sld [smem:$0x7DE];
	v59 =	vsub.f32 v49, v24;
	v61 =	vld [tilespmem:s5+$0x0];
	v38 =	vadd.f32 v56, v57  }
0x24c: {  	v28 =	vadd.f32 v31, v28;
	s7 =	sld [smem:$0x7DF];
	v62 =	vmul.f32 v56, v56;
	v30 =	vadd.f32 v58, v30  }
0x24d: {  	v63 =	vsub.f32 v54, v24;
	v44 =	vadd.f32 v59, v38  }
0x24e: {  	v45 =	vld [tilespmem:s6+$0x0];
	v31 =	vmul.f32 v59, v59;
	v30 =	vadd.f32 v62, v30  }
0x24f: {  	s9 =	sld [smem:$0x7E0];
	v49 =	vld [tilespmem:s7+$0x0];
	v48 =	vsub.f32 v60, v24;
	v50 =	vperm.xlane v28, v1;
	v47 =	vadd.f32 v63, v44  }
0x250: {  	s10 =	sld [smem:$0x7E1];
	v51 =	vsub.f32 v61, v24;
	v30 =	vadd.f32 v31, v30;
	v31 =	vmul.f32 v63, v63  }
0x251: {  	v35 =	vld [tilespmem:s11+$0x0];
	v28 =	vadd.f32 v28, v50;
	v52 =	vadd.f32 v48, v47  }
0x252: {  	s12 =	sld [smem:$0x7E3];
	v53 =	vld [tilespmem:s9+$0x0];
	v30 =	vadd.f32 v31, v30;
	v31 =	vmul.f32 v48, v48  }
0x253: {  	s11 =	sld [smem:$0x7E2];
	v54 =	vld [tilespmem:s10+$0x0];
	v32 =	vsub.f32 v45, v24;
	v55 =	vperm.xlane v28, v2;
	v39 =	vadd.f32 v51, v52  }
0x254: {  	v37 =	vld [tilespmem:s8+$0x0];
	v56 =	vsub.f32 v49, v24;
	v30 =	vadd.f32 v31, v30;
	v31 =	vmul.f32 v51, v51  }
0x255: {  	v60 =	vld [tilespmem:s12+$0x0];
	v28 =	vadd.f32 v28, v55;
	v39 =	vadd.f32 v32, v39  }
0x256: {  	v46 =	vsub.f32 v24, v23;
	s13 =	sld [smem:$0x7E4];
	v58 =	vld [tilespmem:s11+$0x0];
	v30 =	vadd.f32 v31, v30;
	v31 =	vmul.f32 v32, v32  }
0x257: {  	s18 =	rddreg [dreg:$0x19];
	v57 =	vld [tilespmem:s1+$0x0];
	v36 =	vsub.f32 v53, v24;
	v61 =	vperm.xlane v28, v3;
	v59 =	vadd.f32 v56, v39  }
0x258: {  	v41 =	vld [tilespmem:s18+$0x0];
	v62 =	vsub.f32 v54, v24;
	v30 =	vadd.f32 v31, v30;
	v31 =	vmul.f32 v56, v56  }
0x259: {  	s24 =	rddreg [dreg:$0x11];
	v43 =	vmul.f32 $1.024000000e+03, v26;
	v48 =	vld [tilespmem:s13+$0x0];
	v39 =	vadd.f32 v28, v61;
	v63 =	vadd.f32 v36, v59  }
0x25a: {  	s17 =	rddreg [dreg:$0xf];
	v26 =	vmovc v46;
	v46 =	vld [tilespmem:s24+$0x0];
	v38 =	vsub.f32 v60, v24;
	v30 =	vadd.f32 v31, v30;
	v31 =	vmul.f32 v36, v36  }
0x25b: {  	s16 =	rddreg [dreg:$0x18];
	v45 =	vld [tilespmem:s23+$0x0];
	v51 =	vsub.f32 v58, v24;
	v53 =	vperm.xlane v39, v4;
	v50 =	vadd.f32 v62, v63  }
0x25c: {  	s14 =	rddreg [dreg:$0x5];
	v33 =	vmul.f32 v62, v62;
	v52 =	vld [tilespmem:s16+$0x0];
	v28 =	vsub.f32 v57, v24;
	v30 =	vadd.f32 v31, v30  }
0x25d: {  	s20 =	rddreg [dreg:$0x9];
	v49 =	vmov s14;
	v54 =	vld [tilespmem:s17+$0x0];
	v39 =	vadd.f32 v39, v53;
	v36 =	vadd.f32 v51, v50  }
0x25e: {  	v58 =	vld [tilespmem:s20+$0x0];
	v55 =	vmul.f32 v51, v51;
	v56 =	vsub.f32 v48, v24;
	v30 =	vadd.f32 v33, v30  }
0x25f: {  	p0 =	sne.s32 s2, $0xF;
	s15 =	rddreg [dreg:$0x4];
	v32 =	vld [tilespmem:s29+$0x0];
	v59 =	vadd.f32 v39, v43;
	v39 =	vmul.f32 v39, v39;
	v57 =	vadd.f32 v38, v36  }
.Ltmp1:
0x260: {  	s23 =	rddreg [dreg:$0x8];
	vm0 =	veq.s32 v49, v5;
	v60 =	vmul.f32 v38, v38;
	v31 =	vld [tilespmem:s0+$0x0];
	v30 =	vadd.f32 v55, v30;
	(pc) =	sbr.rel @p0 .LBB2_4-.Ltmp1, $4  }
0x261: {  	s21 =	rddreg [dreg:$0xc];
	v42 =	vsub.f32 v52, v24;
	v43 =	vld [tilespmem:s23+$0x0];
	v62 =	vmul.f32 $-9.765625000e-04, v39;
	v61 =	vadd.f32 v56, v57  }
0x262: {  	s29 =	rddreg [dreg:$0x1f];
	v40 =	vmul.f32 v56, v56;
	v36 =	vld [tilespmem:s21+$0x0];
	v63 =	vadd.f32 v60, v30;
	v30 =	vsub.f32 v54, v24  }
0x263: {  	s2 =	sadd.s32 $0x1, s2;
	s30 =	rddreg [dreg:$0x7];
	v47 =	vmul.f32 v42, v42;
	v39 =	vld [tilespmem:s29+$0x0];
	v33 =	vadd.f32 v62, v34;
	v38 =	vadd.f32 v42, v61  }
0x264: {  	s19 =	sadd.s32 $0x100, s19;
	s22 =	sadd.s32 $0x20, s22;
	s1 =	smov.u32 s15;
	v27 =	vsel vm0, v59, v27;
	v44 =	vadd.f32 v40, v63;
	v40 =	vsub.f32 v58, v24;
	v42 =	vld [tilespmem:s30+$0x0]  }
0x265: {  	_ = 	snop  }
0x266: {  	v34 =	vsub.f32 v43, v24;
	v38 =	vadd.f32 v40, v38  }
0x267: {  	v51 =	vsub.f32 v46, v24  }
0x268: {  	v49 =	vadd.f32 v47, v44;
	v50 =	vmul.f32 v40, v40;
	v38 =	vadd.f32 v34, v38  }
0x269: {  	v29 =	vsub.f32 v29, v24  }
0x26a: {  	v40 =	vadd.f32 v50, v49;
	v34 =	vmul.f32 v34, v34;
	v38 =	vadd.f32 v51, v38  }
0x26b: {  	v31 =	vsub.f32 v31, v24  }
0x26c: {  	v53 =	vld [tilespmem:s26+$0x0];
	v52 =	vmul.f32 v51, v51;
	v34 =	vadd.f32 v34, v40;
	v38 =	vadd.f32 v29, v38  }
0x26d: {  	v54 =	vsub.f32 v45, v24  }
0x26e: {  	v34 =	vadd.f32 v52, v34;
	v29 =	vmul.f32 v29, v29;
	v38 =	vadd.f32 v31, v38  }
0x26f: {  	v36 =	vsub.f32 v36, v24  }
0x270: {  	v55 =	vld [tilespmem:s28+$0x0];
	v29 =	vadd.f32 v29, v34;
	v31 =	vmul.f32 v31, v31;
	v56 =	vadd.f32 v54, v38  }
0x271: {  	v57 =	vsub.f32 v53, v24  }
0x272: {  	v58 =	vmul.f32 v54, v54;
	v29 =	vadd.f32 v31, v29;
	v34 =	vadd.f32 v36, v56  }
0x273: {  	v59 =	vsub.f32 v41, v24  }
0x274: {  	v60 =	vld [tilespmem:s25+$0x0];
	v61 =	vmul.f32 v36, v36;
	v29 =	vadd.f32 v58, v29;
	v34 =	vadd.f32 v57, v34  }
0x275: {  	v62 =	vsub.f32 v55, v24  }
0x276: {  	v63 =	vmul.f32 v57, v57;
	v29 =	vadd.f32 v61, v29;
	v34 =	vadd.f32 v59, v34;
	_ =	sdelay $0x1  }
0x277: {  	v43 =	vmul.f32 v59, v59;
	v29 =	vadd.f32 v63, v29;
	v44 =	vadd.f32 v62, v34  }
0x278: {  	v45 =	vsub.f32 v60, v24  }
0x279: {  	v36 =	vmul.f32 v62, v62;
	v29 =	vadd.f32 v43, v29;
	v31 =	vadd.f32 v30, v44  }
0x27a: {  	v37 =	vsub.f32 v37, v24  }
0x27b: {  	v46 =	vmul.f32 v30, v30;
	v29 =	vadd.f32 v36, v29;
	v31 =	vadd.f32 v45, v31  }
0x27c: {  	v35 =	vsub.f32 v35, v24  }
0x27d: {  	v47 =	vmul.f32 v45, v45;
	v29 =	vadd.f32 v46, v29;
	v31 =	vadd.f32 v37, v31;
	_ =	sdelay $0x1  }
0x27e: {  	v48 =	vmul.f32 v37, v37;
	v29 =	vadd.f32 v47, v29;
	v49 =	vadd.f32 v35, v31  }
0x27f: {  	v50 =	vsub.f32 v42, v24  }
0x280: {  	v35 =	vmul.f32 v35, v35;
	v29 =	vadd.f32 v48, v29;
	v30 =	vadd.f32 v28, v49  }
0x281: {  	v32 =	vsub.f32 v32, v24  }
0x282: {  	v51 =	vmul.f32 v28, v28;
	v29 =	vadd.f32 v35, v29;
	v30 =	vadd.f32 v50, v30  }
0x283: {  	v24 =	vsub.f32 v39, v24  }
0x284: {  	v31 =	vmul.f32 v50, v50;
	v28 =	vadd.f32 v51, v29;
	v52 =	vadd.f32 v32, v30;
	_ =	sdelay $0x1  }
0x285: {  	v53 =	vmul.f32 v32, v32;
	v28 =	vadd.f32 v31, v28;
	v29 =	vadd.f32 v24, v52;
	_ =	sdelay $0x1  }
0x286: {  	v24 =	vmul.f32 v24, v24;
	v28 =	vadd.f32 v53, v28;
	v54 =	vperm.xlane v29, v1;
	_ =	sdelay $0x1  }
0x287: {  	v24 =	vadd.f32 v24, v28;
	v55 =	vadd.f32 v29, v54;
	_ =	sdelay $0x1  }
0x288: {  	v56 =	vperm.xlane v24, v1;
	v30 =	vperm.xlane v55, v2;
	_ =	sdelay $0x1  }
0x289: {  	v24 =	vadd.f32 v56, v24;
	v28 =	vadd.f32 v55, v30;
	_ =	sdelay $0x1  }
0x28a: {  	v29 =	vperm.xlane v24, v2;
	v30 =	vperm.xlane v28, v3;
	_ =	sdelay $0x1  }
0x28b: {  	v24 =	vadd.f32 v29, v24;
	v28 =	vadd.f32 v28, v30;
	_ =	sdelay $0x1  }
0x28c: {  	v29 =	vperm.xlane v24, v3;
	v30 =	vperm.xlane v28, v4;
	_ =	sdelay $0x1  }
0x28d: {  	v24 =	vadd.f32 v29, v24;
	v28 =	vadd.f32 v28, v30;
	_ =	sdelay $0x1  }
0x28e: {  	v29 =	vperm.xlane v24, v4;
	v30 =	vmul.f32 v28, v28  }
0x28f: {  	v26 =	vmul.f32 $1.024000000e+03, v26  }
0x290: {  	v24 =	vadd.f32 v29, v24;
	v57 =	vmul.f32 $-9.765625000e-04, v30  }
0x291: {  	v58 =	vmov s1;
	v26 =	vadd.f32 v28, v26  }
0x292: {  	vm1 =	veq.s32 v58, v5;
	v24 =	vadd.f32 v57, v24  }
0x293: {  	v25 =	vsel vm0, v33, v25;
	s0 =	sld [smem:$0x7F4];
	v26 =	vsel vm1, v26, v27  }
0x294: {  	[tilespmem:$0x8100] =	vst v26;
	v24 =	vsel vm1, v24, v25  }
0x295: {  	s22 =	simm.s32 $0x8100;
	s23 =	simm.s32 $0x3;
	[tilespmem:$0x8180] =	vst v24  }
0x296: {  	[spmem:s0] =	stream.linear.scatter [tilespmem:s22], [sflag:$0x3], $0x80, $0x38;
	[tilespmem:$0xAA00] =	vst v63  }
0x297: {  	_ =	swait.ge [sflag:s23], $0x80  }
0x298: {  	s24 =	sld [smem:$0x7F5]  }
0x299: {  	[sflag:s23] =	ssyncset.done $0x0  }
0x29a: {  	s2 =	simm.s32 $0x8180;
	[sflag:s23] =	ssyncadd.s32 $0xFFFFFF80  }
0x29b: {  	[spmem:s24] =	stream.linear.scatter [tilespmem:s2], [sflag:$0x3], $0x80, $0x38;
	[tilespmem:$0xAA00] =	vst v63  }
0x29c: {  	_ =	swait.ge [sflag:s23], $0x80  }
0x29d: {  	[sflag:s23] =	ssyncset.done $0x0  }
0x29e: {  	[sflag:s23] =	ssyncadd.s32 $0xFFFFFF80  }
0x29f: {  	[bflag:$0x0] =	sbarrier.arrive $0xFFFF  }
0x2a0: {  	s25 =	sld [smem:$0x7F6];
	_ =	sdelay $0x1  }
0x2a1: {  	s26 =	simm.s32 $0x8600  }
0x2a2: {  	[tilespmem:s26], [sflag:$0x3] =	stream.linear.gather [spmem:s25], $0x800, $0x38;
	[tilespmem:$0xAA00] =	vst v63  }
0x2a3: {  	_ =	swait.ge [sflag:s23], $0x800  }
0x2a4: {  	s28 =	sld [smem:$0x7F7]  }
0x2a5: {  	[sflag:s23] =	ssyncset.done $0x0  }
0x2a6: {  	s29 =	simm.s32 $0x8E00;
	[sflag:s23] =	ssyncadd.s32 $0xFFFFF800  }
0x2a7: {  	[tilespmem:s29], [sflag:$0x3] =	stream.linear.gather [spmem:s28], $0x800, $0x38;
	[tilespmem:$0xAA00] =	vst v63  }
0x2a8: {  	_ =	swait.ge [sflag:s23], $0x800  }
0x2a9: {  	[sflag:s23] =	ssyncset.done $0x0  }
0x2aa: {  	s30 =	simm.s32 $0x8680;
	[sflag:s23] =	ssyncadd.s32 $0xFFFFF800  }
0x2ab: {  	v24 =	vld [tilespmem:s30+$0xFFFFFF80];
	_ =	sdelay $0x1  }
0x2ac: {  	v25 =	vld [tilespmem:s30+$0x0];
	_ =	sdelay $0x2  }
0x2ad: {  	v26 =	vperm.xlane v24, v6;
	v24 =	vperm.xlane v24, v7;
	_ =	sdelay $0x1  }
0x2ae: {  	v27 =	vperm.xlane v25, v6;
	v59 =	vadd.f32 v24, v26;
	_ =	sdelay $0x1  }
0x2af: {  	v25 =	vperm.xlane v25, v7;
	v28 =	vadd.f32 v27, v59;
	_ =	sdelay $0x1  }
0x2b0: {  	v28 =	vadd.f32 v25, v28  }
0x2b1: {  	s0 =	simm.s32 $0x8E80;
	v26 =	vmul.f32 $9.765625000e-04, v26  }
0x2b2: {  	v60 =	vld [tilespmem:s0+$0xFFFFFF80];
	v24 =	vmul.f32 $9.765625000e-04, v24;
	v61 =	vmul.f32 $2.441406250e-04, v28;
	_ =	sdelay $0x1  }
0x2b3: {  	v27 =	vmul.f32 $9.765625000e-04, v27;
	v26 =	vsub.f32 v26, v61;
	v24 =	vsub.f32 v24, v61  }
0x2b4: {  	v62 =	vld [tilespmem:s0+$0x0];
	v25 =	vmul.f32 $9.765625000e-04, v25  }
0x2b5: {  	v27 =	vsub.f32 v27, v61;
	v26 =	vmul.f32 v26, v26;
	v24 =	vmul.f32 v24, v24  }
0x2b6: {  	v63 =	vperm.xlane v60, v6;
	v29 =	vperm.xlane v60, v7  }
0x2b7: {  	v25 =	vsub.f32 v25, v61;
	v24 =	vadd.f32 v24, v26;
	v26 =	vmul.f32 v27, v27  }
0x2b8: {  	v29 =	vadd.f32 v29, v63  }
0x2b9: {  	v25 =	vmul.f32 v25, v25;
	v27 =	vperm.xlane v62, v6;
	v24 =	vadd.f32 v24, v26;
	_ =	sdelay $0x1  }
0x2ba: {  	v26 =	vperm.xlane v62, v7;
	v27 =	vadd.f32 v27, v29;
	v24 =	vadd.f32 v24, v25;
	_ =	sdelay $0x1  }
0x2bb: {  	v25 =	vadd.f32 v26, v27;
	v24 =	vmul.f32 $1.024000000e+03, v24;
	_ =	sdelay $0x1  }
0x2bc: {  	s31 =	simm.s32 $0x0;
	v24 =	vadd.f32 v24, v25  }
0x2bd: {  	[tilespmem:s31+$0x9600] =	vst v28  }
0x2be: {  	s2 =	simm.s32 $0x8780;
	[tilespmem:s31+$0x9E00] =	vst v24  }
0x2bf: {  	s3 =	simm.s32 $0x400;
	s1 =	simm.s32 $0x200;
	v24 =	vld [tilespmem:s2+$0xFFFFFF80]  }
.LBB2_6:
0x2c0: {  	p0 =	sne.s32 s3, $0xE00;
	v25 =	vld [tilespmem:s2+$0x0];
	s0 =	sadd.s32 $0x100, s0  }
0x2c1: {  	v26 =	vld [tilespmem:s0+$0x0];
	_ =	sdelay $0x2  }
0x2c2: {  	v27 =	vperm.xlane v24, v6;
	v24 =	vperm.xlane v24, v7;
	_ =	sdelay $0x1  }
0x2c3: {  	v28 =	vperm.xlane v25, v6;
	v29 =	vadd.f32 v24, v27;
	_ =	sdelay $0x1  }
0x2c4: {  	v25 =	vperm.xlane v25, v7;
	v29 =	vadd.f32 v28, v29;
	_ =	sdelay $0x1  }
0x2c5: {  	v29 =	vadd.f32 v25, v29  }
0x2c6: {  	s4 =	sshra.s32 s1, $0x2;
	s1 =	smov.u32 s3;
	v27 =	vmul.f32 $9.765625000e-04, v27  }
0x2c7: {  	v24 =	vmul.f32 $9.765625000e-04, v24;
	v30 =	vld [tilespmem:s0+$0xFFFFFF80];
	v31 =	vmul.f32 $2.441406250e-04, v29;
	[tilespmem:s4+$0x9600] =	vst v29;
	_ =	sdelay $0x1  }
0x2c8: {  	v28 =	vmul.f32 $9.765625000e-04, v28;
	v27 =	vsub.f32 v27, v31;
	v24 =	vsub.f32 v24, v31  }
0x2c9: {  	v25 =	vmul.f32 $9.765625000e-04, v25  }
0x2ca: {  	v28 =	vsub.f32 v28, v31;
	v27 =	vmul.f32 v27, v27;
	v24 =	vmul.f32 v24, v24  }
0x2cb: {  	v29 =	vperm.xlane v30, v6;
	v30 =	vperm.xlane v30, v7  }
0x2cc: {  	v25 =	vsub.f32 v25, v31;
	v24 =	vadd.f32 v24, v27;
	v27 =	vmul.f32 v28, v28  }
0x2cd: {  	v28 =	vperm.xlane v26, v6  }
0x2ce: {  	v25 =	vmul.f32 v25, v25;
	v29 =	vadd.f32 v30, v29;
	v24 =	vadd.f32 v24, v27;
	_ =	sdelay $0x1  }
0x2cf: {  	v26 =	vperm.xlane v26, v7;
	v27 =	vadd.f32 v28, v29;
	v24 =	vadd.f32 v24, v25;
	_ =	sdelay $0x1  }
0x2d0: {  	v25 =	vadd.f32 v26, v27;
	v24 =	vmul.f32 $1.024000000e+03, v24  }
.Ltmp2:
0x2d1: {  	(pc) =	sbr.rel @p0 .LBB2_6-.Ltmp2, $3  }
0x2d2: {  	v24 =	vadd.f32 v24, v25;
	_ =	sdelay $0x1  }
0x2d3: {  	s2 =	sadd.s32 $0x100, s2;
	[tilespmem:s4+$0x9E00] =	vst v24  }
0x2d4: {  	s3 =	sadd.s32 $0x200, s3;
	v24 =	vld [tilespmem:s2+$0xFFFFFF80]  }
0x2d5: {  	_ = 	snop  }
0x2d6: {  	v25 =	vld [tilespmem:s2+$0x0];
	_ =	sdelay $0x2  }
0x2d7: {  	v26 =	vperm.xlane v24, v6;
	v24 =	vperm.xlane v24, v7;
	_ =	sdelay $0x1  }
0x2d8: {  	v27 =	vperm.xlane v25, v6;
	v28 =	vadd.f32 v24, v26;
	_ =	sdelay $0x1  }
0x2d9: {  	v25 =	vperm.xlane v25, v7;
	v28 =	vadd.f32 v27, v28;
	_ =	sdelay $0x1  }
0x2da: {  	v28 =	vadd.f32 v25, v28  }
0x2db: {  	s0 =	sadd.s32 $0x100, s0;
	v26 =	vmul.f32 $9.765625000e-04, v26  }
0x2dc: {  	v29 =	vld [tilespmem:s0+$0xFFFFFF80];
	v24 =	vmul.f32 $9.765625000e-04, v24;
	v30 =	vmul.f32 $2.441406250e-04, v28;
	_ =	sdelay $0x1  }
0x2dd: {  	v27 =	vmul.f32 $9.765625000e-04, v27;
	v26 =	vsub.f32 v26, v30;
	v24 =	vsub.f32 v24, v30  }
0x2de: {  	v31 =	vld [tilespmem:s0+$0x0];
	v25 =	vmul.f32 $9.765625000e-04, v25  }
0x2df: {  	v27 =	vsub.f32 v27, v30;
	v26 =	vmul.f32 v26, v26;
	v24 =	vmul.f32 v24, v24  }
0x2e0: {  	v32 =	vperm.xlane v29, v6;
	v29 =	vperm.xlane v29, v7  }
0x2e1: {  	v25 =	vsub.f32 v25, v30;
	v24 =	vadd.f32 v24, v26;
	v26 =	vmul.f32 v27, v27  }
0x2e2: {  	v29 =	vadd.f32 v29, v32  }
0x2e3: {  	v25 =	vmul.f32 v25, v25;
	v27 =	vperm.xlane v31, v6;
	v24 =	vadd.f32 v24, v26;
	_ =	sdelay $0x1  }
0x2e4: {  	v26 =	vperm.xlane v31, v7;
	v27 =	vadd.f32 v27, v29;
	v24 =	vadd.f32 v24, v25;
	_ =	sdelay $0x1  }
0x2e5: {  	v25 =	vadd.f32 v26, v27;
	v24 =	vmul.f32 $1.024000000e+03, v24;
	_ =	sdelay $0x1  }
0x2e6: {  	s28 =	sshra.s32 s1, $0x2;
	v24 =	vadd.f32 v24, v25  }
0x2e7: {  	[tilespmem:s28+$0x9600] =	vst v28  }
0x2e8: {  	[tilespmem:s28+$0x9E00] =	vst v24  }
0x2e9: {  	v24 =	vld [tilespmem:$0x9600]  }
0x2ea: {  	v25 =	vld [tilespmem:$0x9680]  }
0x2eb: {  	v26 =	vld [tilespmem:$0x9700]  }
0x2ec: {  	v27 =	vld [tilespmem:$0x9E00]  }
0x2ed: {  	v29 =	vld [tilespmem:$0x9780]  }
0x2ee: {  	v30 =	vld [tilespmem:$0x9E80]  }
0x2ef: {  	v45 =	vld [tilespmem:$0x9F00];
	v28 =	vperm.xlane v24, v6;
	v24 =	vperm.xlane v24, v7  }
0x2f0: {  	v46 =	vld [tilespmem:$0x9800];
	v31 =	vperm.xlane v25, v6;
	v25 =	vperm.xlane v25, v7  }
0x2f1: {  	v47 =	vld [tilespmem:$0x9880];
	v33 =	vperm.xlane v26, v6;
	v26 =	vperm.xlane v26, v7  }
0x2f2: {  	v53 =	vld [tilespmem:$0x9900];
	v34 =	vperm.xlane v27, v6;
	v35 =	vperm.xlane v29, v6  }
0x2f3: {  	v56 =	vld [tilespmem:$0x9980];
	v27 =	vperm.xlane v27, v7;
	v37 =	vperm.xlane v30, v6  }
0x2f4: {  	v29 =	vperm.xlane v29, v7;
	v30 =	vperm.xlane v30, v7  }
0x2f5: {  	v39 =	vperm.xlane v45, v6;
	v48 =	vperm.xlane v46, v7  }
0x2f6: {  	v49 =	vperm.xlane v45, v7;
	v50 =	vperm.xlane v47, v6  }
0x2f7: {  	v58 =	vperm.xlane v53, v6;
	v59 =	vperm.xlane v53, v7;
	v43 =	vadd.f32 v24, v28  }
0x2f8: {  	v62 =	vperm.xlane v56, v6;
	v63 =	vperm.xlane v56, v7  }
0x2f9: {  	v36 =	vadd.f32 v26, v33;
	v28 =	vmul.f32 $2.441406250e-04, v28;
	v32 =	vadd.f32 v31, v43  }
0x2fa: {  	v24 =	vmul.f32 $2.441406250e-04, v24;
	v27 =	vadd.f32 v27, v34;
	v33 =	vmul.f32 $2.441406250e-04, v33  }
0x2fb: {  	v26 =	vmul.f32 $2.441406250e-04, v26;
	v36 =	vadd.f32 v35, v36;
	v32 =	vadd.f32 v25, v32  }
0x2fc: {  	v57 =	vmul.f32 $2.441406250e-04, v50;
	v31 =	vmul.f32 $2.441406250e-04, v31  }
0x2fd: {  	v27 =	vadd.f32 v37, v27;
	v36 =	vadd.f32 v29, v36;
	v38 =	vmul.f32 $6.103515630e-05, v32  }
0x2fe: {  	v35 =	vmul.f32 $2.441406250e-04, v35;
	v25 =	vmul.f32 $2.441406250e-04, v25  }
0x2ff: {  	v61 =	vld [tilespmem:$0xA100];
	v27 =	vadd.f32 v30, v27;
	v44 =	vmul.f32 $6.103515630e-05, v36;
	v28 =	vsub.f32 v28, v38  }
0x300: {  	v29 =	vmul.f32 $2.441406250e-04, v29;
	[tilespmem:$0x9A00] =	vst v32;
	v24 =	vsub.f32 v24, v38;
	v31 =	vsub.f32 v31, v38  }
0x301: {  	v60 =	vld [tilespmem:$0x9A00];
	v33 =	vsub.f32 v33, v44;
	v26 =	vsub.f32 v26, v44;
	v28 =	vmul.f32 v28, v28  }
0x302: {  	v25 =	vsub.f32 v25, v38;
	v24 =	vmul.f32 v24, v24;
	v30 =	vmul.f32 v31, v31  }
0x303: {  	v31 =	vsub.f32 v35, v44;
	v33 =	vmul.f32 v33, v33;
	v26 =	vmul.f32 v26, v26  }
0x304: {  	[tilespmem:$0x9A80] =	vst v36;
	v36 =	vperm.xlane v61, v7;
	v29 =	vsub.f32 v29, v44;
	v25 =	vmul.f32 v25, v25  }
0x305: {  	v24 =	vadd.f32 v24, v28;
	v28 =	vld [tilespmem:$0x9F80];
	v26 =	vadd.f32 v26, v33;
	v31 =	vmul.f32 v31, v31  }
0x306: {  	v34 =	vadd.f32 v49, v39;
	v29 =	vmul.f32 v29, v29;
	v38 =	vperm.xlane v60, v7  }
0x307: {  	v24 =	vadd.f32 v24, v30;
	v30 =	vperm.xlane v46, v6;
	v26 =	vadd.f32 v26, v31  }
0x308: {  	v41 =	vadd.f32 v59, v58;
	v49 =	vperm.xlane v60, v6;
	v31 =	vld [tilespmem:$0xA000];
	v56 =	vmul.f32 $6.103515630e-05, v38  }
0x309: {  	v51 =	vadd.f32 v48, v30;
	v26 =	vadd.f32 v26, v29;
	v29 =	vperm.xlane v47, v7  }
0x30a: {  	v24 =	vadd.f32 v24, v25;
	v30 =	vmul.f32 $2.441406250e-04, v30;
	v40 =	vperm.xlane v28, v6  }
0x30b: {  	v25 =	vld [tilespmem:$0xA080];
	v47 =	vadd.f32 v62, v41;
	v41 =	vmul.f32 $6.103515630e-05, v49;
	v52 =	vadd.f32 v50, v51  }
0x30c: {  	v28 =	vperm.xlane v28, v7;
	v24 =	vmul.f32 $4.096000000e+03, v24;
	v34 =	vadd.f32 v40, v34  }
0x30d: {  	v26 =	vmul.f32 $4.096000000e+03, v26;
	v54 =	vperm.xlane v31, v6;
	v35 =	vadd.f32 v29, v52  }
0x30e: {  	v31 =	vperm.xlane v31, v7;
	v40 =	vadd.f32 v63, v47;
	v28 =	vadd.f32 v28, v34  }
0x30f: {  	v24 =	vadd.f32 v24, v27;
	v29 =	vmul.f32 $2.441406250e-04, v29;
	v27 =	vmul.f32 $6.103515630e-05, v35  }
0x310: {  	v55 =	vperm.xlane v25, v6;
	v26 =	vadd.f32 v26, v28;
	v28 =	vmul.f32 $2.441406250e-04, v48  }
0x311: {  	v31 =	vadd.f32 v31, v54;
	v42 =	vmul.f32 $6.103515630e-05, v40;
	v30 =	vsub.f32 v30, v27  }
0x312: {  	v34 =	vmul.f32 $2.441406250e-04, v63;
	v48 =	vld [tilespmem:$0xA180];
	v33 =	vsub.f32 v57, v27;
	v28 =	vsub.f32 v28, v27  }
0x313: {  	v50 =	vmul.f32 $2.441406250e-04, v59;
	[tilespmem:$0xA200] =	vst v24;
	v27 =	vsub.f32 v29, v27;
	v29 =	vadd.f32 v55, v31;
	v31 =	vld [tilespmem:$0x9A80]  }
0x314: {  	v52 =	vmul.f32 $2.441406250e-04, v62;
	v25 =	vperm.xlane v25, v7;
	v34 =	vsub.f32 v34, v42;
	v60 =	vld [tilespmem:$0xA200]  }
0x315: {  	v44 =	vadd.f32 v38, v49;
	[tilespmem:$0x9B00] =	vst v35;
	v30 =	vmul.f32 v30, v30;
	v28 =	vmul.f32 v28, v28  }
0x316: {  	[tilespmem:$0x9B80] =	vst v40;
	v54 =	vld [tilespmem:$0x9B00];
	v34 =	vmul.f32 v34, v34;
	v25 =	vadd.f32 v25, v29;
	v29 =	vmul.f32 v33, v33  }
0x317: {  	v57 =	vld [tilespmem:$0x9B80];
	v27 =	vmul.f32 v27, v27;
	v51 =	vperm.xlane v48, v6;
	v28 =	vadd.f32 v28, v30  }
0x318: {  	v32 =	vsub.f32 v50, v42;
	v33 =	vperm.xlane v48, v7;
	v43 =	vperm.xlane v31, v6  }
0x319: {  	v48 =	vperm.xlane v60, v6;
	v28 =	vadd.f32 v28, v29;
	v29 =	vmul.f32 $2.441406250e-04, v58  }
0x31a: {  	v30 =	vperm.xlane v61, v6;
	v31 =	vperm.xlane v31, v7;
	v44 =	vadd.f32 v43, v44  }
0x31b: {  	v37 =	vperm.xlane v60, v7;
	v61 =	vperm.xlane v54, v6;
	v29 =	vsub.f32 v29, v42  }
0x31c: {  	v63 =	vperm.xlane v57, v6;
	v30 =	vadd.f32 v36, v30;
	v53 =	vadd.f32 v31, v44  }
0x31d: {  	v27 =	vadd.f32 v28, v27;
	v28 =	vmul.f32 v29, v29;
	v29 =	vmul.f32 v32, v32  }
0x31e: {  	v35 =	vsub.f32 v52, v42;
	v59 =	vmul.f32 $6.103515630e-05, v43;
	v55 =	vmul.f32 $1.525878910e-05, v53  }
0x31f: {  	v30 =	vadd.f32 v51, v30;
	v32 =	vperm.xlane v54, v7;
	v28 =	vadd.f32 v29, v28  }
0x320: {  	v29 =	vmul.f32 v35, v35;
	v58 =	vsub.f32 v41, v55;
	v24 =	vsub.f32 v56, v55  }
0x321: {  	[tilespmem:$0xA280] =	vst v26;
	v27 =	vmul.f32 $4.096000000e+03, v27;
	v30 =	vadd.f32 v33, v30;
	v62 =	vsub.f32 v59, v55  }
0x322: {  	v26 =	vadd.f32 v28, v29;
	v29 =	vld [tilespmem:$0xA280];
	v28 =	vmul.f32 v58, v58;
	v24 =	vmul.f32 v24, v24  }
0x323: {  	v31 =	vmul.f32 $6.103515630e-05, v31;
	v45 =	vadd.f32 v32, v61;
	v25 =	vadd.f32 v27, v25  }
0x324: {  	v26 =	vadd.f32 v26, v34;
	v24 =	vadd.f32 v24, v28;
	v28 =	vmul.f32 v62, v62  }
0x325: {  	v46 =	vperm.xlane v57, v7;
	v31 =	vsub.f32 v31, v55;
	v47 =	vadd.f32 v63, v45  }
0x326: {  	v34 =	vadd.f32 v37, v48;
	v26 =	vmul.f32 $4.096000000e+03, v26;
	v24 =	vadd.f32 v24, v28  }
0x327: {  	[tilespmem:$0x9C00] =	vst v53;
	v28 =	vmul.f32 v31, v31;
	v31 =	vadd.f32 v46, v47;
	v49 =	vperm.xlane v29, v6  }
0x328: {  	v50 =	vld [tilespmem:$0x9C00];
	[tilespmem:$0xA300] =	vst v25;
	v27 =	vperm.xlane v29, v7;
	v26 =	vadd.f32 v26, v30  }
0x329: {  	v24 =	vadd.f32 v24, v28;
	[tilespmem:$0x9C80] =	vst v31;
	v28 =	vadd.f32 v49, v34;
	v30 =	vmul.f32 $1.525878910e-05, v31;
	v31 =	vld [tilespmem:$0xA300]  }
0x32a: {  	v29 =	vld [tilespmem:$0x9C80]  }
0x32b: {  	v35 =	vmul.f32 $6.103515630e-05, v46;
	v24 =	vmul.f32 $1.638400000e+04, v24;
	v25 =	vadd.f32 v27, v28  }
0x32c: {  	v27 =	vmul.f32 $6.103515630e-05, v61;
	v28 =	vmul.f32 $6.103515630e-05, v32  }
0x32d: {  	v51 =	vperm.xlane v50, v6;
	v52 =	vperm.xlane v50, v7;
	v24 =	vadd.f32 v24, v25  }
0x32e: {  	[tilespmem:$0xA380] =	vst v26;
	v26 =	vmul.f32 $6.103515630e-05, v63;
	v25 =	vsub.f32 v27, v30;
	v28 =	vsub.f32 v28, v30  }
0x32f: {  	v54 =	vadd.f32 v52, v51;
	v27 =	vld [tilespmem:$0xA380];
	v55 =	vperm.xlane v31, v6;
	v53 =	vperm.xlane v29, v6  }
0x330: {  	v26 =	vsub.f32 v26, v30;
	v25 =	vmul.f32 v25, v25;
	v28 =	vmul.f32 v28, v28  }
0x331: {  	v31 =	vperm.xlane v31, v7;
	v29 =	vperm.xlane v29, v7;
	v36 =	vadd.f32 v53, v54  }
0x332: {  	v30 =	vsub.f32 v35, v30;
	v26 =	vmul.f32 v26, v26;
	v25 =	vadd.f32 v28, v25  }
0x333: {  	v33 =	vmul.f32 $1.525878910e-05, v52;
	v31 =	vadd.f32 v31, v55;
	v28 =	vadd.f32 v29, v36  }
0x334: {  	[tilespmem:$0xA400] =	vst v24;
	v56 =	vperm.xlane v27, v6;
	v24 =	vadd.f32 v25, v26;
	v25 =	vmul.f32 v30, v30  }
0x335: {  	v32 =	vmul.f32 $1.525878910e-05, v51;
	v30 =	vld [tilespmem:$0xA400];
	v26 =	vmul.f32 $3.814697270e-06, v28  }
0x336: {  	v27 =	vperm.xlane v27, v7;
	v31 =	vadd.f32 v56, v31;
	v24 =	vadd.f32 v24, v25  }
0x337: {  	v58 =	vmul.f32 $1.525878910e-05, v53;
	v25 =	vsub.f32 v32, v26;
	v57 =	vsub.f32 v33, v26  }
0x338: {  	v29 =	vmul.f32 $1.525878910e-05, v29;
	v27 =	vadd.f32 v27, v31;
	v24 =	vmul.f32 $1.638400000e+04, v24  }
0x339: {  	v31 =	vsub.f32 v58, v26;
	v25 =	vmul.f32 v25, v25;
	v32 =	vmul.f32 v57, v57  }
0x33a: {  	v26 =	vsub.f32 v29, v26;
	v24 =	vadd.f32 v24, v27;
	v27 =	vperm.xlane v30, v6  }
0x33b: {  	v30 =	vperm.xlane v30, v7;
	v29 =	vmul.f32 v31, v31;
	v25 =	vadd.f32 v32, v25  }
0x33c: {  	v26 =	vmul.f32 v26, v26  }
0x33d: {  	v31 =	vperm.xlane v24, v6;
	v27 =	vadd.f32 v30, v27;
	v25 =	vadd.f32 v25, v29;
	_ =	sdelay $0x1  }
0x33e: {  	v29 =	vperm.xlane v24, v7;
	v27 =	vadd.f32 v31, v27;
	v25 =	vadd.f32 v25, v26;
	_ =	sdelay $0x1  }
0x33f: {  	v26 =	vadd.f32 v29, v27;
	v25 =	vmul.f32 $6.553600000e+04, v25  }
0x340: {  	s6 =	sld [smem:$0x7FB];
	[tilespmem:$0x9D00] =	vst v28  }
0x341: {  	[tilespmem:$0xA480] =	vst v24;
	v24 =	vld [tilespmem:$0x9D00];
	v25 =	vadd.f32 v25, v26  }
0x342: {  	s8 =	sld [smem:$0x7FC];
	v31 =	vld [tilespmem:$0x8000]  }
0x343: {  	s9 =	sld [smem:$0x7FD];
	v27 =	vld [tilespmem:s6+$0x9E00];
	[tilespmem:$0xA500] =	vst v25  }
0x344: {  	v26 =	vld [tilespmem:s6+$0x9600]  }
0x345: {  	v28 =	vld [tilespmem:s8+$0x9600]  }
0x346: {  	v30 =	vld [tilespmem:s9+$0x9600]  }
0x347: {  	v29 =	vld [tilespmem:s8+$0x9E00]  }
0x348: {  	v60 =	vld [tilespmem:s9+$0x9E00];
	v59 =	vperm.xlane v24, v0;
	v24 =	vshrl.u32 v5, $0x1;
	v31 =	vmul.f32 $9.765625000e-04, v31  }
0x349: {  	v27 =	vperm.xlane v27, v24;
	v61 =	vperm.xlane v25, v0  }
0x34a: {  	v25 =	vshrl.u32 v5, $0x3;
	v62 =	vperm.xlane v26, v24;
	v26 =	vshrl.u32 v5, $0x2  }
0x34b: {  	v30 =	vperm.xlane v30, v25;
	v28 =	vperm.xlane v28, v26  }
0x34c: {  	v29 =	vperm.xlane v29, v26;
	v35 =	vmul.f32 $2.441406250e-04, v62  }
0x34d: {  	v33 =	vperm.xlane v60, v25;
	vm0 =	vge.f32 v27, $6.552000100e+10;
	v28 =	vmul.f32 $6.103515630e-05, v28  }
0x34e: {  	v31 =	vsel vm0, v31, v35;
	vm0 =	vge.f32 v29, $2.621279930e+11;
	v29 =	vmul.f32 $1.525878910e-05, v30  }
0x34f: {  	v27 =	vmul.f32 $3.814697270e-06, v59;
	vm1 =	vge.f32 v33, $1.048560010e+12;
	v28 =	vsel vm0, v31, v28  }
0x350: {  	vm0 =	vge.f32 v61, $4.194288010e+12;
	v28 =	vsel vm1, v28, v29  }
0x351: {  	v28 =	vsel vm0, v28, v27  }
0x352: {  	v63 =	vadd.f32 v28, v23  }
0x353: {  	s29 =	simm.s32 $0x0  }
0x354: {  	s30 =	sand.u32 $0x3000, s29;
	s0 =	sand.u32 $0x380, s29;
	v28 =	vperm.xlane v63, v22  }
0x355: {  	s0 =	sor.u32 s0, s30;
	v29 =	vperm.xlane v63, v0  }
0x356: {  	[tilespmem:s0+$0xC70] =	vst v28  }
0x357: {  	v30 =	vperm.xlane v63, v8;
	[tilespmem:s0+$0x0] =	vst v29  }
0x358: {  	[tilespmem:s0+$0x10] =	vst v29  }
0x359: {  	v31 =	vperm.xlane v63, v9;
	[tilespmem:s0+$0x20] =	vst v30  }
0x35a: {  	[tilespmem:s0+$0x30] =	vst v30  }
0x35b: {  	v32 =	vperm.xlane v63, v10;
	[tilespmem:s0+$0x40] =	vst v31  }
0x35c: {  	[tilespmem:s0+$0x50] =	vst v31  }
0x35d: {  	v33 =	vperm.xlane v63, v11;
	[tilespmem:s0+$0x60] =	vst v32  }
0x35e: {  	[tilespmem:s0+$0x70] =	vst v32  }
0x35f: {  	v34 =	vperm.xlane v63, v12;
	[tilespmem:s0+$0x400] =	vst v33  }
0x360: {  	[tilespmem:s0+$0x410] =	vst v33  }
0x361: {  	v35 =	vperm.xlane v63, v13;
	[tilespmem:s0+$0x420] =	vst v34  }
0x362: {  	[tilespmem:s0+$0x430] =	vst v34  }
0x363: {  	v36 =	vperm.xlane v63, v14;
	[tilespmem:s0+$0x440] =	vst v35  }
0x364: {  	[tilespmem:s0+$0x450] =	vst v35  }
0x365: {  	v37 =	vperm.xlane v63, v15;
	[tilespmem:s0+$0x460] =	vst v36  }
0x366: {  	[tilespmem:s0+$0x470] =	vst v36  }
0x367: {  	v38 =	vperm.xlane v63, v16;
	[tilespmem:s0+$0x800] =	vst v37  }
0x368: {  	[tilespmem:s0+$0x810] =	vst v37  }
0x369: {  	v39 =	vperm.xlane v63, v17;
	[tilespmem:s0+$0x820] =	vst v38  }
0x36a: {  	[tilespmem:s0+$0x830] =	vst v38  }
0x36b: {  	v40 =	vperm.xlane v63, v18;
	[tilespmem:s0+$0x840] =	vst v39  }
0x36c: {  	[tilespmem:s0+$0x850] =	vst v39  }
0x36d: {  	v41 =	vperm.xlane v63, v19;
	[tilespmem:s0+$0x860] =	vst v40  }
0x36e: {  	[tilespmem:s0+$0x870] =	vst v40  }
0x36f: {  	v42 =	vperm.xlane v63, v20;
	[tilespmem:s0+$0xC00] =	vst v41  }
0x370: {  	[tilespmem:s0+$0xC10] =	vst v41  }
0x371: {  	v43 =	vperm.xlane v63, v21;
	[tilespmem:s0+$0xC20] =	vst v42  }
0x372: {  	[tilespmem:s0+$0xC30] =	vst v42  }
0x373: {  	s31 =	simm.s32 $0x200;
	s1 =	simm.s32 $0x80;
	s2 =	simm.s32 $0x400;
	[tilespmem:s0+$0xC40] =	vst v43  }
0x374: {  	s11 =	simm.s32 $0x0;
	s3 =	sand.u32 $0x3000, s31;
	s4 =	sand.u32 $0x380, s1;
	[tilespmem:s0+$0xC50] =	vst v43  }
.LBB2_8:
0x375: {  	p0 =	sne.s32 s2, $0x3E00;
	[tilespmem:s0+$0xC60] =	vst v28;
	s0 =	sor.u32 s4, s3  }
0x376: {  	[tilespmem:s0+$0xC70] =	vst v28  }
0x377: {  	[tilespmem:s0+$0x0] =	vst v29  }
0x378: {  	[tilespmem:s0+$0x10] =	vst v29  }
0x379: {  	[tilespmem:s0+$0x20] =	vst v30  }
0x37a: {  	[tilespmem:s0+$0x30] =	vst v30  }
0x37b: {  	[tilespmem:s0+$0x40] =	vst v31  }
0x37c: {  	[tilespmem:s0+$0x50] =	vst v31  }
0x37d: {  	[tilespmem:s0+$0x60] =	vst v32  }
0x37e: {  	[tilespmem:s0+$0x70] =	vst v32  }
0x37f: {  	[tilespmem:s0+$0x400] =	vst v33  }
0x380: {  	[tilespmem:s0+$0x410] =	vst v33  }
0x381: {  	[tilespmem:s0+$0x420] =	vst v34  }
0x382: {  	[tilespmem:s0+$0x430] =	vst v34  }
0x383: {  	[tilespmem:s0+$0x440] =	vst v35  }
0x384: {  	[tilespmem:s0+$0x450] =	vst v35  }
0x385: {  	[tilespmem:s0+$0x460] =	vst v36  }
0x386: {  	[tilespmem:s0+$0x470] =	vst v36  }
0x387: {  	[tilespmem:s0+$0x800] =	vst v37  }
0x388: {  	[tilespmem:s0+$0x810] =	vst v37  }
0x389: {  	[tilespmem:s0+$0x820] =	vst v38  }
0x38a: {  	[tilespmem:s0+$0x830] =	vst v38  }
0x38b: {  	[tilespmem:s0+$0x840] =	vst v39  }
0x38c: {  	[tilespmem:s0+$0x850] =	vst v39  }
0x38d: {  	[tilespmem:s0+$0x860] =	vst v40  }
0x38e: {  	[tilespmem:s0+$0x870] =	vst v40  }
0x38f: {  	[tilespmem:s0+$0xC00] =	vst v41  }
.Ltmp3:
0x390: {  	[tilespmem:s0+$0xC10] =	vst v41;
	(pc) =	sbr.rel @p0 .LBB2_8-.Ltmp3, $4  }
0x391: {  	[tilespmem:s0+$0xC20] =	vst v42  }
0x392: {  	[tilespmem:s0+$0xC30] =	vst v42  }
0x393: {  	s1 =	sadd.s32 $0x80, s1;
	[tilespmem:s0+$0xC40] =	vst v43  }
0x394: {  	s3 =	sand.u32 $0x3000, s2;
	s2 =	sadd.s32 $0x200, s2;
	s4 =	sand.u32 $0x380, s1;
	[tilespmem:s0+$0xC50] =	vst v43  }
0x395: {  	s1 =	sor.u32 s4, s3;
	[tilespmem:s0+$0xC60] =	vst v28  }
0x396: {  	[tilespmem:s1+$0xC70] =	vst v28  }
0x397: {  	[tilespmem:s1+$0x0] =	vst v29  }
0x398: {  	[tilespmem:s1+$0x10] =	vst v29  }
0x399: {  	[tilespmem:s1+$0x20] =	vst v30  }
0x39a: {  	[tilespmem:s1+$0x30] =	vst v30  }
0x39b: {  	[tilespmem:s1+$0x40] =	vst v31  }
0x39c: {  	[tilespmem:s1+$0x50] =	vst v31  }
0x39d: {  	[tilespmem:s1+$0x60] =	vst v32  }
0x39e: {  	[tilespmem:s1+$0x70] =	vst v32  }
0x39f: {  	[tilespmem:s1+$0x400] =	vst v33  }
0x3a0: {  	[tilespmem:s1+$0x410] =	vst v33  }
0x3a1: {  	[tilespmem:s1+$0x420] =	vst v34  }
0x3a2: {  	[tilespmem:s1+$0x430] =	vst v34  }
0x3a3: {  	[tilespmem:s1+$0x440] =	vst v35  }
0x3a4: {  	[tilespmem:s1+$0x450] =	vst v35  }
0x3a5: {  	[tilespmem:s1+$0x460] =	vst v36  }
0x3a6: {  	[tilespmem:s1+$0x470] =	vst v36  }
0x3a7: {  	[tilespmem:s1+$0x800] =	vst v37  }
0x3a8: {  	[tilespmem:s1+$0x810] =	vst v37  }
0x3a9: {  	[tilespmem:s1+$0x820] =	vst v38  }
0x3aa: {  	[tilespmem:s1+$0x830] =	vst v38  }
0x3ab: {  	[tilespmem:s1+$0x840] =	vst v39  }
0x3ac: {  	[tilespmem:s1+$0x850] =	vst v39  }
0x3ad: {  	[tilespmem:s1+$0x860] =	vst v40  }
0x3ae: {  	[tilespmem:s1+$0x870] =	vst v40  }
0x3af: {  	[tilespmem:s1+$0xC00] =	vst v41  }
0x3b0: {  	[tilespmem:s1+$0xC10] =	vst v41  }
0x3b1: {  	[tilespmem:s1+$0xC20] =	vst v42  }
0x3b2: {  	[tilespmem:s1+$0xC30] =	vst v42  }
0x3b3: {  	s30 =	sld [smem:$0x7F8];
	[tilespmem:s1+$0xC40] =	vst v43  }
0x3b4: {  	[tilespmem:s1+$0xC50] =	vst v43  }
0x3b5: {  	s29 =	simm.s32 $0x0;
	[tilespmem:s1+$0xC60] =	vst v28  }
0x3b6: {  	[hbm4b:s30+s29] =	stream.linear.scatter [tilespmem:s29], [sflag:$0x1], $0x4000, $0x38;
	[tilespmem:$0xAA00] =	vst v63  }
0x3b7: {  	v28 =	vld [tilespmem:s6+$0x9600]  }
0x3b8: {  	v29 =	vld [tilespmem:s6+$0x9E00]  }
0x3b9: {  	v30 =	vld [tilespmem:s8+$0x9600]  }
0x3ba: {  	v31 =	vld [tilespmem:s8+$0x9E00]  }
0x3bb: {  	v32 =	vld [tilespmem:s9+$0x9600]  }
0x3bc: {  	v33 =	vld [tilespmem:$0x8100]  }
0x3bd: {  	v34 =	vld [tilespmem:s9+$0x9E00]  }
0x3be: {  	v28 =	vperm.xlane v28, v24  }
0x3bf: {  	v24 =	vperm.xlane v29, v24;
	v29 =	vperm.xlane v30, v26  }
0x3c0: {  	v26 =	vperm.xlane v31, v26;
	v30 =	vperm.xlane v32, v25  }
0x3c1: {  	v31 =	vmul.f32 $9.765625000e-04, v33;
	v28 =	vmul.f32 $2.441406250e-04, v28  }
0x3c2: {  	v25 =	vperm.xlane v34, v25;
	vm1 =	vge.f32 v24, $6.552000100e+10;
	v24 =	vmul.f32 $6.103515630e-05, v29  }
0x3c3: {  	vm14 =	vge.f32 v26, $2.621279930e+11;
	v26 =	vmul.f32 $1.525878910e-05, v30;
	v28 =	vsel vm1, v31, v28  }
0x3c4: {  	vm15 =	vge.f32 v25, $1.048560010e+12;
	v24 =	vsel vm14, v28, v24  }
0x3c5: {  	v24 =	vsel vm15, v24, v26  }
0x3c6: {  	v24 =	vsel vm0, v24, v27  }
0x3c7: {  	v63 =	vadd.f32 v24, v23;
	_ =	sdelay $0x1  }
0x3c8: {  	s31 =	sand.u32 $0x3000, s29;
	s0 =	sand.u32 $0x380, s29;
	v23 =	vperm.xlane v63, v22  }
0x3c9: {  	s0 =	sor.u32 s0, s31;
	v24 =	vperm.xlane v63, v0  }
0x3ca: {  	[tilespmem:s0+$0x4C70] =	vst v23  }
0x3cb: {  	v25 =	vperm.xlane v63, v8;
	[tilespmem:s0+$0x4000] =	vst v24  }
0x3cc: {  	[tilespmem:s0+$0x4010] =	vst v24  }
0x3cd: {  	v26 =	vperm.xlane v63, v9;
	[tilespmem:s0+$0x4020] =	vst v25  }
0x3ce: {  	[tilespmem:s0+$0x4030] =	vst v25  }
0x3cf: {  	v27 =	vperm.xlane v63, v10;
	[tilespmem:s0+$0x4040] =	vst v26  }
0x3d0: {  	[tilespmem:s0+$0x4050] =	vst v26  }
0x3d1: {  	v28 =	vperm.xlane v63, v11;
	[tilespmem:s0+$0x4060] =	vst v27  }
0x3d2: {  	[tilespmem:s0+$0x4070] =	vst v27  }
0x3d3: {  	v29 =	vperm.xlane v63, v12;
	[tilespmem:s0+$0x4400] =	vst v28  }
0x3d4: {  	[tilespmem:s0+$0x4410] =	vst v28  }
0x3d5: {  	v30 =	vperm.xlane v63, v13;
	[tilespmem:s0+$0x4420] =	vst v29  }
0x3d6: {  	[tilespmem:s0+$0x4430] =	vst v29  }
0x3d7: {  	v31 =	vperm.xlane v63, v14;
	[tilespmem:s0+$0x4440] =	vst v30  }
0x3d8: {  	[tilespmem:s0+$0x4450] =	vst v30  }
0x3d9: {  	v32 =	vperm.xlane v63, v15;
	[tilespmem:s0+$0x4460] =	vst v31  }
0x3da: {  	[tilespmem:s0+$0x4470] =	vst v31  }
0x3db: {  	v33 =	vperm.xlane v63, v16;
	[tilespmem:s0+$0x4800] =	vst v32  }
0x3dc: {  	[tilespmem:s0+$0x4810] =	vst v32  }
0x3dd: {  	v34 =	vperm.xlane v63, v17;
	[tilespmem:s0+$0x4820] =	vst v33  }
0x3de: {  	[tilespmem:s0+$0x4830] =	vst v33  }
0x3df: {  	v35 =	vperm.xlane v63, v18;
	[tilespmem:s0+$0x4840] =	vst v34  }
0x3e0: {  	[tilespmem:s0+$0x4850] =	vst v34  }
0x3e1: {  	v36 =	vperm.xlane v63, v19;
	[tilespmem:s0+$0x4860] =	vst v35  }
0x3e2: {  	[tilespmem:s0+$0x4870] =	vst v35  }
0x3e3: {  	v37 =	vperm.xlane v63, v20;
	[tilespmem:s0+$0x4C00] =	vst v36  }
0x3e4: {  	[tilespmem:s0+$0x4C10] =	vst v36  }
0x3e5: {  	v38 =	vperm.xlane v63, v21;
	[tilespmem:s0+$0x4C20] =	vst v37  }
0x3e6: {  	[tilespmem:s0+$0x4C30] =	vst v37  }
0x3e7: {  	s2 =	simm.s32 $0x200;
	s1 =	simm.s32 $0x80;
	[tilespmem:s0+$0x4C40] =	vst v38  }
0x3e8: {  	s3 =	sand.u32 $0x3000, s2;
	s2 =	simm.s32 $0x400;
	s4 =	sand.u32 $0x380, s1;
	[tilespmem:s0+$0x4C50] =	vst v38  }
.LBB2_10:
0x3e9: {  	p0 =	sne.s32 s2, $0x3E00;
	[tilespmem:s0+$0x4C60] =	vst v23;
	s0 =	sor.u32 s4, s3  }
0x3ea: {  	[tilespmem:s0+$0x4C70] =	vst v23  }
0x3eb: {  	[tilespmem:s0+$0x4000] =	vst v24  }
0x3ec: {  	[tilespmem:s0+$0x4010] =	vst v24  }
0x3ed: {  	[tilespmem:s0+$0x4020] =	vst v25  }
0x3ee: {  	[tilespmem:s0+$0x4030] =	vst v25  }
0x3ef: {  	[tilespmem:s0+$0x4040] =	vst v26  }
0x3f0: {  	[tilespmem:s0+$0x4050] =	vst v26  }
0x3f1: {  	[tilespmem:s0+$0x4060] =	vst v27  }
0x3f2: {  	[tilespmem:s0+$0x4070] =	vst v27  }
0x3f3: {  	[tilespmem:s0+$0x4400] =	vst v28  }
0x3f4: {  	[tilespmem:s0+$0x4410] =	vst v28  }
0x3f5: {  	[tilespmem:s0+$0x4420] =	vst v29  }
0x3f6: {  	[tilespmem:s0+$0x4430] =	vst v29  }
0x3f7: {  	[tilespmem:s0+$0x4440] =	vst v30  }
0x3f8: {  	[tilespmem:s0+$0x4450] =	vst v30  }
0x3f9: {  	[tilespmem:s0+$0x4460] =	vst v31  }
0x3fa: {  	[tilespmem:s0+$0x4470] =	vst v31  }
0x3fb: {  	[tilespmem:s0+$0x4800] =	vst v32  }
0x3fc: {  	[tilespmem:s0+$0x4810] =	vst v32  }
0x3fd: {  	[tilespmem:s0+$0x4820] =	vst v33  }
0x3fe: {  	[tilespmem:s0+$0x4830] =	vst v33  }
0x3ff: {  	[tilespmem:s0+$0x4840] =	vst v34  }
0x400: {  	[tilespmem:s0+$0x4850] =	vst v34  }
0x401: {  	[tilespmem:s0+$0x4860] =	vst v35  }
0x402: {  	[tilespmem:s0+$0x4870] =	vst v35  }
0x403: {  	[tilespmem:s0+$0x4C00] =	vst v36  }
.Ltmp4:
0x404: {  	[tilespmem:s0+$0x4C10] =	vst v36;
	(pc) =	sbr.rel @p0 .LBB2_10-.Ltmp4, $4  }
0x405: {  	[tilespmem:s0+$0x4C20] =	vst v37  }
0x406: {  	[tilespmem:s0+$0x4C30] =	vst v37  }
0x407: {  	s1 =	sadd.s32 $0x80, s1;
	[tilespmem:s0+$0x4C40] =	vst v38  }
0x408: {  	s3 =	sand.u32 $0x3000, s2;
	s2 =	sadd.s32 $0x200, s2;
	s4 =	sand.u32 $0x380, s1;
	[tilespmem:s0+$0x4C50] =	vst v38  }
0x409: {  	s1 =	sor.u32 s4, s3;
	[tilespmem:s0+$0x4C60] =	vst v23  }
0x40a: {  	[tilespmem:s1+$0x4C70] =	vst v23  }
0x40b: {  	[tilespmem:s1+$0x4000] =	vst v24  }
0x40c: {  	[tilespmem:s1+$0x4010] =	vst v24  }
0x40d: {  	[tilespmem:s1+$0x4020] =	vst v25  }
0x40e: {  	[tilespmem:s1+$0x4030] =	vst v25  }
0x40f: {  	[tilespmem:s1+$0x4040] =	vst v26  }
0x410: {  	[tilespmem:s1+$0x4050] =	vst v26  }
0x411: {  	[tilespmem:s1+$0x4060] =	vst v27  }
0x412: {  	[tilespmem:s1+$0x4070] =	vst v27  }
0x413: {  	[tilespmem:s1+$0x4400] =	vst v28  }
0x414: {  	[tilespmem:s1+$0x4410] =	vst v28  }
0x415: {  	[tilespmem:s1+$0x4420] =	vst v29  }
0x416: {  	[tilespmem:s1+$0x4430] =	vst v29  }
0x417: {  	[tilespmem:s1+$0x4440] =	vst v30  }
0x418: {  	[tilespmem:s1+$0x4450] =	vst v30  }
0x419: {  	[tilespmem:s1+$0x4460] =	vst v31  }
0x41a: {  	[tilespmem:s1+$0x4470] =	vst v31  }
0x41b: {  	[tilespmem:s1+$0x4800] =	vst v32  }
0x41c: {  	[tilespmem:s1+$0x4810] =	vst v32  }
0x41d: {  	[tilespmem:s1+$0x4820] =	vst v33  }
0x41e: {  	[tilespmem:s1+$0x4830] =	vst v33  }
0x41f: {  	[tilespmem:s1+$0x4840] =	vst v34  }
0x420: {  	[tilespmem:s1+$0x4850] =	vst v34  }
0x421: {  	[tilespmem:s1+$0x4860] =	vst v35  }
0x422: {  	[tilespmem:s1+$0x4870] =	vst v35  }
0x423: {  	[tilespmem:s1+$0x4C00] =	vst v36  }
0x424: {  	[tilespmem:s1+$0x4C10] =	vst v36  }
0x425: {  	[tilespmem:s1+$0x4C20] =	vst v37  }
0x426: {  	[tilespmem:s1+$0x4C30] =	vst v37  }
0x427: {  	s29 =	sld [smem:$0x7F9];
	[tilespmem:s1+$0x4C40] =	vst v38  }
0x428: {  	[tilespmem:s1+$0x4C50] =	vst v38  }
0x429: {  	s3 =	simm.s32 $0x1;
	[tilespmem:s1+$0x4C60] =	vst v23;
	s1 =	simm.s32 $0x4000  }
0x42a: {  	[hbm4b:s29+s11] =	stream.linear.scatter [tilespmem:s1], [sflag:$0x2], $0x4000, $0x38;
	[tilespmem:$0xAA00] =	vst v63  }
0x42b: {  	_ =	swait.ge [sflag:s3], $0x4000  }
0x42c: {  	[sflag:s3] =	ssyncset.done $0x0  }
0x42d: {  	s2 =	simm.s32 $0x2;
	[sflag:s3] =	ssyncadd.s32 $0xFFFFC000  }
0x42e: {  	_ =	swait.ge [sflag:s2], $0x4000  }
0x42f: {  	s30 =	sld [smem:$0x7EE]  }
0x430: {  	s31 =	sld [smem:$0x7FA];
	_ =	sdelay $0x1  }
0x431: {  	s4 =	sadd.s32 $0x1, s30  }
0x432: {  	p0 =	sne.s32 s4, s31  }
.Ltmp5:
0x433: {  	_ = 	snop;
	(pc) =	sbr.rel @p0 .LBB2_1-.Ltmp5, $3  }
0x434: {  	_ =	sdelay $0x1  }
0x435: {  	[sflag:s2] =	ssyncset.done $0x0  }
0x436: {  	[sflag:s2] =	ssyncadd.s32 $0xFFFFC000  }
0x437: {  	_ =	sfence.sel $0x180000  }
0x438: {  	[bflag:$0x0] =	sbarrier.arrive $0xFFFF  }
0x439: {  	_ =	strace $0x90000047  }
0x43a: {  	s0 =	stileid.u32;
	[bflag:$0x2] =	sbarrier.arrive $0xFFFF  }
0x43b: {  	p0 =	sne.s32 s0, $0x0;
	s0 =	rddreg [dreg:$0x3]  }
0x43c: {  	s0 =	sadd.s32 @!p0 $0x100000, s0  }
0x43d: {  	[sflag:s0] =	ssyncadd.tile.s32 @!p0 $0x1;
	_ =	shalt  }
.Lfunc_end2:
_tile_overlayer_lowered:
.L_overlay_start_2:
0x43e: {  	(tag) =	ssettag $0x2  }
0x43f: {  	s0 =	rddreg [dreg:$0x0];
	s2 =	stileid.u32  }
0x440: {  	s1 =	rddreg [dreg:$0x1];
	p0 =	sne.s32 s2, $0x0  }
0x441: {  	s3 =	rddreg [dreg:$0x2];
	[bflag:$0x3] =	sbarrier.arrive $0xFFFF;
	s2 =	simm.s32 @!p0 $0x1C03  }
0x442: {  	[timem:s3], [sflag:s2] =	dma.local @!p0 [hbm:s0], s1  }
0x443: {  	s0 =	simm.s32 @!p0 $0x3  }
0x444: {  	_ =	swait.ge @!p0 [sflag:s0], s1  }
0x445: {  	s1 =	ssub.s32 @!p0 $0x0, s1;
	[sflag:s0] =	ssyncset.done @!p0 $0x0  }
0x446: {  	[sflag:s0] =	ssyncadd.s32 @!p0 s1  }
0x447: {  	[bflag:$0x3] =	sbarrier.arrive $0xFFFF  }
0x448: {  	_ =	shalt  }

</sc_bundles>
